<compile_context>
chip_gen: v7x
topology: tpu7x:2x2x1
jax: 0.10.2.dev20260603
libtpu: 0.0.44.dev20260713+nightly
codegen_flags: <defaults>
</compile_context>

<pallas_src>
import functools

import jax
import jax.numpy as jnp
from jax import lax
from jax.experimental import pallas as pl
from jax.experimental.pallas import tpu as pltpu
from jax.experimental.pallas import tpu_sc as plsc

B = 16384
D = 32
FL = 26
NBR = 3
NC = 2
NS = 16
NW = NC * NS
SPW = B // NW
CH = 64
NCHUNK = SPW // CH
ROWS_PER_CH = CH * FL
IDXROWS_PER_CH = ROWS_PER_CH // 128


def _sc_fgather_body(f_idx, ftab, fe_out, fidx_v, fe_rows, sem):
    wid = lax.axis_index("s") * NC + lax.axis_index("c")
    fbase = pl.multiple_of(wid * SPW * FL, SPW * FL)
    pltpu.sync_copy(f_idx.at[pl.ds(fbase, SPW * FL)], fidx_v)

    def chunk(c, carry):
        coff = pl.multiple_of(c * ROWS_PER_CH, ROWS_PER_CH)
        cps = [pltpu.async_copy(
                   ftab.at[fidx_v.at[pl.ds(coff + j * 128, 128)]],
                   fe_rows.at[pl.ds(j * 128, 128)], sem)
               for j in range(IDXROWS_PER_CH)]
        for cp in cps:
            cp.wait()
        pltpu.sync_copy(fe_rows, fe_out.at[pl.ds(fbase + coff, ROWS_PER_CH)])
        return carry

    lax.fori_loop(0, NCHUNK, chunk, 0)


def _sc_fgather(f_idx, ftab):
    mesh = plsc.VectorSubcoreMesh(core_axis_name="c", subcore_axis_name="s")
    fk = functools.partial(
        pl.kernel, mesh=mesh,
        out_type=[jax.ShapeDtypeStruct((B * FL, D), jnp.float32)],
        scratch_types=[
            pltpu.VMEM((SPW * FL,), jnp.int32),
            pltpu.VMEM((ROWS_PER_CH, D), jnp.float32),
            pltpu.SemaphoreType.DMA,
        ],
        compiler_params=pltpu.CompilerParams(use_tc_tiling_on_sc=False),
    )(_sc_fgather_body)
    (fe_rows,) = fk(f_idx, ftab)
    return fe_rows


def _attn_body(vecs_ref, wt_ref, bs_ref, e_ref, fe_ref, feat_ref, out_ref):
    f32 = jnp.float32
    bf16 = jnp.bfloat16
    e = e_ref[...]
    fe = fe_ref[...]
    fe16 = fe.astype(bf16)
    feat = feat_ref[...]
    mask = feat != 0
    jj = lax.broadcasted_iota(jnp.int32, (FL * D, FL), 0)
    ll = lax.broadcasted_iota(jnp.int32, (FL * D, FL), 1)
    et = (jj // D == ll).astype(f32)
    e26 = (lax.broadcasted_iota(jnp.int32, (FL, FL * D), 1) // D
           == lax.broadcasted_iota(jnp.int32, (FL, FL * D), 0)).astype(bf16)
    rm = (lax.broadcasted_iota(jnp.int32, (FL * D, D), 0) % D
          == lax.broadcasted_iota(jnp.int32, (FL * D, D), 1)).astype(f32)
    rm16 = rm.astype(bf16)
    for v in range(2):
        vcol = vecs_ref[:, v:v + 1]
        l_e = jnp.dot(e, vcol, preferred_element_type=f32)
        v832 = jnp.dot(rm, vcol, preferred_element_type=f32)
        l_f = jnp.dot(fe16, (et * v832).astype(bf16),
                      preferred_element_type=f32)
        l_f = jnp.where(mask, l_f, -1e30)
        m = jnp.maximum(jnp.max(l_f, axis=1, keepdims=True), l_e)
        w_e = jnp.exp(l_e - m)
        w_f = jnp.exp(l_f - m)
        s = w_e + jnp.sum(w_f, axis=1, keepdims=True)
        w832 = jnp.dot(w_f.astype(bf16), e26,
                       preferred_element_type=f32).astype(bf16)
        pooled = (e * w_e +
                  jnp.dot(fe16 * w832, rm16,
                          preferred_element_type=f32)) / s
        h = jnp.dot(pooled, wt_ref[v], preferred_element_type=f32)
        out_ref[v] = h + bs_ref[v][None, :]


def _attn_call(vecs, wt, bs, e_rows, fe1, feat, bb=2048, interpret=False):
    nj = B // bb
    return pl.pallas_call(
        _attn_body,
        grid=(nj,),
        in_specs=[
            pl.BlockSpec((D, 2), lambda j: (0, 0)),
            pl.BlockSpec((2, D, D), lambda j: (0, 0, 0)),
            pl.BlockSpec((2, D), lambda j: (0, 0)),
            pl.BlockSpec((bb, D), lambda j: (j, 0)),
            pl.BlockSpec((bb, FL * D), lambda j: (j, 0)),
            pl.BlockSpec((bb, FL), lambda j: (j, 0)),
        ],
        out_specs=pl.BlockSpec((2, bb, D), lambda j: (0, j, 0)),
        out_shape=jax.ShapeDtypeStruct((2, B, D), jnp.float32),
        interpret=interpret,
    )(vecs, wt, bs, e_rows, fe1, feat)


def kernel(user_indices, user_feat, pos_item_indices, pos_item_feat,
           neg_item_indices, neg_item_feat, comp_neg_indices,
           emb_user, emb_item, emb_feat_user, emb_feat_item,
           pop_emb_user, int_emb_user, pop_emb_item, int_emb_item,
           W_pop, b_pop, W_int, b_int):
    neg_idx = neg_item_indices[:, 0]
    neg_feat = neg_item_feat[:, 0]
    vecs_u = jnp.concatenate([pop_emb_user, int_emb_user], axis=1)
    vecs_i = jnp.concatenate([pop_emb_item, int_emb_item], axis=1)
    wt = jnp.stack([W_pop.T, W_int.T])
    bs = jnp.stack([b_pop, b_int])

    branches = [
        (user_feat, user_indices, emb_user, emb_feat_user, vecs_u),
        (pos_item_feat, pos_item_indices, emb_item, emb_feat_item, vecs_i),
        (neg_feat, neg_idx, emb_item, emb_feat_item, vecs_i),
    ]
    outs = []
    for feat, idx, etab, ftab, vecs in branches:
        feat = feat.astype(jnp.int32)
        fe_rows = _sc_fgather(feat.reshape(B * FL), ftab)
        e_rows = jnp.take(etab, idx, axis=0)
        outs.append(_attn_call(vecs, wt, bs, e_rows,
                               fe_rows.reshape(B, FL * D), feat))
    return jnp.concatenate(outs, axis=0)

# --- scband reference (transcript-rebuilt; emitter-appended) ---
"""Pipeline reference for scband-cml-bi-disen8-72722386256044 (READ-ONLY COPY).

The authoritative reference and input builder live on the scoring server;
editing this copy changes nothing except your own understanding.
"""

import jax, jax.numpy as jnp
import numpy as np

B = 16384
D = 32
FEAT_LEN = 26
NUM_USERS = 1000000
NUM_ITEMS = 1000000
USER_FEAT_NUM = 100000
ITEM_FEAT_NUM = 100000


def setup_inputs(seed: int = 0) -> dict:
    key = jax.random.key(seed)
    ks = jax.random.split(key, 19)
    inp = {}
    inp["user_indices"] = jax.random.randint(ks[0], (B,), 0, NUM_USERS)
    inp["user_feat"] = jax.random.randint(ks[1], (B, FEAT_LEN), 0, USER_FEAT_NUM)
    inp["pos_item_indices"] = jax.random.randint(ks[2], (B,), 0, NUM_ITEMS)
    inp["pos_item_feat"] = jax.random.randint(ks[3], (B, FEAT_LEN), 0, ITEM_FEAT_NUM)
    inp["neg_item_indices"] = jax.random.randint(ks[4], (B, 1), 0, NUM_ITEMS)
    inp["neg_item_feat"] = jax.random.randint(ks[5], (B, 1, FEAT_LEN), 0, ITEM_FEAT_NUM)
    inp["comp_neg_indices"] = jax.random.randint(ks[6], (B,), 0, NUM_ITEMS)
    s = 0.05
    inp["emb_user"] = jax.random.normal(ks[7], (NUM_USERS, D), jnp.float32) * s
    inp["emb_item"] = jax.random.normal(ks[8], (NUM_ITEMS, D), jnp.float32) * s
    efu = jax.random.normal(ks[9], (USER_FEAT_NUM, D), jnp.float32) * s
    inp["emb_feat_user"] = efu.at[0].set(0.0)
    efi = jax.random.normal(ks[10], (ITEM_FEAT_NUM, D), jnp.float32) * s
    inp["emb_feat_item"] = efi.at[0].set(0.0)
    inp["pop_emb_user"] = jax.random.normal(ks[11], (D, 1), jnp.float32) * s
    inp["int_emb_user"] = jax.random.normal(ks[12], (D, 1), jnp.float32) * s
    inp["pop_emb_item"] = jax.random.normal(ks[13], (D, 1), jnp.float32) * s
    inp["int_emb_item"] = jax.random.normal(ks[14], (D, 1), jnp.float32) * s
    inp["W_pop"] = jax.random.normal(ks[15], (D, D), jnp.float32) * s
    inp["b_pop"] = jnp.zeros((D,), jnp.float32)
    inp["W_int"] = jax.random.normal(ks[16], (D, D), jnp.float32) * s
    inp["b_int"] = jnp.zeros((D,), jnp.float32)
    return inp


def _attn_fuse(fuse, mask, vec):
    # fuse: [B, L+1, D], vec: [D, 1], mask: [B, L+1, 1]
    w = jnp.einsum('bld,dk->blk', fuse, vec)
    w = jnp.where(mask == 0, -jnp.inf, w)
    w = jax.nn.softmax(w, axis=1)
    return (fuse * w).sum(axis=1)


def _branch(idx, feat, emb_tab, feat_tab, pop_vec, int_vec, W_pop, b_pop, W_int, b_int):
    e = jnp.take(emb_tab, idx, axis=0)
    fe = jnp.take(feat_tab, feat, axis=0)
    fuse = jnp.concatenate([e[:, None, :], fe], axis=1)
    mask = jnp.concatenate([jnp.ones((idx.shape[0], 1), dtype=feat.dtype), feat], axis=1)[:, :, None]
    hot = _attn_fuse(fuse, mask, pop_vec) @ W_pop.T + b_pop
    cold = _attn_fuse(fuse, mask, int_vec) @ W_int.T + b_int
    return hot, cold


def reference(user_indices, user_feat, pos_item_indices, pos_item_feat, neg_item_indices, neg_item_feat, comp_neg_indices, emb_user, emb_item, emb_feat_user, emb_feat_item, pop_emb_user, int_emb_user, pop_emb_item, int_emb_item, W_pop, b_pop, W_int, b_int):
    neg_idx = neg_item_indices[:, 0]
    neg_feat = neg_item_feat[:, 0]
    u_hot, u_cold = _branch(user_indices, user_feat, emb_user, emb_feat_user, pop_emb_user, int_emb_user, W_pop, b_pop, W_int, b_int)
    p_hot, p_cold = _branch(pos_item_indices, pos_item_feat, emb_item, emb_feat_item, pop_emb_item, int_emb_item, W_pop, b_pop, W_int, b_int)
    n_hot, n_cold = _branch(neg_idx, neg_feat, emb_item, emb_feat_item, pop_emb_item, int_emb_item, W_pop, b_pop, W_int, b_int)
    return jnp.stack([u_hot, u_cold, p_hot, p_cold, n_hot, n_cold], axis=0)

if __name__ == "__main__":
    import jax
    _d = setup_inputs()
    print(jax.jit(kernel)(*tuple(_d.values())))

</pallas_src>

<mosaic_0001>
#map = affine_map<(d0, d1) -> (0)>
#map1 = affine_map<(d0, d1) -> (0, 0)>
module attributes {stable_mosaic.version = 14 : i64} {
  func.func @_sc_fgather_body(%arg0: i32, %arg1: i32, %arg2: memref<425984xi32, #tpu.memory_space<hbm>>, %arg3: memref<100000x32xf32, #tpu.memory_space<hbm>>, %arg4: memref<425984x32xf32, #tpu.memory_space<hbm>>, %arg5: memref<13312xi32, #tpu.memory_space<vmem>>, %arg6: memref<1664x32xf32, #tpu.memory_space<vmem>>, %arg7: memref<!tpu.dma_semaphore, #tpu.memory_space<semaphore_mem>>) attributes {dimension_semantics = [#tpu.dimension_semantics<core_parallel>, #tpu.dimension_semantics<subcore_parallel>], iteration_bounds = array<i64: 2, 16>, scalar_prefetch = 0 : i64, scratch_operands = 3 : i64, tpu.core_type = #tpu.core_type<sc_vector_subcore>, window_params = [{transform_indices = #map}, {transform_indices = #map1}, {transform_indices = #map1}]} {
    %mul3A = arith.constant 2 : i32
    %mul3A_0 = arith.muli %arg1, %mul3A : i32
    %add3A = arith.addi %mul3A_0, %arg0 : i32
    %mul3A_1 = arith.constant 512 : i32
    %mul3A_2 = arith.muli %add3A, %mul3A_1 : i32
    %mul3A_3 = arith.constant 26 : i32
    %mul3A_4 = arith.muli %mul3A_2, %mul3A_3 : i32
    %multiple_of3A = tpu.assume_multiple %mul3A_4, 13312 : i32
    "tpu.region"() ({
      %run_scoped3A = tpu.sem_alloc : memref<!tpu.dma_semaphore, #tpu.memory_space<semaphore_mem>>
      %dma_start3A = tpu.memref_slice %arg2[%multiple_of3A] : memref<425984xi32, #tpu.memory_space<hbm>> -> memref<13312xi32, #tpu.memory_space<hbm>>
      %dma_start3A_10 = tpu.memref_slice %arg2[%multiple_of3A] : memref<425984xi32, #tpu.memory_space<hbm>> -> memref<13312xi32, #tpu.memory_space<hbm>>
      tpu.enqueue_dma source(%dma_start3A_10 : memref<13312xi32, #tpu.memory_space<hbm>>) target(%arg5 : memref<13312xi32, #tpu.memory_space<vmem>>) target_semaphore(%run_scoped3A : memref<!tpu.dma_semaphore, #tpu.memory_space<semaphore_mem>>)
      %dma_wait3A = tpu.memref_slice %arg2[%multiple_of3A] : memref<425984xi32, #tpu.memory_space<hbm>> -> memref<13312xi32, #tpu.memory_space<hbm>>
      %dma_wait3A_11 = tpu.memref_slice %arg2[%multiple_of3A] : memref<425984xi32, #tpu.memory_space<hbm>> -> memref<13312xi32, #tpu.memory_space<hbm>>
      tpu.wait_dma2 semaphore(%run_scoped3A : memref<!tpu.dma_semaphore, #tpu.memory_space<semaphore_mem>>) src(%dma_wait3A_11 : memref<13312xi32, #tpu.memory_space<hbm>>) dst(%arg5 : memref<13312xi32, #tpu.memory_space<vmem>>)
      tpu.yield
    }) : () -> ()
    %scan3A = arith.constant 0 : i32
    %scan3A_5 = arith.constant 0 : i32
    %scan3A_6 = arith.constant 8 : i32
    %scan3A_7 = arith.addi %scan3A_5, %scan3A_6 : i32
    %scan3A_8 = arith.constant 1 : i32
    scf.for %scan3A_10 = %scan3A_5 to %scan3A_7 step %scan3A_8  : i32 {
      %mul3A_11 = arith.constant 1664 : i32
      %mul3A_12 = arith.muli %scan3A_10, %mul3A_11 : i32
      %multiple_of3A_13 = tpu.assume_multiple %mul3A_12, 1664 : i32
      %add3A_14 = arith.constant 0 : i32
      %add3A_15 = arith.addi %multiple_of3A_13, %add3A_14 : i32
      %dma_start3A = arith.constant 0 : i32
      %dma_start3A_16 = arith.constant 0 : i32
      %dma_start3A_17 = tpu.memref_slice %arg6[%dma_start3A, %dma_start3A_16] : memref<1664x32xf32, #tpu.memory_space<vmem>> -> memref<128x32xf32, #tpu.memory_space<vmem>>
      %dma_start3A_18 = tpu.memref_slice %arg5[%add3A_15] : memref<13312xi32, #tpu.memory_space<vmem>> -> memref<128xi32, #tpu.memory_space<vmem>>
      %dma_start3A_19 = arith.constant 0 : i32
      %dma_start3A_20 = arith.constant 0 : i32
      %dma_start3A_21 = tpu.memref_slice %arg3[%dma_start3A_19, %dma_start3A_20] : memref<100000x32xf32, #tpu.memory_space<hbm>> -> memref<100000x32xf32, #tpu.memory_space<hbm>>
      tpu.enqueue_indirect_dma source(%dma_start3A_21 : memref<100000x32xf32, #tpu.memory_space<hbm>>) target(%dma_start3A_17 : memref<128x32xf32, #tpu.memory_space<vmem>>) offsets(%dma_start3A_18 : memref<128xi32, #tpu.memory_space<vmem>>) semaphore(%arg7 : memref<!tpu.dma_semaphore, #tpu.memory_space<semaphore_mem>>)
      %add3A_22 = arith.constant 128 : i32
      %add3A_23 = arith.addi %multiple_of3A_13, %add3A_22 : i32
      %dma_start3A_24 = arith.constant 128 : i32
      %dma_start3A_25 = arith.constant 0 : i32
      %dma_start3A_26 = tpu.memref_slice %arg6[%dma_start3A_24, %dma_start3A_25] : memref<1664x32xf32, #tpu.memory_space<vmem>> -> memref<128x32xf32, #tpu.memory_space<vmem>>
      %dma_start3A_27 = tpu.memref_slice %arg5[%add3A_23] : memref<13312xi32, #tpu.memory_space<vmem>> -> memref<128xi32, #tpu.memory_space<vmem>>
      %dma_start3A_28 = arith.constant 0 : i32
      %dma_start3A_29 = arith.constant 0 : i32
      %dma_start3A_30 = tpu.memref_slice %arg3[%dma_start3A_28, %dma_start3A_29] : memref<100000x32xf32, #tpu.memory_space<hbm>> -> memref<100000x32xf32, #tpu.memory_space<hbm>>
      tpu.enqueue_indirect_dma source(%dma_start3A_30 : memref<100000x32xf32, #tpu.memory_space<hbm>>) target(%dma_start3A_26 : memref<128x32xf32, #tpu.memory_space<vmem>>) offsets(%dma_start3A_27 : memref<128xi32, #tpu.memory_space<vmem>>) semaphore(%arg7 : memref<!tpu.dma_semaphore, #tpu.memory_space<semaphore_mem>>)
      %add3A_31 = arith.constant 256 : i32
      %add3A_32 = arith.addi %multiple_of3A_13, %add3A_31 : i32
      %dma_start3A_33 = arith.constant 256 : i32
      %dma_start3A_34 = arith.constant 0 : i32
      %dma_start3A_35 = tpu.memref_slice %arg6[%dma_start3A_33, %dma_start3A_34] : memref<1664x32xf32, #tpu.memory_space<vmem>> -> memref<128x32xf32, #tpu.memory_space<vmem>>
      %dma_start3A_36 = tpu.memref_slice %arg5[%add3A_32] : memref<13312xi32, #tpu.memory_space<vmem>> -> memref<128xi32, #tpu.memory_space<vmem>>
      %dma_start3A_37 = arith.constant 0 : i32
      %dma_start3A_38 = arith.constant 0 : i32
      %dma_start3A_39 = tpu.memref_slice %arg3[%dma_start3A_37, %dma_start3A_38] : memref<100000x32xf32, #tpu.memory_space<hbm>> -> memref<100000x32xf32, #tpu.memory_space<hbm>>
      tpu.enqueue_indirect_dma source(%dma_start3A_39 : memref<100000x32xf32, #tpu.memory_space<hbm>>) target(%dma_start3A_35 : memref<128x32xf32, #tpu.memory_space<vmem>>) offsets(%dma_start3A_36 : memref<128xi32, #tpu.memory_space<vmem>>) semaphore(%arg7 : memref<!tpu.dma_semaphore, #tpu.memory_space<semaphore_mem>>)
      %add3A_40 = arith.constant 384 : i32
      %add3A_41 = arith.addi %multiple_of3A_13, %add3A_40 : i32
      %dma_start3A_42 = arith.constant 384 : i32
      %dma_start3A_43 = arith.constant 0 : i32
      %dma_start3A_44 = tpu.memref_slice %arg6[%dma_start3A_42, %dma_start3A_43] : memref<1664x32xf32, #tpu.memory_space<vmem>> -> memref<128x32xf32, #tpu.memory_space<vmem>>
      %dma_start3A_45 = tpu.memref_slice %arg5[%add3A_41] : memref<13312xi32, #tpu.memory_space<vmem>> -> memref<128xi32, #tpu.memory_space<vmem>>
      %dma_start3A_46 = arith.constant 0 : i32
      %dma_start3A_47 = arith.constant 0 : i32
      %dma_start3A_48 = tpu.memref_slice %arg3[%dma_start3A_46, %dma_start3A_47] : memref<100000x32xf32, #tpu.memory_space<hbm>> -> memref<100000x32xf32, #tpu.memory_space<hbm>>
      tpu.enqueue_indirect_dma source(%dma_start3A_48 : memref<100000x32xf32, #tpu.memory_space<hbm>>) target(%dma_start3A_44 : memref<128x32xf32, #tpu.memory_space<vmem>>) offsets(%dma_start3A_45 : memref<128xi32, #tpu.memory_space<vmem>>) semaphore(%arg7 : memref<!tpu.dma_semaphore, #tpu.memory_space<semaphore_mem>>)
      %add3A_49 = arith.constant 512 : i32
      %add3A_50 = arith.addi %multiple_of3A_13, %add3A_49 : i32
      %dma_start3A_51 = arith.constant 512 : i32
      %dma_start3A_52 = arith.constant 0 : i32
      %dma_start3A_53 = tpu.memref_slice %arg6[%dma_start3A_51, %dma_start3A_52] : memref<1664x32xf32, #tpu.memory_space<vmem>> -> memref<128x32xf32, #tpu.memory_space<vmem>>
      %dma_start3A_54 = tpu.memref_slice %arg5[%add3A_50] : memref<13312xi32, #tpu.memory_space<vmem>> -> memref<128xi32, #tpu.memory_space<vmem>>
      %dma_start3A_55 = arith.constant 0 : i32
      %dma_start3A_56 = arith.constant 0 : i32
      %dma_start3A_57 = tpu.memref_slice %arg3[%dma_start3A_55, %dma_start3A_56] : memref<100000x32xf32, #tpu.memory_space<hbm>> -> memref<100000x32xf32, #tpu.memory_space<hbm>>
      tpu.enqueue_indirect_dma source(%dma_start3A_57 : memref<100000x32xf32, #tpu.memory_space<hbm>>) target(%dma_start3A_53 : memref<128x32xf32, #tpu.memory_space<vmem>>) offsets(%dma_start3A_54 : memref<128xi32, #tpu.memory_space<vmem>>) semaphore(%arg7 : memref<!tpu.dma_semaphore, #tpu.memory_space<semaphore_mem>>)
      %add3A_58 = arith.constant 640 : i32
      %add3A_59 = arith.addi %multiple_of3A_13, %add3A_58 : i32
      %dma_start3A_60 = arith.constant 640 : i32
      %dma_start3A_61 = arith.constant 0 : i32
      %dma_start3A_62 = tpu.memref_slice %arg6[%dma_start3A_60, %dma_start3A_61] : memref<1664x32xf32, #tpu.memory_space<vmem>> -> memref<128x32xf32, #tpu.memory_space<vmem>>
      %dma_start3A_63 = tpu.memref_slice %arg5[%add3A_59] : memref<13312xi32, #tpu.memory_space<vmem>> -> memref<128xi32, #tpu.memory_space<vmem>>
      %dma_start3A_64 = arith.constant 0 : i32
      %dma_start3A_65 = arith.constant 0 : i32
      %dma_start3A_66 = tpu.memref_slice %arg3[%dma_start3A_64, %dma_start3A_65] : memref<100000x32xf32, #tpu.memory_space<hbm>> -> memref<100000x32xf32, #tpu.memory_space<hbm>>
      tpu.enqueue_indirect_dma source(%dma_start3A_66 : memref<100000x32xf32, #tpu.memory_space<hbm>>) target(%dma_start3A_62 : memref<128x32xf32, #tpu.memory_space<vmem>>) offsets(%dma_start3A_63 : memref<128xi32, #tpu.memory_space<vmem>>) semaphore(%arg7 : memref<!tpu.dma_semaphore, #tpu.memory_space<semaphore_mem>>)
      %add3A_67 = arith.constant 768 : i32
      %add3A_68 = arith.addi %multiple_of3A_13, %add3A_67 : i32
      %dma_start3A_69 = arith.constant 768 : i32
      %dma_start3A_70 = arith.constant 0 : i32
      %dma_start3A_71 = tpu.memref_slice %arg6[%dma_start3A_69, %dma_start3A_70] : memref<1664x32xf32, #tpu.memory_space<vmem>> -> memref<128x32xf32, #tpu.memory_space<vmem>>
      %dma_start3A_72 = tpu.memref_slice %arg5[%add3A_68] : memref<13312xi32, #tpu.memory_space<vmem>> -> memref<128xi32, #tpu.memory_space<vmem>>
      %dma_start3A_73 = arith.constant 0 : i32
      %dma_start3A_74 = arith.constant 0 : i32
      %dma_start3A_75 = tpu.memref_slice %arg3[%dma_start3A_73, %dma_start3A_74] : memref<100000x32xf32, #tpu.memory_space<hbm>> -> memref<100000x32xf32, #tpu.memory_space<hbm>>
      tpu.enqueue_indirect_dma source(%dma_start3A_75 : memref<100000x32xf32, #tpu.memory_space<hbm>>) target(%dma_start3A_71 : memref<128x32xf32, #tpu.memory_space<vmem>>) offsets(%dma_start3A_72 : memref<128xi32, #tpu.memory_space<vmem>>) semaphore(%arg7 : memref<!tpu.dma_semaphore, #tpu.memory_space<semaphore_mem>>)
      %add3A_76 = arith.constant 896 : i32
      %add3A_77 = arith.addi %multiple_of3A_13, %add3A_76 : i32
      %dma_start3A_78 = arith.constant 896 : i32
      %dma_start3A_79 = arith.constant 0 : i32
      %dma_start3A_80 = tpu.memref_slice %arg6[%dma_start3A_78, %dma_start3A_79] : memref<1664x32xf32, #tpu.memory_space<vmem>> -> memref<128x32xf32, #tpu.memory_space<vmem>>
      %dma_start3A_81 = tpu.memref_slice %arg5[%add3A_77] : memref<13312xi32, #tpu.memory_space<vmem>> -> memref<128xi32, #tpu.memory_space<vmem>>
      %dma_start3A_82 = arith.constant 0 : i32
      %dma_start3A_83 = arith.constant 0 : i32
      %dma_start3A_84 = tpu.memref_slice %arg3[%dma_start3A_82, %dma_start3A_83] : memref<100000x32xf32, #tpu.memory_space<hbm>> -> memref<100000x32xf32, #tpu.memory_space<hbm>>
      tpu.enqueue_indirect_dma source(%dma_start3A_84 : memref<100000x32xf32, #tpu.memory_space<hbm>>) target(%dma_start3A_80 : memref<128x32xf32, #tpu.memory_space<vmem>>) offsets(%dma_start3A_81 : memref<128xi32, #tpu.memory_space<vmem>>) semaphore(%arg7 : memref<!tpu.dma_semaphore, #tpu.memory_space<semaphore_mem>>)
      %add3A_85 = arith.constant 1024 : i32
      %add3A_86 = arith.addi %multiple_of3A_13, %add3A_85 : i32
      %dma_start3A_87 = arith.constant 1024 : i32
      %dma_start3A_88 = arith.constant 0 : i32
      %dma_start3A_89 = tpu.memref_slice %arg6[%dma_start3A_87, %dma_start3A_88] : memref<1664x32xf32, #tpu.memory_space<vmem>> -> memref<128x32xf32, #tpu.memory_space<vmem>>
      %dma_start3A_90 = tpu.memref_slice %arg5[%add3A_86] : memref<13312xi32, #tpu.memory_space<vmem>> -> memref<128xi32, #tpu.memory_space<vmem>>
      %dma_start3A_91 = arith.constant 0 : i32
      %dma_start3A_92 = arith.constant 0 : i32
      %dma_start3A_93 = tpu.memref_slice %arg3[%dma_start3A_91, %dma_start3A_92] : memref<100000x32xf32, #tpu.memory_space<hbm>> -> memref<100000x32xf32, #tpu.memory_space<hbm>>
      tpu.enqueue_indirect_dma source(%dma_start3A_93 : memref<100000x32xf32, #tpu.memory_space<hbm>>) target(%dma_start3A_89 : memref<128x32xf32, #tpu.memory_space<vmem>>) offsets(%dma_start3A_90 : memref<128xi32, #tpu.memory_space<vmem>>) semaphore(%arg7 : memref<!tpu.dma_semaphore, #tpu.memory_space<semaphore_mem>>)
      %add3A_94 = arith.constant 1152 : i32
      %add3A_95 = arith.addi %multiple_of3A_13, %add3A_94 : i32
      %dma_start3A_96 = arith.constant 1152 : i32
      %dma_start3A_97 = arith.constant 0 : i32
      %dma_start3A_98 = tpu.memref_slice %arg6[%dma_start3A_96, %dma_start3A_97] : memref<1664x32xf32, #tpu.memory_space<vmem>> -> memref<128x32xf32, #tpu.memory_space<vmem>>
      %dma_start3A_99 = tpu.memref_slice %arg5[%add3A_95] : memref<13312xi32, #tpu.memory_space<vmem>> -> memref<128xi32, #tpu.memory_space<vmem>>
      %dma_start3A_100 = arith.constant 0 : i32
      %dma_start3A_101 = arith.constant 0 : i32
      %dma_start3A_102 = tpu.memref_slice %arg3[%dma_start3A_100, %dma_start3A_101] : memref<100000x32xf32, #tpu.memory_space<hbm>> -> memref<100000x32xf32, #tpu.memory_space<hbm>>
      tpu.enqueue_indirect_dma source(%dma_start3A_102 : memref<100000x32xf32, #tpu.memory_space<hbm>>) target(%dma_start3A_98 : memref<128x32xf32, #tpu.memory_space<vmem>>) offsets(%dma_start3A_99 : memref<128xi32, #tpu.memory_space<vmem>>) semaphore(%arg7 : memref<!tpu.dma_semaphore, #tpu.memory_space<semaphore_mem>>)
      %add3A_103 = arith.constant 1280 : i32
      %add3A_104 = arith.addi %multiple_of3A_13, %add3A_103 : i32
      %dma_start3A_105 = arith.constant 1280 : i32
      %dma_start3A_106 = arith.constant 0 : i32
      %dma_start3A_107 = tpu.memref_slice %arg6[%dma_start3A_105, %dma_start3A_106] : memref<1664x32xf32, #tpu.memory_space<vmem>> -> memref<128x32xf32, #tpu.memory_space<vmem>>
      %dma_start3A_108 = tpu.memref_slice %arg5[%add3A_104] : memref<13312xi32, #tpu.memory_space<vmem>> -> memref<128xi32, #tpu.memory_space<vmem>>
      %dma_start3A_109 = arith.constant 0 : i32
      %dma_start3A_110 = arith.constant 0 : i32
      %dma_start3A_111 = tpu.memref_slice %arg3[%dma_start3A_109, %dma_start3A_110] : memref<100000x32xf32, #tpu.memory_space<hbm>> -> memref<100000x32xf32, #tpu.memory_space<hbm>>
      tpu.enqueue_indirect_dma source(%dma_start3A_111 : memref<100000x32xf32, #tpu.memory_space<hbm>>) target(%dma_start3A_107 : memref<128x32xf32, #tpu.memory_space<vmem>>) offsets(%dma_start3A_108 : memref<128xi32, #tpu.memory_space<vmem>>) semaphore(%arg7 : memref<!tpu.dma_semaphore, #tpu.memory_space<semaphore_mem>>)
      %add3A_112 = arith.constant 1408 : i32
      %add3A_113 = arith.addi %multiple_of3A_13, %add3A_112 : i32
      %dma_start3A_114 = arith.constant 1408 : i32
      %dma_start3A_115 = arith.constant 0 : i32
      %dma_start3A_116 = tpu.memref_slice %arg6[%dma_start3A_114, %dma_start3A_115] : memref<1664x32xf32, #tpu.memory_space<vmem>> -> memref<128x32xf32, #tpu.memory_space<vmem>>
      %dma_start3A_117 = tpu.memref_slice %arg5[%add3A_113] : memref<13312xi32, #tpu.memory_space<vmem>> -> memref<128xi32, #tpu.memory_space<vmem>>
      %dma_start3A_118 = arith.constant 0 : i32
      %dma_start3A_119 = arith.constant 0 : i32
      %dma_start3A_120 = tpu.memref_slice %arg3[%dma_start3A_118, %dma_start3A_119] : memref<100000x32xf32, #tpu.memory_space<hbm>> -> memref<100000x32xf32, #tpu.memory_space<hbm>>
      tpu.enqueue_indirect_dma source(%dma_start3A_120 : memref<100000x32xf32, #tpu.memory_space<hbm>>) target(%dma_start3A_116 : memref<128x32xf32, #tpu.memory_space<vmem>>) offsets(%dma_start3A_117 : memref<128xi32, #tpu.memory_space<vmem>>) semaphore(%arg7 : memref<!tpu.dma_semaphore, #tpu.memory_space<semaphore_mem>>)
      %add3A_121 = arith.constant 1536 : i32
      %add3A_122 = arith.addi %multiple_of3A_13, %add3A_121 : i32
      %dma_start3A_123 = arith.constant 1536 : i32
      %dma_start3A_124 = arith.constant 0 : i32
      %dma_start3A_125 = tpu.memref_slice %arg6[%dma_start3A_123, %dma_start3A_124] : memref<1664x32xf32, #tpu.memory_space<vmem>> -> memref<128x32xf32, #tpu.memory_space<vmem>>
      %dma_start3A_126 = tpu.memref_slice %arg5[%add3A_122] : memref<13312xi32, #tpu.memory_space<vmem>> -> memref<128xi32, #tpu.memory_space<vmem>>
      %dma_start3A_127 = arith.constant 0 : i32
      %dma_start3A_128 = arith.constant 0 : i32
      %dma_start3A_129 = tpu.memref_slice %arg3[%dma_start3A_127, %dma_start3A_128] : memref<100000x32xf32, #tpu.memory_space<hbm>> -> memref<100000x32xf32, #tpu.memory_space<hbm>>
      tpu.enqueue_indirect_dma source(%dma_start3A_129 : memref<100000x32xf32, #tpu.memory_space<hbm>>) target(%dma_start3A_125 : memref<128x32xf32, #tpu.memory_space<vmem>>) offsets(%dma_start3A_126 : memref<128xi32, #tpu.memory_space<vmem>>) semaphore(%arg7 : memref<!tpu.dma_semaphore, #tpu.memory_space<semaphore_mem>>)
      %dma_wait3A = arith.constant 0 : i32
      %dma_wait3A_130 = arith.constant 0 : i32
      %dma_wait3A_131 = tpu.memref_slice %arg6[%dma_wait3A, %dma_wait3A_130] : memref<1664x32xf32, #tpu.memory_space<vmem>> -> memref<128x32xf32, #tpu.memory_space<vmem>>
      %dma_wait3A_132 = tpu.memref_slice %arg5[%add3A_15] : memref<13312xi32, #tpu.memory_space<vmem>> -> memref<128xi32, #tpu.memory_space<vmem>>
      %dma_wait3A_133 = arith.constant 0 : i32
      %dma_wait3A_134 = arith.constant 0 : i32
      %dma_wait3A_135 = tpu.memref_slice %arg3[%dma_wait3A_133, %dma_wait3A_134] : memref<100000x32xf32, #tpu.memory_space<hbm>> -> memref<100000x32xf32, #tpu.memory_space<hbm>>
      tpu.wait_indirect_dma semaphore(%arg7 : memref<!tpu.dma_semaphore, #tpu.memory_space<semaphore_mem>>) src(%dma_wait3A_135 : memref<100000x32xf32, #tpu.memory_space<hbm>>) dst(%dma_wait3A_131 : memref<128x32xf32, #tpu.memory_space<vmem>>)
      %dma_wait3A_136 = arith.constant 128 : i32
      %dma_wait3A_137 = arith.constant 0 : i32
      %dma_wait3A_138 = tpu.memref_slice %arg6[%dma_wait3A_136, %dma_wait3A_137] : memref<1664x32xf32, #tpu.memory_space<vmem>> -> memref<128x32xf32, #tpu.memory_space<vmem>>
      %dma_wait3A_139 = tpu.memref_slice %arg5[%add3A_23] : memref<13312xi32, #tpu.memory_space<vmem>> -> memref<128xi32, #tpu.memory_space<vmem>>
      %dma_wait3A_140 = arith.constant 0 : i32
      %dma_wait3A_141 = arith.constant 0 : i32
      %dma_wait3A_142 = tpu.memref_slice %arg3[%dma_wait3A_140, %dma_wait3A_141] : memref<100000x32xf32, #tpu.memory_space<hbm>> -> memref<100000x32xf32, #tpu.memory_space<hbm>>
      tpu.wait_indirect_dma semaphore(%arg7 : memref<!tpu.dma_semaphore, #tpu.memory_space<semaphore_mem>>) src(%dma_wait3A_142 : memref<100000x32xf32, #tpu.memory_space<hbm>>) dst(%dma_wait3A_138 : memref<128x32xf32, #tpu.memory_space<vmem>>)
      %dma_wait3A_143 = arith.constant 256 : i32
      %dma_wait3A_144 = arith.constant 0 : i32
      %dma_wait3A_145 = tpu.memref_slice %arg6[%dma_wait3A_143, %dma_wait3A_144] : memref<1664x32xf32, #tpu.memory_space<vmem>> -> memref<128x32xf32, #tpu.memory_space<vmem>>
      %dma_wait3A_146 = tpu.memref_slice %arg5[%add3A_32] : memref<13312xi32, #tpu.memory_space<vmem>> -> memref<128xi32, #tpu.memory_space<vmem>>
      %dma_wait3A_147 = arith.constant 0 : i32
      %dma_wait3A_148 = arith.constant 0 : i32
      %dma_wait3A_149 = tpu.memref_slice %arg3[%dma_wait3A_147, %dma_wait3A_148] : memref<100000x32xf32, #tpu.memory_space<hbm>> -> memref<100000x32xf32, #tpu.memory_space<hbm>>
      tpu.wait_indirect_dma semaphore(%arg7 : memref<!tpu.dma_semaphore, #tpu.memory_space<semaphore_mem>>) src(%dma_wait3A_149 : memref<100000x32xf32, #tpu.memory_space<hbm>>) dst(%dma_wait3A_145 : memref<128x32xf32, #tpu.memory_space<vmem>>)
      %dma_wait3A_150 = arith.constant 384 : i32
      %dma_wait3A_151 = arith.constant 0 : i32
      %dma_wait3A_152 = tpu.memref_slice %arg6[%dma_wait3A_150, %dma_wait3A_151] : memref<1664x32xf32, #tpu.memory_space<vmem>> -> memref<128x32xf32, #tpu.memory_space<vmem>>
      %dma_wait3A_153 = tpu.memref_slice %arg5[%add3A_41] : memref<13312xi32, #tpu.memory_space<vmem>> -> memref<128xi32, #tpu.memory_space<vmem>>
      %dma_wait3A_154 = arith.constant 0 : i32
      %dma_wait3A_155 = arith.constant 0 : i32
      %dma_wait3A_156 = tpu.memref_slice %arg3[%dma_wait3A_154, %dma_wait3A_155] : memref<100000x32xf32, #tpu.memory_space<hbm>> -> memref<100000x32xf32, #tpu.memory_space<hbm>>
      tpu.wait_indirect_dma semaphore(%arg7 : memref<!tpu.dma_semaphore, #tpu.memory_space<semaphore_mem>>) src(%dma_wait3A_156 : memref<100000x32xf32, #tpu.memory_space<hbm>>) dst(%dma_wait3A_152 : memref<128x32xf32, #tpu.memory_space<vmem>>)
      %dma_wait3A_157 = arith.constant 512 : i32
      %dma_wait3A_158 = arith.constant 0 : i32
      %dma_wait3A_159 = tpu.memref_slice %arg6[%dma_wait3A_157, %dma_wait3A_158] : memref<1664x32xf32, #tpu.memory_space<vmem>> -> memref<128x32xf32, #tpu.memory_space<vmem>>
      %dma_wait3A_160 = tpu.memref_slice %arg5[%add3A_50] : memref<13312xi32, #tpu.memory_space<vmem>> -> memref<128xi32, #tpu.memory_space<vmem>>
      %dma_wait3A_161 = arith.constant 0 : i32
      %dma_wait3A_162 = arith.constant 0 : i32
      %dma_wait3A_163 = tpu.memref_slice %arg3[%dma_wait3A_161, %dma_wait3A_162] : memref<100000x32xf32, #tpu.memory_space<hbm>> -> memref<100000x32xf32, #tpu.memory_space<hbm>>
      tpu.wait_indirect_dma semaphore(%arg7 : memref<!tpu.dma_semaphore, #tpu.memory_space<semaphore_mem>>) src(%dma_wait3A_163 : memref<100000x32xf32, #tpu.memory_space<hbm>>) dst(%dma_wait3A_159 : memref<128x32xf32, #tpu.memory_space<vmem>>)
      %dma_wait3A_164 = arith.constant 640 : i32
      %dma_wait3A_165 = arith.constant 0 : i32
      %dma_wait3A_166 = tpu.memref_slice %arg6[%dma_wait3A_164, %dma_wait3A_165] : memref<1664x32xf32, #tpu.memory_space<vmem>> -> memref<128x32xf32, #tpu.memory_space<vmem>>
      %dma_wait3A_167 = tpu.memref_slice %arg5[%add3A_59] : memref<13312xi32, #tpu.memory_space<vmem>> -> memref<128xi32, #tpu.memory_space<vmem>>
      %dma_wait3A_168 = arith.constant 0 : i32
      %dma_wait3A_169 = arith.constant 0 : i32
      %dma_wait3A_170 = tpu.memref_slice %arg3[%dma_wait3A_168, %dma_wait3A_169] : memref<100000x32xf32, #tpu.memory_space<hbm>> -> memref<100000x32xf32, #tpu.memory_space<hbm>>
      tpu.wait_indirect_dma semaphore(%arg7 : memref<!tpu.dma_semaphore, #tpu.memory_space<semaphore_mem>>) src(%dma_wait3A_170 : memref<100000x32xf32, #tpu.memory_space<hbm>>) dst(%dma_wait3A_166 : memref<128x32xf32, #tpu.memory_space<vmem>>)
      %dma_wait3A_171 = arith.constant 768 : i32
      %dma_wait3A_172 = arith.constant 0 : i32
      %dma_wait3A_173 = tpu.memref_slice %arg6[%dma_wait3A_171, %dma_wait3A_172] : memref<1664x32xf32, #tpu.memory_space<vmem>> -> memref<128x32xf32, #tpu.memory_space<vmem>>
      %dma_wait3A_174 = tpu.memref_slice %arg5[%add3A_68] : memref<13312xi32, #tpu.memory_space<vmem>> -> memref<128xi32, #tpu.memory_space<vmem>>
      %dma_wait3A_175 = arith.constant 0 : i32
      %dma_wait3A_176 = arith.constant 0 : i32
      %dma_wait3A_177 = tpu.memref_slice %arg3[%dma_wait3A_175, %dma_wait3A_176] : memref<100000x32xf32, #tpu.memory_space<hbm>> -> memref<100000x32xf32, #tpu.memory_space<hbm>>
      tpu.wait_indirect_dma semaphore(%arg7 : memref<!tpu.dma_semaphore, #tpu.memory_space<semaphore_mem>>) src(%dma_wait3A_177 : memref<100000x32xf32, #tpu.memory_space<hbm>>) dst(%dma_wait3A_173 : memref<128x32xf32, #tpu.memory_space<vmem>>)
      %dma_wait3A_178 = arith.constant 896 : i32
      %dma_wait3A_179 = arith.constant 0 : i32
      %dma_wait3A_180 = tpu.memref_slice %arg6[%dma_wait3A_178, %dma_wait3A_179] : memref<1664x32xf32, #tpu.memory_space<vmem>> -> memref<128x32xf32, #tpu.memory_space<vmem>>
      %dma_wait3A_181 = tpu.memref_slice %arg5[%add3A_77] : memref<13312xi32, #tpu.memory_space<vmem>> -> memref<128xi32, #tpu.memory_space<vmem>>
      %dma_wait3A_182 = arith.constant 0 : i32
      %dma_wait3A_183 = arith.constant 0 : i32
      %dma_wait3A_184 = tpu.memref_slice %arg3[%dma_wait3A_182, %dma_wait3A_183] : memref<100000x32xf32, #tpu.memory_space<hbm>> -> memref<100000x32xf32, #tpu.memory_space<hbm>>
      tpu.wait_indirect_dma semaphore(%arg7 : memref<!tpu.dma_semaphore, #tpu.memory_space<semaphore_mem>>) src(%dma_wait3A_184 : memref<100000x32xf32, #tpu.memory_space<hbm>>) dst(%dma_wait3A_180 : memref<128x32xf32, #tpu.memory_space<vmem>>)
      %dma_wait3A_185 = arith.constant 1024 : i32
      %dma_wait3A_186 = arith.constant 0 : i32
      %dma_wait3A_187 = tpu.memref_slice %arg6[%dma_wait3A_185, %dma_wait3A_186] : memref<1664x32xf32, #tpu.memory_space<vmem>> -> memref<128x32xf32, #tpu.memory_space<vmem>>
      %dma_wait3A_188 = tpu.memref_slice %arg5[%add3A_86] : memref<13312xi32, #tpu.memory_space<vmem>> -> memref<128xi32, #tpu.memory_space<vmem>>
      %dma_wait3A_189 = arith.constant 0 : i32
      %dma_wait3A_190 = arith.constant 0 : i32
      %dma_wait3A_191 = tpu.memref_slice %arg3[%dma_wait3A_189, %dma_wait3A_190] : memref<100000x32xf32, #tpu.memory_space<hbm>> -> memref<100000x32xf32, #tpu.memory_space<hbm>>
      tpu.wait_indirect_dma semaphore(%arg7 : memref<!tpu.dma_semaphore, #tpu.memory_space<semaphore_mem>>) src(%dma_wait3A_191 : memref<100000x32xf32, #tpu.memory_space<hbm>>) dst(%dma_wait3A_187 : memref<128x32xf32, #tpu.memory_space<vmem>>)
      %dma_wait3A_192 = arith.constant 1152 : i32
      %dma_wait3A_193 = arith.constant 0 : i32
      %dma_wait3A_194 = tpu.memref_slice %arg6[%dma_wait3A_192, %dma_wait3A_193] : memref<1664x32xf32, #tpu.memory_space<vmem>> -> memref<128x32xf32, #tpu.memory_space<vmem>>
      %dma_wait3A_195 = tpu.memref_slice %arg5[%add3A_95] : memref<13312xi32, #tpu.memory_space<vmem>> -> memref<128xi32, #tpu.memory_space<vmem>>
      %dma_wait3A_196 = arith.constant 0 : i32
      %dma_wait3A_197 = arith.constant 0 : i32
      %dma_wait3A_198 = tpu.memref_slice %arg3[%dma_wait3A_196, %dma_wait3A_197] : memref<100000x32xf32, #tpu.memory_space<hbm>> -> memref<100000x32xf32, #tpu.memory_space<hbm>>
      tpu.wait_indirect_dma semaphore(%arg7 : memref<!tpu.dma_semaphore, #tpu.memory_space<semaphore_mem>>) src(%dma_wait3A_198 : memref<100000x32xf32, #tpu.memory_space<hbm>>) dst(%dma_wait3A_194 : memref<128x32xf32, #tpu.memory_space<vmem>>)
      %dma_wait3A_199 = arith.constant 1280 : i32
      %dma_wait3A_200 = arith.constant 0 : i32
      %dma_wait3A_201 = tpu.memref_slice %arg6[%dma_wait3A_199, %dma_wait3A_200] : memref<1664x32xf32, #tpu.memory_space<vmem>> -> memref<128x32xf32, #tpu.memory_space<vmem>>
      %dma_wait3A_202 = tpu.memref_slice %arg5[%add3A_104] : memref<13312xi32, #tpu.memory_space<vmem>> -> memref<128xi32, #tpu.memory_space<vmem>>
      %dma_wait3A_203 = arith.constant 0 : i32
      %dma_wait3A_204 = arith.constant 0 : i32
      %dma_wait3A_205 = tpu.memref_slice %arg3[%dma_wait3A_203, %dma_wait3A_204] : memref<100000x32xf32, #tpu.memory_space<hbm>> -> memref<100000x32xf32, #tpu.memory_space<hbm>>
      tpu.wait_indirect_dma semaphore(%arg7 : memref<!tpu.dma_semaphore, #tpu.memory_space<semaphore_mem>>) src(%dma_wait3A_205 : memref<100000x32xf32, #tpu.memory_space<hbm>>) dst(%dma_wait3A_201 : memref<128x32xf32, #tpu.memory_space<vmem>>)
      %dma_wait3A_206 = arith.constant 1408 : i32
      %dma_wait3A_207 = arith.constant 0 : i32
      %dma_wait3A_208 = tpu.memref_slice %arg6[%dma_wait3A_206, %dma_wait3A_207] : memref<1664x32xf32, #tpu.memory_space<vmem>> -> memref<128x32xf32, #tpu.memory_space<vmem>>
      %dma_wait3A_209 = tpu.memref_slice %arg5[%add3A_113] : memref<13312xi32, #tpu.memory_space<vmem>> -> memref<128xi32, #tpu.memory_space<vmem>>
      %dma_wait3A_210 = arith.constant 0 : i32
      %dma_wait3A_211 = arith.constant 0 : i32
      %dma_wait3A_212 = tpu.memref_slice %arg3[%dma_wait3A_210, %dma_wait3A_211] : memref<100000x32xf32, #tpu.memory_space<hbm>> -> memref<100000x32xf32, #tpu.memory_space<hbm>>
      tpu.wait_indirect_dma semaphore(%arg7 : memref<!tpu.dma_semaphore, #tpu.memory_space<semaphore_mem>>) src(%dma_wait3A_212 : memref<100000x32xf32, #tpu.memory_space<hbm>>) dst(%dma_wait3A_208 : memref<128x32xf32, #tpu.memory_space<vmem>>)
      %dma_wait3A_213 = arith.constant 1536 : i32
      %dma_wait3A_214 = arith.constant 0 : i32
      %dma_wait3A_215 = tpu.memref_slice %arg6[%dma_wait3A_213, %dma_wait3A_214] : memref<1664x32xf32, #tpu.memory_space<vmem>> -> memref<128x32xf32, #tpu.memory_space<vmem>>
      %dma_wait3A_216 = tpu.memref_slice %arg5[%add3A_122] : memref<13312xi32, #tpu.memory_space<vmem>> -> memref<128xi32, #tpu.memory_space<vmem>>
      %dma_wait3A_217 = arith.constant 0 : i32
      %dma_wait3A_218 = arith.constant 0 : i32
      %dma_wait3A_219 = tpu.memref_slice %arg3[%dma_wait3A_217, %dma_wait3A_218] : memref<100000x32xf32, #tpu.memory_space<hbm>> -> memref<100000x32xf32, #tpu.memory_space<hbm>>
      tpu.wait_indirect_dma semaphore(%arg7 : memref<!tpu.dma_semaphore, #tpu.memory_space<semaphore_mem>>) src(%dma_wait3A_219 : memref<100000x32xf32, #tpu.memory_space<hbm>>) dst(%dma_wait3A_215 : memref<128x32xf32, #tpu.memory_space<vmem>>)
      %add3A_220 = arith.addi %multiple_of3A, %multiple_of3A_13 : i32
      "tpu.region"() ({
        %run_scoped3A = tpu.sem_alloc : memref<!tpu.dma_semaphore, #tpu.memory_space<semaphore_mem>>
        %dma_start3A_221 = arith.constant 0 : i32
        %dma_start3A_222 = tpu.memref_slice %arg4[%add3A_220, %dma_start3A_221] : memref<425984x32xf32, #tpu.memory_space<hbm>> -> memref<1664x32xf32, #tpu.memory_space<hbm>>
        %dma_start3A_223 = arith.constant 0 : i32
        %dma_start3A_224 = tpu.memref_slice %arg4[%add3A_220, %dma_start3A_223] : memref<425984x32xf32, #tpu.memory_space<hbm>> -> memref<1664x32xf32, #tpu.memory_space<hbm>>
        tpu.enqueue_dma source(%arg6 : memref<1664x32xf32, #tpu.memory_space<vmem>>) target(%dma_start3A_224 : memref<1664x32xf32, #tpu.memory_space<hbm>>) target_semaphore(%run_scoped3A : memref<!tpu.dma_semaphore, #tpu.memory_space<semaphore_mem>>)
        %dma_wait3A_225 = arith.constant 0 : i32
        %dma_wait3A_226 = tpu.memref_slice %arg4[%add3A_220, %dma_wait3A_225] : memref<425984x32xf32, #tpu.memory_space<hbm>> -> memref<1664x32xf32, #tpu.memory_space<hbm>>
        %dma_wait3A_227 = arith.constant 0 : i32
        %dma_wait3A_228 = tpu.memref_slice %arg4[%add3A_220, %dma_wait3A_227] : memref<425984x32xf32, #tpu.memory_space<hbm>> -> memref<1664x32xf32, #tpu.memory_space<hbm>>
        tpu.wait_dma2 semaphore(%run_scoped3A : memref<!tpu.dma_semaphore, #tpu.memory_space<semaphore_mem>>) src(%arg6 : memref<1664x32xf32, #tpu.memory_space<vmem>>) dst(%dma_wait3A_228 : memref<1664x32xf32, #tpu.memory_space<hbm>>)
        tpu.yield
      }) : () -> ()
    }
    %scan3A_9 = arith.constant 8 : i32
    return
  }
}

#map = affine_map<(d0, d1) -> (0)>
#map1 = affine_map<(d0, d1) -> (0, 0)>
module attributes {stable_mosaic.version = 14 : i64} {
  func.func @_sc_fgather_body(%arg0: i32, %arg1: i32, %arg2: memref<425984xi32, #tpu.memory_space<hbm>>, %arg3: memref<100000x32xf32, #tpu.memory_space<hbm>>, %arg4: memref<425984x32xf32, #tpu.memory_space<hbm>>, %arg5: memref<13312xi32, #tpu.memory_space<vmem>>, %arg6: memref<1664x32xf32, #tpu.memory_space<vmem>>, %arg7: memref<!tpu.dma_semaphore, #tpu.memory_space<semaphore_mem>>) attributes {dimension_semantics = [#tpu.dimension_semantics<core_parallel>, #tpu.dimension_semantics<subcore_parallel>], iteration_bounds = array<i64: 2, 16>, scalar_prefetch = 0 : i64, scratch_operands = 3 : i64, tpu.core_type = #tpu.core_type<sc_vector_subcore>, window_params = [{transform_indices = #map}, {transform_indices = #map1}, {transform_indices = #map1}]} {
    %mul3A = arith.constant 2 : i32
    %mul3A_0 = arith.muli %arg1, %mul3A : i32
    %add3A = arith.addi %mul3A_0, %arg0 : i32
    %mul3A_1 = arith.constant 512 : i32
    %mul3A_2 = arith.muli %add3A, %mul3A_1 : i32
    %mul3A_3 = arith.constant 26 : i32
    %mul3A_4 = arith.muli %mul3A_2, %mul3A_3 : i32
    %multiple_of3A = tpu.assume_multiple %mul3A_4, 13312 : i32
    "tpu.region"() ({
      %run_scoped3A = tpu.sem_alloc : memref<!tpu.dma_semaphore, #tpu.memory_space<semaphore_mem>>
      %dma_start3A = tpu.memref_slice %arg2[%multiple_of3A] : memref<425984xi32, #tpu.memory_space<hbm>> -> memref<13312xi32, #tpu.memory_space<hbm>>
      %dma_start3A_10 = tpu.memref_slice %arg2[%multiple_of3A] : memref<425984xi32, #tpu.memory_space<hbm>> -> memref<13312xi32, #tpu.memory_space<hbm>>
      tpu.enqueue_dma source(%dma_start3A_10 : memref<13312xi32, #tpu.memory_space<hbm>>) target(%arg5 : memref<13312xi32, #tpu.memory_space<vmem>>) target_semaphore(%run_scoped3A : memref<!tpu.dma_semaphore, #tpu.memory_space<semaphore_mem>>)
      %dma_wait3A = tpu.memref_slice %arg2[%multiple_of3A] : memref<425984xi32, #tpu.memory_space<hbm>> -> memref<13312xi32, #tpu.memory_space<hbm>>
      %dma_wait3A_11 = tpu.memref_slice %arg2[%multiple_of3A] : memref<425984xi32, #tpu.memory_space<hbm>> -> memref<13312xi32, #tpu.memory_space<hbm>>
      tpu.wait_dma2 semaphore(%run_scoped3A : memref<!tpu.dma_semaphore, #tpu.memory_space<semaphore_mem>>) src(%dma_wait3A_11 : memref<13312xi32, #tpu.memory_space<hbm>>) dst(%arg5 : memref<13312xi32, #tpu.memory_space<vmem>>)
      tpu.yield
    }) : () -> ()
    %scan3A = arith.constant 0 : i32
    %scan3A_5 = arith.constant 0 : i32
    %scan3A_6 = arith.constant 8 : i32
    %scan3A_7 = arith.addi %scan3A_5, %scan3A_6 : i32
    %scan3A_8 = arith.constant 1 : i32
    scf.for %scan3A_10 = %scan3A_5 to %scan3A_7 step %scan3A_8  : i32 {
      %mul3A_11 = arith.constant 1664 : i32
      %mul3A_12 = arith.muli %scan3A_10, %mul3A_11 : i32
      %multiple_of3A_13 = tpu.assume_multiple %mul3A_12, 1664 : i32
      %add3A_14 = arith.constant 0 : i32
      %add3A_15 = arith.addi %multiple_of3A_13, %add3A_14 : i32
      %dma_start3A = arith.constant 0 : i32
      %dma_start3A_16 = arith.constant 0 : i32
      %dma_start3A_17 = tpu.memref_slice %arg6[%dma_start3A, %dma_start3A_16] : memref<1664x32xf32, #tpu.memory_space<vmem>> -> memref<128x32xf32, #tpu.memory_space<vmem>>
      %dma_start3A_18 = tpu.memref_slice %arg5[%add3A_15] : memref<13312xi32, #tpu.memory_space<vmem>> -> memref<128xi32, #tpu.memory_space<vmem>>
      %dma_start3A_19 = arith.constant 0 : i32
      %dma_start3A_20 = arith.constant 0 : i32
      %dma_start3A_21 = tpu.memref_slice %arg3[%dma_start3A_19, %dma_start3A_20] : memref<100000x32xf32, #tpu.memory_space<hbm>> -> memref<100000x32xf32, #tpu.memory_space<hbm>>
      tpu.enqueue_indirect_dma source(%dma_start3A_21 : memref<100000x32xf32, #tpu.memory_space<hbm>>) target(%dma_start3A_17 : memref<128x32xf32, #tpu.memory_space<vmem>>) offsets(%dma_start3A_18 : memref<128xi32, #tpu.memory_space<vmem>>) semaphore(%arg7 : memref<!tpu.dma_semaphore, #tpu.memory_space<semaphore_mem>>)
      %add3A_22 = arith.constant 128 : i32
      %add3A_23 = arith.addi %multiple_of3A_13, %add3A_22 : i32
      %dma_start3A_24 = arith.constant 128 : i32
      %dma_start3A_25 = arith.constant 0 : i32
      %dma_start3A_26 = tpu.memref_slice %arg6[%dma_start3A_24, %dma_start3A_25] : memref<1664x32xf32, #tpu.memory_space<vmem>> -> memref<128x32xf32, #tpu.memory_space<vmem>>
      %dma_start3A_27 = tpu.memref_slice %arg5[%add3A_23] : memref<13312xi32, #tpu.memory_space<vmem>> -> memref<128xi32, #tpu.memory_space<vmem>>
      %dma_start3A_28 = arith.constant 0 : i32
      %dma_start3A_29 = arith.constant 0 : i32
      %dma_start3A_30 = tpu.memref_slice %arg3[%dma_start3A_28, %dma_start3A_29] : memref<100000x32xf32, #tpu.memory_space<hbm>> -> memref<100000x32xf32, #tpu.memory_space<hbm>>
      tpu.enqueue_indirect_dma source(%dma_start3A_30 : memref<100000x32xf32, #tpu.memory_space<hbm>>) target(%dma_start3A_26 : memref<128x32xf32, #tpu.memory_space<vmem>>) offsets(%dma_start3A_27 : memref<128xi32, #tpu.memory_space<vmem>>) semaphore(%arg7 : memref<!tpu.dma_semaphore, #tpu.memory_space<semaphore_mem>>)
      %add3A_31 = arith.constant 256 : i32
      %add3A_32 = arith.addi %multiple_of3A_13, %add3A_31 : i32
      %dma_start3A_33 = arith.constant 256 : i32
      %dma_start3A_34 = arith.constant 0 : i32
      %dma_start3A_35 = tpu.memref_slice %arg6[%dma_start3A_33, %dma_start3A_34] : memref<1664x32xf32, #tpu.memory_space<vmem>> -> memref<128x32xf32, #tpu.memory_space<vmem>>
      %dma_start3A_36 = tpu.memref_slice %arg5[%add3A_32] : memref<13312xi32, #tpu.memory_space<vmem>> -> memref<128xi32, #tpu.memory_space<vmem>>
      %dma_start3A_37 = arith.constant 0 : i32
      %dma_start3A_38 = arith.constant 0 : i32
      %dma_start3A_39 = tpu.memref_slice %arg3[%dma_start3A_37, %dma_start3A_38] : memref<100000x32xf32, #tpu.memory_space<hbm>> -> memref<100000x32xf32, #tpu.memory_space<hbm>>
      tpu.enqueue_indirect_dma source(%dma_start3A_39 : memref<100000x32xf32, #tpu.memory_space<hbm>>) target(%dma_start3A_35 : memref<128x32xf32, #tpu.memory_space<vmem>>) offsets(%dma_start3A_36 : memref<128xi32, #tpu.memory_space<vmem>>) semaphore(%arg7 : memref<!tpu.dma_semaphore, #tpu.memory_space<semaphore_mem>>)
      %add3A_40 = arith.constant 384 : i32
      %add3A_41 = arith.addi %multiple_of3A_13, %add3A_40 : i32
      %dma_start3A_42 = arith.constant 384 : i32
      %dma_start3A_43 = arith.constant 0 : i32
      %dma_start3A_44 = tpu.memref_slice %arg6[%dma_start3A_42, %dma_start3A_43] : memref<1664x32xf32, #tpu.memory_space<vmem>> -> memref<128x32xf32, #tpu.memory_space<vmem>>
      %dma_start3A_45 = tpu.memref_slice %arg5[%add3A_41] : memref<13312xi32, #tpu.memory_space<vmem>> -> memref<128xi32, #tpu.memory_space<vmem>>
      %dma_start3A_46 = arith.constant 0 : i32
      %dma_start3A_47 = arith.constant 0 : i32
      %dma_start3A_48 = tpu.memref_slice %arg3[%dma_start3A_46, %dma_start3A_47] : memref<100000x32xf32, #tpu.memory_space<hbm>> -> memref<100000x32xf32, #tpu.memory_space<hbm>>
      tpu.enqueue_indirect_dma source(%dma_start3A_48 : memref<100000x32xf32, #tpu.memory_space<hbm>>) target(%dma_start3A_44 : memref<128x32xf32, #tpu.memory_space<vmem>>) offsets(%dma_start3A_45 : memref<128xi32, #tpu.memory_space<vmem>>) semaphore(%arg7 : memref<!tpu.dma_semaphore, #tpu.memory_space<semaphore_mem>>)
      %add3A_49 = arith.constant 512 : i32
      %add3A_50 = arith.addi %multiple_of3A_13, %add3A_49 : i32
      %dma_start3A_51 = arith.constant 512 : i32
      %dma_start3A_52 = arith.constant 0 : i32
      %dma_start3A_53 = tpu.memref_slice %arg6[%dma_start3A_51, %dma_start3A_52] : memref<1664x32xf32, #tpu.memory_space<vmem>> -> memref<128x32xf32, #tpu.memory_space<vmem>>
      %dma_start3A_54 = tpu.memref_slice %arg5[%add3A_50] : memref<13312xi32, #tpu.memory_space<vmem>> -> memref<128xi32, #tpu.memory_space<vmem>>
      %dma_start3A_55 = arith.constant 0 : i32
      %dma_start3A_56 = arith.constant 0 : i32
      %dma_start3A_57 = tpu.memref_slice %arg3[%dma_start3A_55, %dma_start3A_56] : memref<100000x32xf32, #tpu.memory_space<hbm>> -> memref<100000x32xf32, #tpu.memory_space<hbm>>
      tpu.enqueue_indirect_dma source(%dma_start3A_57 : memref<100000x32xf32, #tpu.memory_space<hbm>>) target(%dma_start3A_53 : memref<128x32xf32, #tpu.memory_space<vmem>>) offsets(%dma_start3A_54 : memref<128xi32, #tpu.memory_space<vmem>>) semaphore(%arg7 : memref<!tpu.dma_semaphore, #tpu.memory_space<semaphore_mem>>)
      %add3A_58 = arith.constant 640 : i32
      %add3A_59 = arith.addi %multiple_of3A_13, %add3A_58 : i32
      %dma_start3A_60 = arith.constant 640 : i32
      %dma_start3A_61 = arith.constant 0 : i32
      %dma_start3A_62 = tpu.memref_slice %arg6[%dma_start3A_60, %dma_start3A_61] : memref<1664x32xf32, #tpu.memory_space<vmem>> -> memref<128x32xf32, #tpu.memory_space<vmem>>
      %dma_start3A_63 = tpu.memref_slice %arg5[%add3A_59] : memref<13312xi32, #tpu.memory_space<vmem>> -> memref<128xi32, #tpu.memory_space<vmem>>
      %dma_start3A_64 = arith.constant 0 : i32
      %dma_start3A_65 = arith.constant 0 : i32
      %dma_start3A_66 = tpu.memref_slice %arg3[%dma_start3A_64, %dma_start3A_65] : memref<100000x32xf32, #tpu.memory_space<hbm>> -> memref<100000x32xf32, #tpu.memory_space<hbm>>
      tpu.enqueue_indirect_dma source(%dma_start3A_66 : memref<100000x32xf32, #tpu.memory_space<hbm>>) target(%dma_start3A_62 : memref<128x32xf32, #tpu.memory_space<vmem>>) offsets(%dma_start3A_63 : memref<128xi32, #tpu.memory_space<vmem>>) semaphore(%arg7 : memref<!tpu.dma_semaphore, #tpu.memory_space<semaphore_mem>>)
      %add3A_67 = arith.constant 768 : i32
      %add3A_68 = arith.addi %multiple_of3A_13, %add3A_67 : i32
      %dma_start3A_69 = arith.constant 768 : i32
      %dma_start3A_70 = arith.constant 0 : i32
      %dma_start3A_71 = tpu.memref_slice %arg6[%dma_start3A_69, %dma_start3A_70] : memref<1664x32xf32, #tpu.memory_space<vmem>> -> memref<128x32xf32, #tpu.memory_space<vmem>>
      %dma_start3A_72 = tpu.memref_slice %arg5[%add3A_68] : memref<13312xi32, #tpu.memory_space<vmem>> -> memref<128xi32, #tpu.memory_space<vmem>>
      %dma_start3A_73 = arith.constant 0 : i32
      %dma_start3A_74 = arith.constant 0 : i32
      %dma_start3A_75 = tpu.memref_slice %arg3[%dma_start3A_73, %dma_start3A_74] : memref<100000x32xf32, #tpu.memory_space<hbm>> -> memref<100000x32xf32, #tpu.memory_space<hbm>>
      tpu.enqueue_indirect_dma source(%dma_start3A_75 : memref<100000x32xf32, #tpu.memory_space<hbm>>) target(%dma_start3A_71 : memref<128x32xf32, #tpu.memory_space<vmem>>) offsets(%dma_start3A_72 : memref<128xi32, #tpu.memory_space<vmem>>) semaphore(%arg7 : memref<!tpu.dma_semaphore, #tpu.memory_space<semaphore_mem>>)
      %add3A_76 = arith.constant 896 : i32
      %add3A_77 = arith.addi %multiple_of3A_13, %add3A_76 : i32
      %dma_start3A_78 = arith.constant 896 : i32
      %dma_start3A_79 = arith.constant 0 : i32
      %dma_start3A_80 = tpu.memref_slice %arg6[%dma_start3A_78, %dma_start3A_79] : memref<1664x32xf32, #tpu.memory_space<vmem>> -> memref<128x32xf32, #tpu.memory_space<vmem>>
      %dma_start3A_81 = tpu.memref_slice %arg5[%add3A_77] : memref<13312xi32, #tpu.memory_space<vmem>> -> memref<128xi32, #tpu.memory_space<vmem>>
      %dma_start3A_82 = arith.constant 0 : i32
      %dma_start3A_83 = arith.constant 0 : i32
      %dma_start3A_84 = tpu.memref_slice %arg3[%dma_start3A_82, %dma_start3A_83] : memref<100000x32xf32, #tpu.memory_space<hbm>> -> memref<100000x32xf32, #tpu.memory_space<hbm>>
      tpu.enqueue_indirect_dma source(%dma_start3A_84 : memref<100000x32xf32, #tpu.memory_space<hbm>>) target(%dma_start3A_80 : memref<128x32xf32, #tpu.memory_space<vmem>>) offsets(%dma_start3A_81 : memref<128xi32, #tpu.memory_space<vmem>>) semaphore(%arg7 : memref<!tpu.dma_semaphore, #tpu.memory_space<semaphore_mem>>)
      %add3A_85 = arith.constant 1024 : i32
      %add3A_86 = arith.addi %multiple_of3A_13, %add3A_85 : i32
      %dma_start3A_87 = arith.constant 1024 : i32
      %dma_start3A_88 = arith.constant 0 : i32
      %dma_start3A_89 = tpu.memref_slice %arg6[%dma_start3A_87, %dma_start3A_88] : memref<1664x32xf32, #tpu.memory_space<vmem>> -> memref<128x32xf32, #tpu.memory_space<vmem>>
      %dma_start3A_90 = tpu.memref_slice %arg5[%add3A_86] : memref<13312xi32, #tpu.memory_space<vmem>> -> memref<128xi32, #tpu.memory_space<vmem>>
      %dma_start3A_91 = arith.constant 0 : i32
      %dma_start3A_92 = arith.constant 0 : i32
      %dma_start3A_93 = tpu.memref_slice %arg3[%dma_start3A_91, %dma_start3A_92] : memref<100000x32xf32, #tpu.memory_space<hbm>> -> memref<100000x32xf32, #tpu.memory_space<hbm>>
      tpu.enqueue_indirect_dma source(%dma_start3A_93 : memref<100000x32xf32, #tpu.memory_space<hbm>>) target(%dma_start3A_89 : memref<128x32xf32, #tpu.memory_space<vmem>>) offsets(%dma_start3A_90 : memref<128xi32, #tpu.memory_space<vmem>>) semaphore(%arg7 : memref<!tpu.dma_semaphore, #tpu.memory_space<semaphore_mem>>)
      %add3A_94 = arith.constant 1152 : i32
      %add3A_95 = arith.addi %multiple_of3A_13, %add3A_94 : i32
      %dma_start3A_96 = arith.constant 1152 : i32
      %dma_start3A_97 = arith.constant 0 : i32
      %dma_start3A_98 = tpu.memref_slice %arg6[%dma_start3A_96, %dma_start3A_97] : memref<1664x32xf32, #tpu.memory_space<vmem>> -> memref<128x32xf32, #tpu.memory_space<vmem>>
      %dma_start3A_99 = tpu.memref_slice %arg5[%add3A_95] : memref<13312xi32, #tpu.memory_space<vmem>> -> memref<128xi32, #tpu.memory_space<vmem>>
      %dma_start3A_100 = arith.constant 0 : i32
      %dma_start3A_101 = arith.constant 0 : i32
      %dma_start3A_102 = tpu.memref_slice %arg3[%dma_start3A_100, %dma_start3A_101] : memref<100000x32xf32, #tpu.memory_space<hbm>> -> memref<100000x32xf32, #tpu.memory_space<hbm>>
      tpu.enqueue_indirect_dma source(%dma_start3A_102 : memref<100000x32xf32, #tpu.memory_space<hbm>>) target(%dma_start3A_98 : memref<128x32xf32, #tpu.memory_space<vmem>>) offsets(%dma_start3A_99 : memref<128xi32, #tpu.memory_space<vmem>>) semaphore(%arg7 : memref<!tpu.dma_semaphore, #tpu.memory_space<semaphore_mem>>)
      %add3A_103 = arith.constant 1280 : i32
      %add3A_104 = arith.addi %multiple_of3A_13, %add3A_103 : i32
      %dma_start3A_105 = arith.constant 1280 : i32
      %dma_start3A_106 = arith.constant 0 : i32
      %dma_start3A_107 = tpu.memref_slice %arg6[%dma_start3A_105, %dma_start3A_106] : memref<1664x32xf32, #tpu.memory_space<vmem>> -> memref<128x32xf32, #tpu.memory_space<vmem>>
      %dma_start3A_108 = tpu.memref_slice %arg5[%add3A_104] : memref<13312xi32, #tpu.memory_space<vmem>> -> memref<128xi32, #tpu.memory_space<vmem>>
      %dma_start3A_109 = arith.constant 0 : i32
      %dma_start3A_110 = arith.constant 0 : i32
      %dma_start3A_111 = tpu.memref_slice %arg3[%dma_start3A_109, %dma_start3A_110] : memref<100000x32xf32, #tpu.memory_space<hbm>> -> memref<100000x32xf32, #tpu.memory_space<hbm>>
      tpu.enqueue_indirect_dma source(%dma_start3A_111 : memref<100000x32xf32, #tpu.memory_space<hbm>>) target(%dma_start3A_107 : memref<128x32xf32, #tpu.memory_space<vmem>>) offsets(%dma_start3A_108 : memref<128xi32, #tpu.memory_space<vmem>>) semaphore(%arg7 : memref<!tpu.dma_semaphore, #tpu.memory_space<semaphore_mem>>)
      %add3A_112 = arith.constant 1408 : i32
      %add3A_113 = arith.addi %multiple_of3A_13, %add3A_112 : i32
      %dma_start3A_114 = arith.constant 1408 : i32
      %dma_start3A_115 = arith.constant 0 : i32
      %dma_start3A_116 = tpu.memref_slice %arg6[%dma_start3A_114, %dma_start3A_115] : memref<1664x32xf32, #tpu.memory_space<vmem>> -> memref<128x32xf32, #tpu.memory_space<vmem>>
      %dma_start3A_117 = tpu.memref_slice %arg5[%add3A_113] : memref<13312xi32, #tpu.memory_space<vmem>> -> memref<128xi32, #tpu.memory_space<vmem>>
      %dma_start3A_118 = arith.constant 0 : i32
      %dma_start3A_119 = arith.constant 0 : i32
      %dma_start3A_120 = tpu.memref_slice %arg3[%dma_start3A_118, %dma_start3A_119] : memref<100000x32xf32, #tpu.memory_space<hbm>> -> memref<100000x32xf32, #tpu.memory_space<hbm>>
      tpu.enqueue_indirect_dma source(%dma_start3A_120 : memref<100000x32xf32, #tpu.memory_space<hbm>>) target(%dma_start3A_116 : memref<128x32xf32, #tpu.memory_space<vmem>>) offsets(%dma_start3A_117 : memref<128xi32, #tpu.memory_space<vmem>>) semaphore(%arg7 : memref<!tpu.dma_semaphore, #tpu.memory_space<semaphore_mem>>)
      %add3A_121 = arith.constant 1536 : i32
      %add3A_122 = arith.addi %multiple_of3A_13, %add3A_121 : i32
      %dma_start3A_123 = arith.constant 1536 : i32
      %dma_start3A_124 = arith.constant 0 : i32
      %dma_start3A_125 = tpu.memref_slice %arg6[%dma_start3A_123, %dma_start3A_124] : memref<1664x32xf32, #tpu.memory_space<vmem>> -> memref<128x32xf32, #tpu.memory_space<vmem>>
      %dma_start3A_126 = tpu.memref_slice %arg5[%add3A_122] : memref<13312xi32, #tpu.memory_space<vmem>> -> memref<128xi32, #tpu.memory_space<vmem>>
      %dma_start3A_127 = arith.constant 0 : i32
      %dma_start3A_128 = arith.constant 0 : i32
      %dma_start3A_129 = tpu.memref_slice %arg3[%dma_start3A_127, %dma_start3A_128] : memref<100000x32xf32, #tpu.memory_space<hbm>> -> memref<100000x32xf32, #tpu.memory_space<hbm>>
      tpu.enqueue_indirect_dma source(%dma_start3A_129 : memref<100000x32xf32, #tpu.memory_space<hbm>>) target(%dma_start3A_125 : memref<128x32xf32, #tpu.memory_space<vmem>>) offsets(%dma_start3A_126 : memref<128xi32, #tpu.memory_space<vmem>>) semaphore(%arg7 : memref<!tpu.dma_semaphore, #tpu.memory_space<semaphore_mem>>)
      %dma_wait3A = arith.constant 0 : i32
      %dma_wait3A_130 = arith.constant 0 : i32
      %dma_wait3A_131 = tpu.memref_slice %arg6[%dma_wait3A, %dma_wait3A_130] : memref<1664x32xf32, #tpu.memory_space<vmem>> -> memref<128x32xf32, #tpu.memory_space<vmem>>
      %dma_wait3A_132 = tpu.memref_slice %arg5[%add3A_15] : memref<13312xi32, #tpu.memory_space<vmem>> -> memref<128xi32, #tpu.memory_space<vmem>>
      %dma_wait3A_133 = arith.constant 0 : i32
      %dma_wait3A_134 = arith.constant 0 : i32
      %dma_wait3A_135 = tpu.memref_slice %arg3[%dma_wait3A_133, %dma_wait3A_134] : memref<100000x32xf32, #tpu.memory_space<hbm>> -> memref<100000x32xf32, #tpu.memory_space<hbm>>
      tpu.wait_indirect_dma semaphore(%arg7 : memref<!tpu.dma_semaphore, #tpu.memory_space<semaphore_mem>>) src(%dma_wait3A_135 : memref<100000x32xf32, #tpu.memory_space<hbm>>) dst(%dma_wait3A_131 : memref<128x32xf32, #tpu.memory_space<vmem>>)
      %dma_wait3A_136 = arith.constant 128 : i32
      %dma_wait3A_137 = arith.constant 0 : i32
      %dma_wait3A_138 = tpu.memref_slice %arg6[%dma_wait3A_136, %dma_wait3A_137] : memref<1664x32xf32, #tpu.memory_space<vmem>> -> memref<128x32xf32, #tpu.memory_space<vmem>>
      %dma_wait3A_139 = tpu.memref_slice %arg5[%add3A_23] : memref<13312xi32, #tpu.memory_space<vmem>> -> memref<128xi32, #tpu.memory_space<vmem>>
      %dma_wait3A_140 = arith.constant 0 : i32
      %dma_wait3A_141 = arith.constant 0 : i32
      %dma_wait3A_142 = tpu.memref_slice %arg3[%dma_wait3A_140, %dma_wait3A_141] : memref<100000x32xf32, #tpu.memory_space<hbm>> -> memref<100000x32xf32, #tpu.memory_space<hbm>>
      tpu.wait_indirect_dma semaphore(%arg7 : memref<!tpu.dma_semaphore, #tpu.memory_space<semaphore_mem>>) src(%dma_wait3A_142 : memref<100000x32xf32, #tpu.memory_space<hbm>>) dst(%dma_wait3A_138 : memref<128x32xf32, #tpu.memory_space<vmem>>)
      %dma_wait3A_143 = arith.constant 256 : i32
      %dma_wait3A_144 = arith.constant 0 : i32
      %dma_wait3A_145 = tpu.memref_slice %arg6[%dma_wait3A_143, %dma_wait3A_144] : memref<1664x32xf32, #tpu.memory_space<vmem>> -> memref<128x32xf32, #tpu.memory_space<vmem>>
      %dma_wait3A_146 = tpu.memref_slice %arg5[%add3A_32] : memref<13312xi32, #tpu.memory_space<vmem>> -> memref<128xi32, #tpu.memory_space<vmem>>
      %dma_wait3A_147 = arith.constant 0 : i32
      %dma_wait3A_148 = arith.constant 0 : i32
      %dma_wait3A_149 = tpu.memref_slice %arg3[%dma_wait3A_147, %dma_wait3A_148] : memref<100000x32xf32, #tpu.memory_space<hbm>> -> memref<100000x32xf32, #tpu.memory_space<hbm>>
      tpu.wait_indirect_dma semaphore(%arg7 : memref<!tpu.dma_semaphore, #tpu.memory_space<semaphore_mem>>) src(%dma_wait3A_149 : memref<100000x32xf32, #tpu.memory_space<hbm>>) dst(%dma_wait3A_145 : memref<128x32xf32, #tpu.memory_space<vmem>>)
      %dma_wait3A_150 = arith.constant 384 : i32
      %dma_wait3A_151 = arith.constant 0 : i32
      %dma_wait3A_152 = tpu.memref_slice %arg6[%dma_wait3A_150, %dma_wait3A_151] : memref<1664x32xf32, #tpu.memory_space<vmem>> -> memref<128x32xf32, #tpu.memory_space<vmem>>
      %dma_wait3A_153 = tpu.memref_slice %arg5[%add3A_41] : memref<13312xi32, #tpu.memory_space<vmem>> -> memref<128xi32, #tpu.memory_space<vmem>>
      %dma_wait3A_154 = arith.constant 0 : i32
      %dma_wait3A_155 = arith.constant 0 : i32
      %dma_wait3A_156 = tpu.memref_slice %arg3[%dma_wait3A_154, %dma_wait3A_155] : memref<100000x32xf32, #tpu.memory_space<hbm>> -> memref<100000x32xf32, #tpu.memory_space<hbm>>
      tpu.wait_indirect_dma semaphore(%arg7 : memref<!tpu.dma_semaphore, #tpu.memory_space<semaphore_mem>>) src(%dma_wait3A_156 : memref<100000x32xf32, #tpu.memory_space<hbm>>) dst(%dma_wait3A_152 : memref<128x32xf32, #tpu.memory_space<vmem>>)
      %dma_wait3A_157 = arith.constant 512 : i32
      %dma_wait3A_158 = arith.constant 0 : i32
      %dma_wait3A_159 = tpu.memref_slice %arg6[%dma_wait3A_157, %dma_wait3A_158] : memref<1664x32xf32, #tpu.memory_space<vmem>> -> memref<128x32xf32, #tpu.memory_space<vmem>>
      %dma_wait3A_160 = tpu.memref_slice %arg5[%add3A_50] : memref<13312xi32, #tpu.memory_space<vmem>> -> memref<128xi32, #tpu.memory_space<vmem>>
      %dma_wait3A_161 = arith.constant 0 : i32
      %dma_wait3A_162 = arith.constant 0 : i32
      %dma_wait3A_163 = tpu.memref_slice %arg3[%dma_wait3A_161, %dma_wait3A_162] : memref<100000x32xf32, #tpu.memory_space<hbm>> -> memref<100000x32xf32, #tpu.memory_space<hbm>>
      tpu.wait_indirect_dma semaphore(%arg7 : memref<!tpu.dma_semaphore, #tpu.memory_space<semaphore_mem>>) src(%dma_wait3A_163 : memref<100000x32xf32, #tpu.memory_space<hbm>>) dst(%dma_wait3A_159 : memref<128x32xf32, #tpu.memory_space<vmem>>)
      %dma_wait3A_164 = arith.constant 640 : i32
      %dma_wait3A_165 = arith.constant 0 : i32
      %dma_wait3A_166 = tpu.memref_slice %arg6[%dma_wait3A_164, %dma_wait3A_165] : memref<1664x32xf32, #tpu.memory_space<vmem>> -> memref<128x32xf32, #tpu.memory_space<vmem>>
      %dma_wait3A_167 = tpu.memref_slice %arg5[%add3A_59] : memref<13312xi32, #tpu.memory_space<vmem>> -> memref<128xi32, #tpu.memory_space<vmem>>
      %dma_wait3A_168 = arith.constant 0 : i32
      %dma_wait3A_169 = arith.constant 0 : i32
      %dma_wait3A_170 = tpu.memref_slice %arg3[%dma_wait3A_168, %dma_wait3A_169] : memref<100000x32xf32, #tpu.memory_space<hbm>> -> memref<100000x32xf32, #tpu.memory_space<hbm>>
      tpu.wait_indirect_dma semaphore(%arg7 : memref<!tpu.dma_semaphore, #tpu.memory_space<semaphore_mem>>) src(%dma_wait3A_170 : memref<100000x32xf32, #tpu.memory_space<hbm>>) dst(%dma_wait3A_166 : memref<128x32xf32, #tpu.memory_space<vmem>>)
      %dma_wait3A_171 = arith.constant 768 : i32
      %dma_wait3A_172 = arith.constant 0 : i32
      %dma_wait3A_173 = tpu.memref_slice %arg6[%dma_wait3A_171, %dma_wait3A_172] : memref<1664x32xf32, #tpu.memory_space<vmem>> -> memref<128x32xf32, #tpu.memory_space<vmem>>
      %dma_wait3A_174 = tpu.memref_slice %arg5[%add3A_68] : memref<13312xi32, #tpu.memory_space<vmem>> -> memref<128xi32, #tpu.memory_space<vmem>>
      %dma_wait3A_175 = arith.constant 0 : i32
      %dma_wait3A_176 = arith.constant 0 : i32
      %dma_wait3A_177 = tpu.memref_slice %arg3[%dma_wait3A_175, %dma_wait3A_176] : memref<100000x32xf32, #tpu.memory_space<hbm>> -> memref<100000x32xf32, #tpu.memory_space<hbm>>
      tpu.wait_indirect_dma semaphore(%arg7 : memref<!tpu.dma_semaphore, #tpu.memory_space<semaphore_mem>>) src(%dma_wait3A_177 : memref<100000x32xf32, #tpu.memory_space<hbm>>) dst(%dma_wait3A_173 : memref<128x32xf32, #tpu.memory_space<vmem>>)
      %dma_wait3A_178 = arith.constant 896 : i32
      %dma_wait3A_179 = arith.constant 0 : i32
      %dma_wait3A_180 = tpu.memref_slice %arg6[%dma_wait3A_178, %dma_wait3A_179] : memref<1664x32xf32, #tpu.memory_space<vmem>> -> memref<128x32xf32, #tpu.memory_space<vmem>>
      %dma_wait3A_181 = tpu.memref_slice %arg5[%add3A_77] : memref<13312xi32, #tpu.memory_space<vmem>> -> memref<128xi32, #tpu.memory_space<vmem>>
      %dma_wait3A_182 = arith.constant 0 : i32
      %dma_wait3A_183 = arith.constant 0 : i32
      %dma_wait3A_184 = tpu.memref_slice %arg3[%dma_wait3A_182, %dma_wait3A_183] : memref<100000x32xf32, #tpu.memory_space<hbm>> -> memref<100000x32xf32, #tpu.memory_space<hbm>>
      tpu.wait_indirect_dma semaphore(%arg7 : memref<!tpu.dma_semaphore, #tpu.memory_space<semaphore_mem>>) src(%dma_wait3A_184 : memref<100000x32xf32, #tpu.memory_space<hbm>>) dst(%dma_wait3A_180 : memref<128x32xf32, #tpu.memory_space<vmem>>)
      %dma_wait3A_185 = arith.constant 1024 : i32
      %dma_wait3A_186 = arith.constant 0 : i32
      %dma_wait3A_187 = tpu.memref_slice %arg6[%dma_wait3A_185, %dma_wait3A_186] : memref<1664x32xf32, #tpu.memory_space<vmem>> -> memref<128x32xf32, #tpu.memory_space<vmem>>
      %dma_wait3A_188 = tpu.memref_slice %arg5[%add3A_86] : memref<13312xi32, #tpu.memory_space<vmem>> -> memref<128xi32, #tpu.memory_space<vmem>>
      %dma_wait3A_189 = arith.constant 0 : i32
      %dma_wait3A_190 = arith.constant 0 : i32
      %dma_wait3A_191 = tpu.memref_slice %arg3[%dma_wait3A_189, %dma_wait3A_190] : memref<100000x32xf32, #tpu.memory_space<hbm>> -> memref<100000x32xf32, #tpu.memory_space<hbm>>
      tpu.wait_indirect_dma semaphore(%arg7 : memref<!tpu.dma_semaphore, #tpu.memory_space<semaphore_mem>>) src(%dma_wait3A_191 : memref<100000x32xf32, #tpu.memory_space<hbm>>) dst(%dma_wait3A_187 : memref<128x32xf32, #tpu.memory_space<vmem>>)
      %dma_wait3A_192 = arith.constant 1152 : i32
      %dma_wait3A_193 = arith.constant 0 : i32
      %dma_wait3A_194 = tpu.memref_slice %arg6[%dma_wait3A_192, %dma_wait3A_193] : memref<1664x32xf32, #tpu.memory_space<vmem>> -> memref<128x32xf32, #tpu.memory_space<vmem>>
      %dma_wait3A_195 = tpu.memref_slice %arg5[%add3A_95] : memref<13312xi32, #tpu.memory_space<vmem>> -> memref<128xi32, #tpu.memory_space<vmem>>
      %dma_wait3A_196 = arith.constant 0 : i32
      %dma_wait3A_197 = arith.constant 0 : i32
      %dma_wait3A_198 = tpu.memref_slice %arg3[%dma_wait3A_196, %dma_wait3A_197] : memref<100000x32xf32, #tpu.memory_space<hbm>> -> memref<100000x32xf32, #tpu.memory_space<hbm>>
      tpu.wait_indirect_dma semaphore(%arg7 : memref<!tpu.dma_semaphore, #tpu.memory_space<semaphore_mem>>) src(%dma_wait3A_198 : memref<100000x32xf32, #tpu.memory_space<hbm>>) dst(%dma_wait3A_194 : memref<128x32xf32, #tpu.memory_space<vmem>>)
      %dma_wait3A_199 = arith.constant 1280 : i32
      %dma_wait3A_200 = arith.constant 0 : i32
      %dma_wait3A_201 = tpu.memref_slice %arg6[%dma_wait3A_199, %dma_wait3A_200] : memref<1664x32xf32, #tpu.memory_space<vmem>> -> memref<128x32xf32, #tpu.memory_space<vmem>>
      %dma_wait3A_202 = tpu.memref_slice %arg5[%add3A_104] : memref<13312xi32, #tpu.memory_space<vmem>> -> memref<128xi32, #tpu.memory_space<vmem>>
      %dma_wait3A_203 = arith.constant 0 : i32
      %dma_wait3A_204 = arith.constant 0 : i32
      %dma_wait3A_205 = tpu.memref_slice %arg3[%dma_wait3A_203, %dma_wait3A_204] : memref<100000x32xf32, #tpu.memory_space<hbm>> -> memref<100000x32xf32, #tpu.memory_space<hbm>>
      tpu.wait_indirect_dma semaphore(%arg7 : memref<!tpu.dma_semaphore, #tpu.memory_space<semaphore_mem>>) src(%dma_wait3A_205 : memref<100000x32xf32, #tpu.memory_space<hbm>>) dst(%dma_wait3A_201 : memref<128x32xf32, #tpu.memory_space<vmem>>)
      %dma_wait3A_206 = arith.constant 1408 : i32
      %dma_wait3A_207 = arith.constant 0 : i32
      %dma_wait3A_208 = tpu.memref_slice %arg6[%dma_wait3A_206, %dma_wait3A_207] : memref<1664x32xf32, #tpu.memory_space<vmem>> -> memref<128x32xf32, #tpu.memory_space<vmem>>
      %dma_wait3A_209 = tpu.memref_slice %arg5[%add3A_113] : memref<13312xi32, #tpu.memory_space<vmem>> -> memref<128xi32, #tpu.memory_space<vmem>>
      %dma_wait3A_210 = arith.constant 0 : i32
      %dma_wait3A_211 = arith.constant 0 : i32
      %dma_wait3A_212 = tpu.memref_slice %arg3[%dma_wait3A_210, %dma_wait3A_211] : memref<100000x32xf32, #tpu.memory_space<hbm>> -> memref<100000x32xf32, #tpu.memory_space<hbm>>
      tpu.wait_indirect_dma semaphore(%arg7 : memref<!tpu.dma_semaphore, #tpu.memory_space<semaphore_mem>>) src(%dma_wait3A_212 : memref<100000x32xf32, #tpu.memory_space<hbm>>) dst(%dma_wait3A_208 : memref<128x32xf32, #tpu.memory_space<vmem>>)
      %dma_wait3A_213 = arith.constant 1536 : i32
      %dma_wait3A_214 = arith.constant 0 : i32
      %dma_wait3A_215 = tpu.memref_slice %arg6[%dma_wait3A_213, %dma_wait3A_214] : memref<1664x32xf32, #tpu.memory_space<vmem>> -> memref<128x32xf32, #tpu.memory_space<vmem>>
      %dma_wait3A_216 = tpu.memref_slice %arg5[%add3A_122] : memref<13312xi32, #tpu.memory_space<vmem>> -> memref<128xi32, #tpu.memory_space<vmem>>
      %dma_wait3A_217 = arith.constant 0 : i32
      %dma_wait3A_218 = arith.constant 0 : i32
      %dma_wait3A_219 = tpu.memref_slice %arg3[%dma_wait3A_217, %dma_wait3A_218] : memref<100000x32xf32, #tpu.memory_space<hbm>> -> memref<100000x32xf32, #tpu.memory_space<hbm>>
      tpu.wait_indirect_dma semaphore(%arg7 : memref<!tpu.dma_semaphore, #tpu.memory_space<semaphore_mem>>) src(%dma_wait3A_219 : memref<100000x32xf32, #tpu.memory_space<hbm>>) dst(%dma_wait3A_215 : memref<128x32xf32, #tpu.memory_space<vmem>>)
      %add3A_220 = arith.addi %multiple_of3A, %multiple_of3A_13 : i32
      "tpu.region"() ({
        %run_scoped3A = tpu.sem_alloc : memref<!tpu.dma_semaphore, #tpu.memory_space<semaphore_mem>>
        %dma_start3A_221 = arith.constant 0 : i32
        %dma_start3A_222 = tpu.memref_slice %arg4[%add3A_220, %dma_start3A_221] : memref<425984x32xf32, #tpu.memory_space<hbm>> -> memref<1664x32xf32, #tpu.memory_space<hbm>>
        %dma_start3A_223 = arith.constant 0 : i32
        %dma_start3A_224 = tpu.memref_slice %arg4[%add3A_220, %dma_start3A_223] : memref<425984x32xf32, #tpu.memory_space<hbm>> -> memref<1664x32xf32, #tpu.memory_space<hbm>>
        tpu.enqueue_dma source(%arg6 : memref<1664x32xf32, #tpu.memory_space<vmem>>) target(%dma_start3A_224 : memref<1664x32xf32, #tpu.memory_space<hbm>>) target_semaphore(%run_scoped3A : memref<!tpu.dma_semaphore, #tpu.memory_space<semaphore_mem>>)
        %dma_wait3A_225 = arith.constant 0 : i32
        %dma_wait3A_226 = tpu.memref_slice %arg4[%add3A_220, %dma_wait3A_225] : memref<425984x32xf32, #tpu.memory_space<hbm>> -> memref<1664x32xf32, #tpu.memory_space<hbm>>
        %dma_wait3A_227 = arith.constant 0 : i32
        %dma_wait3A_228 = tpu.memref_slice %arg4[%add3A_220, %dma_wait3A_227] : memref<425984x32xf32, #tpu.memory_space<hbm>> -> memref<1664x32xf32, #tpu.memory_space<hbm>>
        tpu.wait_dma2 semaphore(%run_scoped3A : memref<!tpu.dma_semaphore, #tpu.memory_space<semaphore_mem>>) src(%arg6 : memref<1664x32xf32, #tpu.memory_space<vmem>>) dst(%dma_wait3A_228 : memref<1664x32xf32, #tpu.memory_space<hbm>>)
        tpu.yield
      }) : () -> ()
    }
    %scan3A_9 = arith.constant 8 : i32
    return
  }
}

#map = affine_map<(d0, d1) -> (0)>
#map1 = affine_map<(d0, d1) -> (0, 0)>
module attributes {stable_mosaic.version = 14 : i64} {
  func.func @_sc_fgather_body(%arg0: i32, %arg1: i32, %arg2: memref<425984xi32, #tpu.memory_space<hbm>>, %arg3: memref<100000x32xf32, #tpu.memory_space<hbm>>, %arg4: memref<425984x32xf32, #tpu.memory_space<hbm>>, %arg5: memref<13312xi32, #tpu.memory_space<vmem>>, %arg6: memref<1664x32xf32, #tpu.memory_space<vmem>>, %arg7: memref<!tpu.dma_semaphore, #tpu.memory_space<semaphore_mem>>) attributes {dimension_semantics = [#tpu.dimension_semantics<core_parallel>, #tpu.dimension_semantics<subcore_parallel>], iteration_bounds = array<i64: 2, 16>, scalar_prefetch = 0 : i64, scratch_operands = 3 : i64, tpu.core_type = #tpu.core_type<sc_vector_subcore>, window_params = [{transform_indices = #map}, {transform_indices = #map1}, {transform_indices = #map1}]} {
    %mul3A = arith.constant 2 : i32
    %mul3A_0 = arith.muli %arg1, %mul3A : i32
    %add3A = arith.addi %mul3A_0, %arg0 : i32
    %mul3A_1 = arith.constant 512 : i32
    %mul3A_2 = arith.muli %add3A, %mul3A_1 : i32
    %mul3A_3 = arith.constant 26 : i32
    %mul3A_4 = arith.muli %mul3A_2, %mul3A_3 : i32
    %multiple_of3A = tpu.assume_multiple %mul3A_4, 13312 : i32
    "tpu.region"() ({
      %run_scoped3A = tpu.sem_alloc : memref<!tpu.dma_semaphore, #tpu.memory_space<semaphore_mem>>
      %dma_start3A = tpu.memref_slice %arg2[%multiple_of3A] : memref<425984xi32, #tpu.memory_space<hbm>> -> memref<13312xi32, #tpu.memory_space<hbm>>
      %dma_start3A_10 = tpu.memref_slice %arg2[%multiple_of3A] : memref<425984xi32, #tpu.memory_space<hbm>> -> memref<13312xi32, #tpu.memory_space<hbm>>
      tpu.enqueue_dma source(%dma_start3A_10 : memref<13312xi32, #tpu.memory_space<hbm>>) target(%arg5 : memref<13312xi32, #tpu.memory_space<vmem>>) target_semaphore(%run_scoped3A : memref<!tpu.dma_semaphore, #tpu.memory_space<semaphore_mem>>)
      %dma_wait3A = tpu.memref_slice %arg2[%multiple_of3A] : memref<425984xi32, #tpu.memory_space<hbm>> -> memref<13312xi32, #tpu.memory_space<hbm>>
      %dma_wait3A_11 = tpu.memref_slice %arg2[%multiple_of3A] : memref<425984xi32, #tpu.memory_space<hbm>> -> memref<13312xi32, #tpu.memory_space<hbm>>
      tpu.wait_dma2 semaphore(%run_scoped3A : memref<!tpu.dma_semaphore, #tpu.memory_space<semaphore_mem>>) src(%dma_wait3A_11 : memref<13312xi32, #tpu.memory_space<hbm>>) dst(%arg5 : memref<13312xi32, #tpu.memory_space<vmem>>)
      tpu.yield
    }) : () -> ()
    %scan3A = arith.constant 0 : i32
    %scan3A_5 = arith.constant 0 : i32
    %scan3A_6 = arith.constant 8 : i32
    %scan3A_7 = arith.addi %scan3A_5, %scan3A_6 : i32
    %scan3A_8 = arith.constant 1 : i32
    scf.for %scan3A_10 = %scan3A_5 to %scan3A_7 step %scan3A_8  : i32 {
      %mul3A_11 = arith.constant 1664 : i32
      %mul3A_12 = arith.muli %scan3A_10, %mul3A_11 : i32
      %multiple_of3A_13 = tpu.assume_multiple %mul3A_12, 1664 : i32
      %add3A_14 = arith.constant 0 : i32
      %add3A_15 = arith.addi %multiple_of3A_13, %add3A_14 : i32
      %dma_start3A = arith.constant 0 : i32
      %dma_start3A_16 = arith.constant 0 : i32
      %dma_start3A_17 = tpu.memref_slice %arg6[%dma_start3A, %dma_start3A_16] : memref<1664x32xf32, #tpu.memory_space<vmem>> -> memref<128x32xf32, #tpu.memory_space<vmem>>
      %dma_start3A_18 = tpu.memref_slice %arg5[%add3A_15] : memref<13312xi32, #tpu.memory_space<vmem>> -> memref<128xi32, #tpu.memory_space<vmem>>
      %dma_start3A_19 = arith.constant 0 : i32
      %dma_start3A_20 = arith.constant 0 : i32
      %dma_start3A_21 = tpu.memref_slice %arg3[%dma_start3A_19, %dma_start3A_20] : memref<100000x32xf32, #tpu.memory_space<hbm>> -> memref<100000x32xf32, #tpu.memory_space<hbm>>
      tpu.enqueue_indirect_dma source(%dma_start3A_21 : memref<100000x32xf32, #tpu.memory_space<hbm>>) target(%dma_start3A_17 : memref<128x32xf32, #tpu.memory_space<vmem>>) offsets(%dma_start3A_18 : memref<128xi32, #tpu.memory_space<vmem>>) semaphore(%arg7 : memref<!tpu.dma_semaphore, #tpu.memory_space<semaphore_mem>>)
      %add3A_22 = arith.constant 128 : i32
      %add3A_23 = arith.addi %multiple_of3A_13, %add3A_22 : i32
      %dma_start3A_24 = arith.constant 128 : i32
      %dma_start3A_25 = arith.constant 0 : i32
      %dma_start3A_26 = tpu.memref_slice %arg6[%dma_start3A_24, %dma_start3A_25] : memref<1664x32xf32, #tpu.memory_space<vmem>> -> memref<128x32xf32, #tpu.memory_space<vmem>>
      %dma_start3A_27 = tpu.memref_slice %arg5[%add3A_23] : memref<13312xi32, #tpu.memory_space<vmem>> -> memref<128xi32, #tpu.memory_space<vmem>>
      %dma_start3A_28 = arith.constant 0 : i32
      %dma_start3A_29 = arith.constant 0 : i32
      %dma_start3A_30 = tpu.memref_slice %arg3[%dma_start3A_28, %dma_start3A_29] : memref<100000x32xf32, #tpu.memory_space<hbm>> -> memref<100000x32xf32, #tpu.memory_space<hbm>>
      tpu.enqueue_indirect_dma source(%dma_start3A_30 : memref<100000x32xf32, #tpu.memory_space<hbm>>) target(%dma_start3A_26 : memref<128x32xf32, #tpu.memory_space<vmem>>) offsets(%dma_start3A_27 : memref<128xi32, #tpu.memory_space<vmem>>) semaphore(%arg7 : memref<!tpu.dma_semaphore, #tpu.memory_space<semaphore_mem>>)
      %add3A_31 = arith.constant 256 : i32
      %add3A_32 = arith.addi %multiple_of3A_13, %add3A_31 : i32
      %dma_start3A_33 = arith.constant 256 : i32
      %dma_start3A_34 = arith.constant 0 : i32
      %dma_start3A_35 = tpu.memref_slice %arg6[%dma_start3A_33, %dma_start3A_34] : memref<1664x32xf32, #tpu.memory_space<vmem>> -> memref<128x32xf32, #tpu.memory_space<vmem>>
      %dma_start3A_36 = tpu.memref_slice %arg5[%add3A_32] : memref<13312xi32, #tpu.memory_space<vmem>> -> memref<128xi32, #tpu.memory_space<vmem>>
      %dma_start3A_37 = arith.constant 0 : i32
      %dma_start3A_38 = arith.constant 0 : i32
      %dma_start3A_39 = tpu.memref_slice %arg3[%dma_start3A_37, %dma_start3A_38] : memref<100000x32xf32, #tpu.memory_space<hbm>> -> memref<100000x32xf32, #tpu.memory_space<hbm>>
      tpu.enqueue_indirect_dma source(%dma_start3A_39 : memref<100000x32xf32, #tpu.memory_space<hbm>>) target(%dma_start3A_35 : memref<128x32xf32, #tpu.memory_space<vmem>>) offsets(%dma_start3A_36 : memref<128xi32, #tpu.memory_space<vmem>>) semaphore(%arg7 : memref<!tpu.dma_semaphore, #tpu.memory_space<semaphore_mem>>)
      %add3A_40 = arith.constant 384 : i32
      %add3A_41 = arith.addi %multiple_of3A_13, %add3A_40 : i32
      %dma_start3A_42 = arith.constant 384 : i32
      %dma_start3A_43 = arith.constant 0 : i32
      %dma_start3A_44 = tpu.memref_slice %arg6[%dma_start3A_42, %dma_start3A_43] : memref<1664x32xf32, #tpu.memory_space<vmem>> -> memref<128x32xf32, #tpu.memory_space<vmem>>
      %dma_start3A_45 = tpu.memref_slice %arg5[%add3A_41] : memref<13312xi32, #tpu.memory_space<vmem>> -> memref<128xi32, #tpu.memory_space<vmem>>
      %dma_start3A_46 = arith.constant 0 : i32
      %dma_start3A_47 = arith.constant 0 : i32
      %dma_start3A_48 = tpu.memref_slice %arg3[%dma_start3A_46, %dma_start3A_47] : memref<100000x32xf32, #tpu.memory_space<hbm>> -> memref<100000x32xf32, #tpu.memory_space<hbm>>
      tpu.enqueue_indirect_dma source(%dma_start3A_48 : memref<100000x32xf32, #tpu.memory_space<hbm>>) target(%dma_start3A_44 : memref<128x32xf32, #tpu.memory_space<vmem>>) offsets(%dma_start3A_45 : memref<128xi32, #tpu.memory_space<vmem>>) semaphore(%arg7 : memref<!tpu.dma_semaphore, #tpu.memory_space<semaphore_mem>>)
      %add3A_49 = arith.constant 512 : i32
      %add3A_50 = arith.addi %multiple_of3A_13, %add3A_49 : i32
      %dma_start3A_51 = arith.constant 512 : i32
      %dma_start3A_52 = arith.constant 0 : i32
      %dma_start3A_53 = tpu.memref_slice %arg6[%dma_start3A_51, %dma_start3A_52] : memref<1664x32xf32, #tpu.memory_space<vmem>> -> memref<128x32xf32, #tpu.memory_space<vmem>>
      %dma_start3A_54 = tpu.memref_slice %arg5[%add3A_50] : memref<13312xi32, #tpu.memory_space<vmem>> -> memref<128xi32, #tpu.memory_space<vmem>>
      %dma_start3A_55 = arith.constant 0 : i32
      %dma_start3A_56 = arith.constant 0 : i32
      %dma_start3A_57 = tpu.memref_slice %arg3[%dma_start3A_55, %dma_start3A_56] : memref<100000x32xf32, #tpu.memory_space<hbm>> -> memref<100000x32xf32, #tpu.memory_space<hbm>>
      tpu.enqueue_indirect_dma source(%dma_start3A_57 : memref<100000x32xf32, #tpu.memory_space<hbm>>) target(%dma_start3A_53 : memref<128x32xf32, #tpu.memory_space<vmem>>) offsets(%dma_start3A_54 : memref<128xi32, #tpu.memory_space<vmem>>) semaphore(%arg7 : memref<!tpu.dma_semaphore, #tpu.memory_space<semaphore_mem>>)
      %add3A_58 = arith.constant 640 : i32
      %add3A_59 = arith.addi %multiple_of3A_13, %add3A_58 : i32
      %dma_start3A_60 = arith.constant 640 : i32
      %dma_start3A_61 = arith.constant 0 : i32
      %dma_start3A_62 = tpu.memref_slice %arg6[%dma_start3A_60, %dma_start3A_61] : memref<1664x32xf32, #tpu.memory_space<vmem>> -> memref<128x32xf32, #tpu.memory_space<vmem>>
      %dma_start3A_63 = tpu.memref_slice %arg5[%add3A_59] : memref<13312xi32, #tpu.memory_space<vmem>> -> memref<128xi32, #tpu.memory_space<vmem>>
      %dma_start3A_64 = arith.constant 0 : i32
      %dma_start3A_65 = arith.constant 0 : i32
      %dma_start3A_66 = tpu.memref_slice %arg3[%dma_start3A_64, %dma_start3A_65] : memref<100000x32xf32, #tpu.memory_space<hbm>> -> memref<100000x32xf32, #tpu.memory_space<hbm>>
      tpu.enqueue_indirect_dma source(%dma_start3A_66 : memref<100000x32xf32, #tpu.memory_space<hbm>>) target(%dma_start3A_62 : memref<128x32xf32, #tpu.memory_space<vmem>>) offsets(%dma_start3A_63 : memref<128xi32, #tpu.memory_space<vmem>>) semaphore(%arg7 : memref<!tpu.dma_semaphore, #tpu.memory_space<semaphore_mem>>)
      %add3A_67 = arith.constant 768 : i32
      %add3A_68 = arith.addi %multiple_of3A_13, %add3A_67 : i32
      %dma_start3A_69 = arith.constant 768 : i32
      %dma_start3A_70 = arith.constant 0 : i32
      %dma_start3A_71 = tpu.memref_slice %arg6[%dma_start3A_69, %dma_start3A_70] : memref<1664x32xf32, #tpu.memory_space<vmem>> -> memref<128x32xf32, #tpu.memory_space<vmem>>
      %dma_start3A_72 = tpu.memref_slice %arg5[%add3A_68] : memref<13312xi32, #tpu.memory_space<vmem>> -> memref<128xi32, #tpu.memory_space<vmem>>
      %dma_start3A_73 = arith.constant 0 : i32
      %dma_start3A_74 = arith.constant 0 : i32
      %dma_start3A_75 = tpu.memref_slice %arg3[%dma_start3A_73, %dma_start3A_74] : memref<100000x32xf32, #tpu.memory_space<hbm>> -> memref<100000x32xf32, #tpu.memory_space<hbm>>
      tpu.enqueue_indirect_dma source(%dma_start3A_75 : memref<100000x32xf32, #tpu.memory_space<hbm>>) target(%dma_start3A_71 : memref<128x32xf32, #tpu.memory_space<vmem>>) offsets(%dma_start3A_72 : memref<128xi32, #tpu.memory_space<vmem>>) semaphore(%arg7 : memref<!tpu.dma_semaphore, #tpu.memory_space<semaphore_mem>>)
      %add3A_76 = arith.constant 896 : i32
      %add3A_77 = arith.addi %multiple_of3A_13, %add3A_76 : i32
      %dma_start3A_78 = arith.constant 896 : i32
      %dma_start3A_79 = arith.constant 0 : i32
      %dma_start3A_80 = tpu.memref_slice %arg6[%dma_start3A_78, %dma_start3A_79] : memref<1664x32xf32, #tpu.memory_space<vmem>> -> memref<128x32xf32, #tpu.memory_space<vmem>>
      %dma_start3A_81 = tpu.memref_slice %arg5[%add3A_77] : memref<13312xi32, #tpu.memory_space<vmem>> -> memref<128xi32, #tpu.memory_space<vmem>>
      %dma_start3A_82 = arith.constant 0 : i32
      %dma_start3A_83 = arith.constant 0 : i32
      %dma_start3A_84 = tpu.memref_slice %arg3[%dma_start3A_82, %dma_start3A_83] : memref<100000x32xf32, #tpu.memory_space<hbm>> -> memref<100000x32xf32, #tpu.memory_space<hbm>>
      tpu.enqueue_indirect_dma source(%dma_start3A_84 : memref<100000x32xf32, #tpu.memory_space<hbm>>) target(%dma_start3A_80 : memref<128x32xf32, #tpu.memory_space<vmem>>) offsets(%dma_start3A_81 : memref<128xi32, #tpu.memory_space<vmem>>) semaphore(%arg7 : memref<!tpu.dma_semaphore, #tpu.memory_space<semaphore_mem>>)
      %add3A_85 = arith.constant 1024 : i32
      %add3A_86 = arith.addi %multiple_of3A_13, %add3A_85 : i32
      %dma_start3A_87 = arith.constant 1024 : i32
      %dma_start3A_88 = arith.constant 0 : i32
      %dma_start3A_89 = tpu.memref_slice %arg6[%dma_start3A_87, %dma_start3A_88] : memref<1664x32xf32, #tpu.memory_space<vmem>> -> memref<128x32xf32, #tpu.memory_space<vmem>>
      %dma_start3A_90 = tpu.memref_slice %arg5[%add3A_86] : memref<13312xi32, #tpu.memory_space<vmem>> -> memref<128xi32, #tpu.memory_space<vmem>>
      %dma_start3A_91 = arith.constant 0 : i32
      %dma_start3A_92 = arith.constant 0 : i32
      %dma_start3A_93 = tpu.memref_slice %arg3[%dma_start3A_91, %dma_start3A_92] : memref<100000x32xf32, #tpu.memory_space<hbm>> -> memref<100000x32xf32, #tpu.memory_space<hbm>>
      tpu.enqueue_indirect_dma source(%dma_start3A_93 : memref<100000x32xf32, #tpu.memory_space<hbm>>) target(%dma_start3A_89 : memref<128x32xf32, #tpu.memory_space<vmem>>) offsets(%dma_start3A_90 : memref<128xi32, #tpu.memory_space<vmem>>) semaphore(%arg7 : memref<!tpu.dma_semaphore, #tpu.memory_space<semaphore_mem>>)
      %add3A_94 = arith.constant 1152 : i32
      %add3A_95 = arith.addi %multiple_of3A_13, %add3A_94 : i32
      %dma_start3A_96 = arith.constant 1152 : i32
      %dma_start3A_97 = arith.constant 0 : i32
      %dma_start3A_98 = tpu.memref_slice %arg6[%dma_start3A_96, %dma_start3A_97] : memref<1664x32xf32, #tpu.memory_space<vmem>> -> memref<128x32xf32, #tpu.memory_space<vmem>>
      %dma_start3A_99 = tpu.memref_slice %arg5[%add3A_95] : memref<13312xi32, #tpu.memory_space<vmem>> -> memref<128xi32, #tpu.memory_space<vmem>>
      %dma_start3A_100 = arith.constant 0 : i32
      %dma_start3A_101 = arith.constant 0 : i32
      %dma_start3A_102 = tpu.memref_slice %arg3[%dma_start3A_100, %dma_start3A_101] : memref<100000x32xf32, #tpu.memory_space<hbm>> -> memref<100000x32xf32, #tpu.memory_space<hbm>>
      tpu.enqueue_indirect_dma source(%dma_start3A_102 : memref<100000x32xf32, #tpu.memory_space<hbm>>) target(%dma_start3A_98 : memref<128x32xf32, #tpu.memory_space<vmem>>) offsets(%dma_start3A_99 : memref<128xi32, #tpu.memory_space<vmem>>) semaphore(%arg7 : memref<!tpu.dma_semaphore, #tpu.memory_space<semaphore_mem>>)
      %add3A_103 = arith.constant 1280 : i32
      %add3A_104 = arith.addi %multiple_of3A_13, %add3A_103 : i32
      %dma_start3A_105 = arith.constant 1280 : i32
      %dma_start3A_106 = arith.constant 0 : i32
      %dma_start3A_107 = tpu.memref_slice %arg6[%dma_start3A_105, %dma_start3A_106] : memref<1664x32xf32, #tpu.memory_space<vmem>> -> memref<128x32xf32, #tpu.memory_space<vmem>>
      %dma_start3A_108 = tpu.memref_slice %arg5[%add3A_104] : memref<13312xi32, #tpu.memory_space<vmem>> -> memref<128xi32, #tpu.memory_space<vmem>>
      %dma_start3A_109 = arith.constant 0 : i32
      %dma_start3A_110 = arith.constant 0 : i32
      %dma_start3A_111 = tpu.memref_slice %arg3[%dma_start3A_109, %dma_start3A_110] : memref<100000x32xf32, #tpu.memory_space<hbm>> -> memref<100000x32xf32, #tpu.memory_space<hbm>>
      tpu.enqueue_indirect_dma source(%dma_start3A_111 : memref<100000x32xf32, #tpu.memory_space<hbm>>) target(%dma_start3A_107 : memref<128x32xf32, #tpu.memory_space<vmem>>) offsets(%dma_start3A_108 : memref<128xi32, #tpu.memory_space<vmem>>) semaphore(%arg7 : memref<!tpu.dma_semaphore, #tpu.memory_space<semaphore_mem>>)
      %add3A_112 = arith.constant 1408 : i32
      %add3A_113 = arith.addi %multiple_of3A_13, %add3A_112 : i32
      %dma_start3A_114 = arith.constant 1408 : i32
      %dma_start3A_115 = arith.constant 0 : i32
      %dma_start3A_116 = tpu.memref_slice %arg6[%dma_start3A_114, %dma_start3A_115] : memref<1664x32xf32, #tpu.memory_space<vmem>> -> memref<128x32xf32, #tpu.memory_space<vmem>>
      %dma_start3A_117 = tpu.memref_slice %arg5[%add3A_113] : memref<13312xi32, #tpu.memory_space<vmem>> -> memref<128xi32, #tpu.memory_space<vmem>>
      %dma_start3A_118 = arith.constant 0 : i32
      %dma_start3A_119 = arith.constant 0 : i32
      %dma_start3A_120 = tpu.memref_slice %arg3[%dma_start3A_118, %dma_start3A_119] : memref<100000x32xf32, #tpu.memory_space<hbm>> -> memref<100000x32xf32, #tpu.memory_space<hbm>>
      tpu.enqueue_indirect_dma source(%dma_start3A_120 : memref<100000x32xf32, #tpu.memory_space<hbm>>) target(%dma_start3A_116 : memref<128x32xf32, #tpu.memory_space<vmem>>) offsets(%dma_start3A_117 : memref<128xi32, #tpu.memory_space<vmem>>) semaphore(%arg7 : memref<!tpu.dma_semaphore, #tpu.memory_space<semaphore_mem>>)
      %add3A_121 = arith.constant 1536 : i32
      %add3A_122 = arith.addi %multiple_of3A_13, %add3A_121 : i32
      %dma_start3A_123 = arith.constant 1536 : i32
      %dma_start3A_124 = arith.constant 0 : i32
      %dma_start3A_125 = tpu.memref_slice %arg6[%dma_start3A_123, %dma_start3A_124] : memref<1664x32xf32, #tpu.memory_space<vmem>> -> memref<128x32xf32, #tpu.memory_space<vmem>>
      %dma_start3A_126 = tpu.memref_slice %arg5[%add3A_122] : memref<13312xi32, #tpu.memory_space<vmem>> -> memref<128xi32, #tpu.memory_space<vmem>>
      %dma_start3A_127 = arith.constant 0 : i32
      %dma_start3A_128 = arith.constant 0 : i32
      %dma_start3A_129 = tpu.memref_slice %arg3[%dma_start3A_127, %dma_start3A_128] : memref<100000x32xf32, #tpu.memory_space<hbm>> -> memref<100000x32xf32, #tpu.memory_space<hbm>>
      tpu.enqueue_indirect_dma source(%dma_start3A_129 : memref<100000x32xf32, #tpu.memory_space<hbm>>) target(%dma_start3A_125 : memref<128x32xf32, #tpu.memory_space<vmem>>) offsets(%dma_start3A_126 : memref<128xi32, #tpu.memory_space<vmem>>) semaphore(%arg7 : memref<!tpu.dma_semaphore, #tpu.memory_space<semaphore_mem>>)
      %dma_wait3A = arith.constant 0 : i32
      %dma_wait3A_130 = arith.constant 0 : i32
      %dma_wait3A_131 = tpu.memref_slice %arg6[%dma_wait3A, %dma_wait3A_130] : memref<1664x32xf32, #tpu.memory_space<vmem>> -> memref<128x32xf32, #tpu.memory_space<vmem>>
      %dma_wait3A_132 = tpu.memref_slice %arg5[%add3A_15] : memref<13312xi32, #tpu.memory_space<vmem>> -> memref<128xi32, #tpu.memory_space<vmem>>
      %dma_wait3A_133 = arith.constant 0 : i32
      %dma_wait3A_134 = arith.constant 0 : i32
      %dma_wait3A_135 = tpu.memref_slice %arg3[%dma_wait3A_133, %dma_wait3A_134] : memref<100000x32xf32, #tpu.memory_space<hbm>> -> memref<100000x32xf32, #tpu.memory_space<hbm>>
      tpu.wait_indirect_dma semaphore(%arg7 : memref<!tpu.dma_semaphore, #tpu.memory_space<semaphore_mem>>) src(%dma_wait3A_135 : memref<100000x32xf32, #tpu.memory_space<hbm>>) dst(%dma_wait3A_131 : memref<128x32xf32, #tpu.memory_space<vmem>>)
      %dma_wait3A_136 = arith.constant 128 : i32
      %dma_wait3A_137 = arith.constant 0 : i32
      %dma_wait3A_138 = tpu.memref_slice %arg6[%dma_wait3A_136, %dma_wait3A_137] : memref<1664x32xf32, #tpu.memory_space<vmem>> -> memref<128x32xf32, #tpu.memory_space<vmem>>
      %dma_wait3A_139 = tpu.memref_slice %arg5[%add3A_23] : memref<13312xi32, #tpu.memory_space<vmem>> -> memref<128xi32, #tpu.memory_space<vmem>>
      %dma_wait3A_140 = arith.constant 0 : i32
      %dma_wait3A_141 = arith.constant 0 : i32
      %dma_wait3A_142 = tpu.memref_slice %arg3[%dma_wait3A_140, %dma_wait3A_141] : memref<100000x32xf32, #tpu.memory_space<hbm>> -> memref<100000x32xf32, #tpu.memory_space<hbm>>
      tpu.wait_indirect_dma semaphore(%arg7 : memref<!tpu.dma_semaphore, #tpu.memory_space<semaphore_mem>>) src(%dma_wait3A_142 : memref<100000x32xf32, #tpu.memory_space<hbm>>) dst(%dma_wait3A_138 : memref<128x32xf32, #tpu.memory_space<vmem>>)
      %dma_wait3A_143 = arith.constant 256 : i32
      %dma_wait3A_144 = arith.constant 0 : i32
      %dma_wait3A_145 = tpu.memref_slice %arg6[%dma_wait3A_143, %dma_wait3A_144] : memref<1664x32xf32, #tpu.memory_space<vmem>> -> memref<128x32xf32, #tpu.memory_space<vmem>>
      %dma_wait3A_146 = tpu.memref_slice %arg5[%add3A_32] : memref<13312xi32, #tpu.memory_space<vmem>> -> memref<128xi32, #tpu.memory_space<vmem>>
      %dma_wait3A_147 = arith.constant 0 : i32
      %dma_wait3A_148 = arith.constant 0 : i32
      %dma_wait3A_149 = tpu.memref_slice %arg3[%dma_wait3A_147, %dma_wait3A_148] : memref<100000x32xf32, #tpu.memory_space<hbm>> -> memref<100000x32xf32, #tpu.memory_space<hbm>>
      tpu.wait_indirect_dma semaphore(%arg7 : memref<!tpu.dma_semaphore, #tpu.memory_space<semaphore_mem>>) src(%dma_wait3A_149 : memref<100000x32xf32, #tpu.memory_space<hbm>>) dst(%dma_wait3A_145 : memref<128x32xf32, #tpu.memory_space<vmem>>)
      %dma_wait3A_150 = arith.constant 384 : i32
      %dma_wait3A_151 = arith.constant 0 : i32
      %dma_wait3A_152 = tpu.memref_slice %arg6[%dma_wait3A_150, %dma_wait3A_151] : memref<1664x32xf32, #tpu.memory_space<vmem>> -> memref<128x32xf32, #tpu.memory_space<vmem>>
      %dma_wait3A_153 = tpu.memref_slice %arg5[%add3A_41] : memref<13312xi32, #tpu.memory_space<vmem>> -> memref<128xi32, #tpu.memory_space<vmem>>
      %dma_wait3A_154 = arith.constant 0 : i32
      %dma_wait3A_155 = arith.constant 0 : i32
      %dma_wait3A_156 = tpu.memref_slice %arg3[%dma_wait3A_154, %dma_wait3A_155] : memref<100000x32xf32, #tpu.memory_space<hbm>> -> memref<100000x32xf32, #tpu.memory_space<hbm>>
      tpu.wait_indirect_dma semaphore(%arg7 : memref<!tpu.dma_semaphore, #tpu.memory_space<semaphore_mem>>) src(%dma_wait3A_156 : memref<100000x32xf32, #tpu.memory_space<hbm>>) dst(%dma_wait3A_152 : memref<128x32xf32, #tpu.memory_space<vmem>>)
      %dma_wait3A_157 = arith.constant 512 : i32
      %dma_wait3A_158 = arith.constant 0 : i32
      %dma_wait3A_159 = tpu.memref_slice %arg6[%dma_wait3A_157, %dma_wait3A_158] : memref<1664x32xf32, #tpu.memory_space<vmem>> -> memref<128x32xf32, #tpu.memory_space<vmem>>
      %dma_wait3A_160 = tpu.memref_slice %arg5[%add3A_50] : memref<13312xi32, #tpu.memory_space<vmem>> -> memref<128xi32, #tpu.memory_space<vmem>>
      %dma_wait3A_161 = arith.constant 0 : i32
      %dma_wait3A_162 = arith.constant 0 : i32
      %dma_wait3A_163 = tpu.memref_slice %arg3[%dma_wait3A_161, %dma_wait3A_162] : memref<100000x32xf32, #tpu.memory_space<hbm>> -> memref<100000x32xf32, #tpu.memory_space<hbm>>
      tpu.wait_indirect_dma semaphore(%arg7 : memref<!tpu.dma_semaphore, #tpu.memory_space<semaphore_mem>>) src(%dma_wait3A_163 : memref<100000x32xf32, #tpu.memory_space<hbm>>) dst(%dma_wait3A_159 : memref<128x32xf32, #tpu.memory_space<vmem>>)
      %dma_wait3A_164 = arith.constant 640 : i32
      %dma_wait3A_165 = arith.constant 0 : i32
      %dma_wait3A_166 = tpu.memref_slice %arg6[%dma_wait3A_164, %dma_wait3A_165] : memref<1664x32xf32, #tpu.memory_space<vmem>> -> memref<128x32xf32, #tpu.memory_space<vmem>>
      %dma_wait3A_167 = tpu.memref_slice %arg5[%add3A_59] : memref<13312xi32, #tpu.memory_space<vmem>> -> memref<128xi32, #tpu.memory_space<vmem>>
      %dma_wait3A_168 = arith.constant 0 : i32
      %dma_wait3A_169 = arith.constant 0 : i32
      %dma_wait3A_170 = tpu.memref_slice %arg3[%dma_wait3A_168, %dma_wait3A_169] : memref<100000x32xf32, #tpu.memory_space<hbm>> -> memref<100000x32xf32, #tpu.memory_space<hbm>>
      tpu.wait_indirect_dma semaphore(%arg7 : memref<!tpu.dma_semaphore, #tpu.memory_space<semaphore_mem>>) src(%dma_wait3A_170 : memref<100000x32xf32, #tpu.memory_space<hbm>>) dst(%dma_wait3A_166 : memref<128x32xf32, #tpu.memory_space<vmem>>)
      %dma_wait3A_171 = arith.constant 768 : i32
      %dma_wait3A_172 = arith.constant 0 : i32
      %dma_wait3A_173 = tpu.memref_slice %arg6[%dma_wait3A_171, %dma_wait3A_172] : memref<1664x32xf32, #tpu.memory_space<vmem>> -> memref<128x32xf32, #tpu.memory_space<vmem>>
      %dma_wait3A_174 = tpu.memref_slice %arg5[%add3A_68] : memref<13312xi32, #tpu.memory_space<vmem>> -> memref<128xi32, #tpu.memory_space<vmem>>
      %dma_wait3A_175 = arith.constant 0 : i32
      %dma_wait3A_176 = arith.constant 0 : i32
      %dma_wait3A_177 = tpu.memref_slice %arg3[%dma_wait3A_175, %dma_wait3A_176] : memref<100000x32xf32, #tpu.memory_space<hbm>> -> memref<100000x32xf32, #tpu.memory_space<hbm>>
      tpu.wait_indirect_dma semaphore(%arg7 : memref<!tpu.dma_semaphore, #tpu.memory_space<semaphore_mem>>) src(%dma_wait3A_177 : memref<100000x32xf32, #tpu.memory_space<hbm>>) dst(%dma_wait3A_173 : memref<128x32xf32, #tpu.memory_space<vmem>>)
      %dma_wait3A_178 = arith.constant 896 : i32
      %dma_wait3A_179 = arith.constant 0 : i32
      %dma_wait3A_180 = tpu.memref_slice %arg6[%dma_wait3A_178, %dma_wait3A_179] : memref<1664x32xf32, #tpu.memory_space<vmem>> -> memref<128x32xf32, #tpu.memory_space<vmem>>
      %dma_wait3A_181 = tpu.memref_slice %arg5[%add3A_77] : memref<13312xi32, #tpu.memory_space<vmem>> -> memref<128xi32, #tpu.memory_space<vmem>>
      %dma_wait3A_182 = arith.constant 0 : i32
      %dma_wait3A_183 = arith.constant 0 : i32
      %dma_wait3A_184 = tpu.memref_slice %arg3[%dma_wait3A_182, %dma_wait3A_183] : memref<100000x32xf32, #tpu.memory_space<hbm>> -> memref<100000x32xf32, #tpu.memory_space<hbm>>
      tpu.wait_indirect_dma semaphore(%arg7 : memref<!tpu.dma_semaphore, #tpu.memory_space<semaphore_mem>>) src(%dma_wait3A_184 : memref<100000x32xf32, #tpu.memory_space<hbm>>) dst(%dma_wait3A_180 : memref<128x32xf32, #tpu.memory_space<vmem>>)
      %dma_wait3A_185 = arith.constant 1024 : i32
      %dma_wait3A_186 = arith.constant 0 : i32
      %dma_wait3A_187 = tpu.memref_slice %arg6[%dma_wait3A_185, %dma_wait3A_186] : memref<1664x32xf32, #tpu.memory_space<vmem>> -> memref<128x32xf32, #tpu.memory_space<vmem>>
      %dma_wait3A_188 = tpu.memref_slice %arg5[%add3A_86] : memref<13312xi32, #tpu.memory_space<vmem>> -> memref<128xi32, #tpu.memory_space<vmem>>
      %dma_wait3A_189 = arith.constant 0 : i32
      %dma_wait3A_190 = arith.constant 0 : i32
      %dma_wait3A_191 = tpu.memref_slice %arg3[%dma_wait3A_189, %dma_wait3A_190] : memref<100000x32xf32, #tpu.memory_space<hbm>> -> memref<100000x32xf32, #tpu.memory_space<hbm>>
      tpu.wait_indirect_dma semaphore(%arg7 : memref<!tpu.dma_semaphore, #tpu.memory_space<semaphore_mem>>) src(%dma_wait3A_191 : memref<100000x32xf32, #tpu.memory_space<hbm>>) dst(%dma_wait3A_187 : memref<128x32xf32, #tpu.memory_space<vmem>>)
      %dma_wait3A_192 = arith.constant 1152 : i32
      %dma_wait3A_193 = arith.constant 0 : i32
      %dma_wait3A_194 = tpu.memref_slice %arg6[%dma_wait3A_192, %dma_wait3A_193] : memref<1664x32xf32, #tpu.memory_space<vmem>> -> memref<128x32xf32, #tpu.memory_space<vmem>>
      %dma_wait3A_195 = tpu.memref_slice %arg5[%add3A_95] : memref<13312xi32, #tpu.memory_space<vmem>> -> memref<128xi32, #tpu.memory_space<vmem>>
      %dma_wait3A_196 = arith.constant 0 : i32
      %dma_wait3A_197 = arith.constant 0 : i32
      %dma_wait3A_198 = tpu.memref_slice %arg3[%dma_wait3A_196, %dma_wait3A_197] : memref<100000x32xf32, #tpu.memory_space<hbm>> -> memref<100000x32xf32, #tpu.memory_space<hbm>>
      tpu.wait_indirect_dma semaphore(%arg7 : memref<!tpu.dma_semaphore, #tpu.memory_space<semaphore_mem>>) src(%dma_wait3A_198 : memref<100000x32xf32, #tpu.memory_space<hbm>>) dst(%dma_wait3A_194 : memref<128x32xf32, #tpu.memory_space<vmem>>)
      %dma_wait3A_199 = arith.constant 1280 : i32
      %dma_wait3A_200 = arith.constant 0 : i32
      %dma_wait3A_201 = tpu.memref_slice %arg6[%dma_wait3A_199, %dma_wait3A_200] : memref<1664x32xf32, #tpu.memory_space<vmem>> -> memref<128x32xf32, #tpu.memory_space<vmem>>
      %dma_wait3A_202 = tpu.memref_slice %arg5[%add3A_104] : memref<13312xi32, #tpu.memory_space<vmem>> -> memref<128xi32, #tpu.memory_space<vmem>>
      %dma_wait3A_203 = arith.constant 0 : i32
      %dma_wait3A_204 = arith.constant 0 : i32
      %dma_wait3A_205 = tpu.memref_slice %arg3[%dma_wait3A_203, %dma_wait3A_204] : memref<100000x32xf32, #tpu.memory_space<hbm>> -> memref<100000x32xf32, #tpu.memory_space<hbm>>
      tpu.wait_indirect_dma semaphore(%arg7 : memref<!tpu.dma_semaphore, #tpu.memory_space<semaphore_mem>>) src(%dma_wait3A_205 : memref<100000x32xf32, #tpu.memory_space<hbm>>) dst(%dma_wait3A_201 : memref<128x32xf32, #tpu.memory_space<vmem>>)
      %dma_wait3A_206 = arith.constant 1408 : i32
      %dma_wait3A_207 = arith.constant 0 : i32
      %dma_wait3A_208 = tpu.memref_slice %arg6[%dma_wait3A_206, %dma_wait3A_207] : memref<1664x32xf32, #tpu.memory_space<vmem>> -> memref<128x32xf32, #tpu.memory_space<vmem>>
      %dma_wait3A_209 = tpu.memref_slice %arg5[%add3A_113] : memref<13312xi32, #tpu.memory_space<vmem>> -> memref<128xi32, #tpu.memory_space<vmem>>
      %dma_wait3A_210 = arith.constant 0 : i32
      %dma_wait3A_211 = arith.constant 0 : i32
      %dma_wait3A_212 = tpu.memref_slice %arg3[%dma_wait3A_210, %dma_wait3A_211] : memref<100000x32xf32, #tpu.memory_space<hbm>> -> memref<100000x32xf32, #tpu.memory_space<hbm>>
      tpu.wait_indirect_dma semaphore(%arg7 : memref<!tpu.dma_semaphore, #tpu.memory_space<semaphore_mem>>) src(%dma_wait3A_212 : memref<100000x32xf32, #tpu.memory_space<hbm>>) dst(%dma_wait3A_208 : memref<128x32xf32, #tpu.memory_space<vmem>>)
      %dma_wait3A_213 = arith.constant 1536 : i32
      %dma_wait3A_214 = arith.constant 0 : i32
      %dma_wait3A_215 = tpu.memref_slice %arg6[%dma_wait3A_213, %dma_wait3A_214] : memref<1664x32xf32, #tpu.memory_space<vmem>> -> memref<128x32xf32, #tpu.memory_space<vmem>>
      %dma_wait3A_216 = tpu.memref_slice %arg5[%add3A_122] : memref<13312xi32, #tpu.memory_space<vmem>> -> memref<128xi32, #tpu.memory_space<vmem>>
      %dma_wait3A_217 = arith.constant 0 : i32
      %dma_wait3A_218 = arith.constant 0 : i32
      %dma_wait3A_219 = tpu.memref_slice %arg3[%dma_wait3A_217, %dma_wait3A_218] : memref<100000x32xf32, #tpu.memory_space<hbm>> -> memref<100000x32xf32, #tpu.memory_space<hbm>>
      tpu.wait_indirect_dma semaphore(%arg7 : memref<!tpu.dma_semaphore, #tpu.memory_space<semaphore_mem>>) src(%dma_wait3A_219 : memref<100000x32xf32, #tpu.memory_space<hbm>>) dst(%dma_wait3A_215 : memref<128x32xf32, #tpu.memory_space<vmem>>)
      %add3A_220 = arith.addi %multiple_of3A, %multiple_of3A_13 : i32
      "tpu.region"() ({
        %run_scoped3A = tpu.sem_alloc : memref<!tpu.dma_semaphore, #tpu.memory_space<semaphore_mem>>
        %dma_start3A_221 = arith.constant 0 : i32
        %dma_start3A_222 = tpu.memref_slice %arg4[%add3A_220, %dma_start3A_221] : memref<425984x32xf32, #tpu.memory_space<hbm>> -> memref<1664x32xf32, #tpu.memory_space<hbm>>
        %dma_start3A_223 = arith.constant 0 : i32
        %dma_start3A_224 = tpu.memref_slice %arg4[%add3A_220, %dma_start3A_223] : memref<425984x32xf32, #tpu.memory_space<hbm>> -> memref<1664x32xf32, #tpu.memory_space<hbm>>
        tpu.enqueue_dma source(%arg6 : memref<1664x32xf32, #tpu.memory_space<vmem>>) target(%dma_start3A_224 : memref<1664x32xf32, #tpu.memory_space<hbm>>) target_semaphore(%run_scoped3A : memref<!tpu.dma_semaphore, #tpu.memory_space<semaphore_mem>>)
        %dma_wait3A_225 = arith.constant 0 : i32
        %dma_wait3A_226 = tpu.memref_slice %arg4[%add3A_220, %dma_wait3A_225] : memref<425984x32xf32, #tpu.memory_space<hbm>> -> memref<1664x32xf32, #tpu.memory_space<hbm>>
        %dma_wait3A_227 = arith.constant 0 : i32
        %dma_wait3A_228 = tpu.memref_slice %arg4[%add3A_220, %dma_wait3A_227] : memref<425984x32xf32, #tpu.memory_space<hbm>> -> memref<1664x32xf32, #tpu.memory_space<hbm>>
        tpu.wait_dma2 semaphore(%run_scoped3A : memref<!tpu.dma_semaphore, #tpu.memory_space<semaphore_mem>>) src(%arg6 : memref<1664x32xf32, #tpu.memory_space<vmem>>) dst(%dma_wait3A_228 : memref<1664x32xf32, #tpu.memory_space<hbm>>)
        tpu.yield
      }) : () -> ()
    }
    %scan3A_9 = arith.constant 8 : i32
    return
  }
}

module attributes {stable_mosaic.version = 14 : i64} {
  func.func @_attn_body(%arg0: i32, %arg1: memref<32x2xf32, #tpu.memory_space<vmem>>, %arg2: memref<2x32x32xf32, #tpu.memory_space<vmem>>, %arg3: memref<2x32xf32, #tpu.memory_space<vmem>>, %arg4: memref<2048x32xf32, #tpu.memory_space<vmem>>, %arg5: memref<2048x832xf32, #tpu.memory_space<vmem>>, %arg6: memref<2048x26xi32, #tpu.memory_space<vmem>>, %arg7: memref<2x2048x32xf32, #tpu.memory_space<vmem>>) attributes {dimension_semantics = [#tpu.dimension_semantics<arbitrary>], iteration_bounds = array<i64: 8>, scalar_prefetch = 0 : i64, scratch_operands = 0 : i64, tpu.core_type = #tpu.core_type<tc>, window_params = [{pipeline_mode = #tpu.pipeline_mode<synchronous>, transform_indices = @transform_0, window_bounds = array<i64: 32, 2>}, {pipeline_mode = #tpu.pipeline_mode<synchronous>, transform_indices = @transform_1, window_bounds = array<i64: 2, 32, 32>}, {pipeline_mode = #tpu.pipeline_mode<synchronous>, transform_indices = @transform_2, window_bounds = array<i64: 2, 32>}, {transform_indices = @transform_3, window_bounds = array<i64: 2048, 32>}, {transform_indices = @transform_4, window_bounds = array<i64: 2048, 832>}, {transform_indices = @transform_5, window_bounds = array<i64: 2048, 26>}, {transform_indices = @transform_6, window_bounds = array<i64: 2, 2048, 32>}]} {
    %get3A = arith.constant 0 : index
    %get3A_0 = arith.constant 0 : index
    %get3A_1 = vector.load %arg4[%get3A, %get3A_0] : memref<2048x32xf32, #tpu.memory_space<vmem>>, vector<2048x32xf32>
    %get3A_2 = arith.constant 0 : index
    %get3A_3 = arith.constant 0 : index
    %get3A_4 = vector.load %arg5[%get3A_2, %get3A_3] : memref<2048x832xf32, #tpu.memory_space<vmem>>, vector<2048x832xf32>
    %convert_element_type3A = arith.truncf %get3A_4 : vector<2048x832xf32> to vector<2048x832xbf16>
    %get3A_5 = arith.constant 0 : index
    %get3A_6 = arith.constant 0 : index
    %get3A_7 = vector.load %arg6[%get3A_5, %get3A_6] : memref<2048x26xi32, #tpu.memory_space<vmem>>, vector<2048x26xi32>
    %ne3A = arith.constant 0 : i32
    %ne3A_8 = vector.broadcast %ne3A : i32 to vector<2048x26xi32>
    %ne3A_9 = arith.cmpi ne, %get3A_7, %ne3A_8 : vector<2048x26xi32>
    %iota3A = tpu.iota {dimensions = array<i32: 0>} : vector<832x26xi32>
    %iota3A_10 = tpu.iota {dimensions = array<i32: 1>} : vector<832x26xi32>
    %jit3A = arith.constant 32 : i32
    %div3A = vector.broadcast %jit3A : i32 to vector<832x26xi32>
    %div3A_11 = arith.divsi %iota3A, %div3A : vector<832x26xi32>
    %sign3A = arith.constant 0 : i32
    %sign3A_12 = vector.broadcast %sign3A : i32 to vector<832x26xi32>
    %sign3A_13 = arith.cmpi sgt, %iota3A, %sign3A_12 : vector<832x26xi32>
    %sign3A_14 = arith.extui %sign3A_13 : vector<832x26xi1> to vector<832x26xi32>
    %sign3A_15 = arith.constant 0 : i32
    %sign3A_16 = vector.broadcast %sign3A_15 : i32 to vector<832x26xi32>
    %sign3A_17 = arith.cmpi slt, %iota3A, %sign3A_16 : vector<832x26xi32>
    %sign3A_18 = arith.extui %sign3A_17 : vector<832x26xi1> to vector<832x26xi32>
    %sign3A_19 = arith.subi %sign3A_14, %sign3A_18 : vector<832x26xi32>
    %sign3A_20 = arith.constant 0 : i32
    %sign3A_21 = arith.cmpi sgt, %jit3A, %sign3A_20 : i32
    %sign3A_22 = arith.extui %sign3A_21 : i1 to i32
    %sign3A_23 = arith.constant 0 : i32
    %sign3A_24 = arith.cmpi slt, %jit3A, %sign3A_23 : i32
    %sign3A_25 = arith.extui %sign3A_24 : i1 to i32
    %sign3A_26 = arith.subi %sign3A_22, %sign3A_25 : i32
    %ne3A_27 = vector.broadcast %sign3A_26 : i32 to vector<832x26xi32>
    %ne3A_28 = arith.cmpi ne, %sign3A_19, %ne3A_27 : vector<832x26xi32>
    %rem3A = vector.broadcast %jit3A : i32 to vector<832x26xi32>
    %rem3A_29 = arith.remsi %iota3A, %rem3A : vector<832x26xi32>
    %ne3A_30 = arith.constant 0 : i32
    %ne3A_31 = vector.broadcast %ne3A_30 : i32 to vector<832x26xi32>
    %ne3A_32 = arith.cmpi ne, %rem3A_29, %ne3A_31 : vector<832x26xi32>
    %and3A = arith.andi %ne3A_28, %ne3A_32 : vector<832x26xi1>
    %sub3A = arith.constant 1 : i32
    %sub3A_33 = vector.broadcast %sub3A : i32 to vector<832x26xi32>
    %sub3A_34 = arith.subi %div3A_11, %sub3A_33 : vector<832x26xi32>
    %select_n3A = arith.select %and3A, %sub3A_34, %div3A_11 : vector<832x26xi1>, vector<832x26xi32>
    %eq3A = arith.cmpi eq, %select_n3A, %iota3A_10 : vector<832x26xi32>
    %convert_element_type3A_35 = arith.extui %eq3A : vector<832x26xi1> to vector<832x26xi32>
    %convert_element_type3A_36 = arith.sitofp %convert_element_type3A_35 : vector<832x26xi32> to vector<832x26xf32>
    %iota3A_37 = tpu.iota {dimensions = array<i32: 1>} : vector<26x832xi32>
    %jit3A_38 = arith.constant 32 : i32
    %div3A_39 = vector.broadcast %jit3A_38 : i32 to vector<26x832xi32>
    %div3A_40 = arith.divsi %iota3A_37, %div3A_39 : vector<26x832xi32>
    %sign3A_41 = arith.constant 0 : i32
    %sign3A_42 = vector.broadcast %sign3A_41 : i32 to vector<26x832xi32>
    %sign3A_43 = arith.cmpi sgt, %iota3A_37, %sign3A_42 : vector<26x832xi32>
    %sign3A_44 = arith.extui %sign3A_43 : vector<26x832xi1> to vector<26x832xi32>
    %sign3A_45 = arith.constant 0 : i32
    %sign3A_46 = vector.broadcast %sign3A_45 : i32 to vector<26x832xi32>
    %sign3A_47 = arith.cmpi slt, %iota3A_37, %sign3A_46 : vector<26x832xi32>
    %sign3A_48 = arith.extui %sign3A_47 : vector<26x832xi1> to vector<26x832xi32>
    %sign3A_49 = arith.subi %sign3A_44, %sign3A_48 : vector<26x832xi32>
    %sign3A_50 = arith.constant 0 : i32
    %sign3A_51 = arith.cmpi sgt, %jit3A_38, %sign3A_50 : i32
    %sign3A_52 = arith.extui %sign3A_51 : i1 to i32
    %sign3A_53 = arith.constant 0 : i32
    %sign3A_54 = arith.cmpi slt, %jit3A_38, %sign3A_53 : i32
    %sign3A_55 = arith.extui %sign3A_54 : i1 to i32
    %sign3A_56 = arith.subi %sign3A_52, %sign3A_55 : i32
    %ne3A_57 = vector.broadcast %sign3A_56 : i32 to vector<26x832xi32>
    %ne3A_58 = arith.cmpi ne, %sign3A_49, %ne3A_57 : vector<26x832xi32>
    %rem3A_59 = vector.broadcast %jit3A_38 : i32 to vector<26x832xi32>
    %rem3A_60 = arith.remsi %iota3A_37, %rem3A_59 : vector<26x832xi32>
    %ne3A_61 = arith.constant 0 : i32
    %ne3A_62 = vector.broadcast %ne3A_61 : i32 to vector<26x832xi32>
    %ne3A_63 = arith.cmpi ne, %rem3A_60, %ne3A_62 : vector<26x832xi32>
    %and3A_64 = arith.andi %ne3A_58, %ne3A_63 : vector<26x832xi1>
    %sub3A_65 = arith.constant 1 : i32
    %sub3A_66 = vector.broadcast %sub3A_65 : i32 to vector<26x832xi32>
    %sub3A_67 = arith.subi %div3A_40, %sub3A_66 : vector<26x832xi32>
    %select_n3A_68 = arith.select %and3A_64, %sub3A_67, %div3A_40 : vector<26x832xi1>, vector<26x832xi32>
    %iota3A_69 = tpu.iota {dimensions = array<i32: 0>} : vector<26x832xi32>
    %eq3A_70 = arith.cmpi eq, %select_n3A_68, %iota3A_69 : vector<26x832xi32>
    %convert_element_type3A_71 = arith.extui %eq3A_70 : vector<26x832xi1> to vector<26x832xi32>
    %convert_element_type3A_72 = arith.sitofp %convert_element_type3A_71 : vector<26x832xi32> to vector<26x832xf32>
    %convert_element_type3A_73 = arith.truncf %convert_element_type3A_72 : vector<26x832xf32> to vector<26x832xbf16>
    %iota3A_74 = tpu.iota {dimensions = array<i32: 0>} : vector<832x32xi32>
    %jit3A_75 = arith.constant 32 : i32
    %eq3A_76 = arith.constant 0 : i32
    %eq3A_77 = arith.cmpi eq, %jit3A_75, %eq3A_76 : i32
    %jit3A_78 = arith.constant 1 : i32
    %select_n3A_79 = arith.select %eq3A_77, %jit3A_78, %jit3A_75 : i32
    %rem3A_80 = vector.broadcast %select_n3A_79 : i32 to vector<832x32xi32>
    %rem3A_81 = arith.remsi %iota3A_74, %rem3A_80 : vector<832x32xi32>
    %ne3A_82 = arith.constant 0 : i32
    %ne3A_83 = vector.broadcast %ne3A_82 : i32 to vector<832x32xi32>
    %ne3A_84 = arith.cmpi ne, %rem3A_81, %ne3A_83 : vector<832x32xi32>
    %lt3A = arith.constant 0 : i32
    %lt3A_85 = vector.broadcast %lt3A : i32 to vector<832x32xi32>
    %lt3A_86 = arith.cmpi slt, %rem3A_81, %lt3A_85 : vector<832x32xi32>
    %lt3A_87 = arith.constant 0 : i32
    %lt3A_88 = arith.cmpi slt, %select_n3A_79, %lt3A_87 : i32
    %ne3A_89 = vector.broadcast %lt3A_88 : i1 to vector<832x32xi1>
    %ne3A_90 = vector.broadcast %ne3A_89 : vector<832x32xi1> to vector<832x32xi1>
    %ne3A_91 = arith.xori %lt3A_86, %ne3A_90 : vector<832x32xi1>
    %and3A_92 = arith.andi %ne3A_91, %ne3A_84 : vector<832x32xi1>
    %add3A = vector.broadcast %select_n3A_79 : i32 to vector<832x32xi32>
    %add3A_93 = arith.addi %rem3A_81, %add3A : vector<832x32xi32>
    %select_n3A_94 = arith.select %and3A_92, %add3A_93, %rem3A_81 : vector<832x32xi1>, vector<832x32xi32>
    %iota3A_95 = tpu.iota {dimensions = array<i32: 1>} : vector<832x32xi32>
    %eq3A_96 = arith.cmpi eq, %select_n3A_94, %iota3A_95 : vector<832x32xi32>
    %convert_element_type3A_97 = arith.extui %eq3A_96 : vector<832x32xi1> to vector<832x32xi32>
    %convert_element_type3A_98 = arith.sitofp %convert_element_type3A_97 : vector<832x32xi32> to vector<832x32xf32>
    %convert_element_type3A_99 = arith.truncf %convert_element_type3A_98 : vector<832x32xf32> to vector<832x32xbf16>
    %get3A_100 = arith.constant 0 : index
    %get3A_101 = arith.constant 0 : index
    %get3A_102 = vector.load %arg1[%get3A_100, %get3A_101] : memref<32x2xf32, #tpu.memory_space<vmem>>, vector<32x1xf32>
    %dot_general3A = arith.constant dense<0.000000e+00> : vector<2048x1xf32>
    %dot_general3A_103 = tpu.matmul %get3A_1, %get3A_102, %dot_general3A {dimension_numbers = #tpu.dot_dimension_numbers<[1], [0], [0], [1], [0, 0, 1, 1], [], []>, transpose_lhs_hint = false} : vector<2048x32xf32>, vector<32x1xf32>, vector<2048x1xf32> -> vector<2048x1xf32>
    %dot_general3A_104 = arith.constant dense<0.000000e+00> : vector<832x1xf32>
    %dot_general3A_105 = tpu.matmul %convert_element_type3A_98, %get3A_102, %dot_general3A_104 {dimension_numbers = #tpu.dot_dimension_numbers<[1], [0], [0], [1], [0, 0, 1, 1], [], []>, transpose_lhs_hint = false} : vector<832x32xf32>, vector<32x1xf32>, vector<832x1xf32> -> vector<832x1xf32>
    %mul3A = vector.broadcast %dot_general3A_105 : vector<832x1xf32> to vector<832x26xf32>
    %mul3A_106 = arith.mulf %convert_element_type3A_36, %mul3A : vector<832x26xf32>
    %convert_element_type3A_107 = arith.truncf %mul3A_106 : vector<832x26xf32> to vector<832x26xbf16>
    %dot_general3A_108 = arith.constant dense<0.000000e+00> : vector<2048x26xf32>
    %dot_general3A_109 = tpu.matmul %convert_element_type3A, %convert_element_type3A_107, %dot_general3A_108 {dimension_numbers = #tpu.dot_dimension_numbers<[1], [0], [0], [1], [0, 0, 1, 1], [], []>, transpose_lhs_hint = false} : vector<2048x832xbf16>, vector<832x26xbf16>, vector<2048x26xf32> -> vector<2048x26xf32>
    %jit3A_110 = arith.constant -1.000000e+30 : f32
    %broadcast_in_dim3A = vector.broadcast %jit3A_110 : f32 to vector<2048x26xf32>
    %select_n3A_111 = arith.select %ne3A_9, %dot_general3A_109, %broadcast_in_dim3A : vector<2048x26xi1>, vector<2048x26xf32>
    %reduce_max3A = arith.constant dense<0xFF800000> : vector<2048xf32>
    %reduce_max3A_112 = vector.multi_reduction <maximumf>, %select_n3A_111, %reduce_max3A [1] : vector<2048x26xf32> to vector<2048xf32>
    %broadcast_in_dim3A_113 = vector.shape_cast %reduce_max3A_112 : vector<2048xf32> to vector<2048x1xf32>
    %max3A = arith.maximumf %broadcast_in_dim3A_113, %dot_general3A_103 : vector<2048x1xf32>
    %sub3A_114 = arith.subf %dot_general3A_103, %max3A : vector<2048x1xf32>
    %exp3A = math.exp %sub3A_114 : vector<2048x1xf32>
    %sub3A_115 = vector.broadcast %max3A : vector<2048x1xf32> to vector<2048x26xf32>
    %sub3A_116 = arith.subf %select_n3A_111, %sub3A_115 : vector<2048x26xf32>
    %exp3A_117 = math.exp %sub3A_116 : vector<2048x26xf32>
    %reduce_sum3A = arith.constant dense<0.000000e+00> : vector<2048xf32>
    %reduce_sum3A_118 = vector.multi_reduction <add>, %exp3A_117, %reduce_sum3A [1] : vector<2048x26xf32> to vector<2048xf32>
    %broadcast_in_dim3A_119 = vector.shape_cast %reduce_sum3A_118 : vector<2048xf32> to vector<2048x1xf32>
    %add3A_120 = arith.addf %exp3A, %broadcast_in_dim3A_119 : vector<2048x1xf32>
    %convert_element_type3A_121 = arith.truncf %exp3A_117 : vector<2048x26xf32> to vector<2048x26xbf16>
    %dot_general3A_122 = arith.constant dense<0.000000e+00> : vector<2048x832xf32>
    %dot_general3A_123 = tpu.matmul %convert_element_type3A_121, %convert_element_type3A_73, %dot_general3A_122 {dimension_numbers = #tpu.dot_dimension_numbers<[1], [0], [0], [1], [0, 0, 1, 1], [], []>, transpose_lhs_hint = false} : vector<2048x26xbf16>, vector<26x832xbf16>, vector<2048x832xf32> -> vector<2048x832xf32>
    %convert_element_type3A_124 = arith.truncf %dot_general3A_123 : vector<2048x832xf32> to vector<2048x832xbf16>
    %mul3A_125 = vector.broadcast %exp3A : vector<2048x1xf32> to vector<2048x32xf32>
    %mul3A_126 = arith.mulf %get3A_1, %mul3A_125 : vector<2048x32xf32>
    %mul3A_127 = arith.mulf %convert_element_type3A, %convert_element_type3A_124 : vector<2048x832xbf16>
    %dot_general3A_128 = arith.constant dense<0.000000e+00> : vector<2048x32xf32>
    %dot_general3A_129 = tpu.matmul %mul3A_127, %convert_element_type3A_99, %dot_general3A_128 {dimension_numbers = #tpu.dot_dimension_numbers<[1], [0], [0], [1], [0, 0, 1, 1], [], []>, transpose_lhs_hint = false} : vector<2048x832xbf16>, vector<832x32xbf16>, vector<2048x32xf32> -> vector<2048x32xf32>
    %add3A_130 = arith.addf %mul3A_126, %dot_general3A_129 : vector<2048x32xf32>
    %div3A_131 = vector.broadcast %add3A_120 : vector<2048x1xf32> to vector<2048x32xf32>
    %div3A_132 = arith.divf %add3A_130, %div3A_131 : vector<2048x32xf32>
    %get3A_133 = arith.constant 0 : index
    %get3A_134 = arith.constant 0 : index
    %get3A_135 = arith.constant 0 : index
    %get3A_136 = vector.load %arg2[%get3A_133, %get3A_134, %get3A_135] : memref<2x32x32xf32, #tpu.memory_space<vmem>>, vector<1x32x32xf32>
    %get3A_137 = vector.shape_cast %get3A_136 : vector<1x32x32xf32> to vector<32x32xf32>
    %dot_general3A_138 = arith.constant dense<0.000000e+00> : vector<2048x32xf32>
    %dot_general3A_139 = tpu.matmul %div3A_132, %get3A_137, %dot_general3A_138 {dimension_numbers = #tpu.dot_dimension_numbers<[1], [0], [0], [1], [0, 0, 1, 1], [], []>, transpose_lhs_hint = false} : vector<2048x32xf32>, vector<32x32xf32>, vector<2048x32xf32> -> vector<2048x32xf32>
    %get3A_140 = arith.constant 0 : index
    %get3A_141 = arith.constant 0 : index
    %get3A_142 = vector.load %arg3[%get3A_140, %get3A_141] : memref<2x32xf32, #tpu.memory_space<vmem>>, vector<1x32xf32>
    %get3A_143 = vector.shape_cast %get3A_142 : vector<1x32xf32> to vector<32xf32>
    %broadcast_in_dim3A_144 = vector.shape_cast %get3A_143 : vector<32xf32> to vector<1x32xf32>
    %add3A_145 = vector.broadcast %broadcast_in_dim3A_144 : vector<1x32xf32> to vector<2048x32xf32>
    %add3A_146 = arith.addf %dot_general3A_139, %add3A_145 : vector<2048x32xf32>
    %swap3A = arith.constant 0 : index
    %swap3A_147 = arith.constant 0 : index
    %swap3A_148 = arith.constant 0 : index
    %swap3A_149 = vector.load %arg7[%swap3A, %swap3A_147, %swap3A_148] : memref<2x2048x32xf32, #tpu.memory_space<vmem>>, vector<1x2048x32xf32>
    %swap3A_150 = vector.shape_cast %swap3A_149 : vector<1x2048x32xf32> to vector<2048x32xf32>
    %swap3A_151 = vector.shape_cast %add3A_146 : vector<2048x32xf32> to vector<1x2048x32xf32>
    tpu.vector_store %arg7[%swap3A, %swap3A_147, %swap3A_148], %swap3A_151 {strides = array<i32>} : memref<2x2048x32xf32, #tpu.memory_space<vmem>>, vector<1x2048x32xf32>,
    %get3A_152 = arith.constant 0 : index
    %get3A_153 = arith.constant 1 : index
    %get3A_154 = vector.load %arg1[%get3A_152, %get3A_153] : memref<32x2xf32, #tpu.memory_space<vmem>>, vector<32x1xf32>
    %dot_general3A_155 = arith.constant dense<0.000000e+00> : vector<2048x1xf32>
    %dot_general3A_156 = tpu.matmul %get3A_1, %get3A_154, %dot_general3A_155 {dimension_numbers = #tpu.dot_dimension_numbers<[1], [0], [0], [1], [0, 0, 1, 1], [], []>, transpose_lhs_hint = false} : vector<2048x32xf32>, vector<32x1xf32>, vector<2048x1xf32> -> vector<2048x1xf32>
    %dot_general3A_157 = arith.constant dense<0.000000e+00> : vector<832x1xf32>
    %dot_general3A_158 = tpu.matmul %convert_element_type3A_98, %get3A_154, %dot_general3A_157 {dimension_numbers = #tpu.dot_dimension_numbers<[1], [0], [0], [1], [0, 0, 1, 1], [], []>, transpose_lhs_hint = false} : vector<832x32xf32>, vector<32x1xf32>, vector<832x1xf32> -> vector<832x1xf32>
    %mul3A_159 = vector.broadcast %dot_general3A_158 : vector<832x1xf32> to vector<832x26xf32>
    %mul3A_160 = arith.mulf %convert_element_type3A_36, %mul3A_159 : vector<832x26xf32>
    %convert_element_type3A_161 = arith.truncf %mul3A_160 : vector<832x26xf32> to vector<832x26xbf16>
    %dot_general3A_162 = arith.constant dense<0.000000e+00> : vector<2048x26xf32>
    %dot_general3A_163 = tpu.matmul %convert_element_type3A, %convert_element_type3A_161, %dot_general3A_162 {dimension_numbers = #tpu.dot_dimension_numbers<[1], [0], [0], [1], [0, 0, 1, 1], [], []>, transpose_lhs_hint = false} : vector<2048x832xbf16>, vector<832x26xbf16>, vector<2048x26xf32> -> vector<2048x26xf32>
    %jit3A_164 = arith.constant -1.000000e+30 : f32
    %broadcast_in_dim3A_165 = vector.broadcast %jit3A_164 : f32 to vector<2048x26xf32>
    %select_n3A_166 = arith.select %ne3A_9, %dot_general3A_163, %broadcast_in_dim3A_165 : vector<2048x26xi1>, vector<2048x26xf32>
    %reduce_max3A_167 = arith.constant dense<0xFF800000> : vector<2048xf32>
    %reduce_max3A_168 = vector.multi_reduction <maximumf>, %select_n3A_166, %reduce_max3A_167 [1] : vector<2048x26xf32> to vector<2048xf32>
    %broadcast_in_dim3A_169 = vector.shape_cast %reduce_max3A_168 : vector<2048xf32> to vector<2048x1xf32>
    %max3A_170 = arith.maximumf %broadcast_in_dim3A_169, %dot_general3A_156 : vector<2048x1xf32>
    %sub3A_171 = arith.subf %dot_general3A_156, %max3A_170 : vector<2048x1xf32>
    %exp3A_172 = math.exp %sub3A_171 : vector<2048x1xf32>
    %sub3A_173 = vector.broadcast %max3A_170 : vector<2048x1xf32> to vector<2048x26xf32>
    %sub3A_174 = arith.subf %select_n3A_166, %sub3A_173 : vector<2048x26xf32>
    %exp3A_175 = math.exp %sub3A_174 : vector<2048x26xf32>
    %reduce_sum3A_176 = arith.constant dense<0.000000e+00> : vector<2048xf32>
    %reduce_sum3A_177 = vector.multi_reduction <add>, %exp3A_175, %reduce_sum3A_176 [1] : vector<2048x26xf32> to vector<2048xf32>
    %broadcast_in_dim3A_178 = vector.shape_cast %reduce_sum3A_177 : vector<2048xf32> to vector<2048x1xf32>
    %add3A_179 = arith.addf %exp3A_172, %broadcast_in_dim3A_178 : vector<2048x1xf32>
    %convert_element_type3A_180 = arith.truncf %exp3A_175 : vector<2048x26xf32> to vector<2048x26xbf16>
    %dot_general3A_181 = arith.constant dense<0.000000e+00> : vector<2048x832xf32>
    %dot_general3A_182 = tpu.matmul %convert_element_type3A_180, %convert_element_type3A_73, %dot_general3A_181 {dimension_numbers = #tpu.dot_dimension_numbers<[1], [0], [0], [1], [0, 0, 1, 1], [], []>, transpose_lhs_hint = false} : vector<2048x26xbf16>, vector<26x832xbf16>, vector<2048x832xf32> -> vector<2048x832xf32>
    %convert_element_type3A_183 = arith.truncf %dot_general3A_182 : vector<2048x832xf32> to vector<2048x832xbf16>
    %mul3A_184 = vector.broadcast %exp3A_172 : vector<2048x1xf32> to vector<2048x32xf32>
    %mul3A_185 = arith.mulf %get3A_1, %mul3A_184 : vector<2048x32xf32>
    %mul3A_186 = arith.mulf %convert_element_type3A, %convert_element_type3A_183 : vector<2048x832xbf16>
    %dot_general3A_187 = arith.constant dense<0.000000e+00> : vector<2048x32xf32>
    %dot_general3A_188 = tpu.matmul %mul3A_186, %convert_element_type3A_99, %dot_general3A_187 {dimension_numbers = #tpu.dot_dimension_numbers<[1], [0], [0], [1], [0, 0, 1, 1], [], []>, transpose_lhs_hint = false} : vector<2048x832xbf16>, vector<832x32xbf16>, vector<2048x32xf32> -> vector<2048x32xf32>
    %add3A_189 = arith.addf %mul3A_185, %dot_general3A_188 : vector<2048x32xf32>
    %div3A_190 = vector.broadcast %add3A_179 : vector<2048x1xf32> to vector<2048x32xf32>
    %div3A_191 = arith.divf %add3A_189, %div3A_190 : vector<2048x32xf32>
    %get3A_192 = arith.constant 1 : index
    %get3A_193 = arith.constant 0 : index
    %get3A_194 = arith.constant 0 : index
    %get3A_195 = vector.load %arg2[%get3A_192, %get3A_193, %get3A_194] : memref<2x32x32xf32, #tpu.memory_space<vmem>>, vector<1x32x32xf32>
    %get3A_196 = vector.shape_cast %get3A_195 : vector<1x32x32xf32> to vector<32x32xf32>
    %dot_general3A_197 = arith.constant dense<0.000000e+00> : vector<2048x32xf32>
    %dot_general3A_198 = tpu.matmul %div3A_191, %get3A_196, %dot_general3A_197 {dimension_numbers = #tpu.dot_dimension_numbers<[1], [0], [0], [1], [0, 0, 1, 1], [], []>, transpose_lhs_hint = false} : vector<2048x32xf32>, vector<32x32xf32>, vector<2048x32xf32> -> vector<2048x32xf32>
    %get3A_199 = arith.constant 1 : index
    %get3A_200 = arith.constant 0 : index
    %get3A_201 = vector.load %arg3[%get3A_199, %get3A_200] : memref<2x32xf32, #tpu.memory_space<vmem>>, vector<1x32xf32>
    %get3A_202 = vector.shape_cast %get3A_201 : vector<1x32xf32> to vector<32xf32>
    %broadcast_in_dim3A_203 = vector.shape_cast %get3A_202 : vector<32xf32> to vector<1x32xf32>
    %add3A_204 = vector.broadcast %broadcast_in_dim3A_203 : vector<1x32xf32> to vector<2048x32xf32>
    %add3A_205 = arith.addf %dot_general3A_198, %add3A_204 : vector<2048x32xf32>
    %swap3A_206 = arith.constant 1 : index
    %swap3A_207 = arith.constant 0 : index
    %swap3A_208 = arith.constant 0 : index
    %swap3A_209 = vector.load %arg7[%swap3A_206, %swap3A_207, %swap3A_208] : memref<2x2048x32xf32, #tpu.memory_space<vmem>>, vector<1x2048x32xf32>
    %swap3A_210 = vector.shape_cast %swap3A_209 : vector<1x2048x32xf32> to vector<2048x32xf32>
    %swap3A_211 = vector.shape_cast %add3A_205 : vector<2048x32xf32> to vector<1x2048x32xf32>
    tpu.vector_store %arg7[%swap3A_206, %swap3A_207, %swap3A_208], %swap3A_211 {strides = array<i32>} : memref<2x2048x32xf32, #tpu.memory_space<vmem>>, vector<1x2048x32xf32>,
    return
  }
  func.func @transform_0(%arg0: i32) -> (i32, i32) {
    %c0_i32 = arith.constant 0 : i32
    %c0_i32_0 = arith.constant 0 : i32
    %c0_i32_1 = arith.constant 0 : i32
    return %c0_i32, %c0_i32_0 : i32, i32
  }
  func.func @transform_1(%arg0: i32) -> (i32, i32, i32) {
    %c0_i32 = arith.constant 0 : i32
    %c0_i32_0 = arith.constant 0 : i32
    %c0_i32_1 = arith.constant 0 : i32
    %c0_i32_2 = arith.constant 0 : i32
    return %c0_i32, %c0_i32_0, %c0_i32_1 : i32, i32, i32
  }
  func.func @transform_2(%arg0: i32) -> (i32, i32) {
    %c0_i32 = arith.constant 0 : i32
    %c0_i32_0 = arith.constant 0 : i32
    %c0_i32_1 = arith.constant 0 : i32
    return %c0_i32, %c0_i32_0 : i32, i32
  }
  func.func @transform_3(%arg0: i32) -> (i32, i32) {
    %c0_i32 = arith.constant 0 : i32
    %c0_i32_0 = arith.constant 0 : i32
    return %arg0, %c0_i32 : i32, i32
  }
  func.func @transform_4(%arg0: i32) -> (i32, i32) {
    %c0_i32 = arith.constant 0 : i32
    %c0_i32_0 = arith.constant 0 : i32
    return %arg0, %c0_i32 : i32, i32
  }
  func.func @transform_5(%arg0: i32) -> (i32, i32) {
    %c0_i32 = arith.constant 0 : i32
    %c0_i32_0 = arith.constant 0 : i32
    return %arg0, %c0_i32 : i32, i32
  }
  func.func @transform_6(%arg0: i32) -> (i32, i32, i32) {
    %c0_i32 = arith.constant 0 : i32
    %c0_i32_0 = arith.constant 0 : i32
    %c0_i32_1 = arith.constant 0 : i32
    return %c0_i32, %arg0, %c0_i32_0 : i32, i32, i32
  }
}

</mosaic_0001>

<sc_bundles>
// kernel: gather_offload_async_start.1
scs
__scs_entry_jumppad:
0x0: {  	(pc) =	sbr.rel $0x88, $3  }
0x1: {  	(tag) =	ssettag $0x0;
	lr =	simm.s32 $0x1  }
0x2: {  	[smem:$0x3F8F] =	sst lr;
	_ =	strace $0xD0000000  }
0x3: {  	_ = 	snop  }
0x4: {  	_ = 	snop  }
0x5: {  	_ = 	snop  }
0x6: {  	_ = 	snop  }
0x7: {  	_ = 	snop  }
__scs_overlays_trampoline_lowered:
0x8: {  	[smem:$0x3F9E] =	sst s0  }
0x9: {  	[smem:$0x3F9F] =	sst s1  }
0xa: {  	[smem:$0x3FA0] =	sst s2  }
0xb: {  	[smem:$0x3FA1] =	sst s3  }
0xc: {  	[smem:$0x3FA2] =	sst s4  }
0xd: {  	[smem:$0x3FA3] =	sst s5  }
0xe: {  	[smem:$0x3FA4] =	sst s6  }
0xf: {  	[smem:$0x3FA5] =	sst s7  }
0x10: {  	[smem:$0x3FA6] =	sst s8  }
0x11: {  	[smem:$0x3FA7] =	sst s9;
	s0 =	simm.s32 @!p0 $0x0  }
0x12: {  	s1 =	sld [smem:$0x3F8D];
	s0 =	simm.s32 @p0 $0x1  }
0x13: {  	[smem:$0x3FA8] =	sst s0;
	s0 =	simm.s32 @!p1 $0x0  }
0x14: {  	s2 =	sld [smem:$0x3F8C];
	s0 =	simm.s32 @p1 $0x1  }
0x15: {  	[smem:$0x3FA9] =	sst s0;
	s0 =	simm.s32 @!p2 $0x0  }
0x16: {  	s3 =	sld [smem:$0x3FDB];
	s0 =	simm.s32 @p2 $0x1  }
0x17: {  	s4 =	simm.s32 $0x1BF5;
	[smem:$0x3FAB] =	sst s0  }
0x18: {  	s0 =	sld [smem:$0x3F8E];
	_ =	swait.ge [sflag:s4], $0x0  }
0x19: {  	s7 =	sld [smem:$0x3F8F]  }
0x1a: {  	s8 =	sadd.s32 $0xFFFFE003, lr  }
0x1b: {  	s9 =	sadd.s32 $0xFFFFFEF7, lr;
	s5 =	simm.s32 $0xFFFFFFFF;
	p2 =	slt.u32 s8, $0xFFFFF086  }
0x1c: {  	p1 =	slt.u32 s9, $0xF7A;
	s5 =	simm.s32 @!p2 $0x0  }
0x1d: {  	s5 =	simm.s32 @p1 $0x1;
	p0 =	seq.s32 s7, s2  }
0x1e: {  	s7 =	smul.u32 @!p0 $0xF7A, s2;
	p2 =	seq.s32 @!p0 s5, $0x0  }
0x1f: {  	s9 =	smul.u32 $0xF7A, s1;
	s8 =	simm.s32 @!p0 $0x1BF5;
	p2 =	por !p2, p0  }
0x20: {  	[sflag:s8] =	ssyncset.s32 @!p0 $0xFFFFF086;
	s6 =	sadd.s32 @!p0 s3, s7;
	s7 =	simm.s32 @!p0 $0x108  }
0x21: {  	s3 =	sadd.s32 s3, s9;
	s6 =	sadd.s32 @!p0 $0x88, s6;
	s7 =	simm.s32 @p2 $0x1082  }
0x22: {  	[simem:s7], [sflag:s8] =	dma.local @!p0 [hbm:s6], $0xF7A  }
0x23: {  	s9 =	sor.u32 $0xD0000000, s2;
	s6 =	simm.s32 $0x108;
	_ =	swait.ge @!p0 [sflag:s8], $0x0  }
0x24: {  	s3 =	sadd.s32 $0x88, s3;
	s6 =	simm.s32 @!p1 $0x1082;
	[sflag:s4] =	ssyncset.s32 $0xFFFFF086  }
0x25: {  	[simem:s6], [sflag:s4] =	dma.local [hbm:s3], $0xF7A  }
0x26: {  	[smem:$0x3F8F] =	sst s1;
	(tag) =	ssettag s2;
	_ =	strace s9  }
0x27: {  	s1 =	sld [smem:$0x3F9F]  }
0x28: {  	s2 =	sld [smem:$0x3FA0]  }
0x29: {  	s4 =	sld [smem:$0x3FA2]  }
0x2a: {  	p0 =	seq.s32 s5, $0x0;
	s5 =	sld [smem:$0x3FA3]  }
0x2b: {  	s6 =	sld [smem:$0x3FA4]  }
0x2c: {  	s7 =	sld [smem:$0x3FA5]  }
0x2d: {  	s3 =	simm.s32 $0x108;
	s8 =	sld [smem:$0x3FA6]  }
0x2e: {  	s3 =	simm.s32 @!p0 $0x1082;
	s9 =	sld [smem:$0x3FA7]  }
0x2f: {  	lr =	sadd.s32 s0, s3;
	s0 =	sld [smem:$0x3F9E]  }
0x30: {  	s3 =	sld [smem:$0x3FA1]  }
0x31: {  	[smem:$0x3FAA] =	sst s10  }
0x32: {  	s10 =	sld [smem:$0x3FA8];
	_ =	sdelay $0x3  }
0x33: {  	p0 =	seq.s32 s10, $0x1;
	s10 =	sld [smem:$0x3FAA];
	_ =	sdelay $0x3  }
0x34: {  	[smem:$0x3FAA] =	sst s10  }
0x35: {  	s10 =	sld [smem:$0x3FA9];
	_ =	sdelay $0x3  }
0x36: {  	p1 =	seq.s32 s10, $0x1;
	s10 =	sld [smem:$0x3FAA];
	_ =	sdelay $0x3  }
0x37: {  	[smem:$0x3FAA] =	sst s10  }
0x38: {  	s10 =	sld [smem:$0x3FAB]  }
0x39: {  	_ = 	snop;
	(pc) =	sbr.ind lr, $3  }
0x3a: {  	_ = 	snop  }
0x3b: {  	_ = 	snop  }
0x3c: {  	p2 =	seq.s32 s10, $0x1;
	s10 =	sld [smem:$0x3FAA]  }
0x3d: {  	_ =	shalt  }
0x3e: {  	_ =	shalt  }
0x3f: {  	_ =	shalt  }
0x40: {  	_ =	shalt  }
0x41: {  	_ =	shalt  }
0x42: {  	_ =	shalt  }
0x43: {  	_ =	shalt  }
0x44: {  	_ =	shalt  }
0x45: {  	_ =	shalt  }
0x46: {  	_ =	shalt  }
0x47: {  	_ =	shalt  }
0x48: {  	_ =	shalt  }
0x49: {  	_ =	shalt  }
0x4a: {  	_ =	shalt  }
0x4b: {  	_ =	shalt  }
0x4c: {  	_ =	shalt  }
0x4d: {  	_ =	shalt  }
0x4e: {  	_ =	shalt  }
0x4f: {  	_ =	shalt  }
0x50: {  	_ =	shalt  }
0x51: {  	_ =	shalt  }
0x52: {  	_ =	shalt  }
0x53: {  	_ =	shalt  }
0x54: {  	_ =	shalt  }
0x55: {  	_ =	shalt  }
0x56: {  	_ =	shalt  }
0x57: {  	_ =	shalt  }
0x58: {  	_ =	shalt  }
0x59: {  	_ =	shalt  }
0x5a: {  	_ =	shalt  }
0x5b: {  	_ =	shalt  }
0x5c: {  	_ =	shalt  }
0x5d: {  	_ =	shalt  }
0x5e: {  	_ =	shalt  }
0x5f: {  	_ =	shalt  }
0x60: {  	_ =	shalt  }
0x61: {  	_ =	shalt  }
0x62: {  	_ =	shalt  }
0x63: {  	_ =	shalt  }
0x64: {  	_ =	shalt  }
0x65: {  	_ =	shalt  }
0x66: {  	_ =	shalt  }
0x67: {  	_ =	shalt  }
0x68: {  	_ =	shalt  }
0x69: {  	_ =	shalt  }
0x6a: {  	_ =	shalt  }
0x6b: {  	_ =	shalt  }
0x6c: {  	_ =	shalt  }
0x6d: {  	_ =	shalt  }
0x6e: {  	_ =	shalt  }
0x6f: {  	_ =	shalt  }
0x70: {  	_ =	shalt  }
0x71: {  	_ =	shalt  }
0x72: {  	_ =	shalt  }
0x73: {  	_ =	shalt  }
0x74: {  	_ =	shalt  }
0x75: {  	_ =	shalt  }
0x76: {  	_ =	shalt  }
0x77: {  	_ =	shalt  }
0x78: {  	_ =	shalt  }
0x79: {  	_ =	shalt  }
0x7a: {  	_ =	shalt  }
0x7b: {  	_ =	shalt  }
0x7c: {  	_ =	shalt  }
0x7d: {  	_ =	shalt  }
0x7e: {  	_ =	shalt  }
0x7f: {  	_ =	shalt  }
0x80: {  	_ =	shalt  }
0x81: {  	_ =	shalt  }
0x82: {  	_ =	shalt  }
0x83: {  	_ =	shalt  }
0x84: {  	_ =	shalt  }
0x85: {  	_ =	shalt  }
0x86: {  	_ =	shalt  }
0x87: {  	_ =	shalt  }
.Lfunc_end0:
.L_simem_size_0:
called_computation.1_lowered:
.L_overlay_start_0:
0x88: {  	s2 =	sld [smem:$0x3FD9]  }
0x89: {  	s3 =	sld [smem:$0x3FFE];
	_ =	sdelay $0x1  }
0x8a: {  	s1 =	srdreg.scid  }
0x8b: {  	s0 =	sand.u32 $0x1, s1  }
0x8c: {  	s17 =	sshll.u32 s0, $0xA;
	s2 =	sadd.s32 s3, s2  }
0x8d: {  	s2 =	sadd.s32 s2, s17  }
0x8e: {  	[smem:$0x3FB6] =	sst s2  }
0x8f: {  	_ = 	snop  }
0x90: {  	s18 =	sld [smem:$0x3FC2];
	(tm) =	ssettm $0x1  }
0x91: {  	s19 =	sld [smem:$0x3FFB];
	_ =	sdelay $0x3  }
0x92: {  	_ =	strace s19  }
0x93: {  	s2 =	sld [smem:$0x3FFC];
	_ =	sdelay $0x3  }
0x94: {  	_ =	strace s2  }
0x95: {  	s2 =	sld [smem:$0x3FFD];
	_ =	sdelay $0x3  }
0x96: {  	_ =	strace s2  }
0x97: {  	_ =	strace $0x8FFFFFFF  }
0x98: {  	s20 =	sld [smem:$0x3FDB];
	_ =	sdelay $0x1  }
0x99: {  	s4 =	simm.s32 $_scs_section_size  }
0x9a: {  	s5 =	simm.s32 $_size__tile_overlayer_lowered;
	s6 =	simm.s32 $_tile_overlayer_lowered  }
0x9b: {  	s7 =	simm.s32 $0x1BFF;
	s21 =	sshll.u32 s6, $0x1;
	s4 =	sadd.s32 s4, s20  }
0x9c: {  	s22 =	simm.s32 $0x0;
	s5 =	sshll.u32 s5, $0x1;
	s6 =	sadd.s32 s21, s4  }
0x9d: {  	[timem:s22], [sflag:s7] =	dma.local [hbm:s6], s5  }
0x9e: {  	_ =	swait.ge [sflag:s7], s5  }
0x9f: {  	s5 =	ssub.s32 $0x0, s5;
	[sflag:s7] =	ssyncset.done $0x0  }
0xa0: {  	[sflag:s7] =	ssyncadd.s32 s5;
	_ =	sdelay $0x1  }
0xa1: {  	s23 =	simm.s32 $0x1B8B  }
0xa2: {  	_ =	swait.ge [sflag:s23], $0x1  }
0xa3: {  	[sflag:s23] =	ssyncset.done $0x0  }
0xa4: {  	[sflag:s23] =	ssyncadd.s32 $0xFFFFFFFF  }
0xa5: {  	s5 =	sld [smem:$0x0]  }
0xa6: {  	s6 =	sand.u32 $0xFFFFFFFE, s1  }
0xa7: {  	p0 =	sne.s32 s1, s6  }
0xa8: {  	s6 =	sshll.u32 @p0 s6, $0xE  }
0xa9: {  	s6 =	sadd.s32 @p0 $0x11B8D, s6;
	s7 =	sshll.u32 @p0 s5, $0x11  }
0xaa: {  	s6 =	sor.u32 @p0 s7, s6  }
0xab: {  	[sflag:s6] =	ssyncadd.remote.s32 @p0 $0x1;
	_ =	sdelay $0x1  }
0xac: {  	s6 =	simm.s32 @p0 $0x1B8D  }
0xad: {  	_ =	swait.eq @p0 [sflag:s6], $0x1  }
0xae: {  	[sflag:s6] =	ssyncadd.s32 @p0 $0xFFFFFFFF  }
0xaf: {  	s7 =	sshll.u32 @!p0 s1, $0xE  }
0xb0: {  	s7 =	sor.u32 @!p0 $0x4000, s7;
	s6 =	simm.s32 @!p0 $0x1B8D  }
0xb1: {  	s5 =	sshll.u32 @!p0 s5, $0x11;
	s7 =	sadd.s32 @!p0 $0x11B8D, s7;
	_ =	swait.eq @!p0 [sflag:s6], $0x1  }
0xb2: {  	s5 =	sor.u32 @!p0 s5, s7;
	[sflag:s6] =	ssyncadd.s32 @!p0 $0xFFFFFFFF  }
0xb3: {  	s25 =	simm.s32 $0x1B8E;
	s24 =	sld [smem:$0x3FFE];
	[sflag:s5] =	ssyncadd.remote.s32 @!p0 $0x1  }
0xb4: {  	s26 =	simm.s32 $execute0_lowered;
	[smem:$0x3FD2] =	sst s25  }
0xb5: {  	s6 =	sshll.u32 s26, $0x1;
	_ =	strace $0x80000049;
	[dreg:$0x1] =	wrdreg $0xFFFFFFFF  }
0xb6: {  	s28 =	simm.s32 $_size_execute0_lowered;
	s4 =	sadd.s32 s4, s6;
	[dreg:$0x0] =	wrdreg $0x0  }
0xb7: {  	s6 =	sshll.u32 s28, $0x1;
	[dreg:$0x2] =	wrdreg s4  }
0xb8: {  	[dreg:$0x3] =	wrdreg s6  }
0xb9: {  	[dreg:$0x4] =	wrdreg $0xC0  }
0xba: {  	_ =	task [dreg:s22], $0x5FFFF  }
0xbb: {  	[dreg:$0x1] =	wrdreg $0xFFFFFFFF  }
0xbc: {  	[dreg:$0x0] =	wrdreg $0x60  }
0xbd: {  	[dreg:$0x2] =	wrdreg s18  }
0xbe: {  	[dreg:$0x3] =	wrdreg s24  }
0xbf: {  	[dreg:$0x4] =	wrdreg $0xA  }
0xc0: {  	_ =	task.clear_ibuf [dreg:s22], $0x5FFFF;
	_ =	strace $0x90000049  }
0xc1: {  	s29 =	simm.s32 $0xA;
	_ =	strace $0x8000004B  }
0xc2: {  	_ =	swait.ge [sflag:s29], $0x1  }
0xc3: {  	[sflag:s29] =	ssyncadd.s32 $0xFFFFFFFF  }
0xc4: {  	_ =	strace $0x9000004B  }
0xc5: {  	_ =	sfence  }
0xc6: {  	s30 =	sld [smem:$0x0];
	_ =	sdelay $0x2  }
0xc7: {  	s31 =	sshll.u32 s1, $0xD;
	s1 =	sshrl.u32 s1, $0x2  }
0xc8: {  	s4 =	sand.u32 $0x4000, s31;
	s1 =	sadd.s32 s1, s30  }
0xc9: {  	s0 =	sor.u32 s4, s0;
	s1 =	sshll.u32 s1, $0x11  }
0xca: {  	s0 =	sor.u32 s1, s0  }
0xcb: {  	s0 =	sadd.s32 $0x8F2B, s0  }
0xcc: {  	[sflag:s0] =	ssyncadd.remote.s32 $0x1  }
0xcd: {  	_ =	sfence.sel $0xFFFF  }
0xce: {  	[dreg:$0x0] =	wrdreg $0xFFFFFFFF;
	(pc) =	sbr.abs _section_cstart, $3  }
0xcf: {  	[dreg:$0x1] =	wrdreg $0xFFFFFFFF  }
0xd0: {  	_ =	task.clear_ibuf [dreg:s22], $0x2FFFF;
	_ =	strace $0x9FFFFFFF  }
0xd1: {  	(tm) =	ssettm $0x7FFFFFFF  }
tec
execute0_lowered:
.L_overlay_start_1:
0x0: {  	(tag) =	ssettag $0x1  }
0x1: {  	s1 =	srdreg.scid  }
0x2: {  	s2 =	rddreg [dreg:$0x0];
	s0 =	stileid.u32  }
0x3: {  	s11 =	rddreg [dreg:$0x1];
	s5 =	simm.s32 $0x2;
	s1 =	sshll.u32 s1, $0x9  }
0x4: {  	s9 =	simm.s32 $0x3;
	s3 =	sshll.u32 s0, $0xA;
	s4 =	sand.u32 $0x200, s1  }
0x5: {  	s13 =	simm.s32 $0x0;
	s15 =	simm.s32 $0x0;
	s3 =	sor.u32 s3, s4  }
0x6: {  	s14 =	simm.s32 $0x0;
	s1 =	rddreg [dreg:$0x2];
	s4 =	sshrl.u32 s3, $0x3  }
0x7: {  	_ =	strace $0x8000004A;
	s6 =	ssub.s32 $0x4000, s3;
	s8 =	sadd.s32 s4, s11  }
0x8: {  	s4 =	simm.s32 $0x1;
	s7 =	sand.u32 $0x3E00, s6;
	s10 =	sshrl.u32 s6, $0xE  }
.Ltmp0:
0x9: {  	s6 =	sadd.s32 $0x18800, s11;
	[sflag:s4] =	ssyncpa.u1 $0x0;
	(pc) =	sbr.rel .LBB2_1-.Ltmp0, $4  }
0xa: {  	p0 =	sne.s32 s7, $0x0;
	s7 =	simm.s32 $0x1;
	s8 =	sadd.s32 $0x18000, s8  }
0xb: {  	[sflag:s5] =	ssyncpa.u1 $0x0;
	s7 =	simm.s32 @!p0 $0x0;
	p0 =	por $0x0, $0x0  }
0xc: {  	[sflag:s9] =	ssyncpa.u1 $0x0;
	s7 =	sadd.s32 s7, s10;
	s9 =	sadd.s32 $0x1C800, s11  }
0xd: {  	vm0 =	vmmov $0xffff;
	s10 =	sadd.s32 $0x20800, s11;
	s11 =	sadd.s32 $0x24800, s11;
	s12 =	sadd.s32 $0x1, s7  }
.LBB2_4:
0xe: {  	_ =	sdelay $0x3  }
0xf: {  	[tilespmem:s21], [sflag:$0x1] =	stream.indirect_vreg.gather [hbm4b:s2+s13], $0x1, v0, vm0, $0x4038;
	[tilespmem:$0x8400] =	vst v63  }
0x10: {  	s18 =	sshll.u32 s15, $0x3  }
0x11: {  	s24 =	sand.u32 $0x78, s15;
	s18 =	sand.u32 $0x7FFFFC00, s18  }
0x12: {  	_ =	swait.ge [sflag:s4], $0x4000;
	s15 =	sor.u32 s24, s18  }
0x13: {  	[sflag:s4] =	ssyncset.done $0x0;
	s15 =	sshrl.u32 s15, $0x3  }
0x14: {  	[sflag:s4] =	ssyncadd.s32 $0xFFFFC000;
	s25 =	sadd.s32 s6, s15  }
0x15: {  	[hbm:s25] =	stream.linear.scatter [tilespmem:s17], [sflag:$0x3], $0x1000, $0x38;
	[tilespmem:$0x8400] =	vst v63  }
0x16: {  	s26 =	sadd.s32 $0x1400, s16;
	s28 =	sadd.s32 s15, s9  }
0x17: {  	[hbm:s28] =	stream.linear.scatter [tilespmem:s26], [sflag:$0x3], $0x1000, $0x38;
	[tilespmem:$0x8400] =	vst v63  }
0x18: {  	s29 =	sadd.s32 $0x2400, s16;
	s30 =	sadd.s32 s15, s10  }
0x19: {  	[hbm:s30] =	stream.linear.scatter [tilespmem:s29], [sflag:$0x3], $0x1000, $0x38;
	[tilespmem:$0x8400] =	vst v63  }
0x1a: {  	s31 =	sadd.s32 $0x3400, s16;
	s15 =	sadd.s32 s15, s11  }
0x1b: {  	[hbm:s15] =	stream.linear.scatter [tilespmem:s31], [sflag:$0x3], $0x1000, $0x38;
	[tilespmem:$0x8400] =	vst v63  }
.LBB2_5:
0x1c: {  	p2 =	sne.s32 s14, s12  }
.Ltmp1:
0x1d: {  	p1 =	slt.u32 s14, $0x2;
	(pc) =	sbr.rel @!p2 .LBB2_6-.Ltmp1, $4  }
0x1e: {  	s15 =	simm.s32 @!p1 $0x3  }
0x1f: {  	_ =	swait.ge @!p1 [sflag:s15], $0x4000  }
0x20: {  	s16 =	sadd.s32 $0x1, s14;
	p0 =	por !p0, !p0;
	[sflag:s15] =	ssyncset.done @!p1 $0x0  }
0x21: {  	s14 =	smov.u32 s16;
	[sflag:s15] =	ssyncadd.s32 @!p1 $0xFFFFC000;
	s15 =	smov.u32 s3  }
.LBB2_1:
0x22: {  	p1 =	sge.u32 s14, s7  }
0x23: {  	s16 =	sxor.u32 @!p1 $0xFFFFFFFF, s14  }
0x24: {  	s16 =	sshll.u32 @!p1 s16, $0x9  }
0x25: {  	s31 =	sadd.s32 $0xFFFFFFFF, s14;
	s17 =	simm.s32 @!p1 $0x0;
	s16 =	sand.u32 @!p1 $0x200, s16  }
0x26: {  	[tilespmem:s16], [sflag:$0x2] =	stream.linear.gather @!p1 [hbm4b:s8+s17], $0x200, $0x38;
	[tilespmem:$0x8400] =	vst v63  }
0x27: {  	p1 =	sge.u32 s31, s7  }
.Ltmp2:
0x28: {  	_ = 	snop;
	(pc) =	sbr.rel @p1 .LBB2_5-.Ltmp2, $1  }
0x29: {  	_ =	sdelay $0x3  }
0x2a: {  	s16 =	simm.s32 $0x1;
	_ =	swait.ge [sflag:s5], $0x200  }
0x2b: {  	s16 =	simm.s32 @!p0 $0x0;
	[sflag:s5] =	ssyncset.done $0x0  }
0x2c: {  	s19 =	sshll.u32 s16, $0x9;
	[sflag:s5] =	ssyncadd.s32 $0xFFFFFE00  }
0x2d: {  	v0 =	vld.msk [tilespmem:s19+$0x0 ss:$0x1], $0xffff;
	_ =	sdelay $0x4  }
0x2e: {  	vm1 =	vgt.s32 v0, $0x0  }
0x2f: {  	v0 =	vnsel vm1, $0x0, v0  }
0x30: {  	v0 =	vmin.u32 v0, $0xF423F  }
0x31: {  	v1 =	vshll.u32 v0, $0x3  }
0x32: {  	v0 =	vand.u32 $0x7F, v0;
	v1 =	vand.u32 $0x7FFC00, v1  }
0x33: {  	s22 =	sshll.u32 s14, $0xE;
	v0 =	vor.u32 v0, v1  }
0x34: {  	s18 =	simm.s32 $0x0;
	s16 =	sand.u32 $0x4000, s22  }
0x35: {  	s20 =	sand.u32 $0xC00, s18;
	s17 =	sor.u32 $0x400, s16  }
0x36: {  	s21 =	sand.u32 $0x70, s18;
	(ifvalue) =	ssetifvalue $0x7FFFFFFF;
	s20 =	sadd.s32 s20, s17;
	v1 =	vor.u32 $0x80, v0  }
0x37: {  	(ifvalue) =	ssetifvalue $0x7FFFFFFF;
	s20 =	sadd.s32 s21, s20  }
0x38: {  	[tilespmem:s20], [sflag:$0x1] =	stream.indirect_vreg.gather [hbm4b:s2+s13], $0x1, v0, vm0, $0x4038;
	[tilespmem:$0x8400] =	vst v63  }
0x39: {  	v2 =	vor.u32 $0x100, v0;
	(ifvalue) =	ssetifvalue $0x7FFFFFFF  }
0x3a: {  	s21 =	sadd.s32 $0x80, s20;
	(ifvalue) =	ssetifvalue $0x7FFFFFFF  }
0x3b: {  	[tilespmem:s21], [sflag:$0x1] =	stream.indirect_vreg.gather [hbm4b:s2+s13], $0x1, v1, vm0, $0x4038;
	[tilespmem:$0x8400] =	vst v63  }
0x3c: {  	v1 =	vor.u32 $0x180, v0;
	(ifvalue) =	ssetifvalue $0x7FFFFFFF  }
0x3d: {  	s23 =	sadd.s32 $0x100, s20;
	(ifvalue) =	ssetifvalue $0x7FFFFFFF  }
0x3e: {  	[tilespmem:s23], [sflag:$0x1] =	stream.indirect_vreg.gather [hbm4b:s2+s13], $0x1, v2, vm0, $0x4038;
	[tilespmem:$0x8400] =	vst v63  }
0x3f: {  	v2 =	vor.u32 $0x200, v0;
	(ifvalue) =	ssetifvalue $0x7FFFFFFF  }
0x40: {  	s24 =	sadd.s32 $0x180, s20;
	(ifvalue) =	ssetifvalue $0x7FFFFFFF  }
0x41: {  	[tilespmem:s24], [sflag:$0x1] =	stream.indirect_vreg.gather [hbm4b:s2+s13], $0x1, v1, vm0, $0x4038;
	[tilespmem:$0x8400] =	vst v63  }
0x42: {  	(ifvalue) =	ssetifvalue $0x7FFFFFFF;
	v1 =	vor.u32 $0x280, v0  }
0x43: {  	s25 =	sadd.s32 $0x200, s20;
	(ifvalue) =	ssetifvalue $0x7FFFFFFF  }
0x44: {  	[tilespmem:s25], [sflag:$0x1] =	stream.indirect_vreg.gather [hbm4b:s2+s13], $0x1, v2, vm0, $0x4038;
	[tilespmem:$0x8400] =	vst v63  }
0x45: {  	(ifvalue) =	ssetifvalue $0x7FFFFFFF;
	v2 =	vor.u32 $0x300, v0  }
0x46: {  	s26 =	sadd.s32 $0x280, s20;
	(ifvalue) =	ssetifvalue $0x7FFFFFFF  }
0x47: {  	[tilespmem:s26], [sflag:$0x1] =	stream.indirect_vreg.gather [hbm4b:s2+s13], $0x1, v1, vm0, $0x4038;
	[tilespmem:$0x8400] =	vst v63  }
0x48: {  	(ifvalue) =	ssetifvalue $0x7FFFFFFF;
	v1 =	vor.u32 $0x380, v0  }
0x49: {  	s18 =	sor.u32 s18, s18;
	s28 =	sadd.s32 $0x300, s20;
	(ifvalue) =	ssetifvalue $0x7FFFFFFF  }
0x4a: {  	[tilespmem:s28], [sflag:$0x1] =	stream.indirect_vreg.gather [hbm4b:s2+s13], $0x1, v2, vm0, $0x4038;
	[tilespmem:$0x8400] =	vst v63  }
0x4b: {  	s18 =	sor.u32 $0x380, s18;
	(ifvalue) =	ssetifvalue $0x7FFFFFFF;
	v2 =	vadd.s32 $0x7A1400, v0  }
0x4c: {  	s18 =	sadd.s32 s18, s17;
	(ifvalue) =	ssetifvalue $0x7FFFFFFF  }
0x4d: {  	[tilespmem:s18], [sflag:$0x1] =	stream.indirect_vreg.gather [hbm4b:s2+s13], $0x1, v1, vm0, $0x4038;
	[tilespmem:$0x8400] =	vst v63  }
0x4e: {  	(ifvalue) =	ssetifvalue $0x7FFFFFFF;
	v1 =	vadd.s32 $0x7A1480, v0  }
0x4f: {  	s29 =	sadd.s32 $0x1000, s20;
	(ifvalue) =	ssetifvalue $0x7FFFFFFF  }
0x50: {  	[tilespmem:s29], [sflag:$0x1] =	stream.indirect_vreg.gather [hbm4b:s2+s13], $0x1, v2, vm0, $0x4038;
	[tilespmem:$0x8400] =	vst v63  }
0x51: {  	(ifvalue) =	ssetifvalue $0x7FFFFFFF;
	v2 =	vadd.s32 $0x7A1500, v0  }
0x52: {  	s30 =	sadd.s32 $0x1080, s20;
	(ifvalue) =	ssetifvalue $0x7FFFFFFF  }
0x53: {  	[tilespmem:s30], [sflag:$0x1] =	stream.indirect_vreg.gather [hbm4b:s2+s13], $0x1, v1, vm0, $0x4038;
	[tilespmem:$0x8400] =	vst v63  }
0x54: {  	(ifvalue) =	ssetifvalue $0x7FFFFFFF;
	v1 =	vadd.s32 $0x7A1580, v0  }
0x55: {  	s31 =	sadd.s32 $0x1100, s20;
	(ifvalue) =	ssetifvalue $0x7FFFFFFF  }
0x56: {  	[tilespmem:s31], [sflag:$0x1] =	stream.indirect_vreg.gather [hbm4b:s2+s13], $0x1, v2, vm0, $0x4038;
	[tilespmem:$0x8400] =	vst v63  }
0x57: {  	(ifvalue) =	ssetifvalue $0x7FFFFFFF;
	v2 =	vadd.s32 $0x7A1600, v0  }
0x58: {  	s21 =	sadd.s32 $0x1180, s20;
	(ifvalue) =	ssetifvalue $0x7FFFFFFF  }
0x59: {  	[tilespmem:s21], [sflag:$0x1] =	stream.indirect_vreg.gather [hbm4b:s2+s13], $0x1, v1, vm0, $0x4038;
	[tilespmem:$0x8400] =	vst v63  }
0x5a: {  	(ifvalue) =	ssetifvalue $0x7FFFFFFF;
	v1 =	vadd.s32 $0x7A1680, v0  }
0x5b: {  	s22 =	sadd.s32 $0x1200, s20;
	(ifvalue) =	ssetifvalue $0x7FFFFFFF  }
0x5c: {  	[tilespmem:s22], [sflag:$0x1] =	stream.indirect_vreg.gather [hbm4b:s2+s13], $0x1, v2, vm0, $0x4038;
	[tilespmem:$0x8400] =	vst v63  }
0x5d: {  	(ifvalue) =	ssetifvalue $0x7FFFFFFF;
	v2 =	vadd.s32 $0x7A1700, v0  }
0x5e: {  	s23 =	sadd.s32 $0x1280, s20;
	(ifvalue) =	ssetifvalue $0x7FFFFFFF  }
0x5f: {  	[tilespmem:s23], [sflag:$0x1] =	stream.indirect_vreg.gather [hbm4b:s2+s13], $0x1, v1, vm0, $0x4038;
	[tilespmem:$0x8400] =	vst v63  }
0x60: {  	(ifvalue) =	ssetifvalue $0x7FFFFFFF;
	v1 =	vadd.s32 $0x7A1780, v0  }
0x61: {  	s24 =	sadd.s32 $0x1300, s20;
	(ifvalue) =	ssetifvalue $0x7FFFFFFF  }
0x62: {  	[tilespmem:s24], [sflag:$0x1] =	stream.indirect_vreg.gather [hbm4b:s2+s13], $0x1, v2, vm0, $0x4038;
	[tilespmem:$0x8400] =	vst v63  }
0x63: {  	(ifvalue) =	ssetifvalue $0x7FFFFFFF;
	v2 =	vadd.s32 $0xF42800, v0  }
0x64: {  	s25 =	sadd.s32 $0x1380, s20;
	(ifvalue) =	ssetifvalue $0x7FFFFFFF  }
0x65: {  	[tilespmem:s25], [sflag:$0x1] =	stream.indirect_vreg.gather [hbm4b:s2+s13], $0x1, v1, vm0, $0x4038;
	[tilespmem:$0x8400] =	vst v63  }
0x66: {  	(ifvalue) =	ssetifvalue $0x7FFFFFFF;
	v1 =	vadd.s32 $0xF42880, v0  }
0x67: {  	s26 =	sadd.s32 $0x2000, s20;
	(ifvalue) =	ssetifvalue $0x7FFFFFFF  }
0x68: {  	[tilespmem:s26], [sflag:$0x1] =	stream.indirect_vreg.gather [hbm4b:s2+s13], $0x1, v2, vm0, $0x4038;
	[tilespmem:$0x8400] =	vst v63  }
0x69: {  	(ifvalue) =	ssetifvalue $0x7FFFFFFF;
	v2 =	vadd.s32 $0xF42900, v0  }
0x6a: {  	s28 =	sadd.s32 $0x2080, s20;
	(ifvalue) =	ssetifvalue $0x7FFFFFFF  }
0x6b: {  	[tilespmem:s28], [sflag:$0x1] =	stream.indirect_vreg.gather [hbm4b:s2+s13], $0x1, v1, vm0, $0x4038;
	[tilespmem:$0x8400] =	vst v63  }
0x6c: {  	(ifvalue) =	ssetifvalue $0x7FFFFFFF;
	v1 =	vadd.s32 $0xF42980, v0  }
0x6d: {  	s29 =	sadd.s32 $0x2100, s20;
	(ifvalue) =	ssetifvalue $0x7FFFFFFF  }
0x6e: {  	[tilespmem:s29], [sflag:$0x1] =	stream.indirect_vreg.gather [hbm4b:s2+s13], $0x1, v2, vm0, $0x4038;
	[tilespmem:$0x8400] =	vst v63  }
0x6f: {  	(ifvalue) =	ssetifvalue $0x7FFFFFFF;
	v2 =	vadd.s32 $0xF42A00, v0  }
0x70: {  	s30 =	sadd.s32 $0x2180, s20;
	(ifvalue) =	ssetifvalue $0x7FFFFFFF  }
0x71: {  	[tilespmem:s30], [sflag:$0x1] =	stream.indirect_vreg.gather [hbm4b:s2+s13], $0x1, v1, vm0, $0x4038;
	[tilespmem:$0x8400] =	vst v63  }
0x72: {  	(ifvalue) =	ssetifvalue $0x7FFFFFFF;
	v1 =	vadd.s32 $0xF42A80, v0  }
0x73: {  	s31 =	sadd.s32 $0x2200, s20;
	(ifvalue) =	ssetifvalue $0x7FFFFFFF  }
0x74: {  	[tilespmem:s31], [sflag:$0x1] =	stream.indirect_vreg.gather [hbm4b:s2+s13], $0x1, v2, vm0, $0x4038;
	[tilespmem:$0x8400] =	vst v63  }
0x75: {  	(ifvalue) =	ssetifvalue $0x7FFFFFFF;
	v2 =	vadd.s32 $0xF42B00, v0  }
0x76: {  	s21 =	sadd.s32 $0x2280, s20;
	(ifvalue) =	ssetifvalue $0x7FFFFFFF  }
0x77: {  	[tilespmem:s21], [sflag:$0x1] =	stream.indirect_vreg.gather [hbm4b:s2+s13], $0x1, v1, vm0, $0x4038;
	[tilespmem:$0x8400] =	vst v63  }
0x78: {  	(ifvalue) =	ssetifvalue $0x7FFFFFFF;
	v1 =	vadd.s32 $0xF42B80, v0  }
0x79: {  	s22 =	sadd.s32 $0x2300, s20;
	(ifvalue) =	ssetifvalue $0x7FFFFFFF  }
0x7a: {  	[tilespmem:s22], [sflag:$0x1] =	stream.indirect_vreg.gather [hbm4b:s2+s13], $0x1, v2, vm0, $0x4038;
	[tilespmem:$0x8400] =	vst v63  }
0x7b: {  	(ifvalue) =	ssetifvalue $0x7FFFFFFF;
	v2 =	vadd.s32 $0x16E3C00, v0  }
0x7c: {  	s23 =	sadd.s32 $0x2380, s20;
	(ifvalue) =	ssetifvalue $0x7FFFFFFF  }
0x7d: {  	[tilespmem:s23], [sflag:$0x1] =	stream.indirect_vreg.gather [hbm4b:s2+s13], $0x1, v1, vm0, $0x4038;
	[tilespmem:$0x8400] =	vst v63  }
0x7e: {  	(ifvalue) =	ssetifvalue $0x7FFFFFFF;
	v1 =	vadd.s32 $0x16E3C80, v0  }
0x7f: {  	s24 =	sadd.s32 $0x3000, s20;
	(ifvalue) =	ssetifvalue $0x7FFFFFFF  }
0x80: {  	[tilespmem:s24], [sflag:$0x1] =	stream.indirect_vreg.gather [hbm4b:s2+s13], $0x1, v2, vm0, $0x4038;
	[tilespmem:$0x8400] =	vst v63  }
0x81: {  	(ifvalue) =	ssetifvalue $0x7FFFFFFF;
	v2 =	vadd.s32 $0x16E3D00, v0  }
0x82: {  	s25 =	sadd.s32 $0x3080, s20;
	(ifvalue) =	ssetifvalue $0x7FFFFFFF  }
0x83: {  	[tilespmem:s25], [sflag:$0x1] =	stream.indirect_vreg.gather [hbm4b:s2+s13], $0x1, v1, vm0, $0x4038;
	[tilespmem:$0x8400] =	vst v63  }
0x84: {  	(ifvalue) =	ssetifvalue $0x7FFFFFFF;
	v1 =	vadd.s32 $0x16E3D80, v0  }
0x85: {  	s26 =	sadd.s32 $0x3100, s20;
	(ifvalue) =	ssetifvalue $0x7FFFFFFF  }
0x86: {  	[tilespmem:s26], [sflag:$0x1] =	stream.indirect_vreg.gather [hbm4b:s2+s13], $0x1, v2, vm0, $0x4038;
	[tilespmem:$0x8400] =	vst v63  }
0x87: {  	(ifvalue) =	ssetifvalue $0x7FFFFFFF;
	v2 =	vadd.s32 $0x16E3E00, v0  }
0x88: {  	s28 =	sadd.s32 $0x3180, s20;
	(ifvalue) =	ssetifvalue $0x7FFFFFFF  }
0x89: {  	[tilespmem:s28], [sflag:$0x1] =	stream.indirect_vreg.gather [hbm4b:s2+s13], $0x1, v1, vm0, $0x4038;
	[tilespmem:$0x8400] =	vst v63  }
0x8a: {  	(ifvalue) =	ssetifvalue $0x7FFFFFFF;
	v1 =	vadd.s32 $0x16E3E80, v0  }
0x8b: {  	s29 =	sadd.s32 $0x3200, s20;
	(ifvalue) =	ssetifvalue $0x7FFFFFFF  }
0x8c: {  	[tilespmem:s29], [sflag:$0x1] =	stream.indirect_vreg.gather [hbm4b:s2+s13], $0x1, v2, vm0, $0x4038;
	[tilespmem:$0x8400] =	vst v63  }
0x8d: {  	(ifvalue) =	ssetifvalue $0x7FFFFFFF;
	v2 =	vadd.s32 $0x16E3F00, v0  }
0x8e: {  	s30 =	sadd.s32 $0x3280, s20;
	(ifvalue) =	ssetifvalue $0x7FFFFFFF  }
0x8f: {  	[tilespmem:s30], [sflag:$0x1] =	stream.indirect_vreg.gather [hbm4b:s2+s13], $0x1, v1, vm0, $0x4038;
	[tilespmem:$0x8400] =	vst v63  }
0x90: {  	v0 =	vadd.s32 $0x16E3F80, v0;
	(ifvalue) =	ssetifvalue $0x7FFFFFFF  }
0x91: {  	s31 =	sadd.s32 $0x3300, s20;
	(ifvalue) =	ssetifvalue $0x7FFFFFFF  }
0x92: {  	[tilespmem:s31], [sflag:$0x1] =	stream.indirect_vreg.gather [hbm4b:s2+s13], $0x1, v2, vm0, $0x4038;
	[tilespmem:$0x8400] =	vst v63  }
0x93: {  	s19 =	sadd.s32 $0x10, s19;
	s18 =	simm.s32 $0x10;
	(ifvalue) =	ssetifvalue $0x7FFFFFFF  }
0x94: {  	s21 =	sadd.s32 $0x3380, s20;
	s20 =	simm.s32 $0x80;
	(ifvalue) =	ssetifvalue $0x7FFFFFFF  }
.LBB2_3:
0x95: {  	[tilespmem:s21], [sflag:$0x1] =	stream.indirect_vreg.gather [hbm4b:s2+s13], $0x1, v0, vm0, $0x4038;
	[tilespmem:$0x8400] =	vst v63  }
0x96: {  	p1 =	sne.s32 s18, $0x1F0;
	s22 =	smov.u32 s18;
	s18 =	sadd.s32 $0x10, s18;
	v0 =	vld.msk [tilespmem:s19+$0x0 ss:$0x1], $0xffff  }
0x97: {  	(ifvalue) =	ssetifvalue $0x7FFFFFFF;
	_ =	sdelay $0x4  }
0x98: {  	vm1 =	vgt.s32 v0, $0x0  }
0x99: {  	v0 =	vnsel vm1, $0x0, v0  }
0x9a: {  	v0 =	vmin.u32 v0, $0xF423F  }
0x9b: {  	v1 =	vshll.u32 v0, $0x3  }
0x9c: {  	v0 =	vand.u32 $0x7F, v0;
	v1 =	vand.u32 $0x7FFC00, v1  }
0x9d: {  	v0 =	vor.u32 v0, v1;
	_ =	sdelay $0x1  }
0x9e: {  	s21 =	sand.u32 $0xC00, s20  }
0x9f: {  	s23 =	sand.u32 $0x70, s22;
	s21 =	sadd.s32 s21, s17;
	v1 =	vor.u32 $0x80, v0  }
0xa0: {  	s21 =	sadd.s32 s23, s21;
	(ifvalue) =	ssetifvalue $0x7FFFFFFF  }
0xa1: {  	[tilespmem:s21], [sflag:$0x1] =	stream.indirect_vreg.gather [hbm4b:s2+s13], $0x1, v0, vm0, $0x4038;
	[tilespmem:$0x8400] =	vst v63  }
0xa2: {  	v2 =	vor.u32 $0x100, v0;
	(ifvalue) =	ssetifvalue $0x7FFFFFFF  }
0xa3: {  	s23 =	sadd.s32 $0x80, s21;
	(ifvalue) =	ssetifvalue $0x7FFFFFFF  }
0xa4: {  	[tilespmem:s23], [sflag:$0x1] =	stream.indirect_vreg.gather [hbm4b:s2+s13], $0x1, v1, vm0, $0x4038;
	[tilespmem:$0x8400] =	vst v63  }
0xa5: {  	v1 =	vor.u32 $0x180, v0;
	(ifvalue) =	ssetifvalue $0x7FFFFFFF  }
0xa6: {  	s23 =	sadd.s32 $0x100, s21;
	(ifvalue) =	ssetifvalue $0x7FFFFFFF  }
0xa7: {  	[tilespmem:s23], [sflag:$0x1] =	stream.indirect_vreg.gather [hbm4b:s2+s13], $0x1, v2, vm0, $0x4038;
	[tilespmem:$0x8400] =	vst v63  }
0xa8: {  	v2 =	vor.u32 $0x200, v0;
	(ifvalue) =	ssetifvalue $0x7FFFFFFF  }
0xa9: {  	s23 =	sadd.s32 $0x180, s21;
	(ifvalue) =	ssetifvalue $0x7FFFFFFF  }
0xaa: {  	[tilespmem:s23], [sflag:$0x1] =	stream.indirect_vreg.gather [hbm4b:s2+s13], $0x1, v1, vm0, $0x4038;
	[tilespmem:$0x8400] =	vst v63  }
0xab: {  	v1 =	vor.u32 $0x280, v0;
	(ifvalue) =	ssetifvalue $0x7FFFFFFF  }
0xac: {  	s23 =	sadd.s32 $0x200, s21;
	(ifvalue) =	ssetifvalue $0x7FFFFFFF  }
0xad: {  	[tilespmem:s23], [sflag:$0x1] =	stream.indirect_vreg.gather [hbm4b:s2+s13], $0x1, v2, vm0, $0x4038;
	[tilespmem:$0x8400] =	vst v63  }
0xae: {  	v2 =	vor.u32 $0x300, v0;
	(ifvalue) =	ssetifvalue $0x7FFFFFFF  }
0xaf: {  	s23 =	sadd.s32 $0x280, s21;
	(ifvalue) =	ssetifvalue $0x7FFFFFFF  }
0xb0: {  	[tilespmem:s23], [sflag:$0x1] =	stream.indirect_vreg.gather [hbm4b:s2+s13], $0x1, v1, vm0, $0x4038;
	[tilespmem:$0x8400] =	vst v63  }
0xb1: {  	v1 =	vor.u32 $0x380, v0;
	(ifvalue) =	ssetifvalue $0x7FFFFFFF  }
0xb2: {  	s22 =	sor.u32 s20, s22;
	s23 =	sadd.s32 $0x300, s21;
	(ifvalue) =	ssetifvalue $0x7FFFFFFF  }
0xb3: {  	[tilespmem:s23], [sflag:$0x1] =	stream.indirect_vreg.gather [hbm4b:s2+s13], $0x1, v2, vm0, $0x4038;
	[tilespmem:$0x8400] =	vst v63  }
0xb4: {  	s22 =	sor.u32 $0x380, s22;
	v2 =	vadd.s32 $0x7A1400, v0;
	(ifvalue) =	ssetifvalue $0x7FFFFFFF  }
0xb5: {  	s22 =	sadd.s32 s22, s17;
	(ifvalue) =	ssetifvalue $0x7FFFFFFF  }
0xb6: {  	[tilespmem:s22], [sflag:$0x1] =	stream.indirect_vreg.gather [hbm4b:s2+s13], $0x1, v1, vm0, $0x4038;
	[tilespmem:$0x8400] =	vst v63  }
0xb7: {  	v1 =	vadd.s32 $0x7A1480, v0;
	(ifvalue) =	ssetifvalue $0x7FFFFFFF  }
0xb8: {  	s22 =	sadd.s32 $0x1000, s21;
	(ifvalue) =	ssetifvalue $0x7FFFFFFF  }
0xb9: {  	[tilespmem:s22], [sflag:$0x1] =	stream.indirect_vreg.gather [hbm4b:s2+s13], $0x1, v2, vm0, $0x4038;
	[tilespmem:$0x8400] =	vst v63  }
0xba: {  	v2 =	vadd.s32 $0x7A1500, v0;
	(ifvalue) =	ssetifvalue $0x7FFFFFFF  }
0xbb: {  	s22 =	sadd.s32 $0x1080, s21;
	(ifvalue) =	ssetifvalue $0x7FFFFFFF  }
0xbc: {  	[tilespmem:s22], [sflag:$0x1] =	stream.indirect_vreg.gather [hbm4b:s2+s13], $0x1, v1, vm0, $0x4038;
	[tilespmem:$0x8400] =	vst v63  }
0xbd: {  	v1 =	vadd.s32 $0x7A1580, v0;
	(ifvalue) =	ssetifvalue $0x7FFFFFFF  }
0xbe: {  	s22 =	sadd.s32 $0x1100, s21;
	(ifvalue) =	ssetifvalue $0x7FFFFFFF  }
0xbf: {  	[tilespmem:s22], [sflag:$0x1] =	stream.indirect_vreg.gather [hbm4b:s2+s13], $0x1, v2, vm0, $0x4038;
	[tilespmem:$0x8400] =	vst v63  }
0xc0: {  	v2 =	vadd.s32 $0x7A1600, v0;
	(ifvalue) =	ssetifvalue $0x7FFFFFFF  }
0xc1: {  	s22 =	sadd.s32 $0x1180, s21;
	(ifvalue) =	ssetifvalue $0x7FFFFFFF  }
0xc2: {  	[tilespmem:s22], [sflag:$0x1] =	stream.indirect_vreg.gather [hbm4b:s2+s13], $0x1, v1, vm0, $0x4038;
	[tilespmem:$0x8400] =	vst v63  }
0xc3: {  	v1 =	vadd.s32 $0x7A1680, v0;
	(ifvalue) =	ssetifvalue $0x7FFFFFFF  }
0xc4: {  	s22 =	sadd.s32 $0x1200, s21;
	(ifvalue) =	ssetifvalue $0x7FFFFFFF  }
0xc5: {  	[tilespmem:s22], [sflag:$0x1] =	stream.indirect_vreg.gather [hbm4b:s2+s13], $0x1, v2, vm0, $0x4038;
	[tilespmem:$0x8400] =	vst v63  }
0xc6: {  	v2 =	vadd.s32 $0x7A1700, v0;
	(ifvalue) =	ssetifvalue $0x7FFFFFFF  }
0xc7: {  	s22 =	sadd.s32 $0x1280, s21;
	(ifvalue) =	ssetifvalue $0x7FFFFFFF  }
0xc8: {  	[tilespmem:s22], [sflag:$0x1] =	stream.indirect_vreg.gather [hbm4b:s2+s13], $0x1, v1, vm0, $0x4038;
	[tilespmem:$0x8400] =	vst v63  }
0xc9: {  	v1 =	vadd.s32 $0x7A1780, v0;
	(ifvalue) =	ssetifvalue $0x7FFFFFFF  }
0xca: {  	s22 =	sadd.s32 $0x1300, s21;
	(ifvalue) =	ssetifvalue $0x7FFFFFFF  }
0xcb: {  	[tilespmem:s22], [sflag:$0x1] =	stream.indirect_vreg.gather [hbm4b:s2+s13], $0x1, v2, vm0, $0x4038;
	[tilespmem:$0x8400] =	vst v63  }
0xcc: {  	v2 =	vadd.s32 $0xF42800, v0;
	(ifvalue) =	ssetifvalue $0x7FFFFFFF  }
0xcd: {  	s22 =	sadd.s32 $0x1380, s21;
	(ifvalue) =	ssetifvalue $0x7FFFFFFF  }
0xce: {  	[tilespmem:s22], [sflag:$0x1] =	stream.indirect_vreg.gather [hbm4b:s2+s13], $0x1, v1, vm0, $0x4038;
	[tilespmem:$0x8400] =	vst v63  }
0xcf: {  	v1 =	vadd.s32 $0xF42880, v0;
	(ifvalue) =	ssetifvalue $0x7FFFFFFF  }
0xd0: {  	s22 =	sadd.s32 $0x2000, s21;
	(ifvalue) =	ssetifvalue $0x7FFFFFFF  }
0xd1: {  	[tilespmem:s22], [sflag:$0x1] =	stream.indirect_vreg.gather [hbm4b:s2+s13], $0x1, v2, vm0, $0x4038;
	[tilespmem:$0x8400] =	vst v63  }
0xd2: {  	v2 =	vadd.s32 $0xF42900, v0;
	(ifvalue) =	ssetifvalue $0x7FFFFFFF  }
0xd3: {  	s22 =	sadd.s32 $0x2080, s21;
	(ifvalue) =	ssetifvalue $0x7FFFFFFF  }
0xd4: {  	[tilespmem:s22], [sflag:$0x1] =	stream.indirect_vreg.gather [hbm4b:s2+s13], $0x1, v1, vm0, $0x4038;
	[tilespmem:$0x8400] =	vst v63  }
0xd5: {  	v1 =	vadd.s32 $0xF42980, v0;
	(ifvalue) =	ssetifvalue $0x7FFFFFFF  }
0xd6: {  	s22 =	sadd.s32 $0x2100, s21;
	(ifvalue) =	ssetifvalue $0x7FFFFFFF  }
0xd7: {  	[tilespmem:s22], [sflag:$0x1] =	stream.indirect_vreg.gather [hbm4b:s2+s13], $0x1, v2, vm0, $0x4038;
	[tilespmem:$0x8400] =	vst v63  }
0xd8: {  	v2 =	vadd.s32 $0xF42A00, v0;
	(ifvalue) =	ssetifvalue $0x7FFFFFFF  }
0xd9: {  	s22 =	sadd.s32 $0x2180, s21;
	(ifvalue) =	ssetifvalue $0x7FFFFFFF  }
0xda: {  	[tilespmem:s22], [sflag:$0x1] =	stream.indirect_vreg.gather [hbm4b:s2+s13], $0x1, v1, vm0, $0x4038;
	[tilespmem:$0x8400] =	vst v63  }
0xdb: {  	v1 =	vadd.s32 $0xF42A80, v0;
	(ifvalue) =	ssetifvalue $0x7FFFFFFF  }
0xdc: {  	s22 =	sadd.s32 $0x2200, s21;
	(ifvalue) =	ssetifvalue $0x7FFFFFFF  }
0xdd: {  	[tilespmem:s22], [sflag:$0x1] =	stream.indirect_vreg.gather [hbm4b:s2+s13], $0x1, v2, vm0, $0x4038;
	[tilespmem:$0x8400] =	vst v63  }
0xde: {  	v2 =	vadd.s32 $0xF42B00, v0;
	(ifvalue) =	ssetifvalue $0x7FFFFFFF  }
0xdf: {  	s22 =	sadd.s32 $0x2280, s21;
	(ifvalue) =	ssetifvalue $0x7FFFFFFF  }
0xe0: {  	[tilespmem:s22], [sflag:$0x1] =	stream.indirect_vreg.gather [hbm4b:s2+s13], $0x1, v1, vm0, $0x4038;
	[tilespmem:$0x8400] =	vst v63  }
0xe1: {  	v1 =	vadd.s32 $0xF42B80, v0;
	(ifvalue) =	ssetifvalue $0x7FFFFFFF  }
0xe2: {  	s22 =	sadd.s32 $0x2300, s21;
	(ifvalue) =	ssetifvalue $0x7FFFFFFF  }
0xe3: {  	[tilespmem:s22], [sflag:$0x1] =	stream.indirect_vreg.gather [hbm4b:s2+s13], $0x1, v2, vm0, $0x4038;
	[tilespmem:$0x8400] =	vst v63  }
0xe4: {  	v2 =	vadd.s32 $0x16E3C00, v0;
	(ifvalue) =	ssetifvalue $0x7FFFFFFF  }
0xe5: {  	s22 =	sadd.s32 $0x2380, s21;
	(ifvalue) =	ssetifvalue $0x7FFFFFFF  }
0xe6: {  	[tilespmem:s22], [sflag:$0x1] =	stream.indirect_vreg.gather [hbm4b:s2+s13], $0x1, v1, vm0, $0x4038;
	[tilespmem:$0x8400] =	vst v63  }
0xe7: {  	v1 =	vadd.s32 $0x16E3C80, v0;
	(ifvalue) =	ssetifvalue $0x7FFFFFFF  }
0xe8: {  	s22 =	sadd.s32 $0x3000, s21;
	(ifvalue) =	ssetifvalue $0x7FFFFFFF  }
0xe9: {  	[tilespmem:s22], [sflag:$0x1] =	stream.indirect_vreg.gather [hbm4b:s2+s13], $0x1, v2, vm0, $0x4038;
	[tilespmem:$0x8400] =	vst v63  }
0xea: {  	v2 =	vadd.s32 $0x16E3D00, v0;
	(ifvalue) =	ssetifvalue $0x7FFFFFFF  }
0xeb: {  	s22 =	sadd.s32 $0x3080, s21;
	(ifvalue) =	ssetifvalue $0x7FFFFFFF  }
0xec: {  	[tilespmem:s22], [sflag:$0x1] =	stream.indirect_vreg.gather [hbm4b:s2+s13], $0x1, v1, vm0, $0x4038;
	[tilespmem:$0x8400] =	vst v63  }
0xed: {  	v1 =	vadd.s32 $0x16E3D80, v0;
	(ifvalue) =	ssetifvalue $0x7FFFFFFF  }
0xee: {  	s22 =	sadd.s32 $0x3100, s21;
	(ifvalue) =	ssetifvalue $0x7FFFFFFF  }
0xef: {  	[tilespmem:s22], [sflag:$0x1] =	stream.indirect_vreg.gather [hbm4b:s2+s13], $0x1, v2, vm0, $0x4038;
	[tilespmem:$0x8400] =	vst v63  }
0xf0: {  	v2 =	vadd.s32 $0x16E3E00, v0;
	(ifvalue) =	ssetifvalue $0x7FFFFFFF  }
0xf1: {  	s22 =	sadd.s32 $0x3180, s21;
	(ifvalue) =	ssetifvalue $0x7FFFFFFF  }
0xf2: {  	[tilespmem:s22], [sflag:$0x1] =	stream.indirect_vreg.gather [hbm4b:s2+s13], $0x1, v1, vm0, $0x4038;
	[tilespmem:$0x8400] =	vst v63  }
0xf3: {  	v1 =	vadd.s32 $0x16E3E80, v0;
	(ifvalue) =	ssetifvalue $0x7FFFFFFF  }
0xf4: {  	s22 =	sadd.s32 $0x3200, s21;
	(ifvalue) =	ssetifvalue $0x7FFFFFFF  }
0xf5: {  	[tilespmem:s22], [sflag:$0x1] =	stream.indirect_vreg.gather [hbm4b:s2+s13], $0x1, v2, vm0, $0x4038;
	[tilespmem:$0x8400] =	vst v63  }
0xf6: {  	v2 =	vadd.s32 $0x16E3F00, v0;
	(ifvalue) =	ssetifvalue $0x7FFFFFFF  }
0xf7: {  	s22 =	sadd.s32 $0x3280, s21;
	(ifvalue) =	ssetifvalue $0x7FFFFFFF  }
0xf8: {  	[tilespmem:s22], [sflag:$0x1] =	stream.indirect_vreg.gather [hbm4b:s2+s13], $0x1, v1, vm0, $0x4038;
	[tilespmem:$0x8400] =	vst v63  }
.Ltmp3:
0xf9: {  	v0 =	vadd.s32 $0x16E3F80, v0;
	(ifvalue) =	ssetifvalue $0x7FFFFFFF;
	(pc) =	sbr.rel @p1 .LBB2_3-.Ltmp3, $4  }
0xfa: {  	s22 =	sadd.s32 $0x3300, s21;
	(ifvalue) =	ssetifvalue $0x7FFFFFFF  }
0xfb: {  	[tilespmem:s22], [sflag:$0x1] =	stream.indirect_vreg.gather [hbm4b:s2+s13], $0x1, v2, vm0, $0x4038;
	[tilespmem:$0x8400] =	vst v63  }
0xfc: {  	s19 =	sadd.s32 $0x10, s19;
	(ifvalue) =	ssetifvalue $0x7FFFFFFF  }
0xfd: {  	s20 =	sadd.s32 $0x80, s20;
	s21 =	sadd.s32 $0x3380, s21;
	(ifvalue) =	ssetifvalue $0x7FFFFFFF  }
.Ltmp4:
0xfe: {  	_ = 	snop;
	(pc) =	sbr.rel .LBB2_4-.Ltmp4, $1  }
0xff: {  	_ =	sdelay $0x3  }
.LBB2_6:
0x100: {  	_ =	sfence.sel $0x180000  }
0x101: {  	s2 =	simm.s32 $0x2;
	[bflag:$0x0] =	sbarrier.arrive $0xFFFF  }
0x102: {  	s30 =	simm.s32 $0x3;
	[sflag:s2] =	ssyncpa.u1 $0x1  }
0x103: {  	s31 =	simm.s32 $0x1;
	[sflag:s30] =	ssyncpa.u1 $0x1  }
0x104: {  	[sflag:s31] =	ssyncpa.u1 $0x1  }
0x105: {  	p0 =	sne.s32 s0, $0x0;
	_ =	strace $0x9000004A  }
0x106: {  	s0 =	sadd.s32 @!p0 $0x100000, s1;
	[bflag:$0x2] =	sbarrier.arrive $0xFFFF  }
0x107: {  	[sflag:s0] =	ssyncadd.tile.s32 @!p0 $0x1;
	_ =	shalt  }
.Lfunc_end2:
_tile_overlayer_lowered:
.L_overlay_start_2:
0x108: {  	(tag) =	ssettag $0x2  }
0x109: {  	s0 =	rddreg [dreg:$0x0];
	s2 =	stileid.u32  }
0x10a: {  	s1 =	rddreg [dreg:$0x1];
	p0 =	sne.s32 s2, $0x0  }
0x10b: {  	s3 =	rddreg [dreg:$0x2];
	[bflag:$0x3] =	sbarrier.arrive $0xFFFF;
	s2 =	simm.s32 @!p0 $0x1C01  }
0x10c: {  	[timem:s3], [sflag:s2] =	dma.local @!p0 [hbm:s0], s1  }
0x10d: {  	s0 =	simm.s32 @!p0 $0x1  }
0x10e: {  	_ =	swait.ge @!p0 [sflag:s0], s1  }
0x10f: {  	s1 =	ssub.s32 @!p0 $0x0, s1;
	[sflag:s0] =	ssyncset.done @!p0 $0x0  }
0x110: {  	[sflag:s0] =	ssyncadd.s32 @!p0 s1  }
0x111: {  	[bflag:$0x3] =	sbarrier.arrive $0xFFFF  }
0x112: {  	_ =	shalt  }

// kernel: gather_offload_async_start.2
scs
__scs_entry_jumppad:
0x0: {  	(pc) =	sbr.rel $0x88, $3  }
0x1: {  	(tag) =	ssettag $0x0;
	lr =	simm.s32 $0x1  }
0x2: {  	[smem:$0x3F8F] =	sst lr;
	_ =	strace $0xD0000000  }
0x3: {  	_ = 	snop  }
0x4: {  	_ = 	snop  }
0x5: {  	_ = 	snop  }
0x6: {  	_ = 	snop  }
0x7: {  	_ = 	snop  }
__scs_overlays_trampoline_lowered:
0x8: {  	[smem:$0x3F9E] =	sst s0  }
0x9: {  	[smem:$0x3F9F] =	sst s1  }
0xa: {  	[smem:$0x3FA0] =	sst s2  }
0xb: {  	[smem:$0x3FA1] =	sst s3  }
0xc: {  	[smem:$0x3FA2] =	sst s4  }
0xd: {  	[smem:$0x3FA3] =	sst s5  }
0xe: {  	[smem:$0x3FA4] =	sst s6  }
0xf: {  	[smem:$0x3FA5] =	sst s7  }
0x10: {  	[smem:$0x3FA6] =	sst s8  }
0x11: {  	[smem:$0x3FA7] =	sst s9;
	s0 =	simm.s32 @!p0 $0x0  }
0x12: {  	s1 =	sld [smem:$0x3F8D];
	s0 =	simm.s32 @p0 $0x1  }
0x13: {  	[smem:$0x3FA8] =	sst s0;
	s0 =	simm.s32 @!p1 $0x0  }
0x14: {  	s2 =	sld [smem:$0x3F8C];
	s0 =	simm.s32 @p1 $0x1  }
0x15: {  	[smem:$0x3FA9] =	sst s0;
	s0 =	simm.s32 @!p2 $0x0  }
0x16: {  	s3 =	sld [smem:$0x3FDB];
	s0 =	simm.s32 @p2 $0x1  }
0x17: {  	s4 =	simm.s32 $0x1BF5;
	[smem:$0x3FAB] =	sst s0  }
0x18: {  	s0 =	sld [smem:$0x3F8E];
	_ =	swait.ge [sflag:s4], $0x0  }
0x19: {  	s7 =	sld [smem:$0x3F8F]  }
0x1a: {  	s8 =	sadd.s32 $0xFFFFE003, lr  }
0x1b: {  	s9 =	sadd.s32 $0xFFFFFEF7, lr;
	s5 =	simm.s32 $0xFFFFFFFF;
	p2 =	slt.u32 s8, $0xFFFFF086  }
0x1c: {  	p1 =	slt.u32 s9, $0xF7A;
	s5 =	simm.s32 @!p2 $0x0  }
0x1d: {  	s5 =	simm.s32 @p1 $0x1;
	p0 =	seq.s32 s7, s2  }
0x1e: {  	s7 =	smul.u32 @!p0 $0xF7A, s2;
	p2 =	seq.s32 @!p0 s5, $0x0  }
0x1f: {  	s9 =	smul.u32 $0xF7A, s1;
	s8 =	simm.s32 @!p0 $0x1BF5;
	p2 =	por !p2, p0  }
0x20: {  	[sflag:s8] =	ssyncset.s32 @!p0 $0xFFFFF086;
	s6 =	sadd.s32 @!p0 s3, s7;
	s7 =	simm.s32 @!p0 $0x108  }
0x21: {  	s3 =	sadd.s32 s3, s9;
	s6 =	sadd.s32 @!p0 $0x88, s6;
	s7 =	simm.s32 @p2 $0x1082  }
0x22: {  	[simem:s7], [sflag:s8] =	dma.local @!p0 [hbm:s6], $0xF7A  }
0x23: {  	s9 =	sor.u32 $0xD0000000, s2;
	s6 =	simm.s32 $0x108;
	_ =	swait.ge @!p0 [sflag:s8], $0x0  }
0x24: {  	s3 =	sadd.s32 $0x88, s3;
	s6 =	simm.s32 @!p1 $0x1082;
	[sflag:s4] =	ssyncset.s32 $0xFFFFF086  }
0x25: {  	[simem:s6], [sflag:s4] =	dma.local [hbm:s3], $0xF7A  }
0x26: {  	[smem:$0x3F8F] =	sst s1;
	(tag) =	ssettag s2;
	_ =	strace s9  }
0x27: {  	s1 =	sld [smem:$0x3F9F]  }
0x28: {  	s2 =	sld [smem:$0x3FA0]  }
0x29: {  	s4 =	sld [smem:$0x3FA2]  }
0x2a: {  	p0 =	seq.s32 s5, $0x0;
	s5 =	sld [smem:$0x3FA3]  }
0x2b: {  	s6 =	sld [smem:$0x3FA4]  }
0x2c: {  	s7 =	sld [smem:$0x3FA5]  }
0x2d: {  	s3 =	simm.s32 $0x108;
	s8 =	sld [smem:$0x3FA6]  }
0x2e: {  	s3 =	simm.s32 @!p0 $0x1082;
	s9 =	sld [smem:$0x3FA7]  }
0x2f: {  	lr =	sadd.s32 s0, s3;
	s0 =	sld [smem:$0x3F9E]  }
0x30: {  	s3 =	sld [smem:$0x3FA1]  }
0x31: {  	[smem:$0x3FAA] =	sst s10  }
0x32: {  	s10 =	sld [smem:$0x3FA8];
	_ =	sdelay $0x3  }
0x33: {  	p0 =	seq.s32 s10, $0x1;
	s10 =	sld [smem:$0x3FAA];
	_ =	sdelay $0x3  }
0x34: {  	[smem:$0x3FAA] =	sst s10  }
0x35: {  	s10 =	sld [smem:$0x3FA9];
	_ =	sdelay $0x3  }
0x36: {  	p1 =	seq.s32 s10, $0x1;
	s10 =	sld [smem:$0x3FAA];
	_ =	sdelay $0x3  }
0x37: {  	[smem:$0x3FAA] =	sst s10  }
0x38: {  	s10 =	sld [smem:$0x3FAB]  }
0x39: {  	_ = 	snop;
	(pc) =	sbr.ind lr, $3  }
0x3a: {  	_ = 	snop  }
0x3b: {  	_ = 	snop  }
0x3c: {  	p2 =	seq.s32 s10, $0x1;
	s10 =	sld [smem:$0x3FAA]  }
0x3d: {  	_ =	shalt  }
0x3e: {  	_ =	shalt  }
0x3f: {  	_ =	shalt  }
0x40: {  	_ =	shalt  }
0x41: {  	_ =	shalt  }
0x42: {  	_ =	shalt  }
0x43: {  	_ =	shalt  }
0x44: {  	_ =	shalt  }
0x45: {  	_ =	shalt  }
0x46: {  	_ =	shalt  }
0x47: {  	_ =	shalt  }
0x48: {  	_ =	shalt  }
0x49: {  	_ =	shalt  }
0x4a: {  	_ =	shalt  }
0x4b: {  	_ =	shalt  }
0x4c: {  	_ =	shalt  }
0x4d: {  	_ =	shalt  }
0x4e: {  	_ =	shalt  }
0x4f: {  	_ =	shalt  }
0x50: {  	_ =	shalt  }
0x51: {  	_ =	shalt  }
0x52: {  	_ =	shalt  }
0x53: {  	_ =	shalt  }
0x54: {  	_ =	shalt  }
0x55: {  	_ =	shalt  }
0x56: {  	_ =	shalt  }
0x57: {  	_ =	shalt  }
0x58: {  	_ =	shalt  }
0x59: {  	_ =	shalt  }
0x5a: {  	_ =	shalt  }
0x5b: {  	_ =	shalt  }
0x5c: {  	_ =	shalt  }
0x5d: {  	_ =	shalt  }
0x5e: {  	_ =	shalt  }
0x5f: {  	_ =	shalt  }
0x60: {  	_ =	shalt  }
0x61: {  	_ =	shalt  }
0x62: {  	_ =	shalt  }
0x63: {  	_ =	shalt  }
0x64: {  	_ =	shalt  }
0x65: {  	_ =	shalt  }
0x66: {  	_ =	shalt  }
0x67: {  	_ =	shalt  }
0x68: {  	_ =	shalt  }
0x69: {  	_ =	shalt  }
0x6a: {  	_ =	shalt  }
0x6b: {  	_ =	shalt  }
0x6c: {  	_ =	shalt  }
0x6d: {  	_ =	shalt  }
0x6e: {  	_ =	shalt  }
0x6f: {  	_ =	shalt  }
0x70: {  	_ =	shalt  }
0x71: {  	_ =	shalt  }
0x72: {  	_ =	shalt  }
0x73: {  	_ =	shalt  }
0x74: {  	_ =	shalt  }
0x75: {  	_ =	shalt  }
0x76: {  	_ =	shalt  }
0x77: {  	_ =	shalt  }
0x78: {  	_ =	shalt  }
0x79: {  	_ =	shalt  }
0x7a: {  	_ =	shalt  }
0x7b: {  	_ =	shalt  }
0x7c: {  	_ =	shalt  }
0x7d: {  	_ =	shalt  }
0x7e: {  	_ =	shalt  }
0x7f: {  	_ =	shalt  }
0x80: {  	_ =	shalt  }
0x81: {  	_ =	shalt  }
0x82: {  	_ =	shalt  }
0x83: {  	_ =	shalt  }
0x84: {  	_ =	shalt  }
0x85: {  	_ =	shalt  }
0x86: {  	_ =	shalt  }
0x87: {  	_ =	shalt  }
.Lfunc_end0:
.L_simem_size_0:
called_computation.2_lowered:
.L_overlay_start_0:
0x88: {  	s2 =	sld [smem:$0x3FD9]  }
0x89: {  	s3 =	sld [smem:$0x3FFE];
	_ =	sdelay $0x1  }
0x8a: {  	s1 =	srdreg.scid  }
0x8b: {  	s0 =	sand.u32 $0x1, s1  }
0x8c: {  	s17 =	sshll.u32 s0, $0xA;
	s2 =	sadd.s32 s3, s2  }
0x8d: {  	s2 =	sadd.s32 s2, s17  }
0x8e: {  	[smem:$0x3FB6] =	sst s2  }
0x8f: {  	_ = 	snop  }
0x90: {  	s2 =	sld [smem:$0x3FC2];
	(tm) =	ssettm $0x1  }
0x91: {  	s18 =	sld [smem:$0x3FFB];
	_ =	sdelay $0x3  }
0x92: {  	_ =	strace s18  }
0x93: {  	s3 =	sld [smem:$0x3FFC];
	_ =	sdelay $0x3  }
0x94: {  	_ =	strace s3  }
0x95: {  	s3 =	sld [smem:$0x3FFD];
	_ =	sdelay $0x3  }
0x96: {  	_ =	strace s3  }
0x97: {  	_ =	strace $0x8FFFFFFF  }
0x98: {  	s19 =	sld [smem:$0x3FDB];
	_ =	sdelay $0x1  }
0x99: {  	s4 =	simm.s32 $_scs_section_size  }
0x9a: {  	s5 =	simm.s32 $_size__tile_overlayer_lowered;
	s6 =	simm.s32 $_tile_overlayer_lowered  }
0x9b: {  	s22 =	simm.s32 $0x1BFF;
	s21 =	sshll.u32 s6, $0x1;
	s3 =	sadd.s32 s4, s19  }
0x9c: {  	s7 =	simm.s32 $0x0;
	s20 =	sshll.u32 s5, $0x1;
	s5 =	sadd.s32 s21, s3  }
0x9d: {  	[timem:s7], [sflag:s22] =	dma.local [hbm:s5], s20  }
0x9e: {  	_ =	swait.ge [sflag:s22], s20  }
0x9f: {  	s4 =	ssub.s32 $0x0, s20;
	[sflag:s22] =	ssyncset.done $0x0  }
0xa0: {  	[sflag:s22] =	ssyncadd.s32 s4;
	_ =	sdelay $0x1  }
0xa1: {  	s23 =	simm.s32 $0x1B8B  }
0xa2: {  	_ =	swait.ge [sflag:s23], $0x1  }
0xa3: {  	[sflag:s23] =	ssyncset.done $0x0  }
0xa4: {  	s25 =	simm.s32 $0x1B8E;
	s24 =	sld [smem:$0x3FFE];
	[sflag:s23] =	ssyncadd.s32 $0xFFFFFFFF  }
0xa5: {  	s26 =	simm.s32 $execute0_lowered;
	[smem:$0x3FD2] =	sst s25  }
0xa6: {  	s5 =	sshll.u32 s26, $0x1;
	_ =	strace $0x80000046;
	[dreg:$0x1] =	wrdreg $0xFFFFFFFF  }
0xa7: {  	s28 =	simm.s32 $_size_execute0_lowered;
	s3 =	sadd.s32 s3, s5;
	[dreg:$0x0] =	wrdreg $0x0  }
0xa8: {  	s5 =	sshll.u32 s28, $0x1;
	[dreg:$0x2] =	wrdreg s3  }
0xa9: {  	[dreg:$0x3] =	wrdreg s5  }
0xaa: {  	[dreg:$0x4] =	wrdreg $0xC0  }
0xab: {  	_ =	task [dreg:s7], $0x5FFFF  }
0xac: {  	[dreg:$0x1] =	wrdreg $0xFFFFFFFF  }
0xad: {  	[dreg:$0x0] =	wrdreg $0x60  }
0xae: {  	[dreg:$0x2] =	wrdreg s2  }
0xaf: {  	[dreg:$0x3] =	wrdreg s24  }
0xb0: {  	[dreg:$0x4] =	wrdreg $0xB  }
0xb1: {  	_ =	task.clear_ibuf [dreg:s7], $0x5FFFF;
	_ =	strace $0x90000046  }
0xb2: {  	s29 =	simm.s32 $0xB;
	_ =	strace $0x80000048  }
0xb3: {  	_ =	swait.ge [sflag:s29], $0x1  }
0xb4: {  	[sflag:s29] =	ssyncadd.s32 $0xFFFFFFFF  }
0xb5: {  	_ =	strace $0x90000048  }
0xb6: {  	_ =	sfence  }
0xb7: {  	s30 =	sld [smem:$0x0];
	_ =	sdelay $0x2  }
0xb8: {  	s31 =	sshll.u32 s1, $0xD;
	s1 =	sshrl.u32 s1, $0x2  }
0xb9: {  	s3 =	sand.u32 $0x4000, s31;
	s1 =	sadd.s32 s1, s30  }
0xba: {  	s0 =	sor.u32 s3, s0;
	s1 =	sshll.u32 s1, $0x11  }
0xbb: {  	s0 =	sor.u32 s1, s0  }
0xbc: {  	s0 =	sadd.s32 $0x8F2B, s0  }
0xbd: {  	[sflag:s0] =	ssyncadd.remote.s32 $0x1  }
0xbe: {  	_ =	sfence.sel $0xFFFF  }
0xbf: {  	[dreg:$0x0] =	wrdreg $0xFFFFFFFF;
	(pc) =	sbr.abs _section_cstart, $3  }
0xc0: {  	[dreg:$0x1] =	wrdreg $0xFFFFFFFF  }
0xc1: {  	_ =	task.clear_ibuf [dreg:s7], $0x2FFFF;
	_ =	strace $0x9FFFFFFF  }
0xc2: {  	(tm) =	ssettm $0x7FFFFFFF  }
0xc3: {  	_ =	shalt  }
tec
execute0_lowered:
.L_overlay_start_1:
0x0: {  	(tag) =	ssettag $0x1  }
0x1: {  	s1 =	srdreg.scid  }
0x2: {  	s2 =	rddreg [dreg:$0x0];
	s0 =	stileid.u32  }
0x3: {  	s11 =	rddreg [dreg:$0x1];
	s5 =	simm.s32 $0x2;
	s1 =	sshll.u32 s1, $0x9  }
0x4: {  	s9 =	simm.s32 $0x3;
	s3 =	sshll.u32 s0, $0xA;
	s4 =	sand.u32 $0x200, s1  }
0x5: {  	s13 =	simm.s32 $0x0;
	s15 =	simm.s32 $0x0;
	s3 =	sor.u32 s3, s4  }
0x6: {  	s14 =	simm.s32 $0x0;
	s1 =	rddreg [dreg:$0x2];
	s4 =	sshrl.u32 s3, $0x3  }
0x7: {  	_ =	strace $0x80000047;
	s6 =	ssub.s32 $0x4000, s3;
	s8 =	sadd.s32 s4, s11  }
0x8: {  	s4 =	simm.s32 $0x1;
	s7 =	sand.u32 $0x3E00, s6;
	s10 =	sshrl.u32 s6, $0xE  }
.Ltmp0:
0x9: {  	s6 =	sadd.s32 $0x8000, s11;
	[sflag:s4] =	ssyncpa.u1 $0x0;
	(pc) =	sbr.rel .LBB2_1-.Ltmp0, $4  }
0xa: {  	p0 =	sne.s32 s7, $0x0;
	s7 =	simm.s32 $0x1;
	s8 =	sadd.s32 $0x7800, s8  }
0xb: {  	[sflag:s5] =	ssyncpa.u1 $0x0;
	s7 =	simm.s32 @!p0 $0x0;
	p0 =	por $0x0, $0x0  }
0xc: {  	[sflag:s9] =	ssyncpa.u1 $0x0;
	s7 =	sadd.s32 s7, s10;
	s9 =	sadd.s32 $0xC000, s11  }
0xd: {  	vm0 =	vmmov $0xffff;
	s10 =	sadd.s32 $0x10000, s11;
	s11 =	sadd.s32 $0x14000, s11;
	s12 =	sadd.s32 $0x1, s7  }
.LBB2_4:
0xe: {  	_ =	sdelay $0x3  }
0xf: {  	[tilespmem:s21], [sflag:$0x1] =	stream.indirect_vreg.gather [hbm4b:s2+s13], $0x1, v0, vm0, $0x4038;
	[tilespmem:$0x8400] =	vst v63  }
0x10: {  	s18 =	sshll.u32 s15, $0x3  }
0x11: {  	s24 =	sand.u32 $0x78, s15;
	s18 =	sand.u32 $0x7FFFFC00, s18  }
0x12: {  	_ =	swait.ge [sflag:s4], $0x4000;
	s15 =	sor.u32 s24, s18  }
0x13: {  	[sflag:s4] =	ssyncset.done $0x0;
	s15 =	sshrl.u32 s15, $0x3  }
0x14: {  	[sflag:s4] =	ssyncadd.s32 $0xFFFFC000;
	s25 =	sadd.s32 s6, s15  }
0x15: {  	[hbm:s25] =	stream.linear.scatter [tilespmem:s17], [sflag:$0x3], $0x1000, $0x38;
	[tilespmem:$0x8400] =	vst v63  }
0x16: {  	s26 =	sadd.s32 $0x1400, s16;
	s28 =	sadd.s32 s15, s9  }
0x17: {  	[hbm:s28] =	stream.linear.scatter [tilespmem:s26], [sflag:$0x3], $0x1000, $0x38;
	[tilespmem:$0x8400] =	vst v63  }
0x18: {  	s29 =	sadd.s32 $0x2400, s16;
	s30 =	sadd.s32 s15, s10  }
0x19: {  	[hbm:s30] =	stream.linear.scatter [tilespmem:s29], [sflag:$0x3], $0x1000, $0x38;
	[tilespmem:$0x8400] =	vst v63  }
0x1a: {  	s31 =	sadd.s32 $0x3400, s16;
	s15 =	sadd.s32 s15, s11  }
0x1b: {  	[hbm:s15] =	stream.linear.scatter [tilespmem:s31], [sflag:$0x3], $0x1000, $0x38;
	[tilespmem:$0x8400] =	vst v63  }
.LBB2_5:
0x1c: {  	p2 =	sne.s32 s14, s12  }
.Ltmp1:
0x1d: {  	p1 =	slt.u32 s14, $0x2;
	(pc) =	sbr.rel @!p2 .LBB2_6-.Ltmp1, $4  }
0x1e: {  	s15 =	simm.s32 @!p1 $0x3  }
0x1f: {  	_ =	swait.ge @!p1 [sflag:s15], $0x4000  }
0x20: {  	s16 =	sadd.s32 $0x1, s14;
	p0 =	por !p0, !p0;
	[sflag:s15] =	ssyncset.done @!p1 $0x0  }
0x21: {  	s14 =	smov.u32 s16;
	[sflag:s15] =	ssyncadd.s32 @!p1 $0xFFFFC000;
	s15 =	smov.u32 s3  }
.LBB2_1:
0x22: {  	p1 =	sge.u32 s14, s7  }
0x23: {  	s16 =	sxor.u32 @!p1 $0xFFFFFFFF, s14  }
0x24: {  	s16 =	sshll.u32 @!p1 s16, $0x9  }
0x25: {  	s31 =	sadd.s32 $0xFFFFFFFF, s14;
	s17 =	simm.s32 @!p1 $0x0;
	s16 =	sand.u32 @!p1 $0x200, s16  }
0x26: {  	[tilespmem:s16], [sflag:$0x2] =	stream.linear.gather @!p1 [hbm4b:s8+s17], $0x200, $0x38;
	[tilespmem:$0x8400] =	vst v63  }
0x27: {  	p1 =	sge.u32 s31, s7  }
.Ltmp2:
0x28: {  	_ = 	snop;
	(pc) =	sbr.rel @p1 .LBB2_5-.Ltmp2, $1  }
0x29: {  	_ =	sdelay $0x3  }
0x2a: {  	s16 =	simm.s32 $0x1;
	_ =	swait.ge [sflag:s5], $0x200  }
0x2b: {  	s16 =	simm.s32 @!p0 $0x0;
	[sflag:s5] =	ssyncset.done $0x0  }
0x2c: {  	s19 =	sshll.u32 s16, $0x9;
	[sflag:s5] =	ssyncadd.s32 $0xFFFFFE00  }
0x2d: {  	v0 =	vld.msk [tilespmem:s19+$0x0 ss:$0x1], $0xffff;
	_ =	sdelay $0x4  }
0x2e: {  	vm1 =	vgt.s32 v0, $0x0  }
0x2f: {  	v0 =	vnsel vm1, $0x0, v0  }
0x30: {  	v0 =	vmin.u32 v0, $0xF423F  }
0x31: {  	v1 =	vshll.u32 v0, $0x3  }
0x32: {  	v0 =	vand.u32 $0x7F, v0;
	v1 =	vand.u32 $0x7FFC00, v1  }
0x33: {  	s22 =	sshll.u32 s14, $0xE;
	v0 =	vor.u32 v0, v1  }
0x34: {  	s18 =	simm.s32 $0x0;
	s16 =	sand.u32 $0x4000, s22  }
0x35: {  	s20 =	sand.u32 $0xC00, s18;
	s17 =	sor.u32 $0x400, s16  }
0x36: {  	s21 =	sand.u32 $0x70, s18;
	(ifvalue) =	ssetifvalue $0x7FFFFFFF;
	s20 =	sadd.s32 s20, s17;
	v1 =	vor.u32 $0x80, v0  }
0x37: {  	(ifvalue) =	ssetifvalue $0x7FFFFFFF;
	s20 =	sadd.s32 s21, s20  }
0x38: {  	[tilespmem:s20], [sflag:$0x1] =	stream.indirect_vreg.gather [hbm4b:s2+s13], $0x1, v0, vm0, $0x4038;
	[tilespmem:$0x8400] =	vst v63  }
0x39: {  	v2 =	vor.u32 $0x100, v0;
	(ifvalue) =	ssetifvalue $0x7FFFFFFF  }
0x3a: {  	s21 =	sadd.s32 $0x80, s20;
	(ifvalue) =	ssetifvalue $0x7FFFFFFF  }
0x3b: {  	[tilespmem:s21], [sflag:$0x1] =	stream.indirect_vreg.gather [hbm4b:s2+s13], $0x1, v1, vm0, $0x4038;
	[tilespmem:$0x8400] =	vst v63  }
0x3c: {  	v1 =	vor.u32 $0x180, v0;
	(ifvalue) =	ssetifvalue $0x7FFFFFFF  }
0x3d: {  	s23 =	sadd.s32 $0x100, s20;
	(ifvalue) =	ssetifvalue $0x7FFFFFFF  }
0x3e: {  	[tilespmem:s23], [sflag:$0x1] =	stream.indirect_vreg.gather [hbm4b:s2+s13], $0x1, v2, vm0, $0x4038;
	[tilespmem:$0x8400] =	vst v63  }
0x3f: {  	v2 =	vor.u32 $0x200, v0;
	(ifvalue) =	ssetifvalue $0x7FFFFFFF  }
0x40: {  	s24 =	sadd.s32 $0x180, s20;
	(ifvalue) =	ssetifvalue $0x7FFFFFFF  }
0x41: {  	[tilespmem:s24], [sflag:$0x1] =	stream.indirect_vreg.gather [hbm4b:s2+s13], $0x1, v1, vm0, $0x4038;
	[tilespmem:$0x8400] =	vst v63  }
0x42: {  	(ifvalue) =	ssetifvalue $0x7FFFFFFF;
	v1 =	vor.u32 $0x280, v0  }
0x43: {  	s25 =	sadd.s32 $0x200, s20;
	(ifvalue) =	ssetifvalue $0x7FFFFFFF  }
0x44: {  	[tilespmem:s25], [sflag:$0x1] =	stream.indirect_vreg.gather [hbm4b:s2+s13], $0x1, v2, vm0, $0x4038;
	[tilespmem:$0x8400] =	vst v63  }
0x45: {  	(ifvalue) =	ssetifvalue $0x7FFFFFFF;
	v2 =	vor.u32 $0x300, v0  }
0x46: {  	s26 =	sadd.s32 $0x280, s20;
	(ifvalue) =	ssetifvalue $0x7FFFFFFF  }
0x47: {  	[tilespmem:s26], [sflag:$0x1] =	stream.indirect_vreg.gather [hbm4b:s2+s13], $0x1, v1, vm0, $0x4038;
	[tilespmem:$0x8400] =	vst v63  }
0x48: {  	(ifvalue) =	ssetifvalue $0x7FFFFFFF;
	v1 =	vor.u32 $0x380, v0  }
0x49: {  	s18 =	sor.u32 s18, s18;
	s28 =	sadd.s32 $0x300, s20;
	(ifvalue) =	ssetifvalue $0x7FFFFFFF  }
0x4a: {  	[tilespmem:s28], [sflag:$0x1] =	stream.indirect_vreg.gather [hbm4b:s2+s13], $0x1, v2, vm0, $0x4038;
	[tilespmem:$0x8400] =	vst v63  }
0x4b: {  	s18 =	sor.u32 $0x380, s18;
	(ifvalue) =	ssetifvalue $0x7FFFFFFF;
	v2 =	vadd.s32 $0x7A1400, v0  }
0x4c: {  	s18 =	sadd.s32 s18, s17;
	(ifvalue) =	ssetifvalue $0x7FFFFFFF  }
0x4d: {  	[tilespmem:s18], [sflag:$0x1] =	stream.indirect_vreg.gather [hbm4b:s2+s13], $0x1, v1, vm0, $0x4038;
	[tilespmem:$0x8400] =	vst v63  }
0x4e: {  	(ifvalue) =	ssetifvalue $0x7FFFFFFF;
	v1 =	vadd.s32 $0x7A1480, v0  }
0x4f: {  	s29 =	sadd.s32 $0x1000, s20;
	(ifvalue) =	ssetifvalue $0x7FFFFFFF  }
0x50: {  	[tilespmem:s29], [sflag:$0x1] =	stream.indirect_vreg.gather [hbm4b:s2+s13], $0x1, v2, vm0, $0x4038;
	[tilespmem:$0x8400] =	vst v63  }
0x51: {  	(ifvalue) =	ssetifvalue $0x7FFFFFFF;
	v2 =	vadd.s32 $0x7A1500, v0  }
0x52: {  	s30 =	sadd.s32 $0x1080, s20;
	(ifvalue) =	ssetifvalue $0x7FFFFFFF  }
0x53: {  	[tilespmem:s30], [sflag:$0x1] =	stream.indirect_vreg.gather [hbm4b:s2+s13], $0x1, v1, vm0, $0x4038;
	[tilespmem:$0x8400] =	vst v63  }
0x54: {  	(ifvalue) =	ssetifvalue $0x7FFFFFFF;
	v1 =	vadd.s32 $0x7A1580, v0  }
0x55: {  	s31 =	sadd.s32 $0x1100, s20;
	(ifvalue) =	ssetifvalue $0x7FFFFFFF  }
0x56: {  	[tilespmem:s31], [sflag:$0x1] =	stream.indirect_vreg.gather [hbm4b:s2+s13], $0x1, v2, vm0, $0x4038;
	[tilespmem:$0x8400] =	vst v63  }
0x57: {  	(ifvalue) =	ssetifvalue $0x7FFFFFFF;
	v2 =	vadd.s32 $0x7A1600, v0  }
0x58: {  	s21 =	sadd.s32 $0x1180, s20;
	(ifvalue) =	ssetifvalue $0x7FFFFFFF  }
0x59: {  	[tilespmem:s21], [sflag:$0x1] =	stream.indirect_vreg.gather [hbm4b:s2+s13], $0x1, v1, vm0, $0x4038;
	[tilespmem:$0x8400] =	vst v63  }
0x5a: {  	(ifvalue) =	ssetifvalue $0x7FFFFFFF;
	v1 =	vadd.s32 $0x7A1680, v0  }
0x5b: {  	s22 =	sadd.s32 $0x1200, s20;
	(ifvalue) =	ssetifvalue $0x7FFFFFFF  }
0x5c: {  	[tilespmem:s22], [sflag:$0x1] =	stream.indirect_vreg.gather [hbm4b:s2+s13], $0x1, v2, vm0, $0x4038;
	[tilespmem:$0x8400] =	vst v63  }
0x5d: {  	(ifvalue) =	ssetifvalue $0x7FFFFFFF;
	v2 =	vadd.s32 $0x7A1700, v0  }
0x5e: {  	s23 =	sadd.s32 $0x1280, s20;
	(ifvalue) =	ssetifvalue $0x7FFFFFFF  }
0x5f: {  	[tilespmem:s23], [sflag:$0x1] =	stream.indirect_vreg.gather [hbm4b:s2+s13], $0x1, v1, vm0, $0x4038;
	[tilespmem:$0x8400] =	vst v63  }
0x60: {  	(ifvalue) =	ssetifvalue $0x7FFFFFFF;
	v1 =	vadd.s32 $0x7A1780, v0  }
0x61: {  	s24 =	sadd.s32 $0x1300, s20;
	(ifvalue) =	ssetifvalue $0x7FFFFFFF  }
0x62: {  	[tilespmem:s24], [sflag:$0x1] =	stream.indirect_vreg.gather [hbm4b:s2+s13], $0x1, v2, vm0, $0x4038;
	[tilespmem:$0x8400] =	vst v63  }
0x63: {  	(ifvalue) =	ssetifvalue $0x7FFFFFFF;
	v2 =	vadd.s32 $0xF42800, v0  }
0x64: {  	s25 =	sadd.s32 $0x1380, s20;
	(ifvalue) =	ssetifvalue $0x7FFFFFFF  }
0x65: {  	[tilespmem:s25], [sflag:$0x1] =	stream.indirect_vreg.gather [hbm4b:s2+s13], $0x1, v1, vm0, $0x4038;
	[tilespmem:$0x8400] =	vst v63  }
0x66: {  	(ifvalue) =	ssetifvalue $0x7FFFFFFF;
	v1 =	vadd.s32 $0xF42880, v0  }
0x67: {  	s26 =	sadd.s32 $0x2000, s20;
	(ifvalue) =	ssetifvalue $0x7FFFFFFF  }
0x68: {  	[tilespmem:s26], [sflag:$0x1] =	stream.indirect_vreg.gather [hbm4b:s2+s13], $0x1, v2, vm0, $0x4038;
	[tilespmem:$0x8400] =	vst v63  }
0x69: {  	(ifvalue) =	ssetifvalue $0x7FFFFFFF;
	v2 =	vadd.s32 $0xF42900, v0  }
0x6a: {  	s28 =	sadd.s32 $0x2080, s20;
	(ifvalue) =	ssetifvalue $0x7FFFFFFF  }
0x6b: {  	[tilespmem:s28], [sflag:$0x1] =	stream.indirect_vreg.gather [hbm4b:s2+s13], $0x1, v1, vm0, $0x4038;
	[tilespmem:$0x8400] =	vst v63  }
0x6c: {  	(ifvalue) =	ssetifvalue $0x7FFFFFFF;
	v1 =	vadd.s32 $0xF42980, v0  }
0x6d: {  	s29 =	sadd.s32 $0x2100, s20;
	(ifvalue) =	ssetifvalue $0x7FFFFFFF  }
0x6e: {  	[tilespmem:s29], [sflag:$0x1] =	stream.indirect_vreg.gather [hbm4b:s2+s13], $0x1, v2, vm0, $0x4038;
	[tilespmem:$0x8400] =	vst v63  }
0x6f: {  	(ifvalue) =	ssetifvalue $0x7FFFFFFF;
	v2 =	vadd.s32 $0xF42A00, v0  }
0x70: {  	s30 =	sadd.s32 $0x2180, s20;
	(ifvalue) =	ssetifvalue $0x7FFFFFFF  }
0x71: {  	[tilespmem:s30], [sflag:$0x1] =	stream.indirect_vreg.gather [hbm4b:s2+s13], $0x1, v1, vm0, $0x4038;
	[tilespmem:$0x8400] =	vst v63  }
0x72: {  	(ifvalue) =	ssetifvalue $0x7FFFFFFF;
	v1 =	vadd.s32 $0xF42A80, v0  }
0x73: {  	s31 =	sadd.s32 $0x2200, s20;
	(ifvalue) =	ssetifvalue $0x7FFFFFFF  }
0x74: {  	[tilespmem:s31], [sflag:$0x1] =	stream.indirect_vreg.gather [hbm4b:s2+s13], $0x1, v2, vm0, $0x4038;
	[tilespmem:$0x8400] =	vst v63  }
0x75: {  	(ifvalue) =	ssetifvalue $0x7FFFFFFF;
	v2 =	vadd.s32 $0xF42B00, v0  }
0x76: {  	s21 =	sadd.s32 $0x2280, s20;
	(ifvalue) =	ssetifvalue $0x7FFFFFFF  }
0x77: {  	[tilespmem:s21], [sflag:$0x1] =	stream.indirect_vreg.gather [hbm4b:s2+s13], $0x1, v1, vm0, $0x4038;
	[tilespmem:$0x8400] =	vst v63  }
0x78: {  	(ifvalue) =	ssetifvalue $0x7FFFFFFF;
	v1 =	vadd.s32 $0xF42B80, v0  }
0x79: {  	s22 =	sadd.s32 $0x2300, s20;
	(ifvalue) =	ssetifvalue $0x7FFFFFFF  }
0x7a: {  	[tilespmem:s22], [sflag:$0x1] =	stream.indirect_vreg.gather [hbm4b:s2+s13], $0x1, v2, vm0, $0x4038;
	[tilespmem:$0x8400] =	vst v63  }
0x7b: {  	(ifvalue) =	ssetifvalue $0x7FFFFFFF;
	v2 =	vadd.s32 $0x16E3C00, v0  }
0x7c: {  	s23 =	sadd.s32 $0x2380, s20;
	(ifvalue) =	ssetifvalue $0x7FFFFFFF  }
0x7d: {  	[tilespmem:s23], [sflag:$0x1] =	stream.indirect_vreg.gather [hbm4b:s2+s13], $0x1, v1, vm0, $0x4038;
	[tilespmem:$0x8400] =	vst v63  }
0x7e: {  	(ifvalue) =	ssetifvalue $0x7FFFFFFF;
	v1 =	vadd.s32 $0x16E3C80, v0  }
0x7f: {  	s24 =	sadd.s32 $0x3000, s20;
	(ifvalue) =	ssetifvalue $0x7FFFFFFF  }
0x80: {  	[tilespmem:s24], [sflag:$0x1] =	stream.indirect_vreg.gather [hbm4b:s2+s13], $0x1, v2, vm0, $0x4038;
	[tilespmem:$0x8400] =	vst v63  }
0x81: {  	(ifvalue) =	ssetifvalue $0x7FFFFFFF;
	v2 =	vadd.s32 $0x16E3D00, v0  }
0x82: {  	s25 =	sadd.s32 $0x3080, s20;
	(ifvalue) =	ssetifvalue $0x7FFFFFFF  }
0x83: {  	[tilespmem:s25], [sflag:$0x1] =	stream.indirect_vreg.gather [hbm4b:s2+s13], $0x1, v1, vm0, $0x4038;
	[tilespmem:$0x8400] =	vst v63  }
0x84: {  	(ifvalue) =	ssetifvalue $0x7FFFFFFF;
	v1 =	vadd.s32 $0x16E3D80, v0  }
0x85: {  	s26 =	sadd.s32 $0x3100, s20;
	(ifvalue) =	ssetifvalue $0x7FFFFFFF  }
0x86: {  	[tilespmem:s26], [sflag:$0x1] =	stream.indirect_vreg.gather [hbm4b:s2+s13], $0x1, v2, vm0, $0x4038;
	[tilespmem:$0x8400] =	vst v63  }
0x87: {  	(ifvalue) =	ssetifvalue $0x7FFFFFFF;
	v2 =	vadd.s32 $0x16E3E00, v0  }
0x88: {  	s28 =	sadd.s32 $0x3180, s20;
	(ifvalue) =	ssetifvalue $0x7FFFFFFF  }
0x89: {  	[tilespmem:s28], [sflag:$0x1] =	stream.indirect_vreg.gather [hbm4b:s2+s13], $0x1, v1, vm0, $0x4038;
	[tilespmem:$0x8400] =	vst v63  }
0x8a: {  	(ifvalue) =	ssetifvalue $0x7FFFFFFF;
	v1 =	vadd.s32 $0x16E3E80, v0  }
0x8b: {  	s29 =	sadd.s32 $0x3200, s20;
	(ifvalue) =	ssetifvalue $0x7FFFFFFF  }
0x8c: {  	[tilespmem:s29], [sflag:$0x1] =	stream.indirect_vreg.gather [hbm4b:s2+s13], $0x1, v2, vm0, $0x4038;
	[tilespmem:$0x8400] =	vst v63  }
0x8d: {  	(ifvalue) =	ssetifvalue $0x7FFFFFFF;
	v2 =	vadd.s32 $0x16E3F00, v0  }
0x8e: {  	s30 =	sadd.s32 $0x3280, s20;
	(ifvalue) =	ssetifvalue $0x7FFFFFFF  }
0x8f: {  	[tilespmem:s30], [sflag:$0x1] =	stream.indirect_vreg.gather [hbm4b:s2+s13], $0x1, v1, vm0, $0x4038;
	[tilespmem:$0x8400] =	vst v63  }
0x90: {  	v0 =	vadd.s32 $0x16E3F80, v0;
	(ifvalue) =	ssetifvalue $0x7FFFFFFF  }
0x91: {  	s31 =	sadd.s32 $0x3300, s20;
	(ifvalue) =	ssetifvalue $0x7FFFFFFF  }
0x92: {  	[tilespmem:s31], [sflag:$0x1] =	stream.indirect_vreg.gather [hbm4b:s2+s13], $0x1, v2, vm0, $0x4038;
	[tilespmem:$0x8400] =	vst v63  }
0x93: {  	s19 =	sadd.s32 $0x10, s19;
	s18 =	simm.s32 $0x10;
	(ifvalue) =	ssetifvalue $0x7FFFFFFF  }
0x94: {  	s21 =	sadd.s32 $0x3380, s20;
	s20 =	simm.s32 $0x80;
	(ifvalue) =	ssetifvalue $0x7FFFFFFF  }
.LBB2_3:
0x95: {  	[tilespmem:s21], [sflag:$0x1] =	stream.indirect_vreg.gather [hbm4b:s2+s13], $0x1, v0, vm0, $0x4038;
	[tilespmem:$0x8400] =	vst v63  }
0x96: {  	p1 =	sne.s32 s18, $0x1F0;
	s22 =	smov.u32 s18;
	s18 =	sadd.s32 $0x10, s18;
	v0 =	vld.msk [tilespmem:s19+$0x0 ss:$0x1], $0xffff  }
0x97: {  	(ifvalue) =	ssetifvalue $0x7FFFFFFF;
	_ =	sdelay $0x4  }
0x98: {  	vm1 =	vgt.s32 v0, $0x0  }
0x99: {  	v0 =	vnsel vm1, $0x0, v0  }
0x9a: {  	v0 =	vmin.u32 v0, $0xF423F  }
0x9b: {  	v1 =	vshll.u32 v0, $0x3  }
0x9c: {  	v0 =	vand.u32 $0x7F, v0;
	v1 =	vand.u32 $0x7FFC00, v1  }
0x9d: {  	v0 =	vor.u32 v0, v1;
	_ =	sdelay $0x1  }
0x9e: {  	s21 =	sand.u32 $0xC00, s20  }
0x9f: {  	s23 =	sand.u32 $0x70, s22;
	s21 =	sadd.s32 s21, s17;
	v1 =	vor.u32 $0x80, v0  }
0xa0: {  	s21 =	sadd.s32 s23, s21;
	(ifvalue) =	ssetifvalue $0x7FFFFFFF  }
0xa1: {  	[tilespmem:s21], [sflag:$0x1] =	stream.indirect_vreg.gather [hbm4b:s2+s13], $0x1, v0, vm0, $0x4038;
	[tilespmem:$0x8400] =	vst v63  }
0xa2: {  	v2 =	vor.u32 $0x100, v0;
	(ifvalue) =	ssetifvalue $0x7FFFFFFF  }
0xa3: {  	s23 =	sadd.s32 $0x80, s21;
	(ifvalue) =	ssetifvalue $0x7FFFFFFF  }
0xa4: {  	[tilespmem:s23], [sflag:$0x1] =	stream.indirect_vreg.gather [hbm4b:s2+s13], $0x1, v1, vm0, $0x4038;
	[tilespmem:$0x8400] =	vst v63  }
0xa5: {  	v1 =	vor.u32 $0x180, v0;
	(ifvalue) =	ssetifvalue $0x7FFFFFFF  }
0xa6: {  	s23 =	sadd.s32 $0x100, s21;
	(ifvalue) =	ssetifvalue $0x7FFFFFFF  }
0xa7: {  	[tilespmem:s23], [sflag:$0x1] =	stream.indirect_vreg.gather [hbm4b:s2+s13], $0x1, v2, vm0, $0x4038;
	[tilespmem:$0x8400] =	vst v63  }
0xa8: {  	v2 =	vor.u32 $0x200, v0;
	(ifvalue) =	ssetifvalue $0x7FFFFFFF  }
0xa9: {  	s23 =	sadd.s32 $0x180, s21;
	(ifvalue) =	ssetifvalue $0x7FFFFFFF  }
0xaa: {  	[tilespmem:s23], [sflag:$0x1] =	stream.indirect_vreg.gather [hbm4b:s2+s13], $0x1, v1, vm0, $0x4038;
	[tilespmem:$0x8400] =	vst v63  }
0xab: {  	v1 =	vor.u32 $0x280, v0;
	(ifvalue) =	ssetifvalue $0x7FFFFFFF  }
0xac: {  	s23 =	sadd.s32 $0x200, s21;
	(ifvalue) =	ssetifvalue $0x7FFFFFFF  }
0xad: {  	[tilespmem:s23], [sflag:$0x1] =	stream.indirect_vreg.gather [hbm4b:s2+s13], $0x1, v2, vm0, $0x4038;
	[tilespmem:$0x8400] =	vst v63  }
0xae: {  	v2 =	vor.u32 $0x300, v0;
	(ifvalue) =	ssetifvalue $0x7FFFFFFF  }
0xaf: {  	s23 =	sadd.s32 $0x280, s21;
	(ifvalue) =	ssetifvalue $0x7FFFFFFF  }
0xb0: {  	[tilespmem:s23], [sflag:$0x1] =	stream.indirect_vreg.gather [hbm4b:s2+s13], $0x1, v1, vm0, $0x4038;
	[tilespmem:$0x8400] =	vst v63  }
0xb1: {  	v1 =	vor.u32 $0x380, v0;
	(ifvalue) =	ssetifvalue $0x7FFFFFFF  }
0xb2: {  	s22 =	sor.u32 s20, s22;
	s23 =	sadd.s32 $0x300, s21;
	(ifvalue) =	ssetifvalue $0x7FFFFFFF  }
0xb3: {  	[tilespmem:s23], [sflag:$0x1] =	stream.indirect_vreg.gather [hbm4b:s2+s13], $0x1, v2, vm0, $0x4038;
	[tilespmem:$0x8400] =	vst v63  }
0xb4: {  	s22 =	sor.u32 $0x380, s22;
	v2 =	vadd.s32 $0x7A1400, v0;
	(ifvalue) =	ssetifvalue $0x7FFFFFFF  }
0xb5: {  	s22 =	sadd.s32 s22, s17;
	(ifvalue) =	ssetifvalue $0x7FFFFFFF  }
0xb6: {  	[tilespmem:s22], [sflag:$0x1] =	stream.indirect_vreg.gather [hbm4b:s2+s13], $0x1, v1, vm0, $0x4038;
	[tilespmem:$0x8400] =	vst v63  }
0xb7: {  	v1 =	vadd.s32 $0x7A1480, v0;
	(ifvalue) =	ssetifvalue $0x7FFFFFFF  }
0xb8: {  	s22 =	sadd.s32 $0x1000, s21;
	(ifvalue) =	ssetifvalue $0x7FFFFFFF  }
0xb9: {  	[tilespmem:s22], [sflag:$0x1] =	stream.indirect_vreg.gather [hbm4b:s2+s13], $0x1, v2, vm0, $0x4038;
	[tilespmem:$0x8400] =	vst v63  }
0xba: {  	v2 =	vadd.s32 $0x7A1500, v0;
	(ifvalue) =	ssetifvalue $0x7FFFFFFF  }
0xbb: {  	s22 =	sadd.s32 $0x1080, s21;
	(ifvalue) =	ssetifvalue $0x7FFFFFFF  }
0xbc: {  	[tilespmem:s22], [sflag:$0x1] =	stream.indirect_vreg.gather [hbm4b:s2+s13], $0x1, v1, vm0, $0x4038;
	[tilespmem:$0x8400] =	vst v63  }
0xbd: {  	v1 =	vadd.s32 $0x7A1580, v0;
	(ifvalue) =	ssetifvalue $0x7FFFFFFF  }
0xbe: {  	s22 =	sadd.s32 $0x1100, s21;
	(ifvalue) =	ssetifvalue $0x7FFFFFFF  }
0xbf: {  	[tilespmem:s22], [sflag:$0x1] =	stream.indirect_vreg.gather [hbm4b:s2+s13], $0x1, v2, vm0, $0x4038;
	[tilespmem:$0x8400] =	vst v63  }
0xc0: {  	v2 =	vadd.s32 $0x7A1600, v0;
	(ifvalue) =	ssetifvalue $0x7FFFFFFF  }
0xc1: {  	s22 =	sadd.s32 $0x1180, s21;
	(ifvalue) =	ssetifvalue $0x7FFFFFFF  }
0xc2: {  	[tilespmem:s22], [sflag:$0x1] =	stream.indirect_vreg.gather [hbm4b:s2+s13], $0x1, v1, vm0, $0x4038;
	[tilespmem:$0x8400] =	vst v63  }
0xc3: {  	v1 =	vadd.s32 $0x7A1680, v0;
	(ifvalue) =	ssetifvalue $0x7FFFFFFF  }
0xc4: {  	s22 =	sadd.s32 $0x1200, s21;
	(ifvalue) =	ssetifvalue $0x7FFFFFFF  }
0xc5: {  	[tilespmem:s22], [sflag:$0x1] =	stream.indirect_vreg.gather [hbm4b:s2+s13], $0x1, v2, vm0, $0x4038;
	[tilespmem:$0x8400] =	vst v63  }
0xc6: {  	v2 =	vadd.s32 $0x7A1700, v0;
	(ifvalue) =	ssetifvalue $0x7FFFFFFF  }
0xc7: {  	s22 =	sadd.s32 $0x1280, s21;
	(ifvalue) =	ssetifvalue $0x7FFFFFFF  }
0xc8: {  	[tilespmem:s22], [sflag:$0x1] =	stream.indirect_vreg.gather [hbm4b:s2+s13], $0x1, v1, vm0, $0x4038;
	[tilespmem:$0x8400] =	vst v63  }
0xc9: {  	v1 =	vadd.s32 $0x7A1780, v0;
	(ifvalue) =	ssetifvalue $0x7FFFFFFF  }
0xca: {  	s22 =	sadd.s32 $0x1300, s21;
	(ifvalue) =	ssetifvalue $0x7FFFFFFF  }
0xcb: {  	[tilespmem:s22], [sflag:$0x1] =	stream.indirect_vreg.gather [hbm4b:s2+s13], $0x1, v2, vm0, $0x4038;
	[tilespmem:$0x8400] =	vst v63  }
0xcc: {  	v2 =	vadd.s32 $0xF42800, v0;
	(ifvalue) =	ssetifvalue $0x7FFFFFFF  }
0xcd: {  	s22 =	sadd.s32 $0x1380, s21;
	(ifvalue) =	ssetifvalue $0x7FFFFFFF  }
0xce: {  	[tilespmem:s22], [sflag:$0x1] =	stream.indirect_vreg.gather [hbm4b:s2+s13], $0x1, v1, vm0, $0x4038;
	[tilespmem:$0x8400] =	vst v63  }
0xcf: {  	v1 =	vadd.s32 $0xF42880, v0;
	(ifvalue) =	ssetifvalue $0x7FFFFFFF  }
0xd0: {  	s22 =	sadd.s32 $0x2000, s21;
	(ifvalue) =	ssetifvalue $0x7FFFFFFF  }
0xd1: {  	[tilespmem:s22], [sflag:$0x1] =	stream.indirect_vreg.gather [hbm4b:s2+s13], $0x1, v2, vm0, $0x4038;
	[tilespmem:$0x8400] =	vst v63  }
0xd2: {  	v2 =	vadd.s32 $0xF42900, v0;
	(ifvalue) =	ssetifvalue $0x7FFFFFFF  }
0xd3: {  	s22 =	sadd.s32 $0x2080, s21;
	(ifvalue) =	ssetifvalue $0x7FFFFFFF  }
0xd4: {  	[tilespmem:s22], [sflag:$0x1] =	stream.indirect_vreg.gather [hbm4b:s2+s13], $0x1, v1, vm0, $0x4038;
	[tilespmem:$0x8400] =	vst v63  }
0xd5: {  	v1 =	vadd.s32 $0xF42980, v0;
	(ifvalue) =	ssetifvalue $0x7FFFFFFF  }
0xd6: {  	s22 =	sadd.s32 $0x2100, s21;
	(ifvalue) =	ssetifvalue $0x7FFFFFFF  }
0xd7: {  	[tilespmem:s22], [sflag:$0x1] =	stream.indirect_vreg.gather [hbm4b:s2+s13], $0x1, v2, vm0, $0x4038;
	[tilespmem:$0x8400] =	vst v63  }
0xd8: {  	v2 =	vadd.s32 $0xF42A00, v0;
	(ifvalue) =	ssetifvalue $0x7FFFFFFF  }
0xd9: {  	s22 =	sadd.s32 $0x2180, s21;
	(ifvalue) =	ssetifvalue $0x7FFFFFFF  }
0xda: {  	[tilespmem:s22], [sflag:$0x1] =	stream.indirect_vreg.gather [hbm4b:s2+s13], $0x1, v1, vm0, $0x4038;
	[tilespmem:$0x8400] =	vst v63  }
0xdb: {  	v1 =	vadd.s32 $0xF42A80, v0;
	(ifvalue) =	ssetifvalue $0x7FFFFFFF  }
0xdc: {  	s22 =	sadd.s32 $0x2200, s21;
	(ifvalue) =	ssetifvalue $0x7FFFFFFF  }
0xdd: {  	[tilespmem:s22], [sflag:$0x1] =	stream.indirect_vreg.gather [hbm4b:s2+s13], $0x1, v2, vm0, $0x4038;
	[tilespmem:$0x8400] =	vst v63  }
0xde: {  	v2 =	vadd.s32 $0xF42B00, v0;
	(ifvalue) =	ssetifvalue $0x7FFFFFFF  }
0xdf: {  	s22 =	sadd.s32 $0x2280, s21;
	(ifvalue) =	ssetifvalue $0x7FFFFFFF  }
0xe0: {  	[tilespmem:s22], [sflag:$0x1] =	stream.indirect_vreg.gather [hbm4b:s2+s13], $0x1, v1, vm0, $0x4038;
	[tilespmem:$0x8400] =	vst v63  }
0xe1: {  	v1 =	vadd.s32 $0xF42B80, v0;
	(ifvalue) =	ssetifvalue $0x7FFFFFFF  }
0xe2: {  	s22 =	sadd.s32 $0x2300, s21;
	(ifvalue) =	ssetifvalue $0x7FFFFFFF  }
0xe3: {  	[tilespmem:s22], [sflag:$0x1] =	stream.indirect_vreg.gather [hbm4b:s2+s13], $0x1, v2, vm0, $0x4038;
	[tilespmem:$0x8400] =	vst v63  }
0xe4: {  	v2 =	vadd.s32 $0x16E3C00, v0;
	(ifvalue) =	ssetifvalue $0x7FFFFFFF  }
0xe5: {  	s22 =	sadd.s32 $0x2380, s21;
	(ifvalue) =	ssetifvalue $0x7FFFFFFF  }
0xe6: {  	[tilespmem:s22], [sflag:$0x1] =	stream.indirect_vreg.gather [hbm4b:s2+s13], $0x1, v1, vm0, $0x4038;
	[tilespmem:$0x8400] =	vst v63  }
0xe7: {  	v1 =	vadd.s32 $0x16E3C80, v0;
	(ifvalue) =	ssetifvalue $0x7FFFFFFF  }
0xe8: {  	s22 =	sadd.s32 $0x3000, s21;
	(ifvalue) =	ssetifvalue $0x7FFFFFFF  }
0xe9: {  	[tilespmem:s22], [sflag:$0x1] =	stream.indirect_vreg.gather [hbm4b:s2+s13], $0x1, v2, vm0, $0x4038;
	[tilespmem:$0x8400] =	vst v63  }
0xea: {  	v2 =	vadd.s32 $0x16E3D00, v0;
	(ifvalue) =	ssetifvalue $0x7FFFFFFF  }
0xeb: {  	s22 =	sadd.s32 $0x3080, s21;
	(ifvalue) =	ssetifvalue $0x7FFFFFFF  }
0xec: {  	[tilespmem:s22], [sflag:$0x1] =	stream.indirect_vreg.gather [hbm4b:s2+s13], $0x1, v1, vm0, $0x4038;
	[tilespmem:$0x8400] =	vst v63  }
0xed: {  	v1 =	vadd.s32 $0x16E3D80, v0;
	(ifvalue) =	ssetifvalue $0x7FFFFFFF  }
0xee: {  	s22 =	sadd.s32 $0x3100, s21;
	(ifvalue) =	ssetifvalue $0x7FFFFFFF  }
0xef: {  	[tilespmem:s22], [sflag:$0x1] =	stream.indirect_vreg.gather [hbm4b:s2+s13], $0x1, v2, vm0, $0x4038;
	[tilespmem:$0x8400] =	vst v63  }
0xf0: {  	v2 =	vadd.s32 $0x16E3E00, v0;
	(ifvalue) =	ssetifvalue $0x7FFFFFFF  }
0xf1: {  	s22 =	sadd.s32 $0x3180, s21;
	(ifvalue) =	ssetifvalue $0x7FFFFFFF  }
0xf2: {  	[tilespmem:s22], [sflag:$0x1] =	stream.indirect_vreg.gather [hbm4b:s2+s13], $0x1, v1, vm0, $0x4038;
	[tilespmem:$0x8400] =	vst v63  }
0xf3: {  	v1 =	vadd.s32 $0x16E3E80, v0;
	(ifvalue) =	ssetifvalue $0x7FFFFFFF  }
0xf4: {  	s22 =	sadd.s32 $0x3200, s21;
	(ifvalue) =	ssetifvalue $0x7FFFFFFF  }
0xf5: {  	[tilespmem:s22], [sflag:$0x1] =	stream.indirect_vreg.gather [hbm4b:s2+s13], $0x1, v2, vm0, $0x4038;
	[tilespmem:$0x8400] =	vst v63  }
0xf6: {  	v2 =	vadd.s32 $0x16E3F00, v0;
	(ifvalue) =	ssetifvalue $0x7FFFFFFF  }
0xf7: {  	s22 =	sadd.s32 $0x3280, s21;
	(ifvalue) =	ssetifvalue $0x7FFFFFFF  }
0xf8: {  	[tilespmem:s22], [sflag:$0x1] =	stream.indirect_vreg.gather [hbm4b:s2+s13], $0x1, v1, vm0, $0x4038;
	[tilespmem:$0x8400] =	vst v63  }
.Ltmp3:
0xf9: {  	v0 =	vadd.s32 $0x16E3F80, v0;
	(ifvalue) =	ssetifvalue $0x7FFFFFFF;
	(pc) =	sbr.rel @p1 .LBB2_3-.Ltmp3, $4  }
0xfa: {  	s22 =	sadd.s32 $0x3300, s21;
	(ifvalue) =	ssetifvalue $0x7FFFFFFF  }
0xfb: {  	[tilespmem:s22], [sflag:$0x1] =	stream.indirect_vreg.gather [hbm4b:s2+s13], $0x1, v2, vm0, $0x4038;
	[tilespmem:$0x8400] =	vst v63  }
0xfc: {  	s19 =	sadd.s32 $0x10, s19;
	(ifvalue) =	ssetifvalue $0x7FFFFFFF  }
0xfd: {  	s20 =	sadd.s32 $0x80, s20;
	s21 =	sadd.s32 $0x3380, s21;
	(ifvalue) =	ssetifvalue $0x7FFFFFFF  }
.Ltmp4:
0xfe: {  	_ = 	snop;
	(pc) =	sbr.rel .LBB2_4-.Ltmp4, $1  }
0xff: {  	_ =	sdelay $0x3  }
.LBB2_6:
0x100: {  	_ =	sfence.sel $0x180000  }
0x101: {  	s2 =	simm.s32 $0x2;
	[bflag:$0x0] =	sbarrier.arrive $0xFFFF  }
0x102: {  	s30 =	simm.s32 $0x3;
	[sflag:s2] =	ssyncpa.u1 $0x1  }
0x103: {  	s31 =	simm.s32 $0x1;
	[sflag:s30] =	ssyncpa.u1 $0x1  }
0x104: {  	[sflag:s31] =	ssyncpa.u1 $0x1  }
0x105: {  	p0 =	sne.s32 s0, $0x0;
	_ =	strace $0x90000047  }
0x106: {  	s0 =	sadd.s32 @!p0 $0x100000, s1;
	[bflag:$0x2] =	sbarrier.arrive $0xFFFF  }
0x107: {  	[sflag:s0] =	ssyncadd.tile.s32 @!p0 $0x1;
	_ =	shalt  }
.Lfunc_end2:
_tile_overlayer_lowered:
.L_overlay_start_2:
0x108: {  	(tag) =	ssettag $0x2  }
0x109: {  	s0 =	rddreg [dreg:$0x0];
	s2 =	stileid.u32  }
0x10a: {  	s1 =	rddreg [dreg:$0x1];
	p0 =	sne.s32 s2, $0x0  }
0x10b: {  	s3 =	rddreg [dreg:$0x2];
	[bflag:$0x3] =	sbarrier.arrive $0xFFFF;
	s2 =	simm.s32 @!p0 $0x1C01  }
0x10c: {  	[timem:s3], [sflag:s2] =	dma.local @!p0 [hbm:s0], s1  }
0x10d: {  	s0 =	simm.s32 @!p0 $0x1  }
0x10e: {  	_ =	swait.ge @!p0 [sflag:s0], s1  }
0x10f: {  	s1 =	ssub.s32 @!p0 $0x0, s1;
	[sflag:s0] =	ssyncset.done @!p0 $0x0  }
0x110: {  	[sflag:s0] =	ssyncadd.s32 @!p0 s1  }
0x111: {  	[bflag:$0x3] =	sbarrier.arrive $0xFFFF  }
0x112: {  	_ =	shalt  }

// kernel: gather_offload_async_start
scs
__scs_entry_jumppad:
0x0: {  	(pc) =	sbr.rel $0x88, $3  }
0x1: {  	(tag) =	ssettag $0x0;
	lr =	simm.s32 $0x1  }
0x2: {  	[smem:$0x3F8F] =	sst lr;
	_ =	strace $0xD0000000  }
0x3: {  	_ = 	snop  }
0x4: {  	_ = 	snop  }
0x5: {  	_ = 	snop  }
0x6: {  	_ = 	snop  }
0x7: {  	_ = 	snop  }
__scs_overlays_trampoline_lowered:
0x8: {  	[smem:$0x3F9E] =	sst s0  }
0x9: {  	[smem:$0x3F9F] =	sst s1  }
0xa: {  	[smem:$0x3FA0] =	sst s2  }
0xb: {  	[smem:$0x3FA1] =	sst s3  }
0xc: {  	[smem:$0x3FA2] =	sst s4  }
0xd: {  	[smem:$0x3FA3] =	sst s5  }
0xe: {  	[smem:$0x3FA4] =	sst s6  }
0xf: {  	[smem:$0x3FA5] =	sst s7  }
0x10: {  	[smem:$0x3FA6] =	sst s8  }
0x11: {  	[smem:$0x3FA7] =	sst s9;
	s0 =	simm.s32 @!p0 $0x0  }
0x12: {  	s1 =	sld [smem:$0x3F8D];
	s0 =	simm.s32 @p0 $0x1  }
0x13: {  	[smem:$0x3FA8] =	sst s0;
	s0 =	simm.s32 @!p1 $0x0  }
0x14: {  	s2 =	sld [smem:$0x3F8C];
	s0 =	simm.s32 @p1 $0x1  }
0x15: {  	[smem:$0x3FA9] =	sst s0;
	s0 =	simm.s32 @!p2 $0x0  }
0x16: {  	s3 =	sld [smem:$0x3FDB];
	s0 =	simm.s32 @p2 $0x1  }
0x17: {  	s4 =	simm.s32 $0x1BF5;
	[smem:$0x3FAB] =	sst s0  }
0x18: {  	s0 =	sld [smem:$0x3F8E];
	_ =	swait.ge [sflag:s4], $0x0  }
0x19: {  	s7 =	sld [smem:$0x3F8F]  }
0x1a: {  	s8 =	sadd.s32 $0xFFFFE003, lr  }
0x1b: {  	s9 =	sadd.s32 $0xFFFFFEF7, lr;
	s5 =	simm.s32 $0xFFFFFFFF;
	p2 =	slt.u32 s8, $0xFFFFF086  }
0x1c: {  	p1 =	slt.u32 s9, $0xF7A;
	s5 =	simm.s32 @!p2 $0x0  }
0x1d: {  	s5 =	simm.s32 @p1 $0x1;
	p0 =	seq.s32 s7, s2  }
0x1e: {  	s7 =	smul.u32 @!p0 $0xF7A, s2;
	p2 =	seq.s32 @!p0 s5, $0x0  }
0x1f: {  	s9 =	smul.u32 $0xF7A, s1;
	s8 =	simm.s32 @!p0 $0x1BF5;
	p2 =	por !p2, p0  }
0x20: {  	[sflag:s8] =	ssyncset.s32 @!p0 $0xFFFFF086;
	s6 =	sadd.s32 @!p0 s3, s7;
	s7 =	simm.s32 @!p0 $0x108  }
0x21: {  	s3 =	sadd.s32 s3, s9;
	s6 =	sadd.s32 @!p0 $0x88, s6;
	s7 =	simm.s32 @p2 $0x1082  }
0x22: {  	[simem:s7], [sflag:s8] =	dma.local @!p0 [hbm:s6], $0xF7A  }
0x23: {  	s9 =	sor.u32 $0xD0000000, s2;
	s6 =	simm.s32 $0x108;
	_ =	swait.ge @!p0 [sflag:s8], $0x0  }
0x24: {  	s3 =	sadd.s32 $0x88, s3;
	s6 =	simm.s32 @!p1 $0x1082;
	[sflag:s4] =	ssyncset.s32 $0xFFFFF086  }
0x25: {  	[simem:s6], [sflag:s4] =	dma.local [hbm:s3], $0xF7A  }
0x26: {  	[smem:$0x3F8F] =	sst s1;
	(tag) =	ssettag s2;
	_ =	strace s9  }
0x27: {  	s1 =	sld [smem:$0x3F9F]  }
0x28: {  	s2 =	sld [smem:$0x3FA0]  }
0x29: {  	s4 =	sld [smem:$0x3FA2]  }
0x2a: {  	p0 =	seq.s32 s5, $0x0;
	s5 =	sld [smem:$0x3FA3]  }
0x2b: {  	s6 =	sld [smem:$0x3FA4]  }
0x2c: {  	s7 =	sld [smem:$0x3FA5]  }
0x2d: {  	s3 =	simm.s32 $0x108;
	s8 =	sld [smem:$0x3FA6]  }
0x2e: {  	s3 =	simm.s32 @!p0 $0x1082;
	s9 =	sld [smem:$0x3FA7]  }
0x2f: {  	lr =	sadd.s32 s0, s3;
	s0 =	sld [smem:$0x3F9E]  }
0x30: {  	s3 =	sld [smem:$0x3FA1]  }
0x31: {  	[smem:$0x3FAA] =	sst s10  }
0x32: {  	s10 =	sld [smem:$0x3FA8];
	_ =	sdelay $0x3  }
0x33: {  	p0 =	seq.s32 s10, $0x1;
	s10 =	sld [smem:$0x3FAA];
	_ =	sdelay $0x3  }
0x34: {  	[smem:$0x3FAA] =	sst s10  }
0x35: {  	s10 =	sld [smem:$0x3FA9];
	_ =	sdelay $0x3  }
0x36: {  	p1 =	seq.s32 s10, $0x1;
	s10 =	sld [smem:$0x3FAA];
	_ =	sdelay $0x3  }
0x37: {  	[smem:$0x3FAA] =	sst s10  }
0x38: {  	s10 =	sld [smem:$0x3FAB]  }
0x39: {  	_ = 	snop;
	(pc) =	sbr.ind lr, $3  }
0x3a: {  	_ = 	snop  }
0x3b: {  	_ = 	snop  }
0x3c: {  	p2 =	seq.s32 s10, $0x1;
	s10 =	sld [smem:$0x3FAA]  }
0x3d: {  	_ =	shalt  }
0x3e: {  	_ =	shalt  }
0x3f: {  	_ =	shalt  }
0x40: {  	_ =	shalt  }
0x41: {  	_ =	shalt  }
0x42: {  	_ =	shalt  }
0x43: {  	_ =	shalt  }
0x44: {  	_ =	shalt  }
0x45: {  	_ =	shalt  }
0x46: {  	_ =	shalt  }
0x47: {  	_ =	shalt  }
0x48: {  	_ =	shalt  }
0x49: {  	_ =	shalt  }
0x4a: {  	_ =	shalt  }
0x4b: {  	_ =	shalt  }
0x4c: {  	_ =	shalt  }
0x4d: {  	_ =	shalt  }
0x4e: {  	_ =	shalt  }
0x4f: {  	_ =	shalt  }
0x50: {  	_ =	shalt  }
0x51: {  	_ =	shalt  }
0x52: {  	_ =	shalt  }
0x53: {  	_ =	shalt  }
0x54: {  	_ =	shalt  }
0x55: {  	_ =	shalt  }
0x56: {  	_ =	shalt  }
0x57: {  	_ =	shalt  }
0x58: {  	_ =	shalt  }
0x59: {  	_ =	shalt  }
0x5a: {  	_ =	shalt  }
0x5b: {  	_ =	shalt  }
0x5c: {  	_ =	shalt  }
0x5d: {  	_ =	shalt  }
0x5e: {  	_ =	shalt  }
0x5f: {  	_ =	shalt  }
0x60: {  	_ =	shalt  }
0x61: {  	_ =	shalt  }
0x62: {  	_ =	shalt  }
0x63: {  	_ =	shalt  }
0x64: {  	_ =	shalt  }
0x65: {  	_ =	shalt  }
0x66: {  	_ =	shalt  }
0x67: {  	_ =	shalt  }
0x68: {  	_ =	shalt  }
0x69: {  	_ =	shalt  }
0x6a: {  	_ =	shalt  }
0x6b: {  	_ =	shalt  }
0x6c: {  	_ =	shalt  }
0x6d: {  	_ =	shalt  }
0x6e: {  	_ =	shalt  }
0x6f: {  	_ =	shalt  }
0x70: {  	_ =	shalt  }
0x71: {  	_ =	shalt  }
0x72: {  	_ =	shalt  }
0x73: {  	_ =	shalt  }
0x74: {  	_ =	shalt  }
0x75: {  	_ =	shalt  }
0x76: {  	_ =	shalt  }
0x77: {  	_ =	shalt  }
0x78: {  	_ =	shalt  }
0x79: {  	_ =	shalt  }
0x7a: {  	_ =	shalt  }
0x7b: {  	_ =	shalt  }
0x7c: {  	_ =	shalt  }
0x7d: {  	_ =	shalt  }
0x7e: {  	_ =	shalt  }
0x7f: {  	_ =	shalt  }
0x80: {  	_ =	shalt  }
0x81: {  	_ =	shalt  }
0x82: {  	_ =	shalt  }
0x83: {  	_ =	shalt  }
0x84: {  	_ =	shalt  }
0x85: {  	_ =	shalt  }
0x86: {  	_ =	shalt  }
0x87: {  	_ =	shalt  }
.Lfunc_end0:
.L_simem_size_0:
called_computation_lowered:
.L_overlay_start_0:
0x88: {  	s2 =	sld [smem:$0x3FD9]  }
0x89: {  	s3 =	sld [smem:$0x3FFE];
	_ =	sdelay $0x1  }
0x8a: {  	s1 =	srdreg.scid  }
0x8b: {  	s0 =	sand.u32 $0x1, s1  }
0x8c: {  	s17 =	sshll.u32 s0, $0xA;
	s2 =	sadd.s32 s3, s2  }
0x8d: {  	s2 =	sadd.s32 s2, s17  }
0x8e: {  	[smem:$0x3FB6] =	sst s2  }
0x8f: {  	_ = 	snop  }
0x90: {  	s18 =	sld [smem:$0x3FC3];
	(tm) =	ssettm $0x1  }
0x91: {  	s19 =	sld [smem:$0x3FFB];
	_ =	sdelay $0x3  }
0x92: {  	_ =	strace s19  }
0x93: {  	s2 =	sld [smem:$0x3FFC];
	_ =	sdelay $0x3  }
0x94: {  	_ =	strace s2  }
0x95: {  	s2 =	sld [smem:$0x3FFD];
	_ =	sdelay $0x3  }
0x96: {  	_ =	strace s2  }
0x97: {  	_ =	strace $0x8FFFFFFF  }
0x98: {  	s20 =	sld [smem:$0x3FDB];
	_ =	sdelay $0x1  }
0x99: {  	s4 =	simm.s32 $_scs_section_size  }
0x9a: {  	s5 =	simm.s32 $_size__tile_overlayer_lowered;
	s6 =	simm.s32 $_tile_overlayer_lowered  }
0x9b: {  	s7 =	simm.s32 $0x1BFF;
	s21 =	sshll.u32 s6, $0x1;
	s4 =	sadd.s32 s4, s20  }
0x9c: {  	s22 =	simm.s32 $0x0;
	s5 =	sshll.u32 s5, $0x1;
	s6 =	sadd.s32 s21, s4  }
0x9d: {  	[timem:s22], [sflag:s7] =	dma.local [hbm:s6], s5  }
0x9e: {  	_ =	swait.ge [sflag:s7], s5  }
0x9f: {  	s5 =	ssub.s32 $0x0, s5;
	[sflag:s7] =	ssyncset.done $0x0  }
0xa0: {  	[sflag:s7] =	ssyncadd.s32 s5;
	_ =	sdelay $0x1  }
0xa1: {  	s23 =	simm.s32 $0x1B8B  }
0xa2: {  	_ =	swait.ge [sflag:s23], $0x1  }
0xa3: {  	[sflag:s23] =	ssyncset.done $0x0  }
0xa4: {  	[sflag:s23] =	ssyncadd.s32 $0xFFFFFFFF  }
0xa5: {  	s5 =	sld [smem:$0x0]  }
0xa6: {  	s6 =	sand.u32 $0xFFFFFFFE, s1  }
0xa7: {  	p0 =	sne.s32 s1, s6  }
0xa8: {  	s6 =	sshll.u32 @p0 s6, $0xE  }
0xa9: {  	s6 =	sadd.s32 @p0 $0x11B8D, s6;
	s7 =	sshll.u32 @p0 s5, $0x11  }
0xaa: {  	s6 =	sor.u32 @p0 s7, s6  }
0xab: {  	[sflag:s6] =	ssyncadd.remote.s32 @p0 $0x1;
	_ =	sdelay $0x1  }
0xac: {  	s6 =	simm.s32 @p0 $0x1B8D  }
0xad: {  	_ =	swait.eq @p0 [sflag:s6], $0x1  }
0xae: {  	[sflag:s6] =	ssyncadd.s32 @p0 $0xFFFFFFFF  }
0xaf: {  	s7 =	sshll.u32 @!p0 s1, $0xE  }
0xb0: {  	s7 =	sor.u32 @!p0 $0x4000, s7;
	s6 =	simm.s32 @!p0 $0x1B8D  }
0xb1: {  	s5 =	sshll.u32 @!p0 s5, $0x11;
	s7 =	sadd.s32 @!p0 $0x11B8D, s7;
	_ =	swait.eq @!p0 [sflag:s6], $0x1  }
0xb2: {  	s5 =	sor.u32 @!p0 s5, s7;
	[sflag:s6] =	ssyncadd.s32 @!p0 $0xFFFFFFFF  }
0xb3: {  	s25 =	simm.s32 $0x1B8E;
	s24 =	sld [smem:$0x3FFE];
	[sflag:s5] =	ssyncadd.remote.s32 @!p0 $0x1  }
0xb4: {  	s26 =	simm.s32 $execute0_lowered;
	[smem:$0x3FD2] =	sst s25  }
0xb5: {  	s6 =	sshll.u32 s26, $0x1;
	_ =	strace $0x8000004C;
	[dreg:$0x1] =	wrdreg $0xFFFFFFFF  }
0xb6: {  	s28 =	simm.s32 $_size_execute0_lowered;
	s4 =	sadd.s32 s4, s6;
	[dreg:$0x0] =	wrdreg $0x0  }
0xb7: {  	s6 =	sshll.u32 s28, $0x1;
	[dreg:$0x2] =	wrdreg s4  }
0xb8: {  	[dreg:$0x3] =	wrdreg s6  }
0xb9: {  	[dreg:$0x4] =	wrdreg $0xC0  }
0xba: {  	_ =	task [dreg:s22], $0x5FFFF  }
0xbb: {  	[dreg:$0x1] =	wrdreg $0xFFFFFFFF  }
0xbc: {  	[dreg:$0x0] =	wrdreg $0x60  }
0xbd: {  	[dreg:$0x2] =	wrdreg s18  }
0xbe: {  	[dreg:$0x3] =	wrdreg s24  }
0xbf: {  	[dreg:$0x4] =	wrdreg $0x9  }
0xc0: {  	_ =	task.clear_ibuf [dreg:s22], $0x5FFFF;
	_ =	strace $0x9000004C  }
0xc1: {  	s29 =	simm.s32 $0x9;
	_ =	strace $0x8000004E  }
0xc2: {  	_ =	swait.ge [sflag:s29], $0x1  }
0xc3: {  	[sflag:s29] =	ssyncadd.s32 $0xFFFFFFFF  }
0xc4: {  	_ =	strace $0x9000004E  }
0xc5: {  	_ =	sfence  }
0xc6: {  	s30 =	sld [smem:$0x0];
	_ =	sdelay $0x2  }
0xc7: {  	s31 =	sshll.u32 s1, $0xD;
	s1 =	sshrl.u32 s1, $0x2  }
0xc8: {  	s4 =	sand.u32 $0x4000, s31;
	s1 =	sadd.s32 s1, s30  }
0xc9: {  	s0 =	sor.u32 s4, s0;
	s1 =	sshll.u32 s1, $0x11  }
0xca: {  	s0 =	sor.u32 s1, s0  }
0xcb: {  	s0 =	sadd.s32 $0x8F2B, s0  }
0xcc: {  	[sflag:s0] =	ssyncadd.remote.s32 $0x1  }
0xcd: {  	_ =	sfence.sel $0xFFFF  }
0xce: {  	[dreg:$0x0] =	wrdreg $0xFFFFFFFF;
	(pc) =	sbr.abs _section_cstart, $3  }
0xcf: {  	[dreg:$0x1] =	wrdreg $0xFFFFFFFF  }
0xd0: {  	_ =	task.clear_ibuf [dreg:s22], $0x2FFFF;
	_ =	strace $0x9FFFFFFF  }
0xd1: {  	(tm) =	ssettm $0x7FFFFFFF  }
tec
execute0_lowered:
.L_overlay_start_1:
0x0: {  	(tag) =	ssettag $0x1  }
0x1: {  	s1 =	srdreg.scid  }
0x2: {  	s2 =	rddreg [dreg:$0x0];
	s0 =	stileid.u32  }
0x3: {  	s11 =	rddreg [dreg:$0x1];
	s5 =	simm.s32 $0x2;
	s1 =	sshll.u32 s1, $0x9  }
0x4: {  	s9 =	simm.s32 $0x3;
	s3 =	sshll.u32 s0, $0xA;
	s4 =	sand.u32 $0x200, s1  }
0x5: {  	s13 =	simm.s32 $0x0;
	s15 =	simm.s32 $0x0;
	s3 =	sor.u32 s3, s4  }
0x6: {  	s14 =	simm.s32 $0x0;
	s1 =	rddreg [dreg:$0x2];
	s4 =	sshrl.u32 s3, $0x3  }
0x7: {  	_ =	strace $0x8000004D;
	s6 =	ssub.s32 $0x4000, s3;
	s8 =	sadd.s32 s4, s11  }
0x8: {  	s4 =	simm.s32 $0x1;
	s7 =	sand.u32 $0x3E00, s6;
	s10 =	sshrl.u32 s6, $0xE  }
.Ltmp0:
0x9: {  	s6 =	sadd.s32 $0x29000, s11;
	[sflag:s4] =	ssyncpa.u1 $0x0;
	(pc) =	sbr.rel .LBB2_1-.Ltmp0, $4  }
0xa: {  	p0 =	sne.s32 s7, $0x0;
	s7 =	simm.s32 $0x1;
	s8 =	sadd.s32 $0x28800, s8  }
0xb: {  	[sflag:s5] =	ssyncpa.u1 $0x0;
	s7 =	simm.s32 @!p0 $0x0;
	p0 =	por $0x0, $0x0  }
0xc: {  	[sflag:s9] =	ssyncpa.u1 $0x0;
	s7 =	sadd.s32 s7, s10;
	s9 =	sadd.s32 $0x2D000, s11  }
0xd: {  	vm0 =	vmmov $0xffff;
	s10 =	sadd.s32 $0x31000, s11;
	s11 =	sadd.s32 $0x35000, s11;
	s12 =	sadd.s32 $0x1, s7  }
.LBB2_4:
0xe: {  	_ =	sdelay $0x3  }
0xf: {  	[tilespmem:s21], [sflag:$0x1] =	stream.indirect_vreg.gather [hbm4b:s2+s13], $0x1, v0, vm0, $0x4038;
	[tilespmem:$0x8400] =	vst v63  }
0x10: {  	s18 =	sshll.u32 s15, $0x3  }
0x11: {  	s24 =	sand.u32 $0x78, s15;
	s18 =	sand.u32 $0x7FFFFC00, s18  }
0x12: {  	_ =	swait.ge [sflag:s4], $0x4000;
	s15 =	sor.u32 s24, s18  }
0x13: {  	[sflag:s4] =	ssyncset.done $0x0;
	s15 =	sshrl.u32 s15, $0x3  }
0x14: {  	[sflag:s4] =	ssyncadd.s32 $0xFFFFC000;
	s25 =	sadd.s32 s6, s15  }
0x15: {  	[hbm:s25] =	stream.linear.scatter [tilespmem:s17], [sflag:$0x3], $0x1000, $0x38;
	[tilespmem:$0x8400] =	vst v63  }
0x16: {  	s26 =	sadd.s32 $0x1400, s16;
	s28 =	sadd.s32 s15, s9  }
0x17: {  	[hbm:s28] =	stream.linear.scatter [tilespmem:s26], [sflag:$0x3], $0x1000, $0x38;
	[tilespmem:$0x8400] =	vst v63  }
0x18: {  	s29 =	sadd.s32 $0x2400, s16;
	s30 =	sadd.s32 s15, s10  }
0x19: {  	[hbm:s30] =	stream.linear.scatter [tilespmem:s29], [sflag:$0x3], $0x1000, $0x38;
	[tilespmem:$0x8400] =	vst v63  }
0x1a: {  	s31 =	sadd.s32 $0x3400, s16;
	s15 =	sadd.s32 s15, s11  }
0x1b: {  	[hbm:s15] =	stream.linear.scatter [tilespmem:s31], [sflag:$0x3], $0x1000, $0x38;
	[tilespmem:$0x8400] =	vst v63  }
.LBB2_5:
0x1c: {  	p2 =	sne.s32 s14, s12  }
.Ltmp1:
0x1d: {  	p1 =	slt.u32 s14, $0x2;
	(pc) =	sbr.rel @!p2 .LBB2_6-.Ltmp1, $4  }
0x1e: {  	s15 =	simm.s32 @!p1 $0x3  }
0x1f: {  	_ =	swait.ge @!p1 [sflag:s15], $0x4000  }
0x20: {  	s16 =	sadd.s32 $0x1, s14;
	p0 =	por !p0, !p0;
	[sflag:s15] =	ssyncset.done @!p1 $0x0  }
0x21: {  	s14 =	smov.u32 s16;
	[sflag:s15] =	ssyncadd.s32 @!p1 $0xFFFFC000;
	s15 =	smov.u32 s3  }
.LBB2_1:
0x22: {  	p1 =	sge.u32 s14, s7  }
0x23: {  	s16 =	sxor.u32 @!p1 $0xFFFFFFFF, s14  }
0x24: {  	s16 =	sshll.u32 @!p1 s16, $0x9  }
0x25: {  	s31 =	sadd.s32 $0xFFFFFFFF, s14;
	s17 =	simm.s32 @!p1 $0x0;
	s16 =	sand.u32 @!p1 $0x200, s16  }
0x26: {  	[tilespmem:s16], [sflag:$0x2] =	stream.linear.gather @!p1 [hbm4b:s8+s17], $0x200, $0x38;
	[tilespmem:$0x8400] =	vst v63  }
0x27: {  	p1 =	sge.u32 s31, s7  }
.Ltmp2:
0x28: {  	_ = 	snop;
	(pc) =	sbr.rel @p1 .LBB2_5-.Ltmp2, $1  }
0x29: {  	_ =	sdelay $0x3  }
0x2a: {  	s16 =	simm.s32 $0x1;
	_ =	swait.ge [sflag:s5], $0x200  }
0x2b: {  	s16 =	simm.s32 @!p0 $0x0;
	[sflag:s5] =	ssyncset.done $0x0  }
0x2c: {  	s19 =	sshll.u32 s16, $0x9;
	[sflag:s5] =	ssyncadd.s32 $0xFFFFFE00  }
0x2d: {  	v0 =	vld.msk [tilespmem:s19+$0x0 ss:$0x1], $0xffff;
	_ =	sdelay $0x4  }
0x2e: {  	vm1 =	vgt.s32 v0, $0x0  }
0x2f: {  	v0 =	vnsel vm1, $0x0, v0  }
0x30: {  	v0 =	vmin.u32 v0, $0xF423F  }
0x31: {  	v1 =	vshll.u32 v0, $0x3  }
0x32: {  	v0 =	vand.u32 $0x7F, v0;
	v1 =	vand.u32 $0x7FFC00, v1  }
0x33: {  	s22 =	sshll.u32 s14, $0xE;
	v0 =	vor.u32 v0, v1  }
0x34: {  	s18 =	simm.s32 $0x0;
	s16 =	sand.u32 $0x4000, s22  }
0x35: {  	s20 =	sand.u32 $0xC00, s18;
	s17 =	sor.u32 $0x400, s16  }
0x36: {  	s21 =	sand.u32 $0x70, s18;
	(ifvalue) =	ssetifvalue $0x7FFFFFFF;
	s20 =	sadd.s32 s20, s17;
	v1 =	vor.u32 $0x80, v0  }
0x37: {  	(ifvalue) =	ssetifvalue $0x7FFFFFFF;
	s20 =	sadd.s32 s21, s20  }
0x38: {  	[tilespmem:s20], [sflag:$0x1] =	stream.indirect_vreg.gather [hbm4b:s2+s13], $0x1, v0, vm0, $0x4038;
	[tilespmem:$0x8400] =	vst v63  }
0x39: {  	v2 =	vor.u32 $0x100, v0;
	(ifvalue) =	ssetifvalue $0x7FFFFFFF  }
0x3a: {  	s21 =	sadd.s32 $0x80, s20;
	(ifvalue) =	ssetifvalue $0x7FFFFFFF  }
0x3b: {  	[tilespmem:s21], [sflag:$0x1] =	stream.indirect_vreg.gather [hbm4b:s2+s13], $0x1, v1, vm0, $0x4038;
	[tilespmem:$0x8400] =	vst v63  }
0x3c: {  	v1 =	vor.u32 $0x180, v0;
	(ifvalue) =	ssetifvalue $0x7FFFFFFF  }
0x3d: {  	s23 =	sadd.s32 $0x100, s20;
	(ifvalue) =	ssetifvalue $0x7FFFFFFF  }
0x3e: {  	[tilespmem:s23], [sflag:$0x1] =	stream.indirect_vreg.gather [hbm4b:s2+s13], $0x1, v2, vm0, $0x4038;
	[tilespmem:$0x8400] =	vst v63  }
0x3f: {  	v2 =	vor.u32 $0x200, v0;
	(ifvalue) =	ssetifvalue $0x7FFFFFFF  }
0x40: {  	s24 =	sadd.s32 $0x180, s20;
	(ifvalue) =	ssetifvalue $0x7FFFFFFF  }
0x41: {  	[tilespmem:s24], [sflag:$0x1] =	stream.indirect_vreg.gather [hbm4b:s2+s13], $0x1, v1, vm0, $0x4038;
	[tilespmem:$0x8400] =	vst v63  }
0x42: {  	(ifvalue) =	ssetifvalue $0x7FFFFFFF;
	v1 =	vor.u32 $0x280, v0  }
0x43: {  	s25 =	sadd.s32 $0x200, s20;
	(ifvalue) =	ssetifvalue $0x7FFFFFFF  }
0x44: {  	[tilespmem:s25], [sflag:$0x1] =	stream.indirect_vreg.gather [hbm4b:s2+s13], $0x1, v2, vm0, $0x4038;
	[tilespmem:$0x8400] =	vst v63  }
0x45: {  	(ifvalue) =	ssetifvalue $0x7FFFFFFF;
	v2 =	vor.u32 $0x300, v0  }
0x46: {  	s26 =	sadd.s32 $0x280, s20;
	(ifvalue) =	ssetifvalue $0x7FFFFFFF  }
0x47: {  	[tilespmem:s26], [sflag:$0x1] =	stream.indirect_vreg.gather [hbm4b:s2+s13], $0x1, v1, vm0, $0x4038;
	[tilespmem:$0x8400] =	vst v63  }
0x48: {  	(ifvalue) =	ssetifvalue $0x7FFFFFFF;
	v1 =	vor.u32 $0x380, v0  }
0x49: {  	s18 =	sor.u32 s18, s18;
	s28 =	sadd.s32 $0x300, s20;
	(ifvalue) =	ssetifvalue $0x7FFFFFFF  }
0x4a: {  	[tilespmem:s28], [sflag:$0x1] =	stream.indirect_vreg.gather [hbm4b:s2+s13], $0x1, v2, vm0, $0x4038;
	[tilespmem:$0x8400] =	vst v63  }
0x4b: {  	s18 =	sor.u32 $0x380, s18;
	(ifvalue) =	ssetifvalue $0x7FFFFFFF;
	v2 =	vadd.s32 $0x7A1400, v0  }
0x4c: {  	s18 =	sadd.s32 s18, s17;
	(ifvalue) =	ssetifvalue $0x7FFFFFFF  }
0x4d: {  	[tilespmem:s18], [sflag:$0x1] =	stream.indirect_vreg.gather [hbm4b:s2+s13], $0x1, v1, vm0, $0x4038;
	[tilespmem:$0x8400] =	vst v63  }
0x4e: {  	(ifvalue) =	ssetifvalue $0x7FFFFFFF;
	v1 =	vadd.s32 $0x7A1480, v0  }
0x4f: {  	s29 =	sadd.s32 $0x1000, s20;
	(ifvalue) =	ssetifvalue $0x7FFFFFFF  }
0x50: {  	[tilespmem:s29], [sflag:$0x1] =	stream.indirect_vreg.gather [hbm4b:s2+s13], $0x1, v2, vm0, $0x4038;
	[tilespmem:$0x8400] =	vst v63  }
0x51: {  	(ifvalue) =	ssetifvalue $0x7FFFFFFF;
	v2 =	vadd.s32 $0x7A1500, v0  }
0x52: {  	s30 =	sadd.s32 $0x1080, s20;
	(ifvalue) =	ssetifvalue $0x7FFFFFFF  }
0x53: {  	[tilespmem:s30], [sflag:$0x1] =	stream.indirect_vreg.gather [hbm4b:s2+s13], $0x1, v1, vm0, $0x4038;
	[tilespmem:$0x8400] =	vst v63  }
0x54: {  	(ifvalue) =	ssetifvalue $0x7FFFFFFF;
	v1 =	vadd.s32 $0x7A1580, v0  }
0x55: {  	s31 =	sadd.s32 $0x1100, s20;
	(ifvalue) =	ssetifvalue $0x7FFFFFFF  }
0x56: {  	[tilespmem:s31], [sflag:$0x1] =	stream.indirect_vreg.gather [hbm4b:s2+s13], $0x1, v2, vm0, $0x4038;
	[tilespmem:$0x8400] =	vst v63  }
0x57: {  	(ifvalue) =	ssetifvalue $0x7FFFFFFF;
	v2 =	vadd.s32 $0x7A1600, v0  }
0x58: {  	s21 =	sadd.s32 $0x1180, s20;
	(ifvalue) =	ssetifvalue $0x7FFFFFFF  }
0x59: {  	[tilespmem:s21], [sflag:$0x1] =	stream.indirect_vreg.gather [hbm4b:s2+s13], $0x1, v1, vm0, $0x4038;
	[tilespmem:$0x8400] =	vst v63  }
0x5a: {  	(ifvalue) =	ssetifvalue $0x7FFFFFFF;
	v1 =	vadd.s32 $0x7A1680, v0  }
0x5b: {  	s22 =	sadd.s32 $0x1200, s20;
	(ifvalue) =	ssetifvalue $0x7FFFFFFF  }
0x5c: {  	[tilespmem:s22], [sflag:$0x1] =	stream.indirect_vreg.gather [hbm4b:s2+s13], $0x1, v2, vm0, $0x4038;
	[tilespmem:$0x8400] =	vst v63  }
0x5d: {  	(ifvalue) =	ssetifvalue $0x7FFFFFFF;
	v2 =	vadd.s32 $0x7A1700, v0  }
0x5e: {  	s23 =	sadd.s32 $0x1280, s20;
	(ifvalue) =	ssetifvalue $0x7FFFFFFF  }
0x5f: {  	[tilespmem:s23], [sflag:$0x1] =	stream.indirect_vreg.gather [hbm4b:s2+s13], $0x1, v1, vm0, $0x4038;
	[tilespmem:$0x8400] =	vst v63  }
0x60: {  	(ifvalue) =	ssetifvalue $0x7FFFFFFF;
	v1 =	vadd.s32 $0x7A1780, v0  }
0x61: {  	s24 =	sadd.s32 $0x1300, s20;
	(ifvalue) =	ssetifvalue $0x7FFFFFFF  }
0x62: {  	[tilespmem:s24], [sflag:$0x1] =	stream.indirect_vreg.gather [hbm4b:s2+s13], $0x1, v2, vm0, $0x4038;
	[tilespmem:$0x8400] =	vst v63  }
0x63: {  	(ifvalue) =	ssetifvalue $0x7FFFFFFF;
	v2 =	vadd.s32 $0xF42800, v0  }
0x64: {  	s25 =	sadd.s32 $0x1380, s20;
	(ifvalue) =	ssetifvalue $0x7FFFFFFF  }
0x65: {  	[tilespmem:s25], [sflag:$0x1] =	stream.indirect_vreg.gather [hbm4b:s2+s13], $0x1, v1, vm0, $0x4038;
	[tilespmem:$0x8400] =	vst v63  }
0x66: {  	(ifvalue) =	ssetifvalue $0x7FFFFFFF;
	v1 =	vadd.s32 $0xF42880, v0  }
0x67: {  	s26 =	sadd.s32 $0x2000, s20;
	(ifvalue) =	ssetifvalue $0x7FFFFFFF  }
0x68: {  	[tilespmem:s26], [sflag:$0x1] =	stream.indirect_vreg.gather [hbm4b:s2+s13], $0x1, v2, vm0, $0x4038;
	[tilespmem:$0x8400] =	vst v63  }
0x69: {  	(ifvalue) =	ssetifvalue $0x7FFFFFFF;
	v2 =	vadd.s32 $0xF42900, v0  }
0x6a: {  	s28 =	sadd.s32 $0x2080, s20;
	(ifvalue) =	ssetifvalue $0x7FFFFFFF  }
0x6b: {  	[tilespmem:s28], [sflag:$0x1] =	stream.indirect_vreg.gather [hbm4b:s2+s13], $0x1, v1, vm0, $0x4038;
	[tilespmem:$0x8400] =	vst v63  }
0x6c: {  	(ifvalue) =	ssetifvalue $0x7FFFFFFF;
	v1 =	vadd.s32 $0xF42980, v0  }
0x6d: {  	s29 =	sadd.s32 $0x2100, s20;
	(ifvalue) =	ssetifvalue $0x7FFFFFFF  }
0x6e: {  	[tilespmem:s29], [sflag:$0x1] =	stream.indirect_vreg.gather [hbm4b:s2+s13], $0x1, v2, vm0, $0x4038;
	[tilespmem:$0x8400] =	vst v63  }
0x6f: {  	(ifvalue) =	ssetifvalue $0x7FFFFFFF;
	v2 =	vadd.s32 $0xF42A00, v0  }
0x70: {  	s30 =	sadd.s32 $0x2180, s20;
	(ifvalue) =	ssetifvalue $0x7FFFFFFF  }
0x71: {  	[tilespmem:s30], [sflag:$0x1] =	stream.indirect_vreg.gather [hbm4b:s2+s13], $0x1, v1, vm0, $0x4038;
	[tilespmem:$0x8400] =	vst v63  }
0x72: {  	(ifvalue) =	ssetifvalue $0x7FFFFFFF;
	v1 =	vadd.s32 $0xF42A80, v0  }
0x73: {  	s31 =	sadd.s32 $0x2200, s20;
	(ifvalue) =	ssetifvalue $0x7FFFFFFF  }
0x74: {  	[tilespmem:s31], [sflag:$0x1] =	stream.indirect_vreg.gather [hbm4b:s2+s13], $0x1, v2, vm0, $0x4038;
	[tilespmem:$0x8400] =	vst v63  }
0x75: {  	(ifvalue) =	ssetifvalue $0x7FFFFFFF;
	v2 =	vadd.s32 $0xF42B00, v0  }
0x76: {  	s21 =	sadd.s32 $0x2280, s20;
	(ifvalue) =	ssetifvalue $0x7FFFFFFF  }
0x77: {  	[tilespmem:s21], [sflag:$0x1] =	stream.indirect_vreg.gather [hbm4b:s2+s13], $0x1, v1, vm0, $0x4038;
	[tilespmem:$0x8400] =	vst v63  }
0x78: {  	(ifvalue) =	ssetifvalue $0x7FFFFFFF;
	v1 =	vadd.s32 $0xF42B80, v0  }
0x79: {  	s22 =	sadd.s32 $0x2300, s20;
	(ifvalue) =	ssetifvalue $0x7FFFFFFF  }
0x7a: {  	[tilespmem:s22], [sflag:$0x1] =	stream.indirect_vreg.gather [hbm4b:s2+s13], $0x1, v2, vm0, $0x4038;
	[tilespmem:$0x8400] =	vst v63  }
0x7b: {  	(ifvalue) =	ssetifvalue $0x7FFFFFFF;
	v2 =	vadd.s32 $0x16E3C00, v0  }
0x7c: {  	s23 =	sadd.s32 $0x2380, s20;
	(ifvalue) =	ssetifvalue $0x7FFFFFFF  }
0x7d: {  	[tilespmem:s23], [sflag:$0x1] =	stream.indirect_vreg.gather [hbm4b:s2+s13], $0x1, v1, vm0, $0x4038;
	[tilespmem:$0x8400] =	vst v63  }
0x7e: {  	(ifvalue) =	ssetifvalue $0x7FFFFFFF;
	v1 =	vadd.s32 $0x16E3C80, v0  }
0x7f: {  	s24 =	sadd.s32 $0x3000, s20;
	(ifvalue) =	ssetifvalue $0x7FFFFFFF  }
0x80: {  	[tilespmem:s24], [sflag:$0x1] =	stream.indirect_vreg.gather [hbm4b:s2+s13], $0x1, v2, vm0, $0x4038;
	[tilespmem:$0x8400] =	vst v63  }
0x81: {  	(ifvalue) =	ssetifvalue $0x7FFFFFFF;
	v2 =	vadd.s32 $0x16E3D00, v0  }
0x82: {  	s25 =	sadd.s32 $0x3080, s20;
	(ifvalue) =	ssetifvalue $0x7FFFFFFF  }
0x83: {  	[tilespmem:s25], [sflag:$0x1] =	stream.indirect_vreg.gather [hbm4b:s2+s13], $0x1, v1, vm0, $0x4038;
	[tilespmem:$0x8400] =	vst v63  }
0x84: {  	(ifvalue) =	ssetifvalue $0x7FFFFFFF;
	v1 =	vadd.s32 $0x16E3D80, v0  }
0x85: {  	s26 =	sadd.s32 $0x3100, s20;
	(ifvalue) =	ssetifvalue $0x7FFFFFFF  }
0x86: {  	[tilespmem:s26], [sflag:$0x1] =	stream.indirect_vreg.gather [hbm4b:s2+s13], $0x1, v2, vm0, $0x4038;
	[tilespmem:$0x8400] =	vst v63  }
0x87: {  	(ifvalue) =	ssetifvalue $0x7FFFFFFF;
	v2 =	vadd.s32 $0x16E3E00, v0  }
0x88: {  	s28 =	sadd.s32 $0x3180, s20;
	(ifvalue) =	ssetifvalue $0x7FFFFFFF  }
0x89: {  	[tilespmem:s28], [sflag:$0x1] =	stream.indirect_vreg.gather [hbm4b:s2+s13], $0x1, v1, vm0, $0x4038;
	[tilespmem:$0x8400] =	vst v63  }
0x8a: {  	(ifvalue) =	ssetifvalue $0x7FFFFFFF;
	v1 =	vadd.s32 $0x16E3E80, v0  }
0x8b: {  	s29 =	sadd.s32 $0x3200, s20;
	(ifvalue) =	ssetifvalue $0x7FFFFFFF  }
0x8c: {  	[tilespmem:s29], [sflag:$0x1] =	stream.indirect_vreg.gather [hbm4b:s2+s13], $0x1, v2, vm0, $0x4038;
	[tilespmem:$0x8400] =	vst v63  }
0x8d: {  	(ifvalue) =	ssetifvalue $0x7FFFFFFF;
	v2 =	vadd.s32 $0x16E3F00, v0  }
0x8e: {  	s30 =	sadd.s32 $0x3280, s20;
	(ifvalue) =	ssetifvalue $0x7FFFFFFF  }
0x8f: {  	[tilespmem:s30], [sflag:$0x1] =	stream.indirect_vreg.gather [hbm4b:s2+s13], $0x1, v1, vm0, $0x4038;
	[tilespmem:$0x8400] =	vst v63  }
0x90: {  	v0 =	vadd.s32 $0x16E3F80, v0;
	(ifvalue) =	ssetifvalue $0x7FFFFFFF  }
0x91: {  	s31 =	sadd.s32 $0x3300, s20;
	(ifvalue) =	ssetifvalue $0x7FFFFFFF  }
0x92: {  	[tilespmem:s31], [sflag:$0x1] =	stream.indirect_vreg.gather [hbm4b:s2+s13], $0x1, v2, vm0, $0x4038;
	[tilespmem:$0x8400] =	vst v63  }
0x93: {  	s19 =	sadd.s32 $0x10, s19;
	s18 =	simm.s32 $0x10;
	(ifvalue) =	ssetifvalue $0x7FFFFFFF  }
0x94: {  	s21 =	sadd.s32 $0x3380, s20;
	s20 =	simm.s32 $0x80;
	(ifvalue) =	ssetifvalue $0x7FFFFFFF  }
.LBB2_3:
0x95: {  	[tilespmem:s21], [sflag:$0x1] =	stream.indirect_vreg.gather [hbm4b:s2+s13], $0x1, v0, vm0, $0x4038;
	[tilespmem:$0x8400] =	vst v63  }
0x96: {  	p1 =	sne.s32 s18, $0x1F0;
	s22 =	smov.u32 s18;
	s18 =	sadd.s32 $0x10, s18;
	v0 =	vld.msk [tilespmem:s19+$0x0 ss:$0x1], $0xffff  }
0x97: {  	(ifvalue) =	ssetifvalue $0x7FFFFFFF;
	_ =	sdelay $0x4  }
0x98: {  	vm1 =	vgt.s32 v0, $0x0  }
0x99: {  	v0 =	vnsel vm1, $0x0, v0  }
0x9a: {  	v0 =	vmin.u32 v0, $0xF423F  }
0x9b: {  	v1 =	vshll.u32 v0, $0x3  }
0x9c: {  	v0 =	vand.u32 $0x7F, v0;
	v1 =	vand.u32 $0x7FFC00, v1  }
0x9d: {  	v0 =	vor.u32 v0, v1;
	_ =	sdelay $0x1  }
0x9e: {  	s21 =	sand.u32 $0xC00, s20  }
0x9f: {  	s23 =	sand.u32 $0x70, s22;
	s21 =	sadd.s32 s21, s17;
	v1 =	vor.u32 $0x80, v0  }
0xa0: {  	s21 =	sadd.s32 s23, s21;
	(ifvalue) =	ssetifvalue $0x7FFFFFFF  }
0xa1: {  	[tilespmem:s21], [sflag:$0x1] =	stream.indirect_vreg.gather [hbm4b:s2+s13], $0x1, v0, vm0, $0x4038;
	[tilespmem:$0x8400] =	vst v63  }
0xa2: {  	v2 =	vor.u32 $0x100, v0;
	(ifvalue) =	ssetifvalue $0x7FFFFFFF  }
0xa3: {  	s23 =	sadd.s32 $0x80, s21;
	(ifvalue) =	ssetifvalue $0x7FFFFFFF  }
0xa4: {  	[tilespmem:s23], [sflag:$0x1] =	stream.indirect_vreg.gather [hbm4b:s2+s13], $0x1, v1, vm0, $0x4038;
	[tilespmem:$0x8400] =	vst v63  }
0xa5: {  	v1 =	vor.u32 $0x180, v0;
	(ifvalue) =	ssetifvalue $0x7FFFFFFF  }
0xa6: {  	s23 =	sadd.s32 $0x100, s21;
	(ifvalue) =	ssetifvalue $0x7FFFFFFF  }
0xa7: {  	[tilespmem:s23], [sflag:$0x1] =	stream.indirect_vreg.gather [hbm4b:s2+s13], $0x1, v2, vm0, $0x4038;
	[tilespmem:$0x8400] =	vst v63  }
0xa8: {  	v2 =	vor.u32 $0x200, v0;
	(ifvalue) =	ssetifvalue $0x7FFFFFFF  }
0xa9: {  	s23 =	sadd.s32 $0x180, s21;
	(ifvalue) =	ssetifvalue $0x7FFFFFFF  }
0xaa: {  	[tilespmem:s23], [sflag:$0x1] =	stream.indirect_vreg.gather [hbm4b:s2+s13], $0x1, v1, vm0, $0x4038;
	[tilespmem:$0x8400] =	vst v63  }
0xab: {  	v1 =	vor.u32 $0x280, v0;
	(ifvalue) =	ssetifvalue $0x7FFFFFFF  }
0xac: {  	s23 =	sadd.s32 $0x200, s21;
	(ifvalue) =	ssetifvalue $0x7FFFFFFF  }
0xad: {  	[tilespmem:s23], [sflag:$0x1] =	stream.indirect_vreg.gather [hbm4b:s2+s13], $0x1, v2, vm0, $0x4038;
	[tilespmem:$0x8400] =	vst v63  }
0xae: {  	v2 =	vor.u32 $0x300, v0;
	(ifvalue) =	ssetifvalue $0x7FFFFFFF  }
0xaf: {  	s23 =	sadd.s32 $0x280, s21;
	(ifvalue) =	ssetifvalue $0x7FFFFFFF  }
0xb0: {  	[tilespmem:s23], [sflag:$0x1] =	stream.indirect_vreg.gather [hbm4b:s2+s13], $0x1, v1, vm0, $0x4038;
	[tilespmem:$0x8400] =	vst v63  }
0xb1: {  	v1 =	vor.u32 $0x380, v0;
	(ifvalue) =	ssetifvalue $0x7FFFFFFF  }
0xb2: {  	s22 =	sor.u32 s20, s22;
	s23 =	sadd.s32 $0x300, s21;
	(ifvalue) =	ssetifvalue $0x7FFFFFFF  }
0xb3: {  	[tilespmem:s23], [sflag:$0x1] =	stream.indirect_vreg.gather [hbm4b:s2+s13], $0x1, v2, vm0, $0x4038;
	[tilespmem:$0x8400] =	vst v63  }
0xb4: {  	s22 =	sor.u32 $0x380, s22;
	v2 =	vadd.s32 $0x7A1400, v0;
	(ifvalue) =	ssetifvalue $0x7FFFFFFF  }
0xb5: {  	s22 =	sadd.s32 s22, s17;
	(ifvalue) =	ssetifvalue $0x7FFFFFFF  }
0xb6: {  	[tilespmem:s22], [sflag:$0x1] =	stream.indirect_vreg.gather [hbm4b:s2+s13], $0x1, v1, vm0, $0x4038;
	[tilespmem:$0x8400] =	vst v63  }
0xb7: {  	v1 =	vadd.s32 $0x7A1480, v0;
	(ifvalue) =	ssetifvalue $0x7FFFFFFF  }
0xb8: {  	s22 =	sadd.s32 $0x1000, s21;
	(ifvalue) =	ssetifvalue $0x7FFFFFFF  }
0xb9: {  	[tilespmem:s22], [sflag:$0x1] =	stream.indirect_vreg.gather [hbm4b:s2+s13], $0x1, v2, vm0, $0x4038;
	[tilespmem:$0x8400] =	vst v63  }
0xba: {  	v2 =	vadd.s32 $0x7A1500, v0;
	(ifvalue) =	ssetifvalue $0x7FFFFFFF  }
0xbb: {  	s22 =	sadd.s32 $0x1080, s21;
	(ifvalue) =	ssetifvalue $0x7FFFFFFF  }
0xbc: {  	[tilespmem:s22], [sflag:$0x1] =	stream.indirect_vreg.gather [hbm4b:s2+s13], $0x1, v1, vm0, $0x4038;
	[tilespmem:$0x8400] =	vst v63  }
0xbd: {  	v1 =	vadd.s32 $0x7A1580, v0;
	(ifvalue) =	ssetifvalue $0x7FFFFFFF  }
0xbe: {  	s22 =	sadd.s32 $0x1100, s21;
	(ifvalue) =	ssetifvalue $0x7FFFFFFF  }
0xbf: {  	[tilespmem:s22], [sflag:$0x1] =	stream.indirect_vreg.gather [hbm4b:s2+s13], $0x1, v2, vm0, $0x4038;
	[tilespmem:$0x8400] =	vst v63  }
0xc0: {  	v2 =	vadd.s32 $0x7A1600, v0;
	(ifvalue) =	ssetifvalue $0x7FFFFFFF  }
0xc1: {  	s22 =	sadd.s32 $0x1180, s21;
	(ifvalue) =	ssetifvalue $0x7FFFFFFF  }
0xc2: {  	[tilespmem:s22], [sflag:$0x1] =	stream.indirect_vreg.gather [hbm4b:s2+s13], $0x1, v1, vm0, $0x4038;
	[tilespmem:$0x8400] =	vst v63  }
0xc3: {  	v1 =	vadd.s32 $0x7A1680, v0;
	(ifvalue) =	ssetifvalue $0x7FFFFFFF  }
0xc4: {  	s22 =	sadd.s32 $0x1200, s21;
	(ifvalue) =	ssetifvalue $0x7FFFFFFF  }
0xc5: {  	[tilespmem:s22], [sflag:$0x1] =	stream.indirect_vreg.gather [hbm4b:s2+s13], $0x1, v2, vm0, $0x4038;
	[tilespmem:$0x8400] =	vst v63  }
0xc6: {  	v2 =	vadd.s32 $0x7A1700, v0;
	(ifvalue) =	ssetifvalue $0x7FFFFFFF  }
0xc7: {  	s22 =	sadd.s32 $0x1280, s21;
	(ifvalue) =	ssetifvalue $0x7FFFFFFF  }
0xc8: {  	[tilespmem:s22], [sflag:$0x1] =	stream.indirect_vreg.gather [hbm4b:s2+s13], $0x1, v1, vm0, $0x4038;
	[tilespmem:$0x8400] =	vst v63  }
0xc9: {  	v1 =	vadd.s32 $0x7A1780, v0;
	(ifvalue) =	ssetifvalue $0x7FFFFFFF  }
0xca: {  	s22 =	sadd.s32 $0x1300, s21;
	(ifvalue) =	ssetifvalue $0x7FFFFFFF  }
0xcb: {  	[tilespmem:s22], [sflag:$0x1] =	stream.indirect_vreg.gather [hbm4b:s2+s13], $0x1, v2, vm0, $0x4038;
	[tilespmem:$0x8400] =	vst v63  }
0xcc: {  	v2 =	vadd.s32 $0xF42800, v0;
	(ifvalue) =	ssetifvalue $0x7FFFFFFF  }
0xcd: {  	s22 =	sadd.s32 $0x1380, s21;
	(ifvalue) =	ssetifvalue $0x7FFFFFFF  }
0xce: {  	[tilespmem:s22], [sflag:$0x1] =	stream.indirect_vreg.gather [hbm4b:s2+s13], $0x1, v1, vm0, $0x4038;
	[tilespmem:$0x8400] =	vst v63  }
0xcf: {  	v1 =	vadd.s32 $0xF42880, v0;
	(ifvalue) =	ssetifvalue $0x7FFFFFFF  }
0xd0: {  	s22 =	sadd.s32 $0x2000, s21;
	(ifvalue) =	ssetifvalue $0x7FFFFFFF  }
0xd1: {  	[tilespmem:s22], [sflag:$0x1] =	stream.indirect_vreg.gather [hbm4b:s2+s13], $0x1, v2, vm0, $0x4038;
	[tilespmem:$0x8400] =	vst v63  }
0xd2: {  	v2 =	vadd.s32 $0xF42900, v0;
	(ifvalue) =	ssetifvalue $0x7FFFFFFF  }
0xd3: {  	s22 =	sadd.s32 $0x2080, s21;
	(ifvalue) =	ssetifvalue $0x7FFFFFFF  }
0xd4: {  	[tilespmem:s22], [sflag:$0x1] =	stream.indirect_vreg.gather [hbm4b:s2+s13], $0x1, v1, vm0, $0x4038;
	[tilespmem:$0x8400] =	vst v63  }
0xd5: {  	v1 =	vadd.s32 $0xF42980, v0;
	(ifvalue) =	ssetifvalue $0x7FFFFFFF  }
0xd6: {  	s22 =	sadd.s32 $0x2100, s21;
	(ifvalue) =	ssetifvalue $0x7FFFFFFF  }
0xd7: {  	[tilespmem:s22], [sflag:$0x1] =	stream.indirect_vreg.gather [hbm4b:s2+s13], $0x1, v2, vm0, $0x4038;
	[tilespmem:$0x8400] =	vst v63  }
0xd8: {  	v2 =	vadd.s32 $0xF42A00, v0;
	(ifvalue) =	ssetifvalue $0x7FFFFFFF  }
0xd9: {  	s22 =	sadd.s32 $0x2180, s21;
	(ifvalue) =	ssetifvalue $0x7FFFFFFF  }
0xda: {  	[tilespmem:s22], [sflag:$0x1] =	stream.indirect_vreg.gather [hbm4b:s2+s13], $0x1, v1, vm0, $0x4038;
	[tilespmem:$0x8400] =	vst v63  }
0xdb: {  	v1 =	vadd.s32 $0xF42A80, v0;
	(ifvalue) =	ssetifvalue $0x7FFFFFFF  }
0xdc: {  	s22 =	sadd.s32 $0x2200, s21;
	(ifvalue) =	ssetifvalue $0x7FFFFFFF  }
0xdd: {  	[tilespmem:s22], [sflag:$0x1] =	stream.indirect_vreg.gather [hbm4b:s2+s13], $0x1, v2, vm0, $0x4038;
	[tilespmem:$0x8400] =	vst v63  }
0xde: {  	v2 =	vadd.s32 $0xF42B00, v0;
	(ifvalue) =	ssetifvalue $0x7FFFFFFF  }
0xdf: {  	s22 =	sadd.s32 $0x2280, s21;
	(ifvalue) =	ssetifvalue $0x7FFFFFFF  }
0xe0: {  	[tilespmem:s22], [sflag:$0x1] =	stream.indirect_vreg.gather [hbm4b:s2+s13], $0x1, v1, vm0, $0x4038;
	[tilespmem:$0x8400] =	vst v63  }
0xe1: {  	v1 =	vadd.s32 $0xF42B80, v0;
	(ifvalue) =	ssetifvalue $0x7FFFFFFF  }
0xe2: {  	s22 =	sadd.s32 $0x2300, s21;
	(ifvalue) =	ssetifvalue $0x7FFFFFFF  }
0xe3: {  	[tilespmem:s22], [sflag:$0x1] =	stream.indirect_vreg.gather [hbm4b:s2+s13], $0x1, v2, vm0, $0x4038;
	[tilespmem:$0x8400] =	vst v63  }
0xe4: {  	v2 =	vadd.s32 $0x16E3C00, v0;
	(ifvalue) =	ssetifvalue $0x7FFFFFFF  }
0xe5: {  	s22 =	sadd.s32 $0x2380, s21;
	(ifvalue) =	ssetifvalue $0x7FFFFFFF  }
0xe6: {  	[tilespmem:s22], [sflag:$0x1] =	stream.indirect_vreg.gather [hbm4b:s2+s13], $0x1, v1, vm0, $0x4038;
	[tilespmem:$0x8400] =	vst v63  }
0xe7: {  	v1 =	vadd.s32 $0x16E3C80, v0;
	(ifvalue) =	ssetifvalue $0x7FFFFFFF  }
0xe8: {  	s22 =	sadd.s32 $0x3000, s21;
	(ifvalue) =	ssetifvalue $0x7FFFFFFF  }
0xe9: {  	[tilespmem:s22], [sflag:$0x1] =	stream.indirect_vreg.gather [hbm4b:s2+s13], $0x1, v2, vm0, $0x4038;
	[tilespmem:$0x8400] =	vst v63  }
0xea: {  	v2 =	vadd.s32 $0x16E3D00, v0;
	(ifvalue) =	ssetifvalue $0x7FFFFFFF  }
0xeb: {  	s22 =	sadd.s32 $0x3080, s21;
	(ifvalue) =	ssetifvalue $0x7FFFFFFF  }
0xec: {  	[tilespmem:s22], [sflag:$0x1] =	stream.indirect_vreg.gather [hbm4b:s2+s13], $0x1, v1, vm0, $0x4038;
	[tilespmem:$0x8400] =	vst v63  }
0xed: {  	v1 =	vadd.s32 $0x16E3D80, v0;
	(ifvalue) =	ssetifvalue $0x7FFFFFFF  }
0xee: {  	s22 =	sadd.s32 $0x3100, s21;
	(ifvalue) =	ssetifvalue $0x7FFFFFFF  }
0xef: {  	[tilespmem:s22], [sflag:$0x1] =	stream.indirect_vreg.gather [hbm4b:s2+s13], $0x1, v2, vm0, $0x4038;
	[tilespmem:$0x8400] =	vst v63  }
0xf0: {  	v2 =	vadd.s32 $0x16E3E00, v0;
	(ifvalue) =	ssetifvalue $0x7FFFFFFF  }
0xf1: {  	s22 =	sadd.s32 $0x3180, s21;
	(ifvalue) =	ssetifvalue $0x7FFFFFFF  }
0xf2: {  	[tilespmem:s22], [sflag:$0x1] =	stream.indirect_vreg.gather [hbm4b:s2+s13], $0x1, v1, vm0, $0x4038;
	[tilespmem:$0x8400] =	vst v63  }
0xf3: {  	v1 =	vadd.s32 $0x16E3E80, v0;
	(ifvalue) =	ssetifvalue $0x7FFFFFFF  }
0xf4: {  	s22 =	sadd.s32 $0x3200, s21;
	(ifvalue) =	ssetifvalue $0x7FFFFFFF  }
0xf5: {  	[tilespmem:s22], [sflag:$0x1] =	stream.indirect_vreg.gather [hbm4b:s2+s13], $0x1, v2, vm0, $0x4038;
	[tilespmem:$0x8400] =	vst v63  }
0xf6: {  	v2 =	vadd.s32 $0x16E3F00, v0;
	(ifvalue) =	ssetifvalue $0x7FFFFFFF  }
0xf7: {  	s22 =	sadd.s32 $0x3280, s21;
	(ifvalue) =	ssetifvalue $0x7FFFFFFF  }
0xf8: {  	[tilespmem:s22], [sflag:$0x1] =	stream.indirect_vreg.gather [hbm4b:s2+s13], $0x1, v1, vm0, $0x4038;
	[tilespmem:$0x8400] =	vst v63  }
.Ltmp3:
0xf9: {  	v0 =	vadd.s32 $0x16E3F80, v0;
	(ifvalue) =	ssetifvalue $0x7FFFFFFF;
	(pc) =	sbr.rel @p1 .LBB2_3-.Ltmp3, $4  }
0xfa: {  	s22 =	sadd.s32 $0x3300, s21;
	(ifvalue) =	ssetifvalue $0x7FFFFFFF  }
0xfb: {  	[tilespmem:s22], [sflag:$0x1] =	stream.indirect_vreg.gather [hbm4b:s2+s13], $0x1, v2, vm0, $0x4038;
	[tilespmem:$0x8400] =	vst v63  }
0xfc: {  	s19 =	sadd.s32 $0x10, s19;
	(ifvalue) =	ssetifvalue $0x7FFFFFFF  }
0xfd: {  	s20 =	sadd.s32 $0x80, s20;
	s21 =	sadd.s32 $0x3380, s21;
	(ifvalue) =	ssetifvalue $0x7FFFFFFF  }
.Ltmp4:
0xfe: {  	_ = 	snop;
	(pc) =	sbr.rel .LBB2_4-.Ltmp4, $1  }
0xff: {  	_ =	sdelay $0x3  }
.LBB2_6:
0x100: {  	_ =	sfence.sel $0x180000  }
0x101: {  	s2 =	simm.s32 $0x2;
	[bflag:$0x0] =	sbarrier.arrive $0xFFFF  }
0x102: {  	s30 =	simm.s32 $0x3;
	[sflag:s2] =	ssyncpa.u1 $0x1  }
0x103: {  	s31 =	simm.s32 $0x1;
	[sflag:s30] =	ssyncpa.u1 $0x1  }
0x104: {  	[sflag:s31] =	ssyncpa.u1 $0x1  }
0x105: {  	p0 =	sne.s32 s0, $0x0;
	_ =	strace $0x9000004D  }
0x106: {  	s0 =	sadd.s32 @!p0 $0x100000, s1;
	[bflag:$0x2] =	sbarrier.arrive $0xFFFF  }
0x107: {  	[sflag:s0] =	ssyncadd.tile.s32 @!p0 $0x1;
	_ =	shalt  }
.Lfunc_end2:
_tile_overlayer_lowered:
.L_overlay_start_2:
0x108: {  	(tag) =	ssettag $0x2  }
0x109: {  	s0 =	rddreg [dreg:$0x0];
	s2 =	stileid.u32  }
0x10a: {  	s1 =	rddreg [dreg:$0x1];
	p0 =	sne.s32 s2, $0x0  }
0x10b: {  	s3 =	rddreg [dreg:$0x2];
	[bflag:$0x3] =	sbarrier.arrive $0xFFFF;
	s2 =	simm.s32 @!p0 $0x1C01  }
0x10c: {  	[timem:s3], [sflag:s2] =	dma.local @!p0 [hbm:s0], s1  }
0x10d: {  	s0 =	simm.s32 @!p0 $0x1  }
0x10e: {  	_ =	swait.ge @!p0 [sflag:s0], s1  }
0x10f: {  	s1 =	ssub.s32 @!p0 $0x0, s1;
	[sflag:s0] =	ssyncset.done @!p0 $0x0  }
0x110: {  	[sflag:s0] =	ssyncadd.s32 @!p0 s1  }
0x111: {  	[bflag:$0x3] =	sbarrier.arrive $0xFFFF  }
0x112: {  	_ =	shalt  }

// kernel: kernel.11.cloned.1.call-start
scs
__scs_entry_jumppad:
0x0: {  	(pc) =	sbr.rel $0x88, $3  }
0x1: {  	(tag) =	ssettag $0x0;
	lr =	simm.s32 $0x1  }
0x2: {  	[smem:$0x3F8F] =	sst lr;
	_ =	strace $0xD0000000  }
0x3: {  	_ = 	snop  }
0x4: {  	_ = 	snop  }
0x5: {  	_ = 	snop  }
0x6: {  	_ = 	snop  }
0x7: {  	_ = 	snop  }
__scs_overlays_trampoline_lowered:
0x8: {  	[smem:$0x3F9E] =	sst s0  }
0x9: {  	[smem:$0x3F9F] =	sst s1  }
0xa: {  	[smem:$0x3FA0] =	sst s2  }
0xb: {  	[smem:$0x3FA1] =	sst s3  }
0xc: {  	[smem:$0x3FA2] =	sst s4  }
0xd: {  	[smem:$0x3FA3] =	sst s5  }
0xe: {  	[smem:$0x3FA4] =	sst s6  }
0xf: {  	[smem:$0x3FA5] =	sst s7  }
0x10: {  	[smem:$0x3FA6] =	sst s8  }
0x11: {  	[smem:$0x3FA7] =	sst s9;
	s0 =	simm.s32 @!p0 $0x0  }
0x12: {  	s1 =	sld [smem:$0x3F8D];
	s0 =	simm.s32 @p0 $0x1  }
0x13: {  	[smem:$0x3FA8] =	sst s0;
	s0 =	simm.s32 @!p1 $0x0  }
0x14: {  	s2 =	sld [smem:$0x3F8C];
	s0 =	simm.s32 @p1 $0x1  }
0x15: {  	[smem:$0x3FA9] =	sst s0;
	s0 =	simm.s32 @!p2 $0x0  }
0x16: {  	s3 =	sld [smem:$0x3FDB];
	s0 =	simm.s32 @p2 $0x1  }
0x17: {  	s4 =	simm.s32 $0x1BF5;
	[smem:$0x3FAB] =	sst s0  }
0x18: {  	s0 =	sld [smem:$0x3F8E];
	_ =	swait.ge [sflag:s4], $0x0  }
0x19: {  	s7 =	sld [smem:$0x3F8F]  }
0x1a: {  	s8 =	sadd.s32 $0xFFFFE003, lr  }
0x1b: {  	s9 =	sadd.s32 $0xFFFFFEF7, lr;
	s5 =	simm.s32 $0xFFFFFFFF;
	p2 =	slt.u32 s8, $0xFFFFF086  }
0x1c: {  	p1 =	slt.u32 s9, $0xF7A;
	s5 =	simm.s32 @!p2 $0x0  }
0x1d: {  	s5 =	simm.s32 @p1 $0x1;
	p0 =	seq.s32 s7, s2  }
0x1e: {  	s7 =	smul.u32 @!p0 $0xF7A, s2;
	p2 =	seq.s32 @!p0 s5, $0x0  }
0x1f: {  	s9 =	smul.u32 $0xF7A, s1;
	s8 =	simm.s32 @!p0 $0x1BF5;
	p2 =	por !p2, p0  }
0x20: {  	[sflag:s8] =	ssyncset.s32 @!p0 $0xFFFFF086;
	s6 =	sadd.s32 @!p0 s3, s7;
	s7 =	simm.s32 @!p0 $0x108  }
0x21: {  	s3 =	sadd.s32 s3, s9;
	s6 =	sadd.s32 @!p0 $0x88, s6;
	s7 =	simm.s32 @p2 $0x1082  }
0x22: {  	[simem:s7], [sflag:s8] =	dma.local @!p0 [hbm:s6], $0xF7A  }
0x23: {  	s9 =	sor.u32 $0xD0000000, s2;
	s6 =	simm.s32 $0x108;
	_ =	swait.ge @!p0 [sflag:s8], $0x0  }
0x24: {  	s3 =	sadd.s32 $0x88, s3;
	s6 =	simm.s32 @!p1 $0x1082;
	[sflag:s4] =	ssyncset.s32 $0xFFFFF086  }
0x25: {  	[simem:s6], [sflag:s4] =	dma.local [hbm:s3], $0xF7A  }
0x26: {  	[smem:$0x3F8F] =	sst s1;
	(tag) =	ssettag s2;
	_ =	strace s9  }
0x27: {  	s1 =	sld [smem:$0x3F9F]  }
0x28: {  	s2 =	sld [smem:$0x3FA0]  }
0x29: {  	s4 =	sld [smem:$0x3FA2]  }
0x2a: {  	p0 =	seq.s32 s5, $0x0;
	s5 =	sld [smem:$0x3FA3]  }
0x2b: {  	s6 =	sld [smem:$0x3FA4]  }
0x2c: {  	s7 =	sld [smem:$0x3FA5]  }
0x2d: {  	s3 =	simm.s32 $0x108;
	s8 =	sld [smem:$0x3FA6]  }
0x2e: {  	s3 =	simm.s32 @!p0 $0x1082;
	s9 =	sld [smem:$0x3FA7]  }
0x2f: {  	lr =	sadd.s32 s0, s3;
	s0 =	sld [smem:$0x3F9E]  }
0x30: {  	s3 =	sld [smem:$0x3FA1]  }
0x31: {  	[smem:$0x3FAA] =	sst s10  }
0x32: {  	s10 =	sld [smem:$0x3FA8];
	_ =	sdelay $0x3  }
0x33: {  	p0 =	seq.s32 s10, $0x1;
	s10 =	sld [smem:$0x3FAA];
	_ =	sdelay $0x3  }
0x34: {  	[smem:$0x3FAA] =	sst s10  }
0x35: {  	s10 =	sld [smem:$0x3FA9];
	_ =	sdelay $0x3  }
0x36: {  	p1 =	seq.s32 s10, $0x1;
	s10 =	sld [smem:$0x3FAA];
	_ =	sdelay $0x3  }
0x37: {  	[smem:$0x3FAA] =	sst s10  }
0x38: {  	s10 =	sld [smem:$0x3FAB]  }
0x39: {  	_ = 	snop;
	(pc) =	sbr.ind lr, $3  }
0x3a: {  	_ = 	snop  }
0x3b: {  	_ = 	snop  }
0x3c: {  	p2 =	seq.s32 s10, $0x1;
	s10 =	sld [smem:$0x3FAA]  }
0x3d: {  	_ =	shalt  }
0x3e: {  	_ =	shalt  }
0x3f: {  	_ =	shalt  }
0x40: {  	_ =	shalt  }
0x41: {  	_ =	shalt  }
0x42: {  	_ =	shalt  }
0x43: {  	_ =	shalt  }
0x44: {  	_ =	shalt  }
0x45: {  	_ =	shalt  }
0x46: {  	_ =	shalt  }
0x47: {  	_ =	shalt  }
0x48: {  	_ =	shalt  }
0x49: {  	_ =	shalt  }
0x4a: {  	_ =	shalt  }
0x4b: {  	_ =	shalt  }
0x4c: {  	_ =	shalt  }
0x4d: {  	_ =	shalt  }
0x4e: {  	_ =	shalt  }
0x4f: {  	_ =	shalt  }
0x50: {  	_ =	shalt  }
0x51: {  	_ =	shalt  }
0x52: {  	_ =	shalt  }
0x53: {  	_ =	shalt  }
0x54: {  	_ =	shalt  }
0x55: {  	_ =	shalt  }
0x56: {  	_ =	shalt  }
0x57: {  	_ =	shalt  }
0x58: {  	_ =	shalt  }
0x59: {  	_ =	shalt  }
0x5a: {  	_ =	shalt  }
0x5b: {  	_ =	shalt  }
0x5c: {  	_ =	shalt  }
0x5d: {  	_ =	shalt  }
0x5e: {  	_ =	shalt  }
0x5f: {  	_ =	shalt  }
0x60: {  	_ =	shalt  }
0x61: {  	_ =	shalt  }
0x62: {  	_ =	shalt  }
0x63: {  	_ =	shalt  }
0x64: {  	_ =	shalt  }
0x65: {  	_ =	shalt  }
0x66: {  	_ =	shalt  }
0x67: {  	_ =	shalt  }
0x68: {  	_ =	shalt  }
0x69: {  	_ =	shalt  }
0x6a: {  	_ =	shalt  }
0x6b: {  	_ =	shalt  }
0x6c: {  	_ =	shalt  }
0x6d: {  	_ =	shalt  }
0x6e: {  	_ =	shalt  }
0x6f: {  	_ =	shalt  }
0x70: {  	_ =	shalt  }
0x71: {  	_ =	shalt  }
0x72: {  	_ =	shalt  }
0x73: {  	_ =	shalt  }
0x74: {  	_ =	shalt  }
0x75: {  	_ =	shalt  }
0x76: {  	_ =	shalt  }
0x77: {  	_ =	shalt  }
0x78: {  	_ =	shalt  }
0x79: {  	_ =	shalt  }
0x7a: {  	_ =	shalt  }
0x7b: {  	_ =	shalt  }
0x7c: {  	_ =	shalt  }
0x7d: {  	_ =	shalt  }
0x7e: {  	_ =	shalt  }
0x7f: {  	_ =	shalt  }
0x80: {  	_ =	shalt  }
0x81: {  	_ =	shalt  }
0x82: {  	_ =	shalt  }
0x83: {  	_ =	shalt  }
0x84: {  	_ =	shalt  }
0x85: {  	_ =	shalt  }
0x86: {  	_ =	shalt  }
0x87: {  	_ =	shalt  }
.Lfunc_end0:
.L_simem_size_0:
called_computation.4_lowered:
.L_overlay_start_0:
0x88: {  	s2 =	sld [smem:$0x3FD9]  }
0x89: {  	s3 =	sld [smem:$0x3FFE];
	_ =	sdelay $0x1  }
0x8a: {  	s1 =	srdreg.scid  }
0x8b: {  	s0 =	sand.u32 $0x1, s1  }
0x8c: {  	s17 =	sshll.u32 s0, $0xA;
	s2 =	sadd.s32 s3, s2  }
0x8d: {  	s2 =	sadd.s32 s2, s17  }
0x8e: {  	[smem:$0x3FB6] =	sst s2  }
0x8f: {  	_ = 	snop  }
0x90: {  	(tm) =	ssettm $0x1  }
0x91: {  	s18 =	sld [smem:$0x3FFB];
	_ =	sdelay $0x3  }
0x92: {  	_ =	strace s18  }
0x93: {  	s2 =	sld [smem:$0x3FFC];
	_ =	sdelay $0x3  }
0x94: {  	_ =	strace s2  }
0x95: {  	s2 =	sld [smem:$0x3FFD];
	_ =	sdelay $0x3  }
0x96: {  	_ =	strace s2  }
0x97: {  	_ =	strace $0x8FFFFFFF  }
0x98: {  	s19 =	sld [smem:$0x3FDB];
	_ =	sdelay $0x1  }
0x99: {  	s20 =	simm.s32 $_scs_section_size  }
0x9a: {  	s4 =	simm.s32 $_size__tile_overlayer_lowered;
	s5 =	simm.s32 $_tile_overlayer_lowered  }
0x9b: {  	s6 =	simm.s32 $0x1BFF;
	s21 =	sshll.u32 s5, $0x1;
	s3 =	sadd.s32 s20, s19  }
0x9c: {  	s22 =	simm.s32 $0x0;
	s4 =	sshll.u32 s4, $0x1;
	s5 =	sadd.s32 s21, s3  }
0x9d: {  	[timem:s22], [sflag:s6] =	dma.local [hbm:s5], s4  }
0x9e: {  	_ =	swait.ge [sflag:s6], s4  }
0x9f: {  	s4 =	ssub.s32 $0x0, s4;
	[sflag:s6] =	ssyncset.done $0x0  }
0xa0: {  	[sflag:s6] =	ssyncadd.s32 s4;
	_ =	sdelay $0x1  }
0xa1: {  	s23 =	simm.s32 $0x1B8B  }
0xa2: {  	_ =	swait.ge [sflag:s23], $0x1  }
0xa3: {  	[sflag:s23] =	ssyncset.done $0x0  }
0xa4: {  	[sflag:s23] =	ssyncadd.s32 $0xFFFFFFFF  }
0xa5: {  	s4 =	sld [smem:$0x0]  }
0xa6: {  	s5 =	sand.u32 $0xFFFFFFFE, s1  }
0xa7: {  	p0 =	sne.s32 s1, s5  }
0xa8: {  	s5 =	sshll.u32 @p0 s5, $0xE  }
0xa9: {  	s5 =	sadd.s32 @p0 $0x11B8D, s5;
	s6 =	sshll.u32 @p0 s4, $0x11  }
0xaa: {  	s5 =	sor.u32 @p0 s6, s5  }
0xab: {  	[sflag:s5] =	ssyncadd.remote.s32 @p0 $0x1;
	_ =	sdelay $0x1  }
0xac: {  	s5 =	simm.s32 @p0 $0x1B8D  }
0xad: {  	_ =	swait.eq @p0 [sflag:s5], $0x1  }
0xae: {  	[sflag:s5] =	ssyncadd.s32 @p0 $0xFFFFFFFF  }
0xaf: {  	s6 =	sshll.u32 @!p0 s1, $0xE  }
0xb0: {  	s6 =	sor.u32 @!p0 $0x4000, s6;
	s5 =	simm.s32 @!p0 $0x1B8D  }
0xb1: {  	s4 =	sshll.u32 @!p0 s4, $0x11;
	s6 =	sadd.s32 @!p0 $0x11B8D, s6;
	_ =	swait.eq @!p0 [sflag:s5], $0x1  }
0xb2: {  	s4 =	sor.u32 @!p0 s4, s6;
	[sflag:s5] =	ssyncadd.s32 @!p0 $0xFFFFFFFF  }
0xb3: {  	s25 =	simm.s32 $0x1B8E;
	s24 =	sld [smem:$0x3FFE];
	[sflag:s4] =	ssyncadd.remote.s32 @!p0 $0x1  }
0xb4: {  	s26 =	simm.s32 $execute0_lowered;
	[smem:$0x3FD2] =	sst s25  }
0xb5: {  	s5 =	sshll.u32 s26, $0x1;
	_ =	strace $0x80000052;
	[dreg:$0x1] =	wrdreg $0xFFFFFFFF  }
0xb6: {  	s28 =	simm.s32 $_size_execute0_lowered;
	s3 =	sadd.s32 s3, s5;
	[dreg:$0x0] =	wrdreg $0x0  }
0xb7: {  	s5 =	sshll.u32 s28, $0x1;
	[dreg:$0x2] =	wrdreg s3  }
0xb8: {  	[dreg:$0x3] =	wrdreg s5  }
0xb9: {  	[dreg:$0x4] =	wrdreg $0xC0  }
0xba: {  	_ =	task [dreg:s22], $0x5FFFF  }
0xbb: {  	[dreg:$0x1] =	wrdreg $0xFFFFFFFF  }
0xbc: {  	[dreg:$0x0] =	wrdreg $0x60  }
0xbd: {  	[dreg:$0x2] =	wrdreg s24  }
0xbe: {  	[dreg:$0x3] =	wrdreg $0xD  }
0xbf: {  	_ =	task.clear_ibuf [dreg:s22], $0x4FFFF;
	_ =	strace $0x90000052  }
0xc0: {  	s29 =	simm.s32 $0xD;
	_ =	strace $0x80000054  }
0xc1: {  	_ =	swait.ge [sflag:s29], $0x1  }
0xc2: {  	[sflag:s29] =	ssyncadd.s32 $0xFFFFFFFF  }
0xc3: {  	_ =	strace $0x90000054  }
0xc4: {  	_ =	sfence  }
0xc5: {  	s30 =	sld [smem:$0x0];
	_ =	sdelay $0x2  }
0xc6: {  	s31 =	sshll.u32 s1, $0xD;
	s1 =	sshrl.u32 s1, $0x2  }
0xc7: {  	s4 =	sand.u32 $0x4000, s31;
	s1 =	sadd.s32 s1, s30  }
0xc8: {  	s0 =	sor.u32 s4, s0;
	s1 =	sshll.u32 s1, $0x11  }
0xc9: {  	s0 =	sor.u32 s1, s0  }
0xca: {  	s0 =	sadd.s32 $0x8F2B, s0  }
0xcb: {  	[sflag:s0] =	ssyncadd.remote.s32 $0x1  }
0xcc: {  	_ =	sfence.sel $0xFFFF  }
0xcd: {  	[dreg:$0x0] =	wrdreg $0xFFFFFFFF;
	(pc) =	sbr.abs _section_cstart, $3  }
0xce: {  	[dreg:$0x1] =	wrdreg $0xFFFFFFFF  }
0xcf: {  	_ =	task.clear_ibuf [dreg:s22], $0x2FFFF;
	_ =	strace $0x9FFFFFFF  }
0xd0: {  	(tm) =	ssettm $0x7FFFFFFF  }
0xd1: {  	_ =	shalt  }
tec
execute0_lowered:
.L_overlay_start_1:
0x0: {  	(tag) =	ssettag $0x1  }
0x1: {  	s1 =	srdreg.scid  }
0x2: {  	s0 =	stileid.u32;
	s4 =	rddreg [dreg:$0x0];
	s2 =	simm.s32 $0x0  }
0x3: {  	s31 =	simm.s32 $0x4400;
	s10 =	simm.s32 $0x6400;
	s11 =	simm.s32 $0x7400  }
0x4: {  	s12 =	simm.s32 $0x8400;
	s13 =	simm.s32 $0x9400;
	s14 =	simm.s32 $0xA400  }
0x5: {  	s15 =	simm.s32 $0xB400;
	s16 =	simm.s32 $0xC400;
	s17 =	simm.s32 $0xD400  }
0x6: {  	s18 =	simm.s32 $0xE400;
	s19 =	simm.s32 $0xF400;
	s20 =	simm.s32 $0x1  }
0x7: {  	s21 =	simm.s32 $0x0;
	s3 =	sand.u32 $0x1, s1;
	s1 =	rddreg [dreg:$0x1]  }
0x8: {  	s29 =	sshll.u32 s0, $0x1;
	[smem:$0x7FF] =	sst s2;
	s6 =	smul.u32 $0x1A000, s0  }
0x9: {  	s5 =	sor.u32 s3, s29;
	_ =	strace $0x80000053;
	s7 =	smul.u32 $0xD000, s3  }
0xa: {  	s8 =	ssub.s32 $0x2, s3;
	s3 =	sadd.s32 $0x1BFA00, s4;
	[dreg:$0x3] =	wrdreg s31  }
0xb: {  	s5 =	smul.u32 $0x3400, s5;
	s6 =	sadd.s32 s6, s4;
	s9 =	sshrl.u32 s8, $0x1  }
0xc: {  	s6 =	sadd.s32 s7, s6;
	s30 =	ssub.s32 s8, s9;
	s7 =	simm.s32 $0x80  }
0xd: {  	s8 =	simm.s32 $0x3400;
	s5 =	sshrl.u32 s5, $0x3;
	s6 =	sadd.s32 $0x3C1600, s6  }
0xe: {  	s9 =	simm.s32 $0x5400;
	s5 =	sadd.s32 s5, s4;
	[dreg:$0x2] =	wrdreg s6  }
0xf: {  	s6 =	simm.s32 $0x2;
	s4 =	sadd.s32 $0x86000, s5;
	s5 =	smax.u32 s30, $0x1  }
.LBB2_1:
0x10: {  	[tilespmem:s2], [sflag:$0x2] =	stream.linear.gather [hbm4b:s4+s2], $0x3400, $0x38;
	[tilespmem:$0x10400] =	vst v63  }
0x11: {  	_ =	swait.ge [sflag:s6], $0x3400  }
0x12: {  	[sflag:s6] =	ssyncset.done $0x0  }
0x13: {  	s22 =	simm.s32 $0x0;
	[sflag:s6] =	ssyncadd.s32 $0xFFFFCC00  }
0x14: {  	[tilespmem:s8], [sflag:$0x1] =	stream.indirect.gather [hbm4b:s3+s7], $0x20, s22, s7, $0xb8;
	[tilespmem:$0x10400] =	vst v63  }
0x15: {  	s26 =	simm.s32 $0x80;
	s23 =	rddreg [dreg:$0x3]  }
0x16: {  	[tilespmem:s23], [sflag:$0x1] =	stream.indirect.gather [hbm4b:s3+s7], $0x20, s26, s7, $0xb8;
	[tilespmem:$0x10400] =	vst v63  }
0x17: {  	s28 =	simm.s32 $0x100  }
0x18: {  	[tilespmem:s9], [sflag:$0x1] =	stream.indirect.gather [hbm4b:s3+s7], $0x20, s28, s7, $0xb8;
	[tilespmem:$0x10400] =	vst v63  }
0x19: {  	s29 =	simm.s32 $0x180  }
0x1a: {  	[tilespmem:s10], [sflag:$0x1] =	stream.indirect.gather [hbm4b:s3+s7], $0x20, s29, s7, $0xb8;
	[tilespmem:$0x10400] =	vst v63  }
0x1b: {  	s30 =	simm.s32 $0x200  }
0x1c: {  	[tilespmem:s11], [sflag:$0x1] =	stream.indirect.gather [hbm4b:s3+s7], $0x20, s30, s7, $0xb8;
	[tilespmem:$0x10400] =	vst v63  }
0x1d: {  	s31 =	simm.s32 $0x280  }
0x1e: {  	[tilespmem:s12], [sflag:$0x1] =	stream.indirect.gather [hbm4b:s3+s7], $0x20, s31, s7, $0xb8;
	[tilespmem:$0x10400] =	vst v63  }
0x1f: {  	s23 =	simm.s32 $0x300  }
0x20: {  	[tilespmem:s13], [sflag:$0x1] =	stream.indirect.gather [hbm4b:s3+s7], $0x20, s23, s7, $0xb8;
	[tilespmem:$0x10400] =	vst v63  }
0x21: {  	s24 =	simm.s32 $0x380  }
0x22: {  	[tilespmem:s14], [sflag:$0x1] =	stream.indirect.gather [hbm4b:s3+s7], $0x20, s24, s7, $0xb8;
	[tilespmem:$0x10400] =	vst v63  }
0x23: {  	s25 =	simm.s32 $0x400  }
0x24: {  	[tilespmem:s15], [sflag:$0x1] =	stream.indirect.gather [hbm4b:s3+s7], $0x20, s25, s7, $0xb8;
	[tilespmem:$0x10400] =	vst v63  }
0x25: {  	s26 =	simm.s32 $0x480  }
0x26: {  	[tilespmem:s16], [sflag:$0x1] =	stream.indirect.gather [hbm4b:s3+s7], $0x20, s26, s7, $0xb8;
	[tilespmem:$0x10400] =	vst v63  }
0x27: {  	s28 =	simm.s32 $0x500  }
0x28: {  	[tilespmem:s17], [sflag:$0x1] =	stream.indirect.gather [hbm4b:s3+s7], $0x20, s28, s7, $0xb8;
	[tilespmem:$0x10400] =	vst v63  }
0x29: {  	s29 =	simm.s32 $0x580  }
0x2a: {  	[tilespmem:s18], [sflag:$0x1] =	stream.indirect.gather [hbm4b:s3+s7], $0x20, s29, s7, $0xb8;
	[tilespmem:$0x10400] =	vst v63  }
0x2b: {  	s30 =	simm.s32 $0x600  }
0x2c: {  	[tilespmem:s19], [sflag:$0x1] =	stream.indirect.gather [hbm4b:s3+s7], $0x20, s30, s7, $0xb8;
	[tilespmem:$0x10400] =	vst v63  }
0x2d: {  	_ =	swait.ge [sflag:s20], $0x1000  }
0x2e: {  	[sflag:s20] =	ssyncset.done $0x0  }
0x2f: {  	[sflag:s20] =	ssyncadd.s32 $0xFFFFF000  }
0x30: {  	_ =	swait.ge [sflag:s20], $0x1000  }
0x31: {  	[sflag:s20] =	ssyncset.done $0x0  }
0x32: {  	[sflag:s20] =	ssyncadd.s32 $0xFFFFF000  }
0x33: {  	_ =	swait.ge [sflag:s20], $0x1000  }
0x34: {  	[sflag:s20] =	ssyncset.done $0x0  }
0x35: {  	[sflag:s20] =	ssyncadd.s32 $0xFFFFF000  }
0x36: {  	_ =	swait.ge [sflag:s20], $0x1000  }
0x37: {  	[sflag:s20] =	ssyncset.done $0x0  }
0x38: {  	[sflag:s20] =	ssyncadd.s32 $0xFFFFF000  }
0x39: {  	_ =	swait.ge [sflag:s20], $0x1000  }
0x3a: {  	[sflag:s20] =	ssyncset.done $0x0  }
0x3b: {  	[sflag:s20] =	ssyncadd.s32 $0xFFFFF000  }
0x3c: {  	_ =	swait.ge [sflag:s20], $0x1000  }
0x3d: {  	[sflag:s20] =	ssyncset.done $0x0  }
0x3e: {  	[sflag:s20] =	ssyncadd.s32 $0xFFFFF000  }
0x3f: {  	_ =	swait.ge [sflag:s20], $0x1000  }
0x40: {  	[sflag:s20] =	ssyncset.done $0x0  }
0x41: {  	[sflag:s20] =	ssyncadd.s32 $0xFFFFF000  }
0x42: {  	_ =	swait.ge [sflag:s20], $0x1000  }
0x43: {  	[sflag:s20] =	ssyncset.done $0x0  }
0x44: {  	[sflag:s20] =	ssyncadd.s32 $0xFFFFF000  }
0x45: {  	_ =	swait.ge [sflag:s20], $0x1000  }
0x46: {  	[sflag:s20] =	ssyncset.done $0x0  }
0x47: {  	[sflag:s20] =	ssyncadd.s32 $0xFFFFF000  }
0x48: {  	_ =	swait.ge [sflag:s20], $0x1000  }
0x49: {  	[sflag:s20] =	ssyncset.done $0x0  }
0x4a: {  	[sflag:s20] =	ssyncadd.s32 $0xFFFFF000  }
0x4b: {  	_ =	swait.ge [sflag:s20], $0x1000  }
0x4c: {  	[sflag:s20] =	ssyncset.done $0x0  }
0x4d: {  	[sflag:s20] =	ssyncadd.s32 $0xFFFFF000  }
0x4e: {  	_ =	swait.ge [sflag:s20], $0x1000  }
0x4f: {  	[sflag:s20] =	ssyncset.done $0x0  }
0x50: {  	[sflag:s20] =	ssyncadd.s32 $0xFFFFF000  }
0x51: {  	_ =	swait.ge [sflag:s20], $0x1000  }
0x52: {  	s31 =	rddreg [dreg:$0x2];
	[sflag:s20] =	ssyncset.done $0x0  }
0x53: {  	[sflag:s20] =	ssyncadd.s32 $0xFFFFF000;
	s22 =	sadd.s32 $0x0, s31  }
0x54: {  	[hbm4b:s22+s2] =	stream.linear.scatter [tilespmem:s8], [sflag:$0x2], $0xD000, $0x38;
	[tilespmem:$0x10400] =	vst v63  }
0x55: {  	_ =	swait.ge [sflag:s6], $0xD000  }
0x56: {  	s23 =	simm.s32 $0x3400;
	s22 =	simm.s32 $0x1A00;
	[sflag:s6] =	ssyncset.done $0x0  }
.LBB2_2:
0x57: {  	s25 =	sshra.s32 s22, $0x2;
	[sflag:s6] =	ssyncadd.s32 $0xFFFF3000  }
0x58: {  	[tilespmem:s8], [sflag:$0x1] =	stream.indirect.gather [hbm4b:s3+s7], $0x20, s25, s7, $0xb8;
	[tilespmem:$0x10400] =	vst v63  }
0x59: {  	s26 =	rddreg [dreg:$0x3];
	s28 =	sadd.s32 $0x80, s25  }
0x5a: {  	[tilespmem:s26], [sflag:$0x1] =	stream.indirect.gather [hbm4b:s3+s7], $0x20, s28, s7, $0xb8;
	[tilespmem:$0x10400] =	vst v63  }
0x5b: {  	s29 =	sadd.s32 $0x100, s25  }
0x5c: {  	[tilespmem:s9], [sflag:$0x1] =	stream.indirect.gather [hbm4b:s3+s7], $0x20, s29, s7, $0xb8;
	[tilespmem:$0x10400] =	vst v63  }
0x5d: {  	s30 =	sadd.s32 $0x180, s25  }
0x5e: {  	[tilespmem:s10], [sflag:$0x1] =	stream.indirect.gather [hbm4b:s3+s7], $0x20, s30, s7, $0xb8;
	[tilespmem:$0x10400] =	vst v63  }
0x5f: {  	s31 =	sadd.s32 $0x200, s25  }
0x60: {  	[tilespmem:s11], [sflag:$0x1] =	stream.indirect.gather [hbm4b:s3+s7], $0x20, s31, s7, $0xb8;
	[tilespmem:$0x10400] =	vst v63  }
0x61: {  	s28 =	sadd.s32 $0x280, s25  }
0x62: {  	[tilespmem:s12], [sflag:$0x1] =	stream.indirect.gather [hbm4b:s3+s7], $0x20, s28, s7, $0xb8;
	[tilespmem:$0x10400] =	vst v63  }
0x63: {  	s29 =	sadd.s32 $0x300, s25  }
0x64: {  	[tilespmem:s13], [sflag:$0x1] =	stream.indirect.gather [hbm4b:s3+s7], $0x20, s29, s7, $0xb8;
	[tilespmem:$0x10400] =	vst v63  }
0x65: {  	s30 =	sadd.s32 $0x380, s25  }
0x66: {  	[tilespmem:s14], [sflag:$0x1] =	stream.indirect.gather [hbm4b:s3+s7], $0x20, s30, s7, $0xb8;
	[tilespmem:$0x10400] =	vst v63  }
0x67: {  	s31 =	sadd.s32 $0x400, s25  }
0x68: {  	[tilespmem:s15], [sflag:$0x1] =	stream.indirect.gather [hbm4b:s3+s7], $0x20, s31, s7, $0xb8;
	[tilespmem:$0x10400] =	vst v63  }
0x69: {  	s28 =	sadd.s32 $0x480, s25  }
0x6a: {  	[tilespmem:s16], [sflag:$0x1] =	stream.indirect.gather [hbm4b:s3+s7], $0x20, s28, s7, $0xb8;
	[tilespmem:$0x10400] =	vst v63  }
0x6b: {  	s29 =	sadd.s32 $0x500, s25  }
0x6c: {  	[tilespmem:s17], [sflag:$0x1] =	stream.indirect.gather [hbm4b:s3+s7], $0x20, s29, s7, $0xb8;
	[tilespmem:$0x10400] =	vst v63  }
0x6d: {  	s30 =	sadd.s32 $0x580, s25  }
0x6e: {  	[tilespmem:s18], [sflag:$0x1] =	stream.indirect.gather [hbm4b:s3+s7], $0x20, s30, s7, $0xb8;
	[tilespmem:$0x10400] =	vst v63  }
0x6f: {  	s25 =	sadd.s32 $0x600, s25  }
0x70: {  	[tilespmem:s19], [sflag:$0x1] =	stream.indirect.gather [hbm4b:s3+s7], $0x20, s25, s7, $0xb8;
	[tilespmem:$0x10400] =	vst v63  }
0x71: {  	_ =	swait.ge [sflag:s20], $0x1000  }
0x72: {  	[sflag:s20] =	ssyncset.done $0x0  }
0x73: {  	[sflag:s20] =	ssyncadd.s32 $0xFFFFF000  }
0x74: {  	_ =	swait.ge [sflag:s20], $0x1000  }
0x75: {  	[sflag:s20] =	ssyncset.done $0x0  }
0x76: {  	[sflag:s20] =	ssyncadd.s32 $0xFFFFF000  }
0x77: {  	_ =	swait.ge [sflag:s20], $0x1000  }
0x78: {  	[sflag:s20] =	ssyncset.done $0x0  }
0x79: {  	[sflag:s20] =	ssyncadd.s32 $0xFFFFF000  }
0x7a: {  	_ =	swait.ge [sflag:s20], $0x1000  }
0x7b: {  	[sflag:s20] =	ssyncset.done $0x0  }
0x7c: {  	[sflag:s20] =	ssyncadd.s32 $0xFFFFF000  }
0x7d: {  	_ =	swait.ge [sflag:s20], $0x1000  }
0x7e: {  	[sflag:s20] =	ssyncset.done $0x0  }
0x7f: {  	[sflag:s20] =	ssyncadd.s32 $0xFFFFF000  }
0x80: {  	_ =	swait.ge [sflag:s20], $0x1000  }
0x81: {  	[sflag:s20] =	ssyncset.done $0x0  }
0x82: {  	[sflag:s20] =	ssyncadd.s32 $0xFFFFF000  }
0x83: {  	_ =	swait.ge [sflag:s20], $0x1000  }
0x84: {  	[sflag:s20] =	ssyncset.done $0x0  }
0x85: {  	[sflag:s20] =	ssyncadd.s32 $0xFFFFF000  }
0x86: {  	_ =	swait.ge [sflag:s20], $0x1000  }
0x87: {  	[sflag:s20] =	ssyncset.done $0x0  }
0x88: {  	[sflag:s20] =	ssyncadd.s32 $0xFFFFF000  }
0x89: {  	_ =	swait.ge [sflag:s20], $0x1000  }
0x8a: {  	[sflag:s20] =	ssyncset.done $0x0  }
0x8b: {  	[sflag:s20] =	ssyncadd.s32 $0xFFFFF000  }
0x8c: {  	_ =	swait.ge [sflag:s20], $0x1000  }
0x8d: {  	[sflag:s20] =	ssyncset.done $0x0  }
0x8e: {  	[sflag:s20] =	ssyncadd.s32 $0xFFFFF000  }
0x8f: {  	_ =	swait.ge [sflag:s20], $0x1000  }
0x90: {  	[sflag:s20] =	ssyncset.done $0x0  }
0x91: {  	[sflag:s20] =	ssyncadd.s32 $0xFFFFF000  }
0x92: {  	_ =	swait.ge [sflag:s20], $0x1000  }
0x93: {  	[sflag:s20] =	ssyncset.done $0x0  }
0x94: {  	[sflag:s20] =	ssyncadd.s32 $0xFFFFF000  }
0x95: {  	p0 =	sne.s32 s23, $0xB600;
	_ =	swait.ge [sflag:s20], $0x1000  }
.Ltmp0:
0x96: {  	s31 =	rddreg [dreg:$0x2];
	[sflag:s20] =	ssyncset.done $0x0;
	(pc) =	sbr.rel @p0 .LBB2_2-.Ltmp0, $4  }
0x97: {  	[sflag:s20] =	ssyncadd.s32 $0xFFFFF000;
	s25 =	sadd.s32 s22, s31  }
0x98: {  	[hbm4b:s25+s2] =	stream.linear.scatter [tilespmem:s8], [sflag:$0x2], $0xD000, $0x38;
	[tilespmem:$0x10400] =	vst v63  }
0x99: {  	s24 =	smov.u32 s23;
	_ =	swait.ge [sflag:s6], $0xD000  }
0x9a: {  	s23 =	sadd.s32 $0x1A00, s23;
	s22 =	smov.u32 s24;
	[sflag:s6] =	ssyncset.done $0x0  }
0x9b: {  	s23 =	sshra.s32 s22, $0x2;
	[sflag:s6] =	ssyncadd.s32 $0xFFFF3000  }
0x9c: {  	[tilespmem:s8], [sflag:$0x1] =	stream.indirect.gather [hbm4b:s3+s7], $0x20, s23, s7, $0xb8;
	[tilespmem:$0x10400] =	vst v63  }
0x9d: {  	s24 =	rddreg [dreg:$0x3];
	s25 =	sadd.s32 $0x80, s23  }
0x9e: {  	[tilespmem:s24], [sflag:$0x1] =	stream.indirect.gather [hbm4b:s3+s7], $0x20, s25, s7, $0xb8;
	[tilespmem:$0x10400] =	vst v63  }
0x9f: {  	s25 =	sadd.s32 $0x100, s23  }
0xa0: {  	[tilespmem:s9], [sflag:$0x1] =	stream.indirect.gather [hbm4b:s3+s7], $0x20, s25, s7, $0xb8;
	[tilespmem:$0x10400] =	vst v63  }
0xa1: {  	s26 =	sadd.s32 $0x180, s23  }
0xa2: {  	[tilespmem:s10], [sflag:$0x1] =	stream.indirect.gather [hbm4b:s3+s7], $0x20, s26, s7, $0xb8;
	[tilespmem:$0x10400] =	vst v63  }
0xa3: {  	s28 =	sadd.s32 $0x200, s23  }
0xa4: {  	[tilespmem:s11], [sflag:$0x1] =	stream.indirect.gather [hbm4b:s3+s7], $0x20, s28, s7, $0xb8;
	[tilespmem:$0x10400] =	vst v63  }
0xa5: {  	s29 =	sadd.s32 $0x280, s23  }
0xa6: {  	[tilespmem:s12], [sflag:$0x1] =	stream.indirect.gather [hbm4b:s3+s7], $0x20, s29, s7, $0xb8;
	[tilespmem:$0x10400] =	vst v63  }
0xa7: {  	s30 =	sadd.s32 $0x300, s23  }
0xa8: {  	[tilespmem:s13], [sflag:$0x1] =	stream.indirect.gather [hbm4b:s3+s7], $0x20, s30, s7, $0xb8;
	[tilespmem:$0x10400] =	vst v63  }
0xa9: {  	s31 =	sadd.s32 $0x380, s23  }
0xaa: {  	[tilespmem:s14], [sflag:$0x1] =	stream.indirect.gather [hbm4b:s3+s7], $0x20, s31, s7, $0xb8;
	[tilespmem:$0x10400] =	vst v63  }
0xab: {  	s25 =	sadd.s32 $0x400, s23  }
0xac: {  	[tilespmem:s15], [sflag:$0x1] =	stream.indirect.gather [hbm4b:s3+s7], $0x20, s25, s7, $0xb8;
	[tilespmem:$0x10400] =	vst v63  }
0xad: {  	s26 =	sadd.s32 $0x480, s23  }
0xae: {  	[tilespmem:s16], [sflag:$0x1] =	stream.indirect.gather [hbm4b:s3+s7], $0x20, s26, s7, $0xb8;
	[tilespmem:$0x10400] =	vst v63  }
0xaf: {  	s28 =	sadd.s32 $0x500, s23  }
0xb0: {  	[tilespmem:s17], [sflag:$0x1] =	stream.indirect.gather [hbm4b:s3+s7], $0x20, s28, s7, $0xb8;
	[tilespmem:$0x10400] =	vst v63  }
0xb1: {  	s29 =	sadd.s32 $0x580, s23  }
0xb2: {  	[tilespmem:s18], [sflag:$0x1] =	stream.indirect.gather [hbm4b:s3+s7], $0x20, s29, s7, $0xb8;
	[tilespmem:$0x10400] =	vst v63  }
0xb3: {  	s23 =	sadd.s32 $0x600, s23  }
0xb4: {  	[tilespmem:s19], [sflag:$0x1] =	stream.indirect.gather [hbm4b:s3+s7], $0x20, s23, s7, $0xb8;
	[tilespmem:$0x10400] =	vst v63  }
0xb5: {  	_ =	swait.ge [sflag:s20], $0x1000  }
0xb6: {  	[sflag:s20] =	ssyncset.done $0x0  }
0xb7: {  	[sflag:s20] =	ssyncadd.s32 $0xFFFFF000  }
0xb8: {  	_ =	swait.ge [sflag:s20], $0x1000  }
0xb9: {  	[sflag:s20] =	ssyncset.done $0x0  }
0xba: {  	[sflag:s20] =	ssyncadd.s32 $0xFFFFF000  }
0xbb: {  	_ =	swait.ge [sflag:s20], $0x1000  }
0xbc: {  	[sflag:s20] =	ssyncset.done $0x0  }
0xbd: {  	[sflag:s20] =	ssyncadd.s32 $0xFFFFF000  }
0xbe: {  	_ =	swait.ge [sflag:s20], $0x1000  }
0xbf: {  	[sflag:s20] =	ssyncset.done $0x0  }
0xc0: {  	[sflag:s20] =	ssyncadd.s32 $0xFFFFF000  }
0xc1: {  	_ =	swait.ge [sflag:s20], $0x1000  }
0xc2: {  	[sflag:s20] =	ssyncset.done $0x0  }
0xc3: {  	[sflag:s20] =	ssyncadd.s32 $0xFFFFF000  }
0xc4: {  	_ =	swait.ge [sflag:s20], $0x1000  }
0xc5: {  	[sflag:s20] =	ssyncset.done $0x0  }
0xc6: {  	[sflag:s20] =	ssyncadd.s32 $0xFFFFF000  }
0xc7: {  	_ =	swait.ge [sflag:s20], $0x1000  }
0xc8: {  	[sflag:s20] =	ssyncset.done $0x0  }
0xc9: {  	[sflag:s20] =	ssyncadd.s32 $0xFFFFF000  }
0xca: {  	_ =	swait.ge [sflag:s20], $0x1000  }
0xcb: {  	[sflag:s20] =	ssyncset.done $0x0  }
0xcc: {  	[sflag:s20] =	ssyncadd.s32 $0xFFFFF000  }
0xcd: {  	_ =	swait.ge [sflag:s20], $0x1000  }
0xce: {  	[sflag:s20] =	ssyncset.done $0x0  }
0xcf: {  	[sflag:s20] =	ssyncadd.s32 $0xFFFFF000  }
0xd0: {  	_ =	swait.ge [sflag:s20], $0x1000  }
0xd1: {  	[sflag:s20] =	ssyncset.done $0x0  }
0xd2: {  	[sflag:s20] =	ssyncadd.s32 $0xFFFFF000  }
0xd3: {  	_ =	swait.ge [sflag:s20], $0x1000  }
0xd4: {  	[sflag:s20] =	ssyncset.done $0x0  }
0xd5: {  	[sflag:s20] =	ssyncadd.s32 $0xFFFFF000  }
0xd6: {  	_ =	swait.ge [sflag:s20], $0x1000  }
0xd7: {  	[sflag:s20] =	ssyncset.done $0x0  }
0xd8: {  	[sflag:s20] =	ssyncadd.s32 $0xFFFFF000  }
0xd9: {  	s21 =	sadd.s32 $0x1, s21;
	_ =	swait.ge [sflag:s20], $0x1000  }
0xda: {  	p0 =	sne.s32 s21, s5;
	s30 =	rddreg [dreg:$0x2];
	[sflag:s20] =	ssyncset.done $0x0  }
.Ltmp1:
0xdb: {  	[sflag:s20] =	ssyncadd.s32 $0xFFFFF000;
	s31 =	sadd.s32 s22, s30;
	(pc) =	sbr.rel @p0 .LBB2_1-.Ltmp1, $4  }
0xdc: {  	[hbm4b:s31+s2] =	stream.linear.scatter [tilespmem:s8], [sflag:$0x2], $0xD000, $0x38;
	[tilespmem:$0x10400] =	vst v63  }
0xdd: {  	_ =	swait.ge [sflag:s6], $0xD000  }
0xde: {  	[sflag:s6] =	ssyncset.done $0x0  }
0xdf: {  	[sflag:s6] =	ssyncadd.s32 $0xFFFF3000  }
0xe0: {  	_ =	sfence.sel $0x180000  }
0xe1: {  	[bflag:$0x0] =	sbarrier.arrive $0xFFFF  }
0xe2: {  	p0 =	sne.s32 s0, $0x0;
	_ =	strace $0x90000053  }
0xe3: {  	s0 =	sadd.s32 @!p0 $0x100000, s1;
	[bflag:$0x2] =	sbarrier.arrive $0xFFFF  }
0xe4: {  	[sflag:s0] =	ssyncadd.tile.s32 @!p0 $0x1;
	_ =	shalt  }
.Lfunc_end2:
_tile_overlayer_lowered:
.L_overlay_start_2:
0xe5: {  	(tag) =	ssettag $0x2  }
0xe6: {  	s0 =	rddreg [dreg:$0x0];
	s2 =	stileid.u32  }
0xe7: {  	s1 =	rddreg [dreg:$0x1];
	p0 =	sne.s32 s2, $0x0  }
0xe8: {  	s3 =	rddreg [dreg:$0x2];
	[bflag:$0x3] =	sbarrier.arrive $0xFFFF;
	s2 =	simm.s32 @!p0 $0x1C02  }
0xe9: {  	[timem:s3], [sflag:s2] =	dma.local @!p0 [hbm:s0], s1  }
0xea: {  	s0 =	simm.s32 @!p0 $0x2  }
0xeb: {  	_ =	swait.ge @!p0 [sflag:s0], s1  }
0xec: {  	s1 =	ssub.s32 @!p0 $0x0, s1;
	[sflag:s0] =	ssyncset.done @!p0 $0x0  }
0xed: {  	[sflag:s0] =	ssyncadd.s32 @!p0 s1  }
0xee: {  	[bflag:$0x3] =	sbarrier.arrive $0xFFFF  }
0xef: {  	_ =	shalt  }

// kernel: kernel.14.cloned.1.call-start
scs
__scs_entry_jumppad:
0x0: {  	(pc) =	sbr.rel $0x88, $3  }
0x1: {  	(tag) =	ssettag $0x0;
	lr =	simm.s32 $0x1  }
0x2: {  	[smem:$0x3F8F] =	sst lr;
	_ =	strace $0xD0000000  }
0x3: {  	_ = 	snop  }
0x4: {  	_ = 	snop  }
0x5: {  	_ = 	snop  }
0x6: {  	_ = 	snop  }
0x7: {  	_ = 	snop  }
__scs_overlays_trampoline_lowered:
0x8: {  	[smem:$0x3F9E] =	sst s0  }
0x9: {  	[smem:$0x3F9F] =	sst s1  }
0xa: {  	[smem:$0x3FA0] =	sst s2  }
0xb: {  	[smem:$0x3FA1] =	sst s3  }
0xc: {  	[smem:$0x3FA2] =	sst s4  }
0xd: {  	[smem:$0x3FA3] =	sst s5  }
0xe: {  	[smem:$0x3FA4] =	sst s6  }
0xf: {  	[smem:$0x3FA5] =	sst s7  }
0x10: {  	[smem:$0x3FA6] =	sst s8  }
0x11: {  	[smem:$0x3FA7] =	sst s9;
	s0 =	simm.s32 @!p0 $0x0  }
0x12: {  	s1 =	sld [smem:$0x3F8D];
	s0 =	simm.s32 @p0 $0x1  }
0x13: {  	[smem:$0x3FA8] =	sst s0;
	s0 =	simm.s32 @!p1 $0x0  }
0x14: {  	s2 =	sld [smem:$0x3F8C];
	s0 =	simm.s32 @p1 $0x1  }
0x15: {  	[smem:$0x3FA9] =	sst s0;
	s0 =	simm.s32 @!p2 $0x0  }
0x16: {  	s3 =	sld [smem:$0x3FDB];
	s0 =	simm.s32 @p2 $0x1  }
0x17: {  	s4 =	simm.s32 $0x1BF5;
	[smem:$0x3FAB] =	sst s0  }
0x18: {  	s0 =	sld [smem:$0x3F8E];
	_ =	swait.ge [sflag:s4], $0x0  }
0x19: {  	s7 =	sld [smem:$0x3F8F]  }
0x1a: {  	s8 =	sadd.s32 $0xFFFFE003, lr  }
0x1b: {  	s9 =	sadd.s32 $0xFFFFFEF7, lr;
	s5 =	simm.s32 $0xFFFFFFFF;
	p2 =	slt.u32 s8, $0xFFFFF086  }
0x1c: {  	p1 =	slt.u32 s9, $0xF7A;
	s5 =	simm.s32 @!p2 $0x0  }
0x1d: {  	s5 =	simm.s32 @p1 $0x1;
	p0 =	seq.s32 s7, s2  }
0x1e: {  	s7 =	smul.u32 @!p0 $0xF7A, s2;
	p2 =	seq.s32 @!p0 s5, $0x0  }
0x1f: {  	s9 =	smul.u32 $0xF7A, s1;
	s8 =	simm.s32 @!p0 $0x1BF5;
	p2 =	por !p2, p0  }
0x20: {  	[sflag:s8] =	ssyncset.s32 @!p0 $0xFFFFF086;
	s6 =	sadd.s32 @!p0 s3, s7;
	s7 =	simm.s32 @!p0 $0x108  }
0x21: {  	s3 =	sadd.s32 s3, s9;
	s6 =	sadd.s32 @!p0 $0x88, s6;
	s7 =	simm.s32 @p2 $0x1082  }
0x22: {  	[simem:s7], [sflag:s8] =	dma.local @!p0 [hbm:s6], $0xF7A  }
0x23: {  	s9 =	sor.u32 $0xD0000000, s2;
	s6 =	simm.s32 $0x108;
	_ =	swait.ge @!p0 [sflag:s8], $0x0  }
0x24: {  	s3 =	sadd.s32 $0x88, s3;
	s6 =	simm.s32 @!p1 $0x1082;
	[sflag:s4] =	ssyncset.s32 $0xFFFFF086  }
0x25: {  	[simem:s6], [sflag:s4] =	dma.local [hbm:s3], $0xF7A  }
0x26: {  	[smem:$0x3F8F] =	sst s1;
	(tag) =	ssettag s2;
	_ =	strace s9  }
0x27: {  	s1 =	sld [smem:$0x3F9F]  }
0x28: {  	s2 =	sld [smem:$0x3FA0]  }
0x29: {  	s4 =	sld [smem:$0x3FA2]  }
0x2a: {  	p0 =	seq.s32 s5, $0x0;
	s5 =	sld [smem:$0x3FA3]  }
0x2b: {  	s6 =	sld [smem:$0x3FA4]  }
0x2c: {  	s7 =	sld [smem:$0x3FA5]  }
0x2d: {  	s3 =	simm.s32 $0x108;
	s8 =	sld [smem:$0x3FA6]  }
0x2e: {  	s3 =	simm.s32 @!p0 $0x1082;
	s9 =	sld [smem:$0x3FA7]  }
0x2f: {  	lr =	sadd.s32 s0, s3;
	s0 =	sld [smem:$0x3F9E]  }
0x30: {  	s3 =	sld [smem:$0x3FA1]  }
0x31: {  	[smem:$0x3FAA] =	sst s10  }
0x32: {  	s10 =	sld [smem:$0x3FA8];
	_ =	sdelay $0x3  }
0x33: {  	p0 =	seq.s32 s10, $0x1;
	s10 =	sld [smem:$0x3FAA];
	_ =	sdelay $0x3  }
0x34: {  	[smem:$0x3FAA] =	sst s10  }
0x35: {  	s10 =	sld [smem:$0x3FA9];
	_ =	sdelay $0x3  }
0x36: {  	p1 =	seq.s32 s10, $0x1;
	s10 =	sld [smem:$0x3FAA];
	_ =	sdelay $0x3  }
0x37: {  	[smem:$0x3FAA] =	sst s10  }
0x38: {  	s10 =	sld [smem:$0x3FAB]  }
0x39: {  	_ = 	snop;
	(pc) =	sbr.ind lr, $3  }
0x3a: {  	_ = 	snop  }
0x3b: {  	_ = 	snop  }
0x3c: {  	p2 =	seq.s32 s10, $0x1;
	s10 =	sld [smem:$0x3FAA]  }
0x3d: {  	_ =	shalt  }
0x3e: {  	_ =	shalt  }
0x3f: {  	_ =	shalt  }
0x40: {  	_ =	shalt  }
0x41: {  	_ =	shalt  }
0x42: {  	_ =	shalt  }
0x43: {  	_ =	shalt  }
0x44: {  	_ =	shalt  }
0x45: {  	_ =	shalt  }
0x46: {  	_ =	shalt  }
0x47: {  	_ =	shalt  }
0x48: {  	_ =	shalt  }
0x49: {  	_ =	shalt  }
0x4a: {  	_ =	shalt  }
0x4b: {  	_ =	shalt  }
0x4c: {  	_ =	shalt  }
0x4d: {  	_ =	shalt  }
0x4e: {  	_ =	shalt  }
0x4f: {  	_ =	shalt  }
0x50: {  	_ =	shalt  }
0x51: {  	_ =	shalt  }
0x52: {  	_ =	shalt  }
0x53: {  	_ =	shalt  }
0x54: {  	_ =	shalt  }
0x55: {  	_ =	shalt  }
0x56: {  	_ =	shalt  }
0x57: {  	_ =	shalt  }
0x58: {  	_ =	shalt  }
0x59: {  	_ =	shalt  }
0x5a: {  	_ =	shalt  }
0x5b: {  	_ =	shalt  }
0x5c: {  	_ =	shalt  }
0x5d: {  	_ =	shalt  }
0x5e: {  	_ =	shalt  }
0x5f: {  	_ =	shalt  }
0x60: {  	_ =	shalt  }
0x61: {  	_ =	shalt  }
0x62: {  	_ =	shalt  }
0x63: {  	_ =	shalt  }
0x64: {  	_ =	shalt  }
0x65: {  	_ =	shalt  }
0x66: {  	_ =	shalt  }
0x67: {  	_ =	shalt  }
0x68: {  	_ =	shalt  }
0x69: {  	_ =	shalt  }
0x6a: {  	_ =	shalt  }
0x6b: {  	_ =	shalt  }
0x6c: {  	_ =	shalt  }
0x6d: {  	_ =	shalt  }
0x6e: {  	_ =	shalt  }
0x6f: {  	_ =	shalt  }
0x70: {  	_ =	shalt  }
0x71: {  	_ =	shalt  }
0x72: {  	_ =	shalt  }
0x73: {  	_ =	shalt  }
0x74: {  	_ =	shalt  }
0x75: {  	_ =	shalt  }
0x76: {  	_ =	shalt  }
0x77: {  	_ =	shalt  }
0x78: {  	_ =	shalt  }
0x79: {  	_ =	shalt  }
0x7a: {  	_ =	shalt  }
0x7b: {  	_ =	shalt  }
0x7c: {  	_ =	shalt  }
0x7d: {  	_ =	shalt  }
0x7e: {  	_ =	shalt  }
0x7f: {  	_ =	shalt  }
0x80: {  	_ =	shalt  }
0x81: {  	_ =	shalt  }
0x82: {  	_ =	shalt  }
0x83: {  	_ =	shalt  }
0x84: {  	_ =	shalt  }
0x85: {  	_ =	shalt  }
0x86: {  	_ =	shalt  }
0x87: {  	_ =	shalt  }
.Lfunc_end0:
.L_simem_size_0:
called_computation.5_lowered:
.L_overlay_start_0:
0x88: {  	s2 =	sld [smem:$0x3FD9]  }
0x89: {  	s3 =	sld [smem:$0x3FFE];
	_ =	sdelay $0x1  }
0x8a: {  	s1 =	srdreg.scid  }
0x8b: {  	s0 =	sand.u32 $0x1, s1  }
0x8c: {  	s17 =	sshll.u32 s0, $0xA;
	s2 =	sadd.s32 s3, s2  }
0x8d: {  	s2 =	sadd.s32 s2, s17  }
0x8e: {  	[smem:$0x3FB6] =	sst s2  }
0x8f: {  	_ = 	snop  }
0x90: {  	(tm) =	ssettm $0x1  }
0x91: {  	s18 =	sld [smem:$0x3FFB];
	_ =	sdelay $0x3  }
0x92: {  	_ =	strace s18  }
0x93: {  	s2 =	sld [smem:$0x3FFC];
	_ =	sdelay $0x3  }
0x94: {  	_ =	strace s2  }
0x95: {  	s2 =	sld [smem:$0x3FFD];
	_ =	sdelay $0x3  }
0x96: {  	_ =	strace s2  }
0x97: {  	_ =	strace $0x8FFFFFFF  }
0x98: {  	s19 =	sld [smem:$0x3FDB];
	_ =	sdelay $0x1  }
0x99: {  	s20 =	simm.s32 $_scs_section_size  }
0x9a: {  	s4 =	simm.s32 $_size__tile_overlayer_lowered;
	s5 =	simm.s32 $_tile_overlayer_lowered  }
0x9b: {  	s6 =	simm.s32 $0x1BFF;
	s21 =	sshll.u32 s5, $0x1;
	s3 =	sadd.s32 s20, s19  }
0x9c: {  	s22 =	simm.s32 $0x0;
	s4 =	sshll.u32 s4, $0x1;
	s5 =	sadd.s32 s21, s3  }
0x9d: {  	[timem:s22], [sflag:s6] =	dma.local [hbm:s5], s4  }
0x9e: {  	_ =	swait.ge [sflag:s6], s4  }
0x9f: {  	s4 =	ssub.s32 $0x0, s4;
	[sflag:s6] =	ssyncset.done $0x0  }
0xa0: {  	[sflag:s6] =	ssyncadd.s32 s4;
	_ =	sdelay $0x1  }
0xa1: {  	s23 =	simm.s32 $0x1B8B  }
0xa2: {  	_ =	swait.ge [sflag:s23], $0x1  }
0xa3: {  	[sflag:s23] =	ssyncset.done $0x0  }
0xa4: {  	[sflag:s23] =	ssyncadd.s32 $0xFFFFFFFF  }
0xa5: {  	s4 =	sld [smem:$0x0]  }
0xa6: {  	s5 =	sand.u32 $0xFFFFFFFE, s1  }
0xa7: {  	p0 =	sne.s32 s1, s5  }
0xa8: {  	s5 =	sshll.u32 @p0 s5, $0xE  }
0xa9: {  	s5 =	sadd.s32 @p0 $0x11B8D, s5;
	s6 =	sshll.u32 @p0 s4, $0x11  }
0xaa: {  	s5 =	sor.u32 @p0 s6, s5  }
0xab: {  	[sflag:s5] =	ssyncadd.remote.s32 @p0 $0x1;
	_ =	sdelay $0x1  }
0xac: {  	s5 =	simm.s32 @p0 $0x1B8D  }
0xad: {  	_ =	swait.eq @p0 [sflag:s5], $0x1  }
0xae: {  	[sflag:s5] =	ssyncadd.s32 @p0 $0xFFFFFFFF  }
0xaf: {  	s6 =	sshll.u32 @!p0 s1, $0xE  }
0xb0: {  	s6 =	sor.u32 @!p0 $0x4000, s6;
	s5 =	simm.s32 @!p0 $0x1B8D  }
0xb1: {  	s4 =	sshll.u32 @!p0 s4, $0x11;
	s6 =	sadd.s32 @!p0 $0x11B8D, s6;
	_ =	swait.eq @!p0 [sflag:s5], $0x1  }
0xb2: {  	s4 =	sor.u32 @!p0 s4, s6;
	[sflag:s5] =	ssyncadd.s32 @!p0 $0xFFFFFFFF  }
0xb3: {  	s25 =	simm.s32 $0x1B8E;
	s24 =	sld [smem:$0x3FFE];
	[sflag:s4] =	ssyncadd.remote.s32 @!p0 $0x1  }
0xb4: {  	s26 =	simm.s32 $execute0_lowered;
	[smem:$0x3FD2] =	sst s25  }
0xb5: {  	s5 =	sshll.u32 s26, $0x1;
	_ =	strace $0x8000004F;
	[dreg:$0x1] =	wrdreg $0xFFFFFFFF  }
0xb6: {  	s28 =	simm.s32 $_size_execute0_lowered;
	s3 =	sadd.s32 s3, s5;
	[dreg:$0x0] =	wrdreg $0x0  }
0xb7: {  	s5 =	sshll.u32 s28, $0x1;
	[dreg:$0x2] =	wrdreg s3  }
0xb8: {  	[dreg:$0x3] =	wrdreg s5  }
0xb9: {  	[dreg:$0x4] =	wrdreg $0xC0  }
0xba: {  	_ =	task [dreg:s22], $0x5FFFF  }
0xbb: {  	[dreg:$0x1] =	wrdreg $0xFFFFFFFF  }
0xbc: {  	[dreg:$0x0] =	wrdreg $0x60  }
0xbd: {  	[dreg:$0x2] =	wrdreg s24  }
0xbe: {  	[dreg:$0x3] =	wrdreg $0xE  }
0xbf: {  	_ =	task.clear_ibuf [dreg:s22], $0x4FFFF;
	_ =	strace $0x9000004F  }
0xc0: {  	s29 =	simm.s32 $0xE;
	_ =	strace $0x80000051  }
0xc1: {  	_ =	swait.ge [sflag:s29], $0x1  }
0xc2: {  	[sflag:s29] =	ssyncadd.s32 $0xFFFFFFFF  }
0xc3: {  	_ =	strace $0x90000051  }
0xc4: {  	_ =	sfence  }
0xc5: {  	s30 =	sld [smem:$0x0];
	_ =	sdelay $0x2  }
0xc6: {  	s31 =	sshll.u32 s1, $0xD;
	s1 =	sshrl.u32 s1, $0x2  }
0xc7: {  	s4 =	sand.u32 $0x4000, s31;
	s1 =	sadd.s32 s1, s30  }
0xc8: {  	s0 =	sor.u32 s4, s0;
	s1 =	sshll.u32 s1, $0x11  }
0xc9: {  	s0 =	sor.u32 s1, s0  }
0xca: {  	s0 =	sadd.s32 $0x8F2B, s0  }
0xcb: {  	[sflag:s0] =	ssyncadd.remote.s32 $0x1  }
0xcc: {  	_ =	sfence.sel $0xFFFF  }
0xcd: {  	[dreg:$0x0] =	wrdreg $0xFFFFFFFF;
	(pc) =	sbr.abs _section_cstart, $3  }
0xce: {  	[dreg:$0x1] =	wrdreg $0xFFFFFFFF  }
0xcf: {  	_ =	task.clear_ibuf [dreg:s22], $0x2FFFF;
	_ =	strace $0x9FFFFFFF  }
0xd0: {  	(tm) =	ssettm $0x7FFFFFFF  }
0xd1: {  	_ =	shalt  }
tec
execute0_lowered:
.L_overlay_start_1:
0x0: {  	(tag) =	ssettag $0x1  }
0x1: {  	s1 =	srdreg.scid  }
0x2: {  	s0 =	stileid.u32;
	s4 =	rddreg [dreg:$0x0];
	s2 =	simm.s32 $0x0  }
0x3: {  	s31 =	simm.s32 $0x4400;
	s10 =	simm.s32 $0x6400;
	s11 =	simm.s32 $0x7400  }
0x4: {  	s12 =	simm.s32 $0x8400;
	s13 =	simm.s32 $0x9400;
	s14 =	simm.s32 $0xA400  }
0x5: {  	s15 =	simm.s32 $0xB400;
	s16 =	simm.s32 $0xC400;
	s17 =	simm.s32 $0xD400  }
0x6: {  	s18 =	simm.s32 $0xE400;
	s19 =	simm.s32 $0xF400;
	s20 =	simm.s32 $0x1  }
0x7: {  	s21 =	simm.s32 $0x0;
	s3 =	sand.u32 $0x1, s1;
	s1 =	rddreg [dreg:$0x1]  }
0x8: {  	s29 =	sshll.u32 s0, $0x1;
	[smem:$0x7FF] =	sst s2;
	s6 =	smul.u32 $0x1A000, s0  }
0x9: {  	s5 =	sor.u32 s3, s29;
	_ =	strace $0x80000050;
	s7 =	smul.u32 $0xD000, s3  }
0xa: {  	s8 =	ssub.s32 $0x2, s3;
	s3 =	sadd.s32 $0x1BFA00, s4;
	[dreg:$0x3] =	wrdreg s31  }
0xb: {  	s5 =	smul.u32 $0x3400, s5;
	s6 =	sadd.s32 s6, s4;
	s9 =	sshrl.u32 s8, $0x1  }
0xc: {  	s6 =	sadd.s32 s7, s6;
	s30 =	ssub.s32 s8, s9;
	s7 =	simm.s32 $0x80  }
0xd: {  	s8 =	simm.s32 $0x3400;
	s5 =	sshrl.u32 s5, $0x3;
	s6 =	sadd.s32 $0x221600, s6  }
0xe: {  	s9 =	simm.s32 $0x5400;
	s5 =	sadd.s32 s5, s4;
	[dreg:$0x2] =	wrdreg s6  }
0xf: {  	s6 =	simm.s32 $0x2;
	s4 =	sadd.s32 $0x39000, s5;
	s5 =	smax.u32 s30, $0x1  }
.LBB2_1:
0x10: {  	[tilespmem:s2], [sflag:$0x2] =	stream.linear.gather [hbm4b:s4+s2], $0x3400, $0x38;
	[tilespmem:$0x10400] =	vst v63  }
0x11: {  	_ =	swait.ge [sflag:s6], $0x3400  }
0x12: {  	[sflag:s6] =	ssyncset.done $0x0  }
0x13: {  	s22 =	simm.s32 $0x0;
	[sflag:s6] =	ssyncadd.s32 $0xFFFFCC00  }
0x14: {  	[tilespmem:s8], [sflag:$0x1] =	stream.indirect.gather [hbm4b:s3+s7], $0x20, s22, s7, $0xb8;
	[tilespmem:$0x10400] =	vst v63  }
0x15: {  	s26 =	simm.s32 $0x80;
	s23 =	rddreg [dreg:$0x3]  }
0x16: {  	[tilespmem:s23], [sflag:$0x1] =	stream.indirect.gather [hbm4b:s3+s7], $0x20, s26, s7, $0xb8;
	[tilespmem:$0x10400] =	vst v63  }
0x17: {  	s28 =	simm.s32 $0x100  }
0x18: {  	[tilespmem:s9], [sflag:$0x1] =	stream.indirect.gather [hbm4b:s3+s7], $0x20, s28, s7, $0xb8;
	[tilespmem:$0x10400] =	vst v63  }
0x19: {  	s29 =	simm.s32 $0x180  }
0x1a: {  	[tilespmem:s10], [sflag:$0x1] =	stream.indirect.gather [hbm4b:s3+s7], $0x20, s29, s7, $0xb8;
	[tilespmem:$0x10400] =	vst v63  }
0x1b: {  	s30 =	simm.s32 $0x200  }
0x1c: {  	[tilespmem:s11], [sflag:$0x1] =	stream.indirect.gather [hbm4b:s3+s7], $0x20, s30, s7, $0xb8;
	[tilespmem:$0x10400] =	vst v63  }
0x1d: {  	s31 =	simm.s32 $0x280  }
0x1e: {  	[tilespmem:s12], [sflag:$0x1] =	stream.indirect.gather [hbm4b:s3+s7], $0x20, s31, s7, $0xb8;
	[tilespmem:$0x10400] =	vst v63  }
0x1f: {  	s23 =	simm.s32 $0x300  }
0x20: {  	[tilespmem:s13], [sflag:$0x1] =	stream.indirect.gather [hbm4b:s3+s7], $0x20, s23, s7, $0xb8;
	[tilespmem:$0x10400] =	vst v63  }
0x21: {  	s24 =	simm.s32 $0x380  }
0x22: {  	[tilespmem:s14], [sflag:$0x1] =	stream.indirect.gather [hbm4b:s3+s7], $0x20, s24, s7, $0xb8;
	[tilespmem:$0x10400] =	vst v63  }
0x23: {  	s25 =	simm.s32 $0x400  }
0x24: {  	[tilespmem:s15], [sflag:$0x1] =	stream.indirect.gather [hbm4b:s3+s7], $0x20, s25, s7, $0xb8;
	[tilespmem:$0x10400] =	vst v63  }
0x25: {  	s26 =	simm.s32 $0x480  }
0x26: {  	[tilespmem:s16], [sflag:$0x1] =	stream.indirect.gather [hbm4b:s3+s7], $0x20, s26, s7, $0xb8;
	[tilespmem:$0x10400] =	vst v63  }
0x27: {  	s28 =	simm.s32 $0x500  }
0x28: {  	[tilespmem:s17], [sflag:$0x1] =	stream.indirect.gather [hbm4b:s3+s7], $0x20, s28, s7, $0xb8;
	[tilespmem:$0x10400] =	vst v63  }
0x29: {  	s29 =	simm.s32 $0x580  }
0x2a: {  	[tilespmem:s18], [sflag:$0x1] =	stream.indirect.gather [hbm4b:s3+s7], $0x20, s29, s7, $0xb8;
	[tilespmem:$0x10400] =	vst v63  }
0x2b: {  	s30 =	simm.s32 $0x600  }
0x2c: {  	[tilespmem:s19], [sflag:$0x1] =	stream.indirect.gather [hbm4b:s3+s7], $0x20, s30, s7, $0xb8;
	[tilespmem:$0x10400] =	vst v63  }
0x2d: {  	_ =	swait.ge [sflag:s20], $0x1000  }
0x2e: {  	[sflag:s20] =	ssyncset.done $0x0  }
0x2f: {  	[sflag:s20] =	ssyncadd.s32 $0xFFFFF000  }
0x30: {  	_ =	swait.ge [sflag:s20], $0x1000  }
0x31: {  	[sflag:s20] =	ssyncset.done $0x0  }
0x32: {  	[sflag:s20] =	ssyncadd.s32 $0xFFFFF000  }
0x33: {  	_ =	swait.ge [sflag:s20], $0x1000  }
0x34: {  	[sflag:s20] =	ssyncset.done $0x0  }
0x35: {  	[sflag:s20] =	ssyncadd.s32 $0xFFFFF000  }
0x36: {  	_ =	swait.ge [sflag:s20], $0x1000  }
0x37: {  	[sflag:s20] =	ssyncset.done $0x0  }
0x38: {  	[sflag:s20] =	ssyncadd.s32 $0xFFFFF000  }
0x39: {  	_ =	swait.ge [sflag:s20], $0x1000  }
0x3a: {  	[sflag:s20] =	ssyncset.done $0x0  }
0x3b: {  	[sflag:s20] =	ssyncadd.s32 $0xFFFFF000  }
0x3c: {  	_ =	swait.ge [sflag:s20], $0x1000  }
0x3d: {  	[sflag:s20] =	ssyncset.done $0x0  }
0x3e: {  	[sflag:s20] =	ssyncadd.s32 $0xFFFFF000  }
0x3f: {  	_ =	swait.ge [sflag:s20], $0x1000  }
0x40: {  	[sflag:s20] =	ssyncset.done $0x0  }
0x41: {  	[sflag:s20] =	ssyncadd.s32 $0xFFFFF000  }
0x42: {  	_ =	swait.ge [sflag:s20], $0x1000  }
0x43: {  	[sflag:s20] =	ssyncset.done $0x0  }
0x44: {  	[sflag:s20] =	ssyncadd.s32 $0xFFFFF000  }
0x45: {  	_ =	swait.ge [sflag:s20], $0x1000  }
0x46: {  	[sflag:s20] =	ssyncset.done $0x0  }
0x47: {  	[sflag:s20] =	ssyncadd.s32 $0xFFFFF000  }
0x48: {  	_ =	swait.ge [sflag:s20], $0x1000  }
0x49: {  	[sflag:s20] =	ssyncset.done $0x0  }
0x4a: {  	[sflag:s20] =	ssyncadd.s32 $0xFFFFF000  }
0x4b: {  	_ =	swait.ge [sflag:s20], $0x1000  }
0x4c: {  	[sflag:s20] =	ssyncset.done $0x0  }
0x4d: {  	[sflag:s20] =	ssyncadd.s32 $0xFFFFF000  }
0x4e: {  	_ =	swait.ge [sflag:s20], $0x1000  }
0x4f: {  	[sflag:s20] =	ssyncset.done $0x0  }
0x50: {  	[sflag:s20] =	ssyncadd.s32 $0xFFFFF000  }
0x51: {  	_ =	swait.ge [sflag:s20], $0x1000  }
0x52: {  	s31 =	rddreg [dreg:$0x2];
	[sflag:s20] =	ssyncset.done $0x0  }
0x53: {  	[sflag:s20] =	ssyncadd.s32 $0xFFFFF000;
	s22 =	sadd.s32 $0x0, s31  }
0x54: {  	[hbm4b:s22+s2] =	stream.linear.scatter [tilespmem:s8], [sflag:$0x2], $0xD000, $0x38;
	[tilespmem:$0x10400] =	vst v63  }
0x55: {  	_ =	swait.ge [sflag:s6], $0xD000  }
0x56: {  	s23 =	simm.s32 $0x3400;
	s22 =	simm.s32 $0x1A00;
	[sflag:s6] =	ssyncset.done $0x0  }
.LBB2_2:
0x57: {  	s25 =	sshra.s32 s22, $0x2;
	[sflag:s6] =	ssyncadd.s32 $0xFFFF3000  }
0x58: {  	[tilespmem:s8], [sflag:$0x1] =	stream.indirect.gather [hbm4b:s3+s7], $0x20, s25, s7, $0xb8;
	[tilespmem:$0x10400] =	vst v63  }
0x59: {  	s26 =	rddreg [dreg:$0x3];
	s28 =	sadd.s32 $0x80, s25  }
0x5a: {  	[tilespmem:s26], [sflag:$0x1] =	stream.indirect.gather [hbm4b:s3+s7], $0x20, s28, s7, $0xb8;
	[tilespmem:$0x10400] =	vst v63  }
0x5b: {  	s29 =	sadd.s32 $0x100, s25  }
0x5c: {  	[tilespmem:s9], [sflag:$0x1] =	stream.indirect.gather [hbm4b:s3+s7], $0x20, s29, s7, $0xb8;
	[tilespmem:$0x10400] =	vst v63  }
0x5d: {  	s30 =	sadd.s32 $0x180, s25  }
0x5e: {  	[tilespmem:s10], [sflag:$0x1] =	stream.indirect.gather [hbm4b:s3+s7], $0x20, s30, s7, $0xb8;
	[tilespmem:$0x10400] =	vst v63  }
0x5f: {  	s31 =	sadd.s32 $0x200, s25  }
0x60: {  	[tilespmem:s11], [sflag:$0x1] =	stream.indirect.gather [hbm4b:s3+s7], $0x20, s31, s7, $0xb8;
	[tilespmem:$0x10400] =	vst v63  }
0x61: {  	s28 =	sadd.s32 $0x280, s25  }
0x62: {  	[tilespmem:s12], [sflag:$0x1] =	stream.indirect.gather [hbm4b:s3+s7], $0x20, s28, s7, $0xb8;
	[tilespmem:$0x10400] =	vst v63  }
0x63: {  	s29 =	sadd.s32 $0x300, s25  }
0x64: {  	[tilespmem:s13], [sflag:$0x1] =	stream.indirect.gather [hbm4b:s3+s7], $0x20, s29, s7, $0xb8;
	[tilespmem:$0x10400] =	vst v63  }
0x65: {  	s30 =	sadd.s32 $0x380, s25  }
0x66: {  	[tilespmem:s14], [sflag:$0x1] =	stream.indirect.gather [hbm4b:s3+s7], $0x20, s30, s7, $0xb8;
	[tilespmem:$0x10400] =	vst v63  }
0x67: {  	s31 =	sadd.s32 $0x400, s25  }
0x68: {  	[tilespmem:s15], [sflag:$0x1] =	stream.indirect.gather [hbm4b:s3+s7], $0x20, s31, s7, $0xb8;
	[tilespmem:$0x10400] =	vst v63  }
0x69: {  	s28 =	sadd.s32 $0x480, s25  }
0x6a: {  	[tilespmem:s16], [sflag:$0x1] =	stream.indirect.gather [hbm4b:s3+s7], $0x20, s28, s7, $0xb8;
	[tilespmem:$0x10400] =	vst v63  }
0x6b: {  	s29 =	sadd.s32 $0x500, s25  }
0x6c: {  	[tilespmem:s17], [sflag:$0x1] =	stream.indirect.gather [hbm4b:s3+s7], $0x20, s29, s7, $0xb8;
	[tilespmem:$0x10400] =	vst v63  }
0x6d: {  	s30 =	sadd.s32 $0x580, s25  }
0x6e: {  	[tilespmem:s18], [sflag:$0x1] =	stream.indirect.gather [hbm4b:s3+s7], $0x20, s30, s7, $0xb8;
	[tilespmem:$0x10400] =	vst v63  }
0x6f: {  	s25 =	sadd.s32 $0x600, s25  }
0x70: {  	[tilespmem:s19], [sflag:$0x1] =	stream.indirect.gather [hbm4b:s3+s7], $0x20, s25, s7, $0xb8;
	[tilespmem:$0x10400] =	vst v63  }
0x71: {  	_ =	swait.ge [sflag:s20], $0x1000  }
0x72: {  	[sflag:s20] =	ssyncset.done $0x0  }
0x73: {  	[sflag:s20] =	ssyncadd.s32 $0xFFFFF000  }
0x74: {  	_ =	swait.ge [sflag:s20], $0x1000  }
0x75: {  	[sflag:s20] =	ssyncset.done $0x0  }
0x76: {  	[sflag:s20] =	ssyncadd.s32 $0xFFFFF000  }
0x77: {  	_ =	swait.ge [sflag:s20], $0x1000  }
0x78: {  	[sflag:s20] =	ssyncset.done $0x0  }
0x79: {  	[sflag:s20] =	ssyncadd.s32 $0xFFFFF000  }
0x7a: {  	_ =	swait.ge [sflag:s20], $0x1000  }
0x7b: {  	[sflag:s20] =	ssyncset.done $0x0  }
0x7c: {  	[sflag:s20] =	ssyncadd.s32 $0xFFFFF000  }
0x7d: {  	_ =	swait.ge [sflag:s20], $0x1000  }
0x7e: {  	[sflag:s20] =	ssyncset.done $0x0  }
0x7f: {  	[sflag:s20] =	ssyncadd.s32 $0xFFFFF000  }
0x80: {  	_ =	swait.ge [sflag:s20], $0x1000  }
0x81: {  	[sflag:s20] =	ssyncset.done $0x0  }
0x82: {  	[sflag:s20] =	ssyncadd.s32 $0xFFFFF000  }
0x83: {  	_ =	swait.ge [sflag:s20], $0x1000  }
0x84: {  	[sflag:s20] =	ssyncset.done $0x0  }
0x85: {  	[sflag:s20] =	ssyncadd.s32 $0xFFFFF000  }
0x86: {  	_ =	swait.ge [sflag:s20], $0x1000  }
0x87: {  	[sflag:s20] =	ssyncset.done $0x0  }
0x88: {  	[sflag:s20] =	ssyncadd.s32 $0xFFFFF000  }
0x89: {  	_ =	swait.ge [sflag:s20], $0x1000  }
0x8a: {  	[sflag:s20] =	ssyncset.done $0x0  }
0x8b: {  	[sflag:s20] =	ssyncadd.s32 $0xFFFFF000  }
0x8c: {  	_ =	swait.ge [sflag:s20], $0x1000  }
0x8d: {  	[sflag:s20] =	ssyncset.done $0x0  }
0x8e: {  	[sflag:s20] =	ssyncadd.s32 $0xFFFFF000  }
0x8f: {  	_ =	swait.ge [sflag:s20], $0x1000  }
0x90: {  	[sflag:s20] =	ssyncset.done $0x0  }
0x91: {  	[sflag:s20] =	ssyncadd.s32 $0xFFFFF000  }
0x92: {  	_ =	swait.ge [sflag:s20], $0x1000  }
0x93: {  	[sflag:s20] =	ssyncset.done $0x0  }
0x94: {  	[sflag:s20] =	ssyncadd.s32 $0xFFFFF000  }
0x95: {  	p0 =	sne.s32 s23, $0xB600;
	_ =	swait.ge [sflag:s20], $0x1000  }
.Ltmp0:
0x96: {  	s31 =	rddreg [dreg:$0x2];
	[sflag:s20] =	ssyncset.done $0x0;
	(pc) =	sbr.rel @p0 .LBB2_2-.Ltmp0, $4  }
0x97: {  	[sflag:s20] =	ssyncadd.s32 $0xFFFFF000;
	s25 =	sadd.s32 s22, s31  }
0x98: {  	[hbm4b:s25+s2] =	stream.linear.scatter [tilespmem:s8], [sflag:$0x2], $0xD000, $0x38;
	[tilespmem:$0x10400] =	vst v63  }
0x99: {  	s24 =	smov.u32 s23;
	_ =	swait.ge [sflag:s6], $0xD000  }
0x9a: {  	s23 =	sadd.s32 $0x1A00, s23;
	s22 =	smov.u32 s24;
	[sflag:s6] =	ssyncset.done $0x0  }
0x9b: {  	s23 =	sshra.s32 s22, $0x2;
	[sflag:s6] =	ssyncadd.s32 $0xFFFF3000  }
0x9c: {  	[tilespmem:s8], [sflag:$0x1] =	stream.indirect.gather [hbm4b:s3+s7], $0x20, s23, s7, $0xb8;
	[tilespmem:$0x10400] =	vst v63  }
0x9d: {  	s24 =	rddreg [dreg:$0x3];
	s25 =	sadd.s32 $0x80, s23  }
0x9e: {  	[tilespmem:s24], [sflag:$0x1] =	stream.indirect.gather [hbm4b:s3+s7], $0x20, s25, s7, $0xb8;
	[tilespmem:$0x10400] =	vst v63  }
0x9f: {  	s25 =	sadd.s32 $0x100, s23  }
0xa0: {  	[tilespmem:s9], [sflag:$0x1] =	stream.indirect.gather [hbm4b:s3+s7], $0x20, s25, s7, $0xb8;
	[tilespmem:$0x10400] =	vst v63  }
0xa1: {  	s26 =	sadd.s32 $0x180, s23  }
0xa2: {  	[tilespmem:s10], [sflag:$0x1] =	stream.indirect.gather [hbm4b:s3+s7], $0x20, s26, s7, $0xb8;
	[tilespmem:$0x10400] =	vst v63  }
0xa3: {  	s28 =	sadd.s32 $0x200, s23  }
0xa4: {  	[tilespmem:s11], [sflag:$0x1] =	stream.indirect.gather [hbm4b:s3+s7], $0x20, s28, s7, $0xb8;
	[tilespmem:$0x10400] =	vst v63  }
0xa5: {  	s29 =	sadd.s32 $0x280, s23  }
0xa6: {  	[tilespmem:s12], [sflag:$0x1] =	stream.indirect.gather [hbm4b:s3+s7], $0x20, s29, s7, $0xb8;
	[tilespmem:$0x10400] =	vst v63  }
0xa7: {  	s30 =	sadd.s32 $0x300, s23  }
0xa8: {  	[tilespmem:s13], [sflag:$0x1] =	stream.indirect.gather [hbm4b:s3+s7], $0x20, s30, s7, $0xb8;
	[tilespmem:$0x10400] =	vst v63  }
0xa9: {  	s31 =	sadd.s32 $0x380, s23  }
0xaa: {  	[tilespmem:s14], [sflag:$0x1] =	stream.indirect.gather [hbm4b:s3+s7], $0x20, s31, s7, $0xb8;
	[tilespmem:$0x10400] =	vst v63  }
0xab: {  	s25 =	sadd.s32 $0x400, s23  }
0xac: {  	[tilespmem:s15], [sflag:$0x1] =	stream.indirect.gather [hbm4b:s3+s7], $0x20, s25, s7, $0xb8;
	[tilespmem:$0x10400] =	vst v63  }
0xad: {  	s26 =	sadd.s32 $0x480, s23  }
0xae: {  	[tilespmem:s16], [sflag:$0x1] =	stream.indirect.gather [hbm4b:s3+s7], $0x20, s26, s7, $0xb8;
	[tilespmem:$0x10400] =	vst v63  }
0xaf: {  	s28 =	sadd.s32 $0x500, s23  }
0xb0: {  	[tilespmem:s17], [sflag:$0x1] =	stream.indirect.gather [hbm4b:s3+s7], $0x20, s28, s7, $0xb8;
	[tilespmem:$0x10400] =	vst v63  }
0xb1: {  	s29 =	sadd.s32 $0x580, s23  }
0xb2: {  	[tilespmem:s18], [sflag:$0x1] =	stream.indirect.gather [hbm4b:s3+s7], $0x20, s29, s7, $0xb8;
	[tilespmem:$0x10400] =	vst v63  }
0xb3: {  	s23 =	sadd.s32 $0x600, s23  }
0xb4: {  	[tilespmem:s19], [sflag:$0x1] =	stream.indirect.gather [hbm4b:s3+s7], $0x20, s23, s7, $0xb8;
	[tilespmem:$0x10400] =	vst v63  }
0xb5: {  	_ =	swait.ge [sflag:s20], $0x1000  }
0xb6: {  	[sflag:s20] =	ssyncset.done $0x0  }
0xb7: {  	[sflag:s20] =	ssyncadd.s32 $0xFFFFF000  }
0xb8: {  	_ =	swait.ge [sflag:s20], $0x1000  }
0xb9: {  	[sflag:s20] =	ssyncset.done $0x0  }
0xba: {  	[sflag:s20] =	ssyncadd.s32 $0xFFFFF000  }
0xbb: {  	_ =	swait.ge [sflag:s20], $0x1000  }
0xbc: {  	[sflag:s20] =	ssyncset.done $0x0  }
0xbd: {  	[sflag:s20] =	ssyncadd.s32 $0xFFFFF000  }
0xbe: {  	_ =	swait.ge [sflag:s20], $0x1000  }
0xbf: {  	[sflag:s20] =	ssyncset.done $0x0  }
0xc0: {  	[sflag:s20] =	ssyncadd.s32 $0xFFFFF000  }
0xc1: {  	_ =	swait.ge [sflag:s20], $0x1000  }
0xc2: {  	[sflag:s20] =	ssyncset.done $0x0  }
0xc3: {  	[sflag:s20] =	ssyncadd.s32 $0xFFFFF000  }
0xc4: {  	_ =	swait.ge [sflag:s20], $0x1000  }
0xc5: {  	[sflag:s20] =	ssyncset.done $0x0  }
0xc6: {  	[sflag:s20] =	ssyncadd.s32 $0xFFFFF000  }
0xc7: {  	_ =	swait.ge [sflag:s20], $0x1000  }
0xc8: {  	[sflag:s20] =	ssyncset.done $0x0  }
0xc9: {  	[sflag:s20] =	ssyncadd.s32 $0xFFFFF000  }
0xca: {  	_ =	swait.ge [sflag:s20], $0x1000  }
0xcb: {  	[sflag:s20] =	ssyncset.done $0x0  }
0xcc: {  	[sflag:s20] =	ssyncadd.s32 $0xFFFFF000  }
0xcd: {  	_ =	swait.ge [sflag:s20], $0x1000  }
0xce: {  	[sflag:s20] =	ssyncset.done $0x0  }
0xcf: {  	[sflag:s20] =	ssyncadd.s32 $0xFFFFF000  }
0xd0: {  	_ =	swait.ge [sflag:s20], $0x1000  }
0xd1: {  	[sflag:s20] =	ssyncset.done $0x0  }
0xd2: {  	[sflag:s20] =	ssyncadd.s32 $0xFFFFF000  }
0xd3: {  	_ =	swait.ge [sflag:s20], $0x1000  }
0xd4: {  	[sflag:s20] =	ssyncset.done $0x0  }
0xd5: {  	[sflag:s20] =	ssyncadd.s32 $0xFFFFF000  }
0xd6: {  	_ =	swait.ge [sflag:s20], $0x1000  }
0xd7: {  	[sflag:s20] =	ssyncset.done $0x0  }
0xd8: {  	[sflag:s20] =	ssyncadd.s32 $0xFFFFF000  }
0xd9: {  	s21 =	sadd.s32 $0x1, s21;
	_ =	swait.ge [sflag:s20], $0x1000  }
0xda: {  	p0 =	sne.s32 s21, s5;
	s30 =	rddreg [dreg:$0x2];
	[sflag:s20] =	ssyncset.done $0x0  }
.Ltmp1:
0xdb: {  	[sflag:s20] =	ssyncadd.s32 $0xFFFFF000;
	s31 =	sadd.s32 s22, s30;
	(pc) =	sbr.rel @p0 .LBB2_1-.Ltmp1, $4  }
0xdc: {  	[hbm4b:s31+s2] =	stream.linear.scatter [tilespmem:s8], [sflag:$0x2], $0xD000, $0x38;
	[tilespmem:$0x10400] =	vst v63  }
0xdd: {  	_ =	swait.ge [sflag:s6], $0xD000  }
0xde: {  	[sflag:s6] =	ssyncset.done $0x0  }
0xdf: {  	[sflag:s6] =	ssyncadd.s32 $0xFFFF3000  }
0xe0: {  	_ =	sfence.sel $0x180000  }
0xe1: {  	[bflag:$0x0] =	sbarrier.arrive $0xFFFF  }
0xe2: {  	p0 =	sne.s32 s0, $0x0;
	_ =	strace $0x90000050  }
0xe3: {  	s0 =	sadd.s32 @!p0 $0x100000, s1;
	[bflag:$0x2] =	sbarrier.arrive $0xFFFF  }
0xe4: {  	[sflag:s0] =	ssyncadd.tile.s32 @!p0 $0x1;
	_ =	shalt  }
.Lfunc_end2:
_tile_overlayer_lowered:
.L_overlay_start_2:
0xe5: {  	(tag) =	ssettag $0x2  }
0xe6: {  	s0 =	rddreg [dreg:$0x0];
	s2 =	stileid.u32  }
0xe7: {  	s1 =	rddreg [dreg:$0x1];
	p0 =	sne.s32 s2, $0x0  }
0xe8: {  	s3 =	rddreg [dreg:$0x2];
	[bflag:$0x3] =	sbarrier.arrive $0xFFFF;
	s2 =	simm.s32 @!p0 $0x1C02  }
0xe9: {  	[timem:s3], [sflag:s2] =	dma.local @!p0 [hbm:s0], s1  }
0xea: {  	s0 =	simm.s32 @!p0 $0x2  }
0xeb: {  	_ =	swait.ge @!p0 [sflag:s0], s1  }
0xec: {  	s1 =	ssub.s32 @!p0 $0x0, s1;
	[sflag:s0] =	ssyncset.done @!p0 $0x0  }
0xed: {  	[sflag:s0] =	ssyncadd.s32 @!p0 s1  }
0xee: {  	[bflag:$0x3] =	sbarrier.arrive $0xFFFF  }
0xef: {  	_ =	shalt  }

// kernel: kernel.8.cloned.1.call-start
scs
__scs_entry_jumppad:
0x0: {  	(pc) =	sbr.rel $0x88, $3  }
0x1: {  	(tag) =	ssettag $0x0;
	lr =	simm.s32 $0x1  }
0x2: {  	[smem:$0x3F8F] =	sst lr;
	_ =	strace $0xD0000000  }
0x3: {  	_ = 	snop  }
0x4: {  	_ = 	snop  }
0x5: {  	_ = 	snop  }
0x6: {  	_ = 	snop  }
0x7: {  	_ = 	snop  }
__scs_overlays_trampoline_lowered:
0x8: {  	[smem:$0x3F9E] =	sst s0  }
0x9: {  	[smem:$0x3F9F] =	sst s1  }
0xa: {  	[smem:$0x3FA0] =	sst s2  }
0xb: {  	[smem:$0x3FA1] =	sst s3  }
0xc: {  	[smem:$0x3FA2] =	sst s4  }
0xd: {  	[smem:$0x3FA3] =	sst s5  }
0xe: {  	[smem:$0x3FA4] =	sst s6  }
0xf: {  	[smem:$0x3FA5] =	sst s7  }
0x10: {  	[smem:$0x3FA6] =	sst s8  }
0x11: {  	[smem:$0x3FA7] =	sst s9;
	s0 =	simm.s32 @!p0 $0x0  }
0x12: {  	s1 =	sld [smem:$0x3F8D];
	s0 =	simm.s32 @p0 $0x1  }
0x13: {  	[smem:$0x3FA8] =	sst s0;
	s0 =	simm.s32 @!p1 $0x0  }
0x14: {  	s2 =	sld [smem:$0x3F8C];
	s0 =	simm.s32 @p1 $0x1  }
0x15: {  	[smem:$0x3FA9] =	sst s0;
	s0 =	simm.s32 @!p2 $0x0  }
0x16: {  	s3 =	sld [smem:$0x3FDB];
	s0 =	simm.s32 @p2 $0x1  }
0x17: {  	s4 =	simm.s32 $0x1BF5;
	[smem:$0x3FAB] =	sst s0  }
0x18: {  	s0 =	sld [smem:$0x3F8E];
	_ =	swait.ge [sflag:s4], $0x0  }
0x19: {  	s7 =	sld [smem:$0x3F8F]  }
0x1a: {  	s8 =	sadd.s32 $0xFFFFE003, lr  }
0x1b: {  	s9 =	sadd.s32 $0xFFFFFEF7, lr;
	s5 =	simm.s32 $0xFFFFFFFF;
	p2 =	slt.u32 s8, $0xFFFFF086  }
0x1c: {  	p1 =	slt.u32 s9, $0xF7A;
	s5 =	simm.s32 @!p2 $0x0  }
0x1d: {  	s5 =	simm.s32 @p1 $0x1;
	p0 =	seq.s32 s7, s2  }
0x1e: {  	s7 =	smul.u32 @!p0 $0xF7A, s2;
	p2 =	seq.s32 @!p0 s5, $0x0  }
0x1f: {  	s9 =	smul.u32 $0xF7A, s1;
	s8 =	simm.s32 @!p0 $0x1BF5;
	p2 =	por !p2, p0  }
0x20: {  	[sflag:s8] =	ssyncset.s32 @!p0 $0xFFFFF086;
	s6 =	sadd.s32 @!p0 s3, s7;
	s7 =	simm.s32 @!p0 $0x108  }
0x21: {  	s3 =	sadd.s32 s3, s9;
	s6 =	sadd.s32 @!p0 $0x88, s6;
	s7 =	simm.s32 @p2 $0x1082  }
0x22: {  	[simem:s7], [sflag:s8] =	dma.local @!p0 [hbm:s6], $0xF7A  }
0x23: {  	s9 =	sor.u32 $0xD0000000, s2;
	s6 =	simm.s32 $0x108;
	_ =	swait.ge @!p0 [sflag:s8], $0x0  }
0x24: {  	s3 =	sadd.s32 $0x88, s3;
	s6 =	simm.s32 @!p1 $0x1082;
	[sflag:s4] =	ssyncset.s32 $0xFFFFF086  }
0x25: {  	[simem:s6], [sflag:s4] =	dma.local [hbm:s3], $0xF7A  }
0x26: {  	[smem:$0x3F8F] =	sst s1;
	(tag) =	ssettag s2;
	_ =	strace s9  }
0x27: {  	s1 =	sld [smem:$0x3F9F]  }
0x28: {  	s2 =	sld [smem:$0x3FA0]  }
0x29: {  	s4 =	sld [smem:$0x3FA2]  }
0x2a: {  	p0 =	seq.s32 s5, $0x0;
	s5 =	sld [smem:$0x3FA3]  }
0x2b: {  	s6 =	sld [smem:$0x3FA4]  }
0x2c: {  	s7 =	sld [smem:$0x3FA5]  }
0x2d: {  	s3 =	simm.s32 $0x108;
	s8 =	sld [smem:$0x3FA6]  }
0x2e: {  	s3 =	simm.s32 @!p0 $0x1082;
	s9 =	sld [smem:$0x3FA7]  }
0x2f: {  	lr =	sadd.s32 s0, s3;
	s0 =	sld [smem:$0x3F9E]  }
0x30: {  	s3 =	sld [smem:$0x3FA1]  }
0x31: {  	[smem:$0x3FAA] =	sst s10  }
0x32: {  	s10 =	sld [smem:$0x3FA8];
	_ =	sdelay $0x3  }
0x33: {  	p0 =	seq.s32 s10, $0x1;
	s10 =	sld [smem:$0x3FAA];
	_ =	sdelay $0x3  }
0x34: {  	[smem:$0x3FAA] =	sst s10  }
0x35: {  	s10 =	sld [smem:$0x3FA9];
	_ =	sdelay $0x3  }
0x36: {  	p1 =	seq.s32 s10, $0x1;
	s10 =	sld [smem:$0x3FAA];
	_ =	sdelay $0x3  }
0x37: {  	[smem:$0x3FAA] =	sst s10  }
0x38: {  	s10 =	sld [smem:$0x3FAB]  }
0x39: {  	_ = 	snop;
	(pc) =	sbr.ind lr, $3  }
0x3a: {  	_ = 	snop  }
0x3b: {  	_ = 	snop  }
0x3c: {  	p2 =	seq.s32 s10, $0x1;
	s10 =	sld [smem:$0x3FAA]  }
0x3d: {  	_ =	shalt  }
0x3e: {  	_ =	shalt  }
0x3f: {  	_ =	shalt  }
0x40: {  	_ =	shalt  }
0x41: {  	_ =	shalt  }
0x42: {  	_ =	shalt  }
0x43: {  	_ =	shalt  }
0x44: {  	_ =	shalt  }
0x45: {  	_ =	shalt  }
0x46: {  	_ =	shalt  }
0x47: {  	_ =	shalt  }
0x48: {  	_ =	shalt  }
0x49: {  	_ =	shalt  }
0x4a: {  	_ =	shalt  }
0x4b: {  	_ =	shalt  }
0x4c: {  	_ =	shalt  }
0x4d: {  	_ =	shalt  }
0x4e: {  	_ =	shalt  }
0x4f: {  	_ =	shalt  }
0x50: {  	_ =	shalt  }
0x51: {  	_ =	shalt  }
0x52: {  	_ =	shalt  }
0x53: {  	_ =	shalt  }
0x54: {  	_ =	shalt  }
0x55: {  	_ =	shalt  }
0x56: {  	_ =	shalt  }
0x57: {  	_ =	shalt  }
0x58: {  	_ =	shalt  }
0x59: {  	_ =	shalt  }
0x5a: {  	_ =	shalt  }
0x5b: {  	_ =	shalt  }
0x5c: {  	_ =	shalt  }
0x5d: {  	_ =	shalt  }
0x5e: {  	_ =	shalt  }
0x5f: {  	_ =	shalt  }
0x60: {  	_ =	shalt  }
0x61: {  	_ =	shalt  }
0x62: {  	_ =	shalt  }
0x63: {  	_ =	shalt  }
0x64: {  	_ =	shalt  }
0x65: {  	_ =	shalt  }
0x66: {  	_ =	shalt  }
0x67: {  	_ =	shalt  }
0x68: {  	_ =	shalt  }
0x69: {  	_ =	shalt  }
0x6a: {  	_ =	shalt  }
0x6b: {  	_ =	shalt  }
0x6c: {  	_ =	shalt  }
0x6d: {  	_ =	shalt  }
0x6e: {  	_ =	shalt  }
0x6f: {  	_ =	shalt  }
0x70: {  	_ =	shalt  }
0x71: {  	_ =	shalt  }
0x72: {  	_ =	shalt  }
0x73: {  	_ =	shalt  }
0x74: {  	_ =	shalt  }
0x75: {  	_ =	shalt  }
0x76: {  	_ =	shalt  }
0x77: {  	_ =	shalt  }
0x78: {  	_ =	shalt  }
0x79: {  	_ =	shalt  }
0x7a: {  	_ =	shalt  }
0x7b: {  	_ =	shalt  }
0x7c: {  	_ =	shalt  }
0x7d: {  	_ =	shalt  }
0x7e: {  	_ =	shalt  }
0x7f: {  	_ =	shalt  }
0x80: {  	_ =	shalt  }
0x81: {  	_ =	shalt  }
0x82: {  	_ =	shalt  }
0x83: {  	_ =	shalt  }
0x84: {  	_ =	shalt  }
0x85: {  	_ =	shalt  }
0x86: {  	_ =	shalt  }
0x87: {  	_ =	shalt  }
.Lfunc_end0:
.L_simem_size_0:
called_computation.3_lowered:
.L_overlay_start_0:
0x88: {  	s2 =	sld [smem:$0x3FD9]  }
0x89: {  	s3 =	sld [smem:$0x3FFE];
	_ =	sdelay $0x1  }
0x8a: {  	s1 =	srdreg.scid  }
0x8b: {  	s0 =	sand.u32 $0x1, s1  }
0x8c: {  	s17 =	sshll.u32 s0, $0xA;
	s2 =	sadd.s32 s3, s2  }
0x8d: {  	s2 =	sadd.s32 s2, s17  }
0x8e: {  	[smem:$0x3FB6] =	sst s2  }
0x8f: {  	_ = 	snop  }
0x90: {  	(tm) =	ssettm $0x1  }
0x91: {  	s18 =	sld [smem:$0x3FFB];
	_ =	sdelay $0x3  }
0x92: {  	_ =	strace s18  }
0x93: {  	s2 =	sld [smem:$0x3FFC];
	_ =	sdelay $0x3  }
0x94: {  	_ =	strace s2  }
0x95: {  	s2 =	sld [smem:$0x3FFD];
	_ =	sdelay $0x3  }
0x96: {  	_ =	strace s2  }
0x97: {  	_ =	strace $0x8FFFFFFF  }
0x98: {  	s19 =	sld [smem:$0x3FDB];
	_ =	sdelay $0x1  }
0x99: {  	s20 =	simm.s32 $_scs_section_size  }
0x9a: {  	s4 =	simm.s32 $_size__tile_overlayer_lowered;
	s5 =	simm.s32 $_tile_overlayer_lowered  }
0x9b: {  	s6 =	simm.s32 $0x1BFF;
	s21 =	sshll.u32 s5, $0x1;
	s3 =	sadd.s32 s20, s19  }
0x9c: {  	s22 =	simm.s32 $0x0;
	s4 =	sshll.u32 s4, $0x1;
	s5 =	sadd.s32 s21, s3  }
0x9d: {  	[timem:s22], [sflag:s6] =	dma.local [hbm:s5], s4  }
0x9e: {  	_ =	swait.ge [sflag:s6], s4  }
0x9f: {  	s4 =	ssub.s32 $0x0, s4;
	[sflag:s6] =	ssyncset.done $0x0  }
0xa0: {  	[sflag:s6] =	ssyncadd.s32 s4;
	_ =	sdelay $0x1  }
0xa1: {  	s23 =	simm.s32 $0x1B8B  }
0xa2: {  	_ =	swait.ge [sflag:s23], $0x1  }
0xa3: {  	[sflag:s23] =	ssyncset.done $0x0  }
0xa4: {  	[sflag:s23] =	ssyncadd.s32 $0xFFFFFFFF  }
0xa5: {  	s4 =	sld [smem:$0x0]  }
0xa6: {  	s5 =	sand.u32 $0xFFFFFFFE, s1  }
0xa7: {  	p0 =	sne.s32 s1, s5  }
0xa8: {  	s5 =	sshll.u32 @p0 s5, $0xE  }
0xa9: {  	s5 =	sadd.s32 @p0 $0x11B8D, s5;
	s6 =	sshll.u32 @p0 s4, $0x11  }
0xaa: {  	s5 =	sor.u32 @p0 s6, s5  }
0xab: {  	[sflag:s5] =	ssyncadd.remote.s32 @p0 $0x1;
	_ =	sdelay $0x1  }
0xac: {  	s5 =	simm.s32 @p0 $0x1B8D  }
0xad: {  	_ =	swait.eq @p0 [sflag:s5], $0x1  }
0xae: {  	[sflag:s5] =	ssyncadd.s32 @p0 $0xFFFFFFFF  }
0xaf: {  	s6 =	sshll.u32 @!p0 s1, $0xE  }
0xb0: {  	s6 =	sor.u32 @!p0 $0x4000, s6;
	s5 =	simm.s32 @!p0 $0x1B8D  }
0xb1: {  	s4 =	sshll.u32 @!p0 s4, $0x11;
	s6 =	sadd.s32 @!p0 $0x11B8D, s6;
	_ =	swait.eq @!p0 [sflag:s5], $0x1  }
0xb2: {  	s4 =	sor.u32 @!p0 s4, s6;
	[sflag:s5] =	ssyncadd.s32 @!p0 $0xFFFFFFFF  }
0xb3: {  	s25 =	simm.s32 $0x1B8E;
	s24 =	sld [smem:$0x3FFE];
	[sflag:s4] =	ssyncadd.remote.s32 @!p0 $0x1  }
0xb4: {  	s26 =	simm.s32 $execute0_lowered;
	[smem:$0x3FD2] =	sst s25  }
0xb5: {  	s5 =	sshll.u32 s26, $0x1;
	_ =	strace $0x80000055;
	[dreg:$0x1] =	wrdreg $0xFFFFFFFF  }
0xb6: {  	s28 =	simm.s32 $_size_execute0_lowered;
	s3 =	sadd.s32 s3, s5;
	[dreg:$0x0] =	wrdreg $0x0  }
0xb7: {  	s5 =	sshll.u32 s28, $0x1;
	[dreg:$0x2] =	wrdreg s3  }
0xb8: {  	[dreg:$0x3] =	wrdreg s5  }
0xb9: {  	[dreg:$0x4] =	wrdreg $0xC0  }
0xba: {  	_ =	task [dreg:s22], $0x5FFFF  }
0xbb: {  	[dreg:$0x1] =	wrdreg $0xFFFFFFFF  }
0xbc: {  	[dreg:$0x0] =	wrdreg $0x60  }
0xbd: {  	[dreg:$0x2] =	wrdreg s24  }
0xbe: {  	[dreg:$0x3] =	wrdreg $0xC  }
0xbf: {  	_ =	task.clear_ibuf [dreg:s22], $0x4FFFF;
	_ =	strace $0x90000055  }
0xc0: {  	s29 =	simm.s32 $0xC;
	_ =	strace $0x80000057  }
0xc1: {  	_ =	swait.ge [sflag:s29], $0x1  }
0xc2: {  	[sflag:s29] =	ssyncadd.s32 $0xFFFFFFFF  }
0xc3: {  	_ =	strace $0x90000057  }
0xc4: {  	_ =	sfence  }
0xc5: {  	s30 =	sld [smem:$0x0];
	_ =	sdelay $0x2  }
0xc6: {  	s31 =	sshll.u32 s1, $0xD;
	s1 =	sshrl.u32 s1, $0x2  }
0xc7: {  	s4 =	sand.u32 $0x4000, s31;
	s1 =	sadd.s32 s1, s30  }
0xc8: {  	s0 =	sor.u32 s4, s0;
	s1 =	sshll.u32 s1, $0x11  }
0xc9: {  	s0 =	sor.u32 s1, s0  }
0xca: {  	s0 =	sadd.s32 $0x8F2B, s0  }
0xcb: {  	[sflag:s0] =	ssyncadd.remote.s32 $0x1  }
0xcc: {  	_ =	sfence.sel $0xFFFF  }
0xcd: {  	[dreg:$0x0] =	wrdreg $0xFFFFFFFF;
	(pc) =	sbr.abs _section_cstart, $3  }
0xce: {  	[dreg:$0x1] =	wrdreg $0xFFFFFFFF  }
0xcf: {  	_ =	task.clear_ibuf [dreg:s22], $0x2FFFF;
	_ =	strace $0x9FFFFFFF  }
0xd0: {  	(tm) =	ssettm $0x7FFFFFFF  }
0xd1: {  	_ =	shalt  }
tec
execute0_lowered:
.L_overlay_start_1:
0x0: {  	(tag) =	ssettag $0x1  }
0x1: {  	s1 =	srdreg.scid  }
0x2: {  	s0 =	stileid.u32;
	s4 =	rddreg [dreg:$0x0];
	s2 =	simm.s32 $0x0  }
0x3: {  	s31 =	simm.s32 $0x4400;
	s10 =	simm.s32 $0x6400;
	s11 =	simm.s32 $0x7400  }
0x4: {  	s12 =	simm.s32 $0x8400;
	s13 =	simm.s32 $0x9400;
	s14 =	simm.s32 $0xA400  }
0x5: {  	s15 =	simm.s32 $0xB400;
	s16 =	simm.s32 $0xC400;
	s17 =	simm.s32 $0xD400  }
0x6: {  	s18 =	simm.s32 $0xE400;
	s19 =	simm.s32 $0xF400;
	s20 =	simm.s32 $0x1  }
0x7: {  	s21 =	simm.s32 $0x0;
	s3 =	sand.u32 $0x1, s1;
	s1 =	rddreg [dreg:$0x1]  }
0x8: {  	s29 =	sshll.u32 s0, $0x1;
	[smem:$0x7FF] =	sst s2;
	s6 =	smul.u32 $0x1A000, s0  }
0x9: {  	s5 =	sor.u32 s3, s29;
	_ =	strace $0x80000056;
	s7 =	smul.u32 $0xD000, s3  }
0xa: {  	s8 =	ssub.s32 $0x2, s3;
	s3 =	sadd.s32 $0xE0000, s4;
	[dreg:$0x3] =	wrdreg s31  }
0xb: {  	s5 =	smul.u32 $0x3400, s5;
	s6 =	sadd.s32 s6, s4;
	s9 =	sshrl.u32 s8, $0x1  }
0xc: {  	s6 =	sadd.s32 s7, s6;
	s30 =	ssub.s32 s8, s9;
	s7 =	simm.s32 $0x80  }
0xd: {  	s8 =	simm.s32 $0x3400;
	s5 =	sshrl.u32 s5, $0x3;
	s6 =	sadd.s32 $0x561600, s6  }
0xe: {  	s9 =	simm.s32 $0x5400;
	s5 =	sadd.s32 s5, s4;
	[dreg:$0x2] =	wrdreg s6  }
0xf: {  	s6 =	simm.s32 $0x2;
	s4 =	sadd.s32 $0xD3000, s5;
	s5 =	smax.u32 s30, $0x1  }
.LBB2_1:
0x10: {  	[tilespmem:s2], [sflag:$0x2] =	stream.linear.gather [hbm4b:s4+s2], $0x3400, $0x38;
	[tilespmem:$0x10400] =	vst v63  }
0x11: {  	_ =	swait.ge [sflag:s6], $0x3400  }
0x12: {  	[sflag:s6] =	ssyncset.done $0x0  }
0x13: {  	s22 =	simm.s32 $0x0;
	[sflag:s6] =	ssyncadd.s32 $0xFFFFCC00  }
0x14: {  	[tilespmem:s8], [sflag:$0x1] =	stream.indirect.gather [hbm4b:s3+s7], $0x20, s22, s7, $0xb8;
	[tilespmem:$0x10400] =	vst v63  }
0x15: {  	s26 =	simm.s32 $0x80;
	s23 =	rddreg [dreg:$0x3]  }
0x16: {  	[tilespmem:s23], [sflag:$0x1] =	stream.indirect.gather [hbm4b:s3+s7], $0x20, s26, s7, $0xb8;
	[tilespmem:$0x10400] =	vst v63  }
0x17: {  	s28 =	simm.s32 $0x100  }
0x18: {  	[tilespmem:s9], [sflag:$0x1] =	stream.indirect.gather [hbm4b:s3+s7], $0x20, s28, s7, $0xb8;
	[tilespmem:$0x10400] =	vst v63  }
0x19: {  	s29 =	simm.s32 $0x180  }
0x1a: {  	[tilespmem:s10], [sflag:$0x1] =	stream.indirect.gather [hbm4b:s3+s7], $0x20, s29, s7, $0xb8;
	[tilespmem:$0x10400] =	vst v63  }
0x1b: {  	s30 =	simm.s32 $0x200  }
0x1c: {  	[tilespmem:s11], [sflag:$0x1] =	stream.indirect.gather [hbm4b:s3+s7], $0x20, s30, s7, $0xb8;
	[tilespmem:$0x10400] =	vst v63  }
0x1d: {  	s31 =	simm.s32 $0x280  }
0x1e: {  	[tilespmem:s12], [sflag:$0x1] =	stream.indirect.gather [hbm4b:s3+s7], $0x20, s31, s7, $0xb8;
	[tilespmem:$0x10400] =	vst v63  }
0x1f: {  	s23 =	simm.s32 $0x300  }
0x20: {  	[tilespmem:s13], [sflag:$0x1] =	stream.indirect.gather [hbm4b:s3+s7], $0x20, s23, s7, $0xb8;
	[tilespmem:$0x10400] =	vst v63  }
0x21: {  	s24 =	simm.s32 $0x380  }
0x22: {  	[tilespmem:s14], [sflag:$0x1] =	stream.indirect.gather [hbm4b:s3+s7], $0x20, s24, s7, $0xb8;
	[tilespmem:$0x10400] =	vst v63  }
0x23: {  	s25 =	simm.s32 $0x400  }
0x24: {  	[tilespmem:s15], [sflag:$0x1] =	stream.indirect.gather [hbm4b:s3+s7], $0x20, s25, s7, $0xb8;
	[tilespmem:$0x10400] =	vst v63  }
0x25: {  	s26 =	simm.s32 $0x480  }
0x26: {  	[tilespmem:s16], [sflag:$0x1] =	stream.indirect.gather [hbm4b:s3+s7], $0x20, s26, s7, $0xb8;
	[tilespmem:$0x10400] =	vst v63  }
0x27: {  	s28 =	simm.s32 $0x500  }
0x28: {  	[tilespmem:s17], [sflag:$0x1] =	stream.indirect.gather [hbm4b:s3+s7], $0x20, s28, s7, $0xb8;
	[tilespmem:$0x10400] =	vst v63  }
0x29: {  	s29 =	simm.s32 $0x580  }
0x2a: {  	[tilespmem:s18], [sflag:$0x1] =	stream.indirect.gather [hbm4b:s3+s7], $0x20, s29, s7, $0xb8;
	[tilespmem:$0x10400] =	vst v63  }
0x2b: {  	s30 =	simm.s32 $0x600  }
0x2c: {  	[tilespmem:s19], [sflag:$0x1] =	stream.indirect.gather [hbm4b:s3+s7], $0x20, s30, s7, $0xb8;
	[tilespmem:$0x10400] =	vst v63  }
0x2d: {  	_ =	swait.ge [sflag:s20], $0x1000  }
0x2e: {  	[sflag:s20] =	ssyncset.done $0x0  }
0x2f: {  	[sflag:s20] =	ssyncadd.s32 $0xFFFFF000  }
0x30: {  	_ =	swait.ge [sflag:s20], $0x1000  }
0x31: {  	[sflag:s20] =	ssyncset.done $0x0  }
0x32: {  	[sflag:s20] =	ssyncadd.s32 $0xFFFFF000  }
0x33: {  	_ =	swait.ge [sflag:s20], $0x1000  }
0x34: {  	[sflag:s20] =	ssyncset.done $0x0  }
0x35: {  	[sflag:s20] =	ssyncadd.s32 $0xFFFFF000  }
0x36: {  	_ =	swait.ge [sflag:s20], $0x1000  }
0x37: {  	[sflag:s20] =	ssyncset.done $0x0  }
0x38: {  	[sflag:s20] =	ssyncadd.s32 $0xFFFFF000  }
0x39: {  	_ =	swait.ge [sflag:s20], $0x1000  }
0x3a: {  	[sflag:s20] =	ssyncset.done $0x0  }
0x3b: {  	[sflag:s20] =	ssyncadd.s32 $0xFFFFF000  }
0x3c: {  	_ =	swait.ge [sflag:s20], $0x1000  }
0x3d: {  	[sflag:s20] =	ssyncset.done $0x0  }
0x3e: {  	[sflag:s20] =	ssyncadd.s32 $0xFFFFF000  }
0x3f: {  	_ =	swait.ge [sflag:s20], $0x1000  }
0x40: {  	[sflag:s20] =	ssyncset.done $0x0  }
0x41: {  	[sflag:s20] =	ssyncadd.s32 $0xFFFFF000  }
0x42: {  	_ =	swait.ge [sflag:s20], $0x1000  }
0x43: {  	[sflag:s20] =	ssyncset.done $0x0  }
0x44: {  	[sflag:s20] =	ssyncadd.s32 $0xFFFFF000  }
0x45: {  	_ =	swait.ge [sflag:s20], $0x1000  }
0x46: {  	[sflag:s20] =	ssyncset.done $0x0  }
0x47: {  	[sflag:s20] =	ssyncadd.s32 $0xFFFFF000  }
0x48: {  	_ =	swait.ge [sflag:s20], $0x1000  }
0x49: {  	[sflag:s20] =	ssyncset.done $0x0  }
0x4a: {  	[sflag:s20] =	ssyncadd.s32 $0xFFFFF000  }
0x4b: {  	_ =	swait.ge [sflag:s20], $0x1000  }
0x4c: {  	[sflag:s20] =	ssyncset.done $0x0  }
0x4d: {  	[sflag:s20] =	ssyncadd.s32 $0xFFFFF000  }
0x4e: {  	_ =	swait.ge [sflag:s20], $0x1000  }
0x4f: {  	[sflag:s20] =	ssyncset.done $0x0  }
0x50: {  	[sflag:s20] =	ssyncadd.s32 $0xFFFFF000  }
0x51: {  	_ =	swait.ge [sflag:s20], $0x1000  }
0x52: {  	s31 =	rddreg [dreg:$0x2];
	[sflag:s20] =	ssyncset.done $0x0  }
0x53: {  	[sflag:s20] =	ssyncadd.s32 $0xFFFFF000;
	s22 =	sadd.s32 $0x0, s31  }
0x54: {  	[hbm4b:s22+s2] =	stream.linear.scatter [tilespmem:s8], [sflag:$0x2], $0xD000, $0x38;
	[tilespmem:$0x10400] =	vst v63  }
0x55: {  	_ =	swait.ge [sflag:s6], $0xD000  }
0x56: {  	s23 =	simm.s32 $0x3400;
	s22 =	simm.s32 $0x1A00;
	[sflag:s6] =	ssyncset.done $0x0  }
.LBB2_2:
0x57: {  	s25 =	sshra.s32 s22, $0x2;
	[sflag:s6] =	ssyncadd.s32 $0xFFFF3000  }
0x58: {  	[tilespmem:s8], [sflag:$0x1] =	stream.indirect.gather [hbm4b:s3+s7], $0x20, s25, s7, $0xb8;
	[tilespmem:$0x10400] =	vst v63  }
0x59: {  	s26 =	rddreg [dreg:$0x3];
	s28 =	sadd.s32 $0x80, s25  }
0x5a: {  	[tilespmem:s26], [sflag:$0x1] =	stream.indirect.gather [hbm4b:s3+s7], $0x20, s28, s7, $0xb8;
	[tilespmem:$0x10400] =	vst v63  }
0x5b: {  	s29 =	sadd.s32 $0x100, s25  }
0x5c: {  	[tilespmem:s9], [sflag:$0x1] =	stream.indirect.gather [hbm4b:s3+s7], $0x20, s29, s7, $0xb8;
	[tilespmem:$0x10400] =	vst v63  }
0x5d: {  	s30 =	sadd.s32 $0x180, s25  }
0x5e: {  	[tilespmem:s10], [sflag:$0x1] =	stream.indirect.gather [hbm4b:s3+s7], $0x20, s30, s7, $0xb8;
	[tilespmem:$0x10400] =	vst v63  }
0x5f: {  	s31 =	sadd.s32 $0x200, s25  }
0x60: {  	[tilespmem:s11], [sflag:$0x1] =	stream.indirect.gather [hbm4b:s3+s7], $0x20, s31, s7, $0xb8;
	[tilespmem:$0x10400] =	vst v63  }
0x61: {  	s28 =	sadd.s32 $0x280, s25  }
0x62: {  	[tilespmem:s12], [sflag:$0x1] =	stream.indirect.gather [hbm4b:s3+s7], $0x20, s28, s7, $0xb8;
	[tilespmem:$0x10400] =	vst v63  }
0x63: {  	s29 =	sadd.s32 $0x300, s25  }
0x64: {  	[tilespmem:s13], [sflag:$0x1] =	stream.indirect.gather [hbm4b:s3+s7], $0x20, s29, s7, $0xb8;
	[tilespmem:$0x10400] =	vst v63  }
0x65: {  	s30 =	sadd.s32 $0x380, s25  }
0x66: {  	[tilespmem:s14], [sflag:$0x1] =	stream.indirect.gather [hbm4b:s3+s7], $0x20, s30, s7, $0xb8;
	[tilespmem:$0x10400] =	vst v63  }
0x67: {  	s31 =	sadd.s32 $0x400, s25  }
0x68: {  	[tilespmem:s15], [sflag:$0x1] =	stream.indirect.gather [hbm4b:s3+s7], $0x20, s31, s7, $0xb8;
	[tilespmem:$0x10400] =	vst v63  }
0x69: {  	s28 =	sadd.s32 $0x480, s25  }
0x6a: {  	[tilespmem:s16], [sflag:$0x1] =	stream.indirect.gather [hbm4b:s3+s7], $0x20, s28, s7, $0xb8;
	[tilespmem:$0x10400] =	vst v63  }
0x6b: {  	s29 =	sadd.s32 $0x500, s25  }
0x6c: {  	[tilespmem:s17], [sflag:$0x1] =	stream.indirect.gather [hbm4b:s3+s7], $0x20, s29, s7, $0xb8;
	[tilespmem:$0x10400] =	vst v63  }
0x6d: {  	s30 =	sadd.s32 $0x580, s25  }
0x6e: {  	[tilespmem:s18], [sflag:$0x1] =	stream.indirect.gather [hbm4b:s3+s7], $0x20, s30, s7, $0xb8;
	[tilespmem:$0x10400] =	vst v63  }
0x6f: {  	s25 =	sadd.s32 $0x600, s25  }
0x70: {  	[tilespmem:s19], [sflag:$0x1] =	stream.indirect.gather [hbm4b:s3+s7], $0x20, s25, s7, $0xb8;
	[tilespmem:$0x10400] =	vst v63  }
0x71: {  	_ =	swait.ge [sflag:s20], $0x1000  }
0x72: {  	[sflag:s20] =	ssyncset.done $0x0  }
0x73: {  	[sflag:s20] =	ssyncadd.s32 $0xFFFFF000  }
0x74: {  	_ =	swait.ge [sflag:s20], $0x1000  }
0x75: {  	[sflag:s20] =	ssyncset.done $0x0  }
0x76: {  	[sflag:s20] =	ssyncadd.s32 $0xFFFFF000  }
0x77: {  	_ =	swait.ge [sflag:s20], $0x1000  }
0x78: {  	[sflag:s20] =	ssyncset.done $0x0  }
0x79: {  	[sflag:s20] =	ssyncadd.s32 $0xFFFFF000  }
0x7a: {  	_ =	swait.ge [sflag:s20], $0x1000  }
0x7b: {  	[sflag:s20] =	ssyncset.done $0x0  }
0x7c: {  	[sflag:s20] =	ssyncadd.s32 $0xFFFFF000  }
0x7d: {  	_ =	swait.ge [sflag:s20], $0x1000  }
0x7e: {  	[sflag:s20] =	ssyncset.done $0x0  }
0x7f: {  	[sflag:s20] =	ssyncadd.s32 $0xFFFFF000  }
0x80: {  	_ =	swait.ge [sflag:s20], $0x1000  }
0x81: {  	[sflag:s20] =	ssyncset.done $0x0  }
0x82: {  	[sflag:s20] =	ssyncadd.s32 $0xFFFFF000  }
0x83: {  	_ =	swait.ge [sflag:s20], $0x1000  }
0x84: {  	[sflag:s20] =	ssyncset.done $0x0  }
0x85: {  	[sflag:s20] =	ssyncadd.s32 $0xFFFFF000  }
0x86: {  	_ =	swait.ge [sflag:s20], $0x1000  }
0x87: {  	[sflag:s20] =	ssyncset.done $0x0  }
0x88: {  	[sflag:s20] =	ssyncadd.s32 $0xFFFFF000  }
0x89: {  	_ =	swait.ge [sflag:s20], $0x1000  }
0x8a: {  	[sflag:s20] =	ssyncset.done $0x0  }
0x8b: {  	[sflag:s20] =	ssyncadd.s32 $0xFFFFF000  }
0x8c: {  	_ =	swait.ge [sflag:s20], $0x1000  }
0x8d: {  	[sflag:s20] =	ssyncset.done $0x0  }
0x8e: {  	[sflag:s20] =	ssyncadd.s32 $0xFFFFF000  }
0x8f: {  	_ =	swait.ge [sflag:s20], $0x1000  }
0x90: {  	[sflag:s20] =	ssyncset.done $0x0  }
0x91: {  	[sflag:s20] =	ssyncadd.s32 $0xFFFFF000  }
0x92: {  	_ =	swait.ge [sflag:s20], $0x1000  }
0x93: {  	[sflag:s20] =	ssyncset.done $0x0  }
0x94: {  	[sflag:s20] =	ssyncadd.s32 $0xFFFFF000  }
0x95: {  	p0 =	sne.s32 s23, $0xB600;
	_ =	swait.ge [sflag:s20], $0x1000  }
.Ltmp0:
0x96: {  	s31 =	rddreg [dreg:$0x2];
	[sflag:s20] =	ssyncset.done $0x0;
	(pc) =	sbr.rel @p0 .LBB2_2-.Ltmp0, $4  }
0x97: {  	[sflag:s20] =	ssyncadd.s32 $0xFFFFF000;
	s25 =	sadd.s32 s22, s31  }
0x98: {  	[hbm4b:s25+s2] =	stream.linear.scatter [tilespmem:s8], [sflag:$0x2], $0xD000, $0x38;
	[tilespmem:$0x10400] =	vst v63  }
0x99: {  	s24 =	smov.u32 s23;
	_ =	swait.ge [sflag:s6], $0xD000  }
0x9a: {  	s23 =	sadd.s32 $0x1A00, s23;
	s22 =	smov.u32 s24;
	[sflag:s6] =	ssyncset.done $0x0  }
0x9b: {  	s23 =	sshra.s32 s22, $0x2;
	[sflag:s6] =	ssyncadd.s32 $0xFFFF3000  }
0x9c: {  	[tilespmem:s8], [sflag:$0x1] =	stream.indirect.gather [hbm4b:s3+s7], $0x20, s23, s7, $0xb8;
	[tilespmem:$0x10400] =	vst v63  }
0x9d: {  	s24 =	rddreg [dreg:$0x3];
	s25 =	sadd.s32 $0x80, s23  }
0x9e: {  	[tilespmem:s24], [sflag:$0x1] =	stream.indirect.gather [hbm4b:s3+s7], $0x20, s25, s7, $0xb8;
	[tilespmem:$0x10400] =	vst v63  }
0x9f: {  	s25 =	sadd.s32 $0x100, s23  }
0xa0: {  	[tilespmem:s9], [sflag:$0x1] =	stream.indirect.gather [hbm4b:s3+s7], $0x20, s25, s7, $0xb8;
	[tilespmem:$0x10400] =	vst v63  }
0xa1: {  	s26 =	sadd.s32 $0x180, s23  }
0xa2: {  	[tilespmem:s10], [sflag:$0x1] =	stream.indirect.gather [hbm4b:s3+s7], $0x20, s26, s7, $0xb8;
	[tilespmem:$0x10400] =	vst v63  }
0xa3: {  	s28 =	sadd.s32 $0x200, s23  }
0xa4: {  	[tilespmem:s11], [sflag:$0x1] =	stream.indirect.gather [hbm4b:s3+s7], $0x20, s28, s7, $0xb8;
	[tilespmem:$0x10400] =	vst v63  }
0xa5: {  	s29 =	sadd.s32 $0x280, s23  }
0xa6: {  	[tilespmem:s12], [sflag:$0x1] =	stream.indirect.gather [hbm4b:s3+s7], $0x20, s29, s7, $0xb8;
	[tilespmem:$0x10400] =	vst v63  }
0xa7: {  	s30 =	sadd.s32 $0x300, s23  }
0xa8: {  	[tilespmem:s13], [sflag:$0x1] =	stream.indirect.gather [hbm4b:s3+s7], $0x20, s30, s7, $0xb8;
	[tilespmem:$0x10400] =	vst v63  }
0xa9: {  	s31 =	sadd.s32 $0x380, s23  }
0xaa: {  	[tilespmem:s14], [sflag:$0x1] =	stream.indirect.gather [hbm4b:s3+s7], $0x20, s31, s7, $0xb8;
	[tilespmem:$0x10400] =	vst v63  }
0xab: {  	s25 =	sadd.s32 $0x400, s23  }
0xac: {  	[tilespmem:s15], [sflag:$0x1] =	stream.indirect.gather [hbm4b:s3+s7], $0x20, s25, s7, $0xb8;
	[tilespmem:$0x10400] =	vst v63  }
0xad: {  	s26 =	sadd.s32 $0x480, s23  }
0xae: {  	[tilespmem:s16], [sflag:$0x1] =	stream.indirect.gather [hbm4b:s3+s7], $0x20, s26, s7, $0xb8;
	[tilespmem:$0x10400] =	vst v63  }
0xaf: {  	s28 =	sadd.s32 $0x500, s23  }
0xb0: {  	[tilespmem:s17], [sflag:$0x1] =	stream.indirect.gather [hbm4b:s3+s7], $0x20, s28, s7, $0xb8;
	[tilespmem:$0x10400] =	vst v63  }
0xb1: {  	s29 =	sadd.s32 $0x580, s23  }
0xb2: {  	[tilespmem:s18], [sflag:$0x1] =	stream.indirect.gather [hbm4b:s3+s7], $0x20, s29, s7, $0xb8;
	[tilespmem:$0x10400] =	vst v63  }
0xb3: {  	s23 =	sadd.s32 $0x600, s23  }
0xb4: {  	[tilespmem:s19], [sflag:$0x1] =	stream.indirect.gather [hbm4b:s3+s7], $0x20, s23, s7, $0xb8;
	[tilespmem:$0x10400] =	vst v63  }
0xb5: {  	_ =	swait.ge [sflag:s20], $0x1000  }
0xb6: {  	[sflag:s20] =	ssyncset.done $0x0  }
0xb7: {  	[sflag:s20] =	ssyncadd.s32 $0xFFFFF000  }
0xb8: {  	_ =	swait.ge [sflag:s20], $0x1000  }
0xb9: {  	[sflag:s20] =	ssyncset.done $0x0  }
0xba: {  	[sflag:s20] =	ssyncadd.s32 $0xFFFFF000  }
0xbb: {  	_ =	swait.ge [sflag:s20], $0x1000  }
0xbc: {  	[sflag:s20] =	ssyncset.done $0x0  }
0xbd: {  	[sflag:s20] =	ssyncadd.s32 $0xFFFFF000  }
0xbe: {  	_ =	swait.ge [sflag:s20], $0x1000  }
0xbf: {  	[sflag:s20] =	ssyncset.done $0x0  }
0xc0: {  	[sflag:s20] =	ssyncadd.s32 $0xFFFFF000  }
0xc1: {  	_ =	swait.ge [sflag:s20], $0x1000  }
0xc2: {  	[sflag:s20] =	ssyncset.done $0x0  }
0xc3: {  	[sflag:s20] =	ssyncadd.s32 $0xFFFFF000  }
0xc4: {  	_ =	swait.ge [sflag:s20], $0x1000  }
0xc5: {  	[sflag:s20] =	ssyncset.done $0x0  }
0xc6: {  	[sflag:s20] =	ssyncadd.s32 $0xFFFFF000  }
0xc7: {  	_ =	swait.ge [sflag:s20], $0x1000  }
0xc8: {  	[sflag:s20] =	ssyncset.done $0x0  }
0xc9: {  	[sflag:s20] =	ssyncadd.s32 $0xFFFFF000  }
0xca: {  	_ =	swait.ge [sflag:s20], $0x1000  }
0xcb: {  	[sflag:s20] =	ssyncset.done $0x0  }
0xcc: {  	[sflag:s20] =	ssyncadd.s32 $0xFFFFF000  }
0xcd: {  	_ =	swait.ge [sflag:s20], $0x1000  }
0xce: {  	[sflag:s20] =	ssyncset.done $0x0  }
0xcf: {  	[sflag:s20] =	ssyncadd.s32 $0xFFFFF000  }
0xd0: {  	_ =	swait.ge [sflag:s20], $0x1000  }
0xd1: {  	[sflag:s20] =	ssyncset.done $0x0  }
0xd2: {  	[sflag:s20] =	ssyncadd.s32 $0xFFFFF000  }
0xd3: {  	_ =	swait.ge [sflag:s20], $0x1000  }
0xd4: {  	[sflag:s20] =	ssyncset.done $0x0  }
0xd5: {  	[sflag:s20] =	ssyncadd.s32 $0xFFFFF000  }
0xd6: {  	_ =	swait.ge [sflag:s20], $0x1000  }
0xd7: {  	[sflag:s20] =	ssyncset.done $0x0  }
0xd8: {  	[sflag:s20] =	ssyncadd.s32 $0xFFFFF000  }
0xd9: {  	s21 =	sadd.s32 $0x1, s21;
	_ =	swait.ge [sflag:s20], $0x1000  }
0xda: {  	p0 =	sne.s32 s21, s5;
	s30 =	rddreg [dreg:$0x2];
	[sflag:s20] =	ssyncset.done $0x0  }
.Ltmp1:
0xdb: {  	[sflag:s20] =	ssyncadd.s32 $0xFFFFF000;
	s31 =	sadd.s32 s22, s30;
	(pc) =	sbr.rel @p0 .LBB2_1-.Ltmp1, $4  }
0xdc: {  	[hbm4b:s31+s2] =	stream.linear.scatter [tilespmem:s8], [sflag:$0x2], $0xD000, $0x38;
	[tilespmem:$0x10400] =	vst v63  }
0xdd: {  	_ =	swait.ge [sflag:s6], $0xD000  }
0xde: {  	[sflag:s6] =	ssyncset.done $0x0  }
0xdf: {  	[sflag:s6] =	ssyncadd.s32 $0xFFFF3000  }
0xe0: {  	_ =	sfence.sel $0x180000  }
0xe1: {  	[bflag:$0x0] =	sbarrier.arrive $0xFFFF  }
0xe2: {  	p0 =	sne.s32 s0, $0x0;
	_ =	strace $0x90000056  }
0xe3: {  	s0 =	sadd.s32 @!p0 $0x100000, s1;
	[bflag:$0x2] =	sbarrier.arrive $0xFFFF  }
0xe4: {  	[sflag:s0] =	ssyncadd.tile.s32 @!p0 $0x1;
	_ =	shalt  }
.Lfunc_end2:
_tile_overlayer_lowered:
.L_overlay_start_2:
0xe5: {  	(tag) =	ssettag $0x2  }
0xe6: {  	s0 =	rddreg [dreg:$0x0];
	s2 =	stileid.u32  }
0xe7: {  	s1 =	rddreg [dreg:$0x1];
	p0 =	sne.s32 s2, $0x0  }
0xe8: {  	s3 =	rddreg [dreg:$0x2];
	[bflag:$0x3] =	sbarrier.arrive $0xFFFF;
	s2 =	simm.s32 @!p0 $0x1C02  }
0xe9: {  	[timem:s3], [sflag:s2] =	dma.local @!p0 [hbm:s0], s1  }
0xea: {  	s0 =	simm.s32 @!p0 $0x2  }
0xeb: {  	_ =	swait.ge @!p0 [sflag:s0], s1  }
0xec: {  	s1 =	ssub.s32 @!p0 $0x0, s1;
	[sflag:s0] =	ssyncset.done @!p0 $0x0  }
0xed: {  	[sflag:s0] =	ssyncadd.s32 @!p0 s1  }
0xee: {  	[bflag:$0x3] =	sbarrier.arrive $0xFFFF  }
0xef: {  	_ =	shalt  }

</sc_bundles>
